<compile_context>
chip_gen: v7x
topology: tpu7x:2x2x1
jax: 0.10.2.dev20260603
libtpu: 0.0.44.dev20260713+nightly
codegen_flags: <defaults>
</compile_context>

<pallas_src>
import functools

import jax
import jax.numpy as jnp
from jax import lax
from jax.experimental import pallas as pl
from jax.experimental.pallas import tpu as pltpu
from jax.experimental.pallas import tpu_sc as plsc

N = 10000
F = 128
E = 320000

NC = 2
NS = 16
NW = NC * NS
EPT = E // NW
CH = 80
CPT = EPT // CH
FH = F // 2
EPS = E // NS
CPS = EPS // CH
RPT_OFF = 624
RPT_LEN = 640

_sc_mesh = plsc.VectorSubcoreMesh(core_axis_name="c", subcore_axis_name="s")


@functools.partial(
    pl.kernel,
    out_type=jax.ShapeDtypeStruct((NC * N,), jnp.float32),
    mesh=_sc_mesh,
    scratch_types=[
        pltpu.VMEM((CH,), jnp.int32),
        pltpu.VMEM((CH,), jnp.float32),
        pltpu.VMEM((RPT_LEN,), jnp.float32),
        pltpu.VMEM_SHARED((N,), jnp.float32),
    ],
)
def _sc_deg(dst_hbm, w_hbm, zflat_hbm, out_hbm, idxv, wv, zv, acc):
    c = lax.axis_index("c")
    s = lax.axis_index("s")
    wid = s * NC + c
    pltpu.sync_copy(zflat_hbm, zv)
    pltpu.sync_copy(zv, acc.at[pl.ds(s * RPT_OFF, RPT_LEN)])
    plsc.subcore_barrier()

    def body(i, carry):
        base = wid * EPT + i * CH
        pltpu.sync_copy(dst_hbm.at[pl.ds(base, CH)], idxv)
        pltpu.sync_copy(w_hbm.at[pl.ds(base, CH)], wv)
        pltpu.sync_copy(wv, acc.at[idxv], add=True)
        return carry

    lax.fori_loop(0, CPT, body, 0)
    plsc.subcore_barrier()
    pltpu.sync_copy(acc.at[pl.ds(s * RPT_OFF, RPT_LEN)], zv)
    pltpu.sync_copy(zv, out_hbm.at[pl.ds(c * N + s * RPT_OFF, RPT_LEN)])


@functools.partial(
    pl.kernel,
    out_type=[
        jax.ShapeDtypeStruct((N, FH), jnp.float32),
        jax.ShapeDtypeStruct((N, FH), jnp.float32),
    ],
    mesh=_sc_mesh,
    scratch_types=[
        pltpu.VMEM((CH,), jnp.int32),
        pltpu.VMEM((CH,), jnp.int32),
        pltpu.VMEM((CH,), jnp.float32),
        pltpu.VMEM((CH, FH), jnp.float32),
        pltpu.VMEM((RPT_LEN, FH), jnp.float32),
        pltpu.VMEM_SHARED((N, FH), jnp.float32),
        pltpu.SemaphoreType.DMA,
    ],
    compiler_params=pltpu.CompilerParams(use_tc_tiling_on_sc=False),
)
def _sc_scat(ga_hbm, gb_hbm, src_hbm, dst_hbm, w_hbm, zrow_hbm,
             outa_hbm, outb_hbm, srcv, dstv, wv, rows, vbuf, acc, sem):
    c = lax.axis_index("c")
    s = lax.axis_index("s")
    pltpu.sync_copy(zrow_hbm, vbuf)
    pltpu.sync_copy(vbuf, acc.at[pl.ds(s * RPT_OFF, RPT_LEN)])
    plsc.subcore_barrier()

    def body(i, carry):
        base = s * EPS + i * CH
        pltpu.sync_copy(src_hbm.at[pl.ds(base, CH)], srcv)
        pltpu.sync_copy(dst_hbm.at[pl.ds(base, CH)], dstv)
        pltpu.sync_copy(w_hbm.at[pl.ds(base, CH)], wv)

        @pl.when(c == 0)
        def _():
            pltpu.async_copy(ga_hbm.at[srcv], rows, sem).wait()

        @pl.when(c == 1)
        def _():
            pltpu.async_copy(gb_hbm.at[srcv], rows, sem).wait()

        for k in range(CH // 16):
            nv = wv[pl.ds(k * 16, 16)]
            for t in range(16):
                e = k * 16 + t
                sc = nv[t]
                for j in range(FH // 16):
                    rows[e, pl.ds(j * 16, 16)] = rows[e, pl.ds(j * 16, 16)] * sc
        pltpu.sync_copy(rows, acc.at[dstv], add=True)
        return carry

    lax.fori_loop(0, CPS, body, 0)
    plsc.subcore_barrier()
    pltpu.sync_copy(acc.at[pl.ds(s * RPT_OFF, RPT_LEN)], vbuf)

    @pl.when(c == 0)
    def _():
        pltpu.sync_copy(vbuf, outa_hbm.at[pl.ds(s * RPT_OFF, RPT_LEN)])

    @pl.when(c == 1)
    def _():
        pltpu.sync_copy(vbuf, outb_hbm.at[pl.ds(s * RPT_OFF, RPT_LEN)])


_R = 1000


def _tc1_body(degT_ref, x_ref, w_ref, dinv_ref, ga_ref, gb_ref):
    p = degT_ref[...]
    deg = jnp.sum(p, axis=1, keepdims=True) + 1.0
    dinv = lax.rsqrt(deg)
    dinv_ref[...] = dinv
    h = jnp.dot(x_ref[...], w_ref[...], preferred_element_type=jnp.float32)
    g = dinv * h
    ga_ref[...] = g[:, :FH]
    gb_ref[...] = g[:, FH:]


_tc1 = pl.pallas_call(
    _tc1_body,
    grid=(N // _R,),
    in_specs=[
        pl.BlockSpec((_R, NC), lambda i: (i, 0)),
        pl.BlockSpec((_R, F), lambda i: (i, 0)),
        pl.BlockSpec((F, F), lambda i: (0, 0)),
    ],
    out_specs=[
        pl.BlockSpec((_R, 1), lambda i: (i, 0)),
        pl.BlockSpec((_R, FH), lambda i: (i, 0)),
        pl.BlockSpec((_R, FH), lambda i: (i, 0)),
    ],
    out_shape=[
        jax.ShapeDtypeStruct((N, 1), jnp.float32),
        jax.ShapeDtypeStruct((N, FH), jnp.float32),
        jax.ShapeDtypeStruct((N, FH), jnp.float32),
    ],
)


def _tc_mid_body(sa_ref, sb_ref, gpa_ref, gpb_ref, dinv_ref, b_ref, w_ref,
                 z_ref, ga_ref, gb_ref):
    d = dinv_ref[...]
    spg = jnp.concatenate(
        [sa_ref[...] + gpa_ref[...], sb_ref[...] + gpb_ref[...]], axis=1)
    z = d * spg + b_ref[...]
    z_ref[...] = z
    a = jnp.maximum(z, 0.0)
    g = d * jnp.dot(a, w_ref[...], preferred_element_type=jnp.float32)
    ga_ref[...] = g[:, :FH]
    gb_ref[...] = g[:, FH:]


_tc_mid = pl.pallas_call(
    _tc_mid_body,
    grid=(N // _R,),
    in_specs=[
        pl.BlockSpec((_R, FH), lambda i: (i, 0)),
        pl.BlockSpec((_R, FH), lambda i: (i, 0)),
        pl.BlockSpec((_R, FH), lambda i: (i, 0)),
        pl.BlockSpec((_R, FH), lambda i: (i, 0)),
        pl.BlockSpec((_R, 1), lambda i: (i, 0)),
        pl.BlockSpec((1, F), lambda i: (0, 0)),
        pl.BlockSpec((F, F), lambda i: (0, 0)),
    ],
    out_specs=[
        pl.BlockSpec((_R, F), lambda i: (i, 0)),
        pl.BlockSpec((_R, FH), lambda i: (i, 0)),
        pl.BlockSpec((_R, FH), lambda i: (i, 0)),
    ],
    out_shape=[
        jax.ShapeDtypeStruct((N, F), jnp.float32),
        jax.ShapeDtypeStruct((N, FH), jnp.float32),
        jax.ShapeDtypeStruct((N, FH), jnp.float32),
    ],
)


def _tc_out_body(z_ref, out_ref):
    z = z_ref[...]
    m = jnp.max(z, axis=1, keepdims=True)
    zc = z - m
    lse = jnp.log(jnp.sum(jnp.exp(zc), axis=1, keepdims=True))
    out_ref[...] = zc - lse


_tc_out = pl.pallas_call(
    _tc_out_body,
    grid=(N // _R,),
    in_specs=[pl.BlockSpec((_R, F), lambda i: (i, 0))],
    out_specs=pl.BlockSpec((_R, F), lambda i: (i, 0)),
    out_shape=jax.ShapeDtypeStruct((N, F), jnp.float32),
)


def kernel(x, edge_index, edge_attr, W1, b1, W2, b2, W3, b3):
    src = edge_index[0].astype(jnp.int32)
    dst = edge_index[1].astype(jnp.int32)
    w = edge_attr.astype(jnp.float32)
    zflat = jnp.zeros((RPT_LEN,), jnp.float32)
    zrow = jnp.zeros((RPT_LEN, FH), jnp.float32)

    degp = _sc_deg(dst, w, zflat)
    degT = degp.reshape(NC, N).T
    dinv, g1a, g1b = _tc1(degT, x, W1)

    bs = jnp.stack([b1, b2, b3]).reshape(3, 1, F)
    Ws = jnp.stack([W2, W3, W2])

    def step(carry, xs):
        ga, gb, _ = carry
        b, W = xs
        sa, sb = _sc_scat(ga, gb, src, dst, w, zrow)
        z, gna, gnb = _tc_mid(sa, sb, ga, gb, dinv, b, W)
        return (gna, gnb, z), None

    z0 = jnp.zeros((N, F), jnp.float32)
    (_, _, z3), _ = lax.scan(step, (g1a, g1b, z0), (bs, Ws))
    return _tc_out(z3)

# --- scband reference (transcript-rebuilt; emitter-appended) ---
"""Pipeline reference for scband-gcn-26276609917009 (READ-ONLY COPY).

The authoritative reference and input builder live on the scoring server;
editing this copy changes nothing except your own understanding.
"""

import jax, jax.numpy as jnp
import numpy as np

N_NODES = 10000


def gcn_conv(x, edge_index, edge_weight, W, b):
    src = edge_index[0]
    dst = edge_index[1]
    loop = jnp.arange(N_NODES, dtype=edge_index.dtype)
    src2 = jnp.concatenate([src, loop])
    dst2 = jnp.concatenate([dst, loop])
    w2 = jnp.concatenate([edge_weight, jnp.ones((N_NODES,), dtype=edge_weight.dtype)])
    deg = jax.ops.segment_sum(w2, dst2, num_segments=N_NODES)
    dinv = jnp.where(deg > 0, jax.lax.rsqrt(jnp.where(deg > 0, deg, 1.0)), 0.0)
    norm = dinv[src2] * w2 * dinv[dst2]
    h = x @ W
    msg = h[src2] * norm[:, None]
    out = jax.ops.segment_sum(msg, dst2, num_segments=N_NODES)
    return out + b


def setup_inputs(seed: int = 0) -> dict:
    key = jax.random.key(seed)
    ks = jax.random.split(key, 10)
    nfeat, nhid, nout = 128, 128, 128
    E = 320000
    x = jax.random.normal(ks[0], (N_NODES, nfeat), dtype=jnp.float32)
    edge_index = jax.random.randint(ks[1], (2, E), 0, N_NODES, dtype=jnp.int64)
    edge_attr = jax.random.uniform(ks[2], (E,), dtype=jnp.float32)
    s1 = 1.0 / np.sqrt(nfeat)
    s2 = 1.0 / np.sqrt(nhid)
    W1 = jax.random.uniform(ks[3], (nfeat, nhid), minval=-s1, maxval=s1, dtype=jnp.float32)
    b1 = jnp.zeros((nhid,), dtype=jnp.float32)
    W2 = jax.random.uniform(ks[4], (nhid, nhid), minval=-s2, maxval=s2, dtype=jnp.float32)
    b2 = jnp.zeros((nhid,), dtype=jnp.float32)
    W3 = jax.random.uniform(ks[5], (nhid, nout), minval=-s2, maxval=s2, dtype=jnp.float32)
    b3 = jnp.zeros((nout,), dtype=jnp.float32)
    return {"x": x, "edge_index": edge_index, "edge_attr": edge_attr,
            "W1": W1, "b1": b1, "W2": W2, "b2": b2, "W3": W3, "b3": b3}


def reference(x, edge_index, edge_attr, W1, b1, W2, b2, W3, b3):
    # eval mode: dropout is identity
    h = gcn_conv(x, edge_index, edge_attr, W1, b1)
    h = jax.nn.relu(h)
    h = gcn_conv(h, edge_index, edge_attr, W2, b2)
    h = jax.nn.relu(h)
    h = gcn_conv(h, edge_index, edge_attr, W3, b3)
    return jax.nn.log_softmax(h, axis=1)

if __name__ == "__main__":
    import jax
    _d = setup_inputs()
    print(jax.jit(kernel)(*tuple(_d.values())))

</pallas_src>

<mosaic_0001>
#map = affine_map<(d0, d1) -> (0)>
module attributes {stable_mosaic.version = 14 : i64} {
  func.func @_sc_deg(%arg0: i32, %arg1: i32, %arg2: memref<320000xi32, #tpu.memory_space<hbm>>, %arg3: memref<320000xf32, #tpu.memory_space<hbm>>, %arg4: memref<640xf32, #tpu.memory_space<hbm>>, %arg5: memref<20000xf32, #tpu.memory_space<hbm>>, %arg6: memref<80xi32, #tpu.memory_space<vmem>>, %arg7: memref<80xf32, #tpu.memory_space<vmem>>, %arg8: memref<640xf32, #tpu.memory_space<vmem>>, %arg9: memref<10000xf32, #tpu.memory_space<vmem_shared>>) attributes {dimension_semantics = [#tpu.dimension_semantics<core_parallel>, #tpu.dimension_semantics<subcore_parallel>], iteration_bounds = array<i64: 2, 16>, scalar_prefetch = 0 : i64, scratch_operands = 4 : i64, tpu.core_type = #tpu.core_type<sc_vector_subcore>, window_params = [{transform_indices = #map}, {transform_indices = #map}, {transform_indices = #map}, {transform_indices = #map}]} {
    %mul3A = arith.constant 2 : i32
    %mul3A_0 = arith.muli %arg1, %mul3A : i32
    %add3A = arith.addi %mul3A_0, %arg0 : i32
    "tpu.region"() ({
      %run_scoped3A = tpu.sem_alloc : memref<!tpu.dma_semaphore, #tpu.memory_space<semaphore_mem>>
      tpu.enqueue_dma source(%arg4 : memref<640xf32, #tpu.memory_space<hbm>>) target(%arg8 : memref<640xf32, #tpu.memory_space<vmem>>) target_semaphore(%run_scoped3A : memref<!tpu.dma_semaphore, #tpu.memory_space<semaphore_mem>>)
      tpu.wait_dma2 semaphore(%run_scoped3A : memref<!tpu.dma_semaphore, #tpu.memory_space<semaphore_mem>>) src(%arg4 : memref<640xf32, #tpu.memory_space<hbm>>) dst(%arg8 : memref<640xf32, #tpu.memory_space<vmem>>)
      tpu.yield
    }) : () -> ()
    %mul3A_1 = arith.constant 624 : i32
    %mul3A_2 = arith.muli %arg1, %mul3A_1 : i32
    "tpu.region"() ({
      %run_scoped3A = tpu.sem_alloc : memref<!tpu.dma_semaphore, #tpu.memory_space<semaphore_mem>>
      %dma_start3A = tpu.memref_slice %arg9[%mul3A_2] : memref<10000xf32, #tpu.memory_space<vmem_shared>> -> memref<640xf32, #tpu.memory_space<vmem_shared>>
      %dma_start3A_16 = tpu.memref_slice %arg9[%mul3A_2] : memref<10000xf32, #tpu.memory_space<vmem_shared>> -> memref<640xf32, #tpu.memory_space<vmem_shared>>
      tpu.enqueue_dma source(%arg8 : memref<640xf32, #tpu.memory_space<vmem>>) target(%dma_start3A_16 : memref<640xf32, #tpu.memory_space<vmem_shared>>) target_semaphore(%run_scoped3A : memref<!tpu.dma_semaphore, #tpu.memory_space<semaphore_mem>>)
      %dma_wait3A = tpu.memref_slice %arg9[%mul3A_2] : memref<10000xf32, #tpu.memory_space<vmem_shared>> -> memref<640xf32, #tpu.memory_space<vmem_shared>>
      %dma_wait3A_17 = tpu.memref_slice %arg9[%mul3A_2] : memref<10000xf32, #tpu.memory_space<vmem_shared>> -> memref<640xf32, #tpu.memory_space<vmem_shared>>
      tpu.wait_dma2 semaphore(%run_scoped3A : memref<!tpu.dma_semaphore, #tpu.memory_space<semaphore_mem>>) src(%arg8 : memref<640xf32, #tpu.memory_space<vmem>>) dst(%dma_wait3A_17 : memref<640xf32, #tpu.memory_space<vmem_shared>>)
      tpu.yield
    }) : () -> ()
    %barrier3A = arith.constant 0 : index
    tpu.barrier barrier_id(%barrier3A)
    %scan3A = arith.constant 0 : i32
    %scan3A_3 = arith.constant 0 : i32
    %scan3A_4 = arith.constant 125 : i32
    %scan3A_5 = arith.addi %scan3A_3, %scan3A_4 : i32
    %scan3A_6 = arith.constant 1 : i32
    scf.for %scan3A_16 = %scan3A_3 to %scan3A_5 step %scan3A_6  : i32 {
      %mul3A_17 = arith.constant 10000 : i32
      %mul3A_18 = arith.muli %add3A, %mul3A_17 : i32
      %mul3A_19 = arith.constant 80 : i32
      %mul3A_20 = arith.muli %scan3A_16, %mul3A_19 : i32
      %add3A_21 = arith.addi %mul3A_18, %mul3A_20 : i32
      "tpu.region"() ({
        %run_scoped3A = tpu.sem_alloc : memref<!tpu.dma_semaphore, #tpu.memory_space<semaphore_mem>>
        %dma_start3A = tpu.memref_slice %arg2[%add3A_21] : memref<320000xi32, #tpu.memory_space<hbm>> -> memref<80xi32, #tpu.memory_space<hbm>>
        %dma_start3A_22 = tpu.memref_slice %arg2[%add3A_21] : memref<320000xi32, #tpu.memory_space<hbm>> -> memref<80xi32, #tpu.memory_space<hbm>>
        tpu.enqueue_dma source(%dma_start3A_22 : memref<80xi32, #tpu.memory_space<hbm>>) target(%arg6 : memref<80xi32, #tpu.memory_space<vmem>>) target_semaphore(%run_scoped3A : memref<!tpu.dma_semaphore, #tpu.memory_space<semaphore_mem>>)
        %dma_wait3A = tpu.memref_slice %arg2[%add3A_21] : memref<320000xi32, #tpu.memory_space<hbm>> -> memref<80xi32, #tpu.memory_space<hbm>>
        %dma_wait3A_23 = tpu.memref_slice %arg2[%add3A_21] : memref<320000xi32, #tpu.memory_space<hbm>> -> memref<80xi32, #tpu.memory_space<hbm>>
        tpu.wait_dma2 semaphore(%run_scoped3A : memref<!tpu.dma_semaphore, #tpu.memory_space<semaphore_mem>>) src(%dma_wait3A_23 : memref<80xi32, #tpu.memory_space<hbm>>) dst(%arg6 : memref<80xi32, #tpu.memory_space<vmem>>)
        tpu.yield
      }) : () -> ()
      "tpu.region"() ({
        %run_scoped3A = tpu.sem_alloc : memref<!tpu.dma_semaphore, #tpu.memory_space<semaphore_mem>>
        %dma_start3A = tpu.memref_slice %arg3[%add3A_21] : memref<320000xf32, #tpu.memory_space<hbm>> -> memref<80xf32, #tpu.memory_space<hbm>>
        %dma_start3A_22 = tpu.memref_slice %arg3[%add3A_21] : memref<320000xf32, #tpu.memory_space<hbm>> -> memref<80xf32, #tpu.memory_space<hbm>>
        tpu.enqueue_dma source(%dma_start3A_22 : memref<80xf32, #tpu.memory_space<hbm>>) target(%arg7 : memref<80xf32, #tpu.memory_space<vmem>>) target_semaphore(%run_scoped3A : memref<!tpu.dma_semaphore, #tpu.memory_space<semaphore_mem>>)
        %dma_wait3A = tpu.memref_slice %arg3[%add3A_21] : memref<320000xf32, #tpu.memory_space<hbm>> -> memref<80xf32, #tpu.memory_space<hbm>>
        %dma_wait3A_23 = tpu.memref_slice %arg3[%add3A_21] : memref<320000xf32, #tpu.memory_space<hbm>> -> memref<80xf32, #tpu.memory_space<hbm>>
        tpu.wait_dma2 semaphore(%run_scoped3A : memref<!tpu.dma_semaphore, #tpu.memory_space<semaphore_mem>>) src(%dma_wait3A_23 : memref<80xf32, #tpu.memory_space<hbm>>) dst(%arg7 : memref<80xf32, #tpu.memory_space<vmem>>)
        tpu.yield
      }) : () -> ()
      "tpu.region"() ({
        %run_scoped3A = tpu.sem_alloc : memref<!tpu.dma_semaphore, #tpu.memory_space<semaphore_mem>>
        %dma_start3A = arith.constant 0 : i32
        %dma_start3A_22 = tpu.memref_slice %arg9[%dma_start3A] : memref<10000xf32, #tpu.memory_space<vmem_shared>> -> memref<10000xf32, #tpu.memory_space<vmem_shared>>
        tpu.enqueue_indirect_dma source(%arg7 : memref<80xf32, #tpu.memory_space<vmem>>) target(%dma_start3A_22 : memref<10000xf32, #tpu.memory_space<vmem_shared>>) offsets(%arg6 : memref<80xi32, #tpu.memory_space<vmem>>) semaphore(%run_scoped3A : memref<!tpu.dma_semaphore, #tpu.memory_space<semaphore_mem>>) {add = true}
        %dma_wait3A = arith.constant 0 : i32
        %dma_wait3A_23 = tpu.memref_slice %arg9[%dma_wait3A] : memref<10000xf32, #tpu.memory_space<vmem_shared>> -> memref<10000xf32, #tpu.memory_space<vmem_shared>>
        tpu.wait_indirect_dma semaphore(%run_scoped3A : memref<!tpu.dma_semaphore, #tpu.memory_space<semaphore_mem>>) src(%arg7 : memref<80xf32, #tpu.memory_space<vmem>>) dst(%dma_wait3A_23 : memref<10000xf32, #tpu.memory_space<vmem_shared>>)
        tpu.yield
      }) : () -> ()
    }
    %scan3A_7 = arith.constant 125 : i32
    %barrier3A_8 = arith.constant 0 : index
    tpu.barrier barrier_id(%barrier3A_8)
    %mul3A_9 = arith.constant 624 : i32
    %mul3A_10 = arith.muli %arg1, %mul3A_9 : i32
    "tpu.region"() ({
      %run_scoped3A = tpu.sem_alloc : memref<!tpu.dma_semaphore, #tpu.memory_space<semaphore_mem>>
      %dma_start3A = tpu.memref_slice %arg9[%mul3A_10] : memref<10000xf32, #tpu.memory_space<vmem_shared>> -> memref<640xf32, #tpu.memory_space<vmem_shared>>
      %dma_start3A_16 = tpu.memref_slice %arg9[%mul3A_10] : memref<10000xf32, #tpu.memory_space<vmem_shared>> -> memref<640xf32, #tpu.memory_space<vmem_shared>>
      tpu.enqueue_dma source(%dma_start3A_16 : memref<640xf32, #tpu.memory_space<vmem_shared>>) target(%arg8 : memref<640xf32, #tpu.memory_space<vmem>>) target_semaphore(%run_scoped3A : memref<!tpu.dma_semaphore, #tpu.memory_space<semaphore_mem>>)
      %dma_wait3A = tpu.memref_slice %arg9[%mul3A_10] : memref<10000xf32, #tpu.memory_space<vmem_shared>> -> memref<640xf32, #tpu.memory_space<vmem_shared>>
      %dma_wait3A_17 = tpu.memref_slice %arg9[%mul3A_10] : memref<10000xf32, #tpu.memory_space<vmem_shared>> -> memref<640xf32, #tpu.memory_space<vmem_shared>>
      tpu.wait_dma2 semaphore(%run_scoped3A : memref<!tpu.dma_semaphore, #tpu.memory_space<semaphore_mem>>) src(%dma_wait3A_17 : memref<640xf32, #tpu.memory_space<vmem_shared>>) dst(%arg8 : memref<640xf32, #tpu.memory_space<vmem>>)
      tpu.yield
    }) : () -> ()
    %mul3A_11 = arith.constant 10000 : i32
    %mul3A_12 = arith.muli %arg0, %mul3A_11 : i32
    %mul3A_13 = arith.constant 624 : i32
    %mul3A_14 = arith.muli %arg1, %mul3A_13 : i32
    %add3A_15 = arith.addi %mul3A_12, %mul3A_14 : i32
    "tpu.region"() ({
      %run_scoped3A = tpu.sem_alloc : memref<!tpu.dma_semaphore, #tpu.memory_space<semaphore_mem>>
      %dma_start3A = tpu.memref_slice %arg5[%add3A_15] : memref<20000xf32, #tpu.memory_space<hbm>> -> memref<640xf32, #tpu.memory_space<hbm>>
      %dma_start3A_16 = tpu.memref_slice %arg5[%add3A_15] : memref<20000xf32, #tpu.memory_space<hbm>> -> memref<640xf32, #tpu.memory_space<hbm>>
      tpu.enqueue_dma source(%arg8 : memref<640xf32, #tpu.memory_space<vmem>>) target(%dma_start3A_16 : memref<640xf32, #tpu.memory_space<hbm>>) target_semaphore(%run_scoped3A : memref<!tpu.dma_semaphore, #tpu.memory_space<semaphore_mem>>)
      %dma_wait3A = tpu.memref_slice %arg5[%add3A_15] : memref<20000xf32, #tpu.memory_space<hbm>> -> memref<640xf32, #tpu.memory_space<hbm>>
      %dma_wait3A_17 = tpu.memref_slice %arg5[%add3A_15] : memref<20000xf32, #tpu.memory_space<hbm>> -> memref<640xf32, #tpu.memory_space<hbm>>
      tpu.wait_dma2 semaphore(%run_scoped3A : memref<!tpu.dma_semaphore, #tpu.memory_space<semaphore_mem>>) src(%arg8 : memref<640xf32, #tpu.memory_space<vmem>>) dst(%dma_wait3A_17 : memref<640xf32, #tpu.memory_space<hbm>>)
      tpu.yield
    }) : () -> ()
    return
  }
}

#map = affine_map<(d0, d1) -> (0, 0)>
#map1 = affine_map<(d0, d1) -> (0)>
module attributes {stable_mosaic.version = 14 : i64} {
  func.func @_sc_scat(%arg0: i32, %arg1: i32, %arg2: memref<10000x64xf32, #tpu.memory_space<hbm>>, %arg3: memref<10000x64xf32, #tpu.memory_space<hbm>>, %arg4: memref<320000xi32, #tpu.memory_space<hbm>>, %arg5: memref<320000xi32, #tpu.memory_space<hbm>>, %arg6: memref<320000xf32, #tpu.memory_space<hbm>>, %arg7: memref<640x64xf32, #tpu.memory_space<hbm>>, %arg8: memref<10000x64xf32, #tpu.memory_space<hbm>>, %arg9: memref<10000x64xf32, #tpu.memory_space<hbm>>, %arg10: memref<80xi32, #tpu.memory_space<vmem>>, %arg11: memref<80xi32, #tpu.memory_space<vmem>>, %arg12: memref<80xf32, #tpu.memory_space<vmem>>, %arg13: memref<80x64xf32, #tpu.memory_space<vmem>>, %arg14: memref<640x64xf32, #tpu.memory_space<vmem>>, %arg15: memref<10000x64xf32, #tpu.memory_space<vmem_shared>>, %arg16: memref<!tpu.dma_semaphore, #tpu.memory_space<semaphore_mem>>) attributes {dimension_semantics = [#tpu.dimension_semantics<core_parallel>, #tpu.dimension_semantics<subcore_parallel>], iteration_bounds = array<i64: 2, 16>, scalar_prefetch = 0 : i64, scratch_operands = 7 : i64, tpu.core_type = #tpu.core_type<sc_vector_subcore>, window_params = [{transform_indices = #map}, {transform_indices = #map}, {transform_indices = #map1}, {transform_indices = #map1}, {transform_indices = #map1}, {transform_indices = #map}, {transform_indices = #map}, {transform_indices = #map}]} {
    "tpu.region"() ({
      %run_scoped3A = tpu.sem_alloc : memref<!tpu.dma_semaphore, #tpu.memory_space<semaphore_mem>>
      tpu.enqueue_dma source(%arg7 : memref<640x64xf32, #tpu.memory_space<hbm>>) target(%arg14 : memref<640x64xf32, #tpu.memory_space<vmem>>) target_semaphore(%run_scoped3A : memref<!tpu.dma_semaphore, #tpu.memory_space<semaphore_mem>>)
      tpu.wait_dma2 semaphore(%run_scoped3A : memref<!tpu.dma_semaphore, #tpu.memory_space<semaphore_mem>>) src(%arg7 : memref<640x64xf32, #tpu.memory_space<hbm>>) dst(%arg14 : memref<640x64xf32, #tpu.memory_space<vmem>>)
      tpu.yield
    }) : () -> ()
    %mul3A = arith.constant 624 : i32
    %mul3A_0 = arith.muli %arg1, %mul3A : i32
    "tpu.region"() ({
      %run_scoped3A = tpu.sem_alloc : memref<!tpu.dma_semaphore, #tpu.memory_space<semaphore_mem>>
      %dma_start3A = arith.constant 0 : i32
      %dma_start3A_16 = tpu.memref_slice %arg15[%mul3A_0, %dma_start3A] : memref<10000x64xf32, #tpu.memory_space<vmem_shared>> -> memref<640x64xf32, #tpu.memory_space<vmem_shared>>
      %dma_start3A_17 = arith.constant 0 : i32
      %dma_start3A_18 = tpu.memref_slice %arg15[%mul3A_0, %dma_start3A_17] : memref<10000x64xf32, #tpu.memory_space<vmem_shared>> -> memref<640x64xf32, #tpu.memory_space<vmem_shared>>
      tpu.enqueue_dma source(%arg14 : memref<640x64xf32, #tpu.memory_space<vmem>>) target(%dma_start3A_18 : memref<640x64xf32, #tpu.memory_space<vmem_shared>>) target_semaphore(%run_scoped3A : memref<!tpu.dma_semaphore, #tpu.memory_space<semaphore_mem>>)
      %dma_wait3A = arith.constant 0 : i32
      %dma_wait3A_19 = tpu.memref_slice %arg15[%mul3A_0, %dma_wait3A] : memref<10000x64xf32, #tpu.memory_space<vmem_shared>> -> memref<640x64xf32, #tpu.memory_space<vmem_shared>>
      %dma_wait3A_20 = arith.constant 0 : i32
      %dma_wait3A_21 = tpu.memref_slice %arg15[%mul3A_0, %dma_wait3A_20] : memref<10000x64xf32, #tpu.memory_space<vmem_shared>> -> memref<640x64xf32, #tpu.memory_space<vmem_shared>>
      tpu.wait_dma2 semaphore(%run_scoped3A : memref<!tpu.dma_semaphore, #tpu.memory_space<semaphore_mem>>) src(%arg14 : memref<640x64xf32, #tpu.memory_space<vmem>>) dst(%dma_wait3A_21 : memref<640x64xf32, #tpu.memory_space<vmem_shared>>)
      tpu.yield
    }) : () -> ()
    %barrier3A = arith.constant 0 : index
    tpu.barrier barrier_id(%barrier3A)
    %scan3A = arith.constant 0 : i32
    %scan3A_1 = arith.constant 0 : i32
    %scan3A_2 = arith.constant 250 : i32
    %scan3A_3 = arith.addi %scan3A_1, %scan3A_2 : i32
    %scan3A_4 = arith.constant 1 : i32
    scf.for %scan3A_16 = %scan3A_1 to %scan3A_3 step %scan3A_4  : i32 {
      %mul3A_17 = arith.constant 20000 : i32
      %mul3A_18 = arith.muli %arg1, %mul3A_17 : i32
      %mul3A_19 = arith.constant 80 : i32
      %mul3A_20 = arith.muli %scan3A_16, %mul3A_19 : i32
      %add3A = arith.addi %mul3A_18, %mul3A_20 : i32
      "tpu.region"() ({
        %run_scoped3A = tpu.sem_alloc : memref<!tpu.dma_semaphore, #tpu.memory_space<semaphore_mem>>
        %dma_start3A = tpu.memref_slice %arg4[%add3A] : memref<320000xi32, #tpu.memory_space<hbm>> -> memref<80xi32, #tpu.memory_space<hbm>>
        %dma_start3A_4362 = tpu.memref_slice %arg4[%add3A] : memref<320000xi32, #tpu.memory_space<hbm>> -> memref<80xi32, #tpu.memory_space<hbm>>
        tpu.enqueue_dma source(%dma_start3A_4362 : memref<80xi32, #tpu.memory_space<hbm>>) target(%arg10 : memref<80xi32, #tpu.memory_space<vmem>>) target_semaphore(%run_scoped3A : memref<!tpu.dma_semaphore, #tpu.memory_space<semaphore_mem>>)
        %dma_wait3A = tpu.memref_slice %arg4[%add3A] : memref<320000xi32, #tpu.memory_space<hbm>> -> memref<80xi32, #tpu.memory_space<hbm>>
        %dma_wait3A_4363 = tpu.memref_slice %arg4[%add3A] : memref<320000xi32, #tpu.memory_space<hbm>> -> memref<80xi32, #tpu.memory_space<hbm>>
        tpu.wait_dma2 semaphore(%run_scoped3A : memref<!tpu.dma_semaphore, #tpu.memory_space<semaphore_mem>>) src(%dma_wait3A_4363 : memref<80xi32, #tpu.memory_space<hbm>>) dst(%arg10 : memref<80xi32, #tpu.memory_space<vmem>>)
        tpu.yield
      }) : () -> ()
      "tpu.region"() ({
        %run_scoped3A = tpu.sem_alloc : memref<!tpu.dma_semaphore, #tpu.memory_space<semaphore_mem>>
        %dma_start3A = tpu.memref_slice %arg5[%add3A] : memref<320000xi32, #tpu.memory_space<hbm>> -> memref<80xi32, #tpu.memory_space<hbm>>
        %dma_start3A_4362 = tpu.memref_slice %arg5[%add3A] : memref<320000xi32, #tpu.memory_space<hbm>> -> memref<80xi32, #tpu.memory_space<hbm>>
        tpu.enqueue_dma source(%dma_start3A_4362 : memref<80xi32, #tpu.memory_space<hbm>>) target(%arg11 : memref<80xi32, #tpu.memory_space<vmem>>) target_semaphore(%run_scoped3A : memref<!tpu.dma_semaphore, #tpu.memory_space<semaphore_mem>>)
        %dma_wait3A = tpu.memref_slice %arg5[%add3A] : memref<320000xi32, #tpu.memory_space<hbm>> -> memref<80xi32, #tpu.memory_space<hbm>>
        %dma_wait3A_4363 = tpu.memref_slice %arg5[%add3A] : memref<320000xi32, #tpu.memory_space<hbm>> -> memref<80xi32, #tpu.memory_space<hbm>>
        tpu.wait_dma2 semaphore(%run_scoped3A : memref<!tpu.dma_semaphore, #tpu.memory_space<semaphore_mem>>) src(%dma_wait3A_4363 : memref<80xi32, #tpu.memory_space<hbm>>) dst(%arg11 : memref<80xi32, #tpu.memory_space<vmem>>)
        tpu.yield
      }) : () -> ()
      "tpu.region"() ({
        %run_scoped3A = tpu.sem_alloc : memref<!tpu.dma_semaphore, #tpu.memory_space<semaphore_mem>>
        %dma_start3A = tpu.memref_slice %arg6[%add3A] : memref<320000xf32, #tpu.memory_space<hbm>> -> memref<80xf32, #tpu.memory_space<hbm>>
        %dma_start3A_4362 = tpu.memref_slice %arg6[%add3A] : memref<320000xf32, #tpu.memory_space<hbm>> -> memref<80xf32, #tpu.memory_space<hbm>>
        tpu.enqueue_dma source(%dma_start3A_4362 : memref<80xf32, #tpu.memory_space<hbm>>) target(%arg12 : memref<80xf32, #tpu.memory_space<vmem>>) target_semaphore(%run_scoped3A : memref<!tpu.dma_semaphore, #tpu.memory_space<semaphore_mem>>)
        %dma_wait3A = tpu.memref_slice %arg6[%add3A] : memref<320000xf32, #tpu.memory_space<hbm>> -> memref<80xf32, #tpu.memory_space<hbm>>
        %dma_wait3A_4363 = tpu.memref_slice %arg6[%add3A] : memref<320000xf32, #tpu.memory_space<hbm>> -> memref<80xf32, #tpu.memory_space<hbm>>
        tpu.wait_dma2 semaphore(%run_scoped3A : memref<!tpu.dma_semaphore, #tpu.memory_space<semaphore_mem>>) src(%dma_wait3A_4363 : memref<80xf32, #tpu.memory_space<hbm>>) dst(%arg12 : memref<80xf32, #tpu.memory_space<vmem>>)
        tpu.yield
      }) : () -> ()
      %eq3A_21 = arith.constant 0 : i32
      %eq3A_22 = arith.cmpi eq, %arg0, %eq3A_21 : i32
      %convert_element_type3A_23 = arith.extui %eq3A_22 : i1 to i32
      %cond3A_24 = arith.constant 0 : i32
      %cond3A_25 = arith.cmpi ne, %convert_element_type3A_23, %cond3A_24 : i32
      scf.if %cond3A_25 {
        %dma_start3A = arith.constant 0 : i32
        %dma_start3A_4362 = arith.constant 0 : i32
        %dma_start3A_4363 = tpu.memref_slice %arg2[%dma_start3A, %dma_start3A_4362] : memref<10000x64xf32, #tpu.memory_space<hbm>> -> memref<10000x64xf32, #tpu.memory_space<hbm>>
        tpu.enqueue_indirect_dma source(%dma_start3A_4363 : memref<10000x64xf32, #tpu.memory_space<hbm>>) target(%arg13 : memref<80x64xf32, #tpu.memory_space<vmem>>) offsets(%arg10 : memref<80xi32, #tpu.memory_space<vmem>>) semaphore(%arg16 : memref<!tpu.dma_semaphore, #tpu.memory_space<semaphore_mem>>)
        %dma_wait3A = arith.constant 0 : i32
        %dma_wait3A_4364 = arith.constant 0 : i32
        %dma_wait3A_4365 = tpu.memref_slice %arg2[%dma_wait3A, %dma_wait3A_4364] : memref<10000x64xf32, #tpu.memory_space<hbm>> -> memref<10000x64xf32, #tpu.memory_space<hbm>>
        tpu.wait_indirect_dma semaphore(%arg16 : memref<!tpu.dma_semaphore, #tpu.memory_space<semaphore_mem>>) src(%dma_wait3A_4365 : memref<10000x64xf32, #tpu.memory_space<hbm>>) dst(%arg13 : memref<80x64xf32, #tpu.memory_space<vmem>>)
      } else {
      }
      %eq3A_26 = arith.constant 1 : i32
      %eq3A_27 = arith.cmpi eq, %arg0, %eq3A_26 : i32
      %convert_element_type3A_28 = arith.extui %eq3A_27 : i1 to i32
      %cond3A_29 = arith.constant 0 : i32
      %cond3A_30 = arith.cmpi ne, %convert_element_type3A_28, %cond3A_29 : i32
      scf.if %cond3A_30 {
        %dma_start3A = arith.constant 0 : i32
        %dma_start3A_4362 = arith.constant 0 : i32
        %dma_start3A_4363 = tpu.memref_slice %arg3[%dma_start3A, %dma_start3A_4362] : memref<10000x64xf32, #tpu.memory_space<hbm>> -> memref<10000x64xf32, #tpu.memory_space<hbm>>
        tpu.enqueue_indirect_dma source(%dma_start3A_4363 : memref<10000x64xf32, #tpu.memory_space<hbm>>) target(%arg13 : memref<80x64xf32, #tpu.memory_space<vmem>>) offsets(%arg10 : memref<80xi32, #tpu.memory_space<vmem>>) semaphore(%arg16 : memref<!tpu.dma_semaphore, #tpu.memory_space<semaphore_mem>>)
        %dma_wait3A = arith.constant 0 : i32
        %dma_wait3A_4364 = arith.constant 0 : i32
        %dma_wait3A_4365 = tpu.memref_slice %arg3[%dma_wait3A, %dma_wait3A_4364] : memref<10000x64xf32, #tpu.memory_space<hbm>> -> memref<10000x64xf32, #tpu.memory_space<hbm>>
        tpu.wait_indirect_dma semaphore(%arg16 : memref<!tpu.dma_semaphore, #tpu.memory_space<semaphore_mem>>) src(%dma_wait3A_4365 : memref<10000x64xf32, #tpu.memory_space<hbm>>) dst(%arg13 : memref<80x64xf32, #tpu.memory_space<vmem>>)
      } else {
      }
      %get3A = arith.constant 0 : index
      %get3A_31 = tpu.vector_load %arg12[%get3A] {strides = array<i32>} : memref<80xf32, #tpu.memory_space<vmem>>, vector<16xf32>,
      %get3A_32 = vector.shape_cast %get3A_31 : vector<16xf32> to vector<16xf32>
      %slice3A = vector.extract_strided_slice %get3A_32 {offsets = [0], sizes = [1], strides = [1]} : vector<16xf32> to vector<1xf32>
      %squeeze3A = vector.extract %slice3A[0] : f32 from vector<1xf32>
      %get3A_33 = arith.constant 0 : i32
      %get3A_34 = arith.index_cast %get3A_33 : i32 to index
      %get3A_35 = arith.constant 0 : index
      %get3A_36 = tpu.vector_load %arg13[%get3A_34, %get3A_35] {strides = array<i32>} : memref<80x64xf32, #tpu.memory_space<vmem>>, vector<1x16xf32>,
      %get3A_37 = vector.shape_cast %get3A_36 : vector<1x16xf32> to vector<16xf32>
      %mul3A_38 = vector.broadcast %squeeze3A : f32 to vector<16xf32>
      %mul3A_39 = arith.mulf %get3A_37, %mul3A_38 : vector<16xf32>
      %swap3A = arith.constant 0 : i32
      %swap3A_40 = arith.index_cast %swap3A : i32 to index
      %swap3A_41 = arith.constant 0 : index
      %swap3A_42 = tpu.vector_load %arg13[%swap3A_40, %swap3A_41] {strides = array<i32>} : memref<80x64xf32, #tpu.memory_space<vmem>>, vector<1x16xf32>,
      %swap3A_43 = vector.shape_cast %swap3A_42 : vector<1x16xf32> to vector<16xf32>
      %swap3A_44 = vector.shape_cast %mul3A_39 : vector<16xf32> to vector<1x16xf32>
      tpu.vector_store %arg13[%swap3A_40, %swap3A_41], %swap3A_44 {strides = array<i32>} : memref<80x64xf32, #tpu.memory_space<vmem>>, vector<1x16xf32>,
      %get3A_45 = arith.constant 0 : i32
      %get3A_46 = arith.index_cast %get3A_45 : i32 to index
      %get3A_47 = arith.constant 16 : index
      %get3A_48 = tpu.vector_load %arg13[%get3A_46, %get3A_47] {strides = array<i32>} : memref<80x64xf32, #tpu.memory_space<vmem>>, vector<1x16xf32>,
      %get3A_49 = vector.shape_cast %get3A_48 : vector<1x16xf32> to vector<16xf32>
      %mul3A_50 = vector.broadcast %squeeze3A : f32 to vector<16xf32>
      %mul3A_51 = arith.mulf %get3A_49, %mul3A_50 : vector<16xf32>
      %swap3A_52 = arith.constant 0 : i32
      %swap3A_53 = arith.index_cast %swap3A_52 : i32 to index
      %swap3A_54 = arith.constant 16 : index
      %swap3A_55 = tpu.vector_load %arg13[%swap3A_53, %swap3A_54] {strides = array<i32>} : memref<80x64xf32, #tpu.memory_space<vmem>>, vector<1x16xf32>,
      %swap3A_56 = vector.shape_cast %swap3A_55 : vector<1x16xf32> to vector<16xf32>
      %swap3A_57 = vector.shape_cast %mul3A_51 : vector<16xf32> to vector<1x16xf32>
      tpu.vector_store %arg13[%swap3A_53, %swap3A_54], %swap3A_57 {strides = array<i32>} : memref<80x64xf32, #tpu.memory_space<vmem>>, vector<1x16xf32>,
      %get3A_58 = arith.constant 0 : i32
      %get3A_59 = arith.index_cast %get3A_58 : i32 to index
      %get3A_60 = arith.constant 32 : index
      %get3A_61 = tpu.vector_load %arg13[%get3A_59, %get3A_60] {strides = array<i32>} : memref<80x64xf32, #tpu.memory_space<vmem>>, vector<1x16xf32>,
      %get3A_62 = vector.shape_cast %get3A_61 : vector<1x16xf32> to vector<16xf32>
      %mul3A_63 = vector.broadcast %squeeze3A : f32 to vector<16xf32>
      %mul3A_64 = arith.mulf %get3A_62, %mul3A_63 : vector<16xf32>
      %swap3A_65 = arith.constant 0 : i32
      %swap3A_66 = arith.index_cast %swap3A_65 : i32 to index
      %swap3A_67 = arith.constant 32 : index
      %swap3A_68 = tpu.vector_load %arg13[%swap3A_66, %swap3A_67] {strides = array<i32>} : memref<80x64xf32, #tpu.memory_space<vmem>>, vector<1x16xf32>,
      %swap3A_69 = vector.shape_cast %swap3A_68 : vector<1x16xf32> to vector<16xf32>
      %swap3A_70 = vector.shape_cast %mul3A_64 : vector<16xf32> to vector<1x16xf32>
      tpu.vector_store %arg13[%swap3A_66, %swap3A_67], %swap3A_70 {strides = array<i32>} : memref<80x64xf32, #tpu.memory_space<vmem>>, vector<1x16xf32>,
      %get3A_71 = arith.constant 0 : i32
      %get3A_72 = arith.index_cast %get3A_71 : i32 to index
      %get3A_73 = arith.constant 48 : index
      %get3A_74 = tpu.vector_load %arg13[%get3A_72, %get3A_73] {strides = array<i32>} : memref<80x64xf32, #tpu.memory_space<vmem>>, vector<1x16xf32>,
      %get3A_75 = vector.shape_cast %get3A_74 : vector<1x16xf32> to vector<16xf32>
      %mul3A_76 = vector.broadcast %squeeze3A : f32 to vector<16xf32>
      %mul3A_77 = arith.mulf %get3A_75, %mul3A_76 : vector<16xf32>
      %swap3A_78 = arith.constant 0 : i32
      %swap3A_79 = arith.index_cast %swap3A_78 : i32 to index
      %swap3A_80 = arith.constant 48 : index
      %swap3A_81 = tpu.vector_load %arg13[%swap3A_79, %swap3A_80] {strides = array<i32>} : memref<80x64xf32, #tpu.memory_space<vmem>>, vector<1x16xf32>,
      %swap3A_82 = vector.shape_cast %swap3A_81 : vector<1x16xf32> to vector<16xf32>
      %swap3A_83 = vector.shape_cast %mul3A_77 : vector<16xf32> to vector<1x16xf32>
      tpu.vector_store %arg13[%swap3A_79, %swap3A_80], %swap3A_83 {strides = array<i32>} : memref<80x64xf32, #tpu.memory_space<vmem>>, vector<1x16xf32>,
      %slice3A_84 = vector.extract_strided_slice %get3A_32 {offsets = [1], sizes = [1], strides = [1]} : vector<16xf32> to vector<1xf32>
      %squeeze3A_85 = vector.extract %slice3A_84[0] : f32 from vector<1xf32>
      %get3A_86 = arith.constant 1 : i32
      %get3A_87 = arith.index_cast %get3A_86 : i32 to index
      %get3A_88 = arith.constant 0 : index
      %get3A_89 = tpu.vector_load %arg13[%get3A_87, %get3A_88] {strides = array<i32>} : memref<80x64xf32, #tpu.memory_space<vmem>>, vector<1x16xf32>,
      %get3A_90 = vector.shape_cast %get3A_89 : vector<1x16xf32> to vector<16xf32>
      %mul3A_91 = vector.broadcast %squeeze3A_85 : f32 to vector<16xf32>
      %mul3A_92 = arith.mulf %get3A_90, %mul3A_91 : vector<16xf32>
      %swap3A_93 = arith.constant 1 : i32
      %swap3A_94 = arith.index_cast %swap3A_93 : i32 to index
      %swap3A_95 = arith.constant 0 : index
      %swap3A_96 = tpu.vector_load %arg13[%swap3A_94, %swap3A_95] {strides = array<i32>} : memref<80x64xf32, #tpu.memory_space<vmem>>, vector<1x16xf32>,
      %swap3A_97 = vector.shape_cast %swap3A_96 : vector<1x16xf32> to vector<16xf32>
      %swap3A_98 = vector.shape_cast %mul3A_92 : vector<16xf32> to vector<1x16xf32>
      tpu.vector_store %arg13[%swap3A_94, %swap3A_95], %swap3A_98 {strides = array<i32>} : memref<80x64xf32, #tpu.memory_space<vmem>>, vector<1x16xf32>,
      %get3A_99 = arith.constant 1 : i32
      %get3A_100 = arith.index_cast %get3A_99 : i32 to index
      %get3A_101 = arith.constant 16 : index
      %get3A_102 = tpu.vector_load %arg13[%get3A_100, %get3A_101] {strides = array<i32>} : memref<80x64xf32, #tpu.memory_space<vmem>>, vector<1x16xf32>,
      %get3A_103 = vector.shape_cast %get3A_102 : vector<1x16xf32> to vector<16xf32>
      %mul3A_104 = vector.broadcast %squeeze3A_85 : f32 to vector<16xf32>
      %mul3A_105 = arith.mulf %get3A_103, %mul3A_104 : vector<16xf32>
      %swap3A_106 = arith.constant 1 : i32
      %swap3A_107 = arith.index_cast %swap3A_106 : i32 to index
      %swap3A_108 = arith.constant 16 : index
      %swap3A_109 = tpu.vector_load %arg13[%swap3A_107, %swap3A_108] {strides = array<i32>} : memref<80x64xf32, #tpu.memory_space<vmem>>, vector<1x16xf32>,
      %swap3A_110 = vector.shape_cast %swap3A_109 : vector<1x16xf32> to vector<16xf32>
      %swap3A_111 = vector.shape_cast %mul3A_105 : vector<16xf32> to vector<1x16xf32>
      tpu.vector_store %arg13[%swap3A_107, %swap3A_108], %swap3A_111 {strides = array<i32>} : memref<80x64xf32, #tpu.memory_space<vmem>>, vector<1x16xf32>,
      %get3A_112 = arith.constant 1 : i32
      %get3A_113 = arith.index_cast %get3A_112 : i32 to index
      %get3A_114 = arith.constant 32 : index
      %get3A_115 = tpu.vector_load %arg13[%get3A_113, %get3A_114] {strides = array<i32>} : memref<80x64xf32, #tpu.memory_space<vmem>>, vector<1x16xf32>,
      %get3A_116 = vector.shape_cast %get3A_115 : vector<1x16xf32> to vector<16xf32>
      %mul3A_117 = vector.broadcast %squeeze3A_85 : f32 to vector<16xf32>
      %mul3A_118 = arith.mulf %get3A_116, %mul3A_117 : vector<16xf32>
      %swap3A_119 = arith.constant 1 : i32
      %swap3A_120 = arith.index_cast %swap3A_119 : i32 to index
      %swap3A_121 = arith.constant 32 : index
      %swap3A_122 = tpu.vector_load %arg13[%swap3A_120, %swap3A_121] {strides = array<i32>} : memref<80x64xf32, #tpu.memory_space<vmem>>, vector<1x16xf32>,
      %swap3A_123 = vector.shape_cast %swap3A_122 : vector<1x16xf32> to vector<16xf32>
      %swap3A_124 = vector.shape_cast %mul3A_118 : vector<16xf32> to vector<1x16xf32>
      tpu.vector_store %arg13[%swap3A_120, %swap3A_121], %swap3A_124 {strides = array<i32>} : memref<80x64xf32, #tpu.memory_space<vmem>>, vector<1x16xf32>,
      %get3A_125 = arith.constant 1 : i32
      %get3A_126 = arith.index_cast %get3A_125 : i32 to index
      %get3A_127 = arith.constant 48 : index
      %get3A_128 = tpu.vector_load %arg13[%get3A_126, %get3A_127] {strides = array<i32>} : memref<80x64xf32, #tpu.memory_space<vmem>>, vector<1x16xf32>,
      %get3A_129 = vector.shape_cast %get3A_128 : vector<1x16xf32> to vector<16xf32>
      %mul3A_130 = vector.broadcast %squeeze3A_85 : f32 to vector<16xf32>
      %mul3A_131 = arith.mulf %get3A_129, %mul3A_130 : vector<16xf32>
      %swap3A_132 = arith.constant 1 : i32
      %swap3A_133 = arith.index_cast %swap3A_132 : i32 to index
      %swap3A_134 = arith.constant 48 : index
      %swap3A_135 = tpu.vector_load %arg13[%swap3A_133, %swap3A_134] {strides = array<i32>} : memref<80x64xf32, #tpu.memory_space<vmem>>, vector<1x16xf32>,
      %swap3A_136 = vector.shape_cast %swap3A_135 : vector<1x16xf32> to vector<16xf32>
      %swap3A_137 = vector.shape_cast %mul3A_131 : vector<16xf32> to vector<1x16xf32>
      tpu.vector_store %arg13[%swap3A_133, %swap3A_134], %swap3A_137 {strides = array<i32>} : memref<80x64xf32, #tpu.memory_space<vmem>>, vector<1x16xf32>,
      %slice3A_138 = vector.extract_strided_slice %get3A_32 {offsets = [2], sizes = [1], strides = [1]} : vector<16xf32> to vector<1xf32>
      %squeeze3A_139 = vector.extract %slice3A_138[0] : f32 from vector<1xf32>
      %get3A_140 = arith.constant 2 : i32
      %get3A_141 = arith.index_cast %get3A_140 : i32 to index
      %get3A_142 = arith.constant 0 : index
      %get3A_143 = tpu.vector_load %arg13[%get3A_141, %get3A_142] {strides = array<i32>} : memref<80x64xf32, #tpu.memory_space<vmem>>, vector<1x16xf32>,
      %get3A_144 = vector.shape_cast %get3A_143 : vector<1x16xf32> to vector<16xf32>
      %mul3A_145 = vector.broadcast %squeeze3A_139 : f32 to vector<16xf32>
      %mul3A_146 = arith.mulf %get3A_144, %mul3A_145 : vector<16xf32>
      %swap3A_147 = arith.constant 2 : i32
      %swap3A_148 = arith.index_cast %swap3A_147 : i32 to index
      %swap3A_149 = arith.constant 0 : index
      %swap3A_150 = tpu.vector_load %arg13[%swap3A_148, %swap3A_149] {strides = array<i32>} : memref<80x64xf32, #tpu.memory_space<vmem>>, vector<1x16xf32>,
      %swap3A_151 = vector.shape_cast %swap3A_150 : vector<1x16xf32> to vector<16xf32>
      %swap3A_152 = vector.shape_cast %mul3A_146 : vector<16xf32> to vector<1x16xf32>
      tpu.vector_store %arg13[%swap3A_148, %swap3A_149], %swap3A_152 {strides = array<i32>} : memref<80x64xf32, #tpu.memory_space<vmem>>, vector<1x16xf32>,
      %get3A_153 = arith.constant 2 : i32
      %get3A_154 = arith.index_cast %get3A_153 : i32 to index
      %get3A_155 = arith.constant 16 : index
      %get3A_156 = tpu.vector_load %arg13[%get3A_154, %get3A_155] {strides = array<i32>} : memref<80x64xf32, #tpu.memory_space<vmem>>, vector<1x16xf32>,
      %get3A_157 = vector.shape_cast %get3A_156 : vector<1x16xf32> to vector<16xf32>
      %mul3A_158 = vector.broadcast %squeeze3A_139 : f32 to vector<16xf32>
      %mul3A_159 = arith.mulf %get3A_157, %mul3A_158 : vector<16xf32>
      %swap3A_160 = arith.constant 2 : i32
      %swap3A_161 = arith.index_cast %swap3A_160 : i32 to index
      %swap3A_162 = arith.constant 16 : index
      %swap3A_163 = tpu.vector_load %arg13[%swap3A_161, %swap3A_162] {strides = array<i32>} : memref<80x64xf32, #tpu.memory_space<vmem>>, vector<1x16xf32>,
      %swap3A_164 = vector.shape_cast %swap3A_163 : vector<1x16xf32> to vector<16xf32>
      %swap3A_165 = vector.shape_cast %mul3A_159 : vector<16xf32> to vector<1x16xf32>
      tpu.vector_store %arg13[%swap3A_161, %swap3A_162], %swap3A_165 {strides = array<i32>} : memref<80x64xf32, #tpu.memory_space<vmem>>, vector<1x16xf32>,
      %get3A_166 = arith.constant 2 : i32
      %get3A_167 = arith.index_cast %get3A_166 : i32 to index
      %get3A_168 = arith.constant 32 : index
      %get3A_169 = tpu.vector_load %arg13[%get3A_167, %get3A_168] {strides = array<i32>} : memref<80x64xf32, #tpu.memory_space<vmem>>, vector<1x16xf32>,
      %get3A_170 = vector.shape_cast %get3A_169 : vector<1x16xf32> to vector<16xf32>
      %mul3A_171 = vector.broadcast %squeeze3A_139 : f32 to vector<16xf32>
      %mul3A_172 = arith.mulf %get3A_170, %mul3A_171 : vector<16xf32>
      %swap3A_173 = arith.constant 2 : i32
      %swap3A_174 = arith.index_cast %swap3A_173 : i32 to index
      %swap3A_175 = arith.constant 32 : index
      %swap3A_176 = tpu.vector_load %arg13[%swap3A_174, %swap3A_175] {strides = array<i32>} : memref<80x64xf32, #tpu.memory_space<vmem>>, vector<1x16xf32>,
      %swap3A_177 = vector.shape_cast %swap3A_176 : vector<1x16xf32> to vector<16xf32>
      %swap3A_178 = vector.shape_cast %mul3A_172 : vector<16xf32> to vector<1x16xf32>
      tpu.vector_store %arg13[%swap3A_174, %swap3A_175], %swap3A_178 {strides = array<i32>} : memref<80x64xf32, #tpu.memory_space<vmem>>, vector<1x16xf32>,
      %get3A_179 = arith.constant 2 : i32
      %get3A_180 = arith.index_cast %get3A_179 : i32 to index
      %get3A_181 = arith.constant 48 : index
      %get3A_182 = tpu.vector_load %arg13[%get3A_180, %get3A_181] {strides = array<i32>} : memref<80x64xf32, #tpu.memory_space<vmem>>, vector<1x16xf32>,
      %get3A_183 = vector.shape_cast %get3A_182 : vector<1x16xf32> to vector<16xf32>
      %mul3A_184 = vector.broadcast %squeeze3A_139 : f32 to vector<16xf32>
      %mul3A_185 = arith.mulf %get3A_183, %mul3A_184 : vector<16xf32>
      %swap3A_186 = arith.constant 2 : i32
      %swap3A_187 = arith.index_cast %swap3A_186 : i32 to index
      %swap3A_188 = arith.constant 48 : index
      %swap3A_189 = tpu.vector_load %arg13[%swap3A_187, %swap3A_188] {strides = array<i32>} : memref<80x64xf32, #tpu.memory_space<vmem>>, vector<1x16xf32>,
      %swap3A_190 = vector.shape_cast %swap3A_189 : vector<1x16xf32> to vector<16xf32>
      %swap3A_191 = vector.shape_cast %mul3A_185 : vector<16xf32> to vector<1x16xf32>
      tpu.vector_store %arg13[%swap3A_187, %swap3A_188], %swap3A_191 {strides = array<i32>} : memref<80x64xf32, #tpu.memory_space<vmem>>, vector<1x16xf32>,
      %slice3A_192 = vector.extract_strided_slice %get3A_32 {offsets = [3], sizes = [1], strides = [1]} : vector<16xf32> to vector<1xf32>
      %squeeze3A_193 = vector.extract %slice3A_192[0] : f32 from vector<1xf32>
      %get3A_194 = arith.constant 3 : i32
      %get3A_195 = arith.index_cast %get3A_194 : i32 to index
      %get3A_196 = arith.constant 0 : index
      %get3A_197 = tpu.vector_load %arg13[%get3A_195, %get3A_196] {strides = array<i32>} : memref<80x64xf32, #tpu.memory_space<vmem>>, vector<1x16xf32>,
      %get3A_198 = vector.shape_cast %get3A_197 : vector<1x16xf32> to vector<16xf32>
      %mul3A_199 = vector.broadcast %squeeze3A_193 : f32 to vector<16xf32>
      %mul3A_200 = arith.mulf %get3A_198, %mul3A_199 : vector<16xf32>
      %swap3A_201 = arith.constant 3 : i32
      %swap3A_202 = arith.index_cast %swap3A_201 : i32 to index
      %swap3A_203 = arith.constant 0 : index
      %swap3A_204 = tpu.vector_load %arg13[%swap3A_202, %swap3A_203] {strides = array<i32>} : memref<80x64xf32, #tpu.memory_space<vmem>>, vector<1x16xf32>,
      %swap3A_205 = vector.shape_cast %swap3A_204 : vector<1x16xf32> to vector<16xf32>
      %swap3A_206 = vector.shape_cast %mul3A_200 : vector<16xf32> to vector<1x16xf32>
      tpu.vector_store %arg13[%swap3A_202, %swap3A_203], %swap3A_206 {strides = array<i32>} : memref<80x64xf32, #tpu.memory_space<vmem>>, vector<1x16xf32>,
      %get3A_207 = arith.constant 3 : i32
      %get3A_208 = arith.index_cast %get3A_207 : i32 to index
      %get3A_209 = arith.constant 16 : index
      %get3A_210 = tpu.vector_load %arg13[%get3A_208, %get3A_209] {strides = array<i32>} : memref<80x64xf32, #tpu.memory_space<vmem>>, vector<1x16xf32>,
      %get3A_211 = vector.shape_cast %get3A_210 : vector<1x16xf32> to vector<16xf32>
      %mul3A_212 = vector.broadcast %squeeze3A_193 : f32 to vector<16xf32>
      %mul3A_213 = arith.mulf %get3A_211, %mul3A_212 : vector<16xf32>
      %swap3A_214 = arith.constant 3 : i32
      %swap3A_215 = arith.index_cast %swap3A_214 : i32 to index
      %swap3A_216 = arith.constant 16 : index
      %swap3A_217 = tpu.vector_load %arg13[%swap3A_215, %swap3A_216] {strides = array<i32>} : memref<80x64xf32, #tpu.memory_space<vmem>>, vector<1x16xf32>,
      %swap3A_218 = vector.shape_cast %swap3A_217 : vector<1x16xf32> to vector<16xf32>
      %swap3A_219 = vector.shape_cast %mul3A_213 : vector<16xf32> to vector<1x16xf32>
      tpu.vector_store %arg13[%swap3A_215, %swap3A_216], %swap3A_219 {strides = array<i32>} : memref<80x64xf32, #tpu.memory_space<vmem>>, vector<1x16xf32>,
      %get3A_220 = arith.constant 3 : i32
      %get3A_221 = arith.index_cast %get3A_220 : i32 to index
      %get3A_222 = arith.constant 32 : index
      %get3A_223 = tpu.vector_load %arg13[%get3A_221, %get3A_222] {strides = array<i32>} : memref<80x64xf32, #tpu.memory_space<vmem>>, vector<1x16xf32>,
      %get3A_224 = vector.shape_cast %get3A_223 : vector<1x16xf32> to vector<16xf32>
      %mul3A_225 = vector.broadcast %squeeze3A_193 : f32 to vector<16xf32>
      %mul3A_226 = arith.mulf %get3A_224, %mul3A_225 : vector<16xf32>
      %swap3A_227 = arith.constant 3 : i32
      %swap3A_228 = arith.index_cast %swap3A_227 : i32 to index
      %swap3A_229 = arith.constant 32 : index
      %swap3A_230 = tpu.vector_load %arg13[%swap3A_228, %swap3A_229] {strides = array<i32>} : memref<80x64xf32, #tpu.memory_space<vmem>>, vector<1x16xf32>,
      %swap3A_231 = vector.shape_cast %swap3A_230 : vector<1x16xf32> to vector<16xf32>
      %swap3A_232 = vector.shape_cast %mul3A_226 : vector<16xf32> to vector<1x16xf32>
      tpu.vector_store %arg13[%swap3A_228, %swap3A_229], %swap3A_232 {strides = array<i32>} : memref<80x64xf32, #tpu.memory_space<vmem>>, vector<1x16xf32>,
      %get3A_233 = arith.constant 3 : i32
      %get3A_234 = arith.index_cast %get3A_233 : i32 to index
      %get3A_235 = arith.constant 48 : index
      %get3A_236 = tpu.vector_load %arg13[%get3A_234, %get3A_235] {strides = array<i32>} : memref<80x64xf32, #tpu.memory_space<vmem>>, vector<1x16xf32>,
      %get3A_237 = vector.shape_cast %get3A_236 : vector<1x16xf32> to vector<16xf32>
      %mul3A_238 = vector.broadcast %squeeze3A_193 : f32 to vector<16xf32>
      %mul3A_239 = arith.mulf %get3A_237, %mul3A_238 : vector<16xf32>
      %swap3A_240 = arith.constant 3 : i32
      %swap3A_241 = arith.index_cast %swap3A_240 : i32 to index
      %swap3A_242 = arith.constant 48 : index
      %swap3A_243 = tpu.vector_load %arg13[%swap3A_241, %swap3A_242] {strides = array<i32>} : memref<80x64xf32, #tpu.memory_space<vmem>>, vector<1x16xf32>,
      %swap3A_244 = vector.shape_cast %swap3A_243 : vector<1x16xf32> to vector<16xf32>
      %swap3A_245 = vector.shape_cast %mul3A_239 : vector<16xf32> to vector<1x16xf32>
      tpu.vector_store %arg13[%swap3A_241, %swap3A_242], %swap3A_245 {strides = array<i32>} : memref<80x64xf32, #tpu.memory_space<vmem>>, vector<1x16xf32>,
      %slice3A_246 = vector.extract_strided_slice %get3A_32 {offsets = [4], sizes = [1], strides = [1]} : vector<16xf32> to vector<1xf32>
      %squeeze3A_247 = vector.extract %slice3A_246[0] : f32 from vector<1xf32>
      %get3A_248 = arith.constant 4 : i32
      %get3A_249 = arith.index_cast %get3A_248 : i32 to index
      %get3A_250 = arith.constant 0 : index
      %get3A_251 = tpu.vector_load %arg13[%get3A_249, %get3A_250] {strides = array<i32>} : memref<80x64xf32, #tpu.memory_space<vmem>>, vector<1x16xf32>,
      %get3A_252 = vector.shape_cast %get3A_251 : vector<1x16xf32> to vector<16xf32>
      %mul3A_253 = vector.broadcast %squeeze3A_247 : f32 to vector<16xf32>
      %mul3A_254 = arith.mulf %get3A_252, %mul3A_253 : vector<16xf32>
      %swap3A_255 = arith.constant 4 : i32
      %swap3A_256 = arith.index_cast %swap3A_255 : i32 to index
      %swap3A_257 = arith.constant 0 : index
      %swap3A_258 = tpu.vector_load %arg13[%swap3A_256, %swap3A_257] {strides = array<i32>} : memref<80x64xf32, #tpu.memory_space<vmem>>, vector<1x16xf32>,
      %swap3A_259 = vector.shape_cast %swap3A_258 : vector<1x16xf32> to vector<16xf32>
      %swap3A_260 = vector.shape_cast %mul3A_254 : vector<16xf32> to vector<1x16xf32>
      tpu.vector_store %arg13[%swap3A_256, %swap3A_257], %swap3A_260 {strides = array<i32>} : memref<80x64xf32, #tpu.memory_space<vmem>>, vector<1x16xf32>,
      %get3A_261 = arith.constant 4 : i32
      %get3A_262 = arith.index_cast %get3A_261 : i32 to index
      %get3A_263 = arith.constant 16 : index
      %get3A_264 = tpu.vector_load %arg13[%get3A_262, %get3A_263] {strides = array<i32>} : memref<80x64xf32, #tpu.memory_space<vmem>>, vector<1x16xf32>,
      %get3A_265 = vector.shape_cast %get3A_264 : vector<1x16xf32> to vector<16xf32>
      %mul3A_266 = vector.broadcast %squeeze3A_247 : f32 to vector<16xf32>
      %mul3A_267 = arith.mulf %get3A_265, %mul3A_266 : vector<16xf32>
      %swap3A_268 = arith.constant 4 : i32
      %swap3A_269 = arith.index_cast %swap3A_268 : i32 to index
      %swap3A_270 = arith.constant 16 : index
      %swap3A_271 = tpu.vector_load %arg13[%swap3A_269, %swap3A_270] {strides = array<i32>} : memref<80x64xf32, #tpu.memory_space<vmem>>, vector<1x16xf32>,
      %swap3A_272 = vector.shape_cast %swap3A_271 : vector<1x16xf32> to vector<16xf32>
      %swap3A_273 = vector.shape_cast %mul3A_267 : vector<16xf32> to vector<1x16xf32>
      tpu.vector_store %arg13[%swap3A_269, %swap3A_270], %swap3A_273 {strides = array<i32>} : memref<80x64xf32, #tpu.memory_space<vmem>>, vector<1x16xf32>,
      %get3A_274 = arith.constant 4 : i32
      %get3A_275 = arith.index_cast %get3A_274 : i32 to index
      %get3A_276 = arith.constant 32 : index
      %get3A_277 = tpu.vector_load %arg13[%get3A_275, %get3A_276] {strides = array<i32>} : memref<80x64xf32, #tpu.memory_space<vmem>>, vector<1x16xf32>,
      %get3A_278 = vector.shape_cast %get3A_277 : vector<1x16xf32> to vector<16xf32>
      %mul3A_279 = vector.broadcast %squeeze3A_247 : f32 to vector<16xf32>
      %mul3A_280 = arith.mulf %get3A_278, %mul3A_279 : vector<16xf32>
      %swap3A_281 = arith.constant 4 : i32
      %swap3A_282 = arith.index_cast %swap3A_281 : i32 to index
      %swap3A_283 = arith.constant 32 : index
      %swap3A_284 = tpu.vector_load %arg13[%swap3A_282, %swap3A_283] {strides = array<i32>} : memref<80x64xf32, #tpu.memory_space<vmem>>, vector<1x16xf32>,
      %swap3A_285 = vector.shape_cast %swap3A_284 : vector<1x16xf32> to vector<16xf32>
      %swap3A_286 = vector.shape_cast %mul3A_280 : vector<16xf32> to vector<1x16xf32>
      tpu.vector_store %arg13[%swap3A_282, %swap3A_283], %swap3A_286 {strides = array<i32>} : memref<80x64xf32, #tpu.memory_space<vmem>>, vector<1x16xf32>,
      %get3A_287 = arith.constant 4 : i32
      %get3A_288 = arith.index_cast %get3A_287 : i32 to index
      %get3A_289 = arith.constant 48 : index
      %get3A_290 = tpu.vector_load %arg13[%get3A_288, %get3A_289] {strides = array<i32>} : memref<80x64xf32, #tpu.memory_space<vmem>>, vector<1x16xf32>,
      %get3A_291 = vector.shape_cast %get3A_290 : vector<1x16xf32> to vector<16xf32>
      %mul3A_292 = vector.broadcast %squeeze3A_247 : f32 to vector<16xf32>
      %mul3A_293 = arith.mulf %get3A_291, %mul3A_292 : vector<16xf32>
      %swap3A_294 = arith.constant 4 : i32
      %swap3A_295 = arith.index_cast %swap3A_294 : i32 to index
      %swap3A_296 = arith.constant 48 : index
      %swap3A_297 = tpu.vector_load %arg13[%swap3A_295, %swap3A_296] {strides = array<i32>} : memref<80x64xf32, #tpu.memory_space<vmem>>, vector<1x16xf32>,
      %swap3A_298 = vector.shape_cast %swap3A_297 : vector<1x16xf32> to vector<16xf32>
      %swap3A_299 = vector.shape_cast %mul3A_293 : vector<16xf32> to vector<1x16xf32>
      tpu.vector_store %arg13[%swap3A_295, %swap3A_296], %swap3A_299 {strides = array<i32>} : memref<80x64xf32, #tpu.memory_space<vmem>>, vector<1x16xf32>,
      %slice3A_300 = vector.extract_strided_slice %get3A_32 {offsets = [5], sizes = [1], strides = [1]} : vector<16xf32> to vector<1xf32>
      %squeeze3A_301 = vector.extract %slice3A_300[0] : f32 from vector<1xf32>
      %get3A_302 = arith.constant 5 : i32
      %get3A_303 = arith.index_cast %get3A_302 : i32 to index
      %get3A_304 = arith.constant 0 : index
      %get3A_305 = tpu.vector_load %arg13[%get3A_303, %get3A_304] {strides = array<i32>} : memref<80x64xf32, #tpu.memory_space<vmem>>, vector<1x16xf32>,
      %get3A_306 = vector.shape_cast %get3A_305 : vector<1x16xf32> to vector<16xf32>
      %mul3A_307 = vector.broadcast %squeeze3A_301 : f32 to vector<16xf32>
      %mul3A_308 = arith.mulf %get3A_306, %mul3A_307 : vector<16xf32>
      %swap3A_309 = arith.constant 5 : i32
      %swap3A_310 = arith.index_cast %swap3A_309 : i32 to index
      %swap3A_311 = arith.constant 0 : index
      %swap3A_312 = tpu.vector_load %arg13[%swap3A_310, %swap3A_311] {strides = array<i32>} : memref<80x64xf32, #tpu.memory_space<vmem>>, vector<1x16xf32>,
      %swap3A_313 = vector.shape_cast %swap3A_312 : vector<1x16xf32> to vector<16xf32>
      %swap3A_314 = vector.shape_cast %mul3A_308 : vector<16xf32> to vector<1x16xf32>
      tpu.vector_store %arg13[%swap3A_310, %swap3A_311], %swap3A_314 {strides = array<i32>} : memref<80x64xf32, #tpu.memory_space<vmem>>, vector<1x16xf32>,
      %get3A_315 = arith.constant 5 : i32
      %get3A_316 = arith.index_cast %get3A_315 : i32 to index
      %get3A_317 = arith.constant 16 : index
      %get3A_318 = tpu.vector_load %arg13[%get3A_316, %get3A_317] {strides = array<i32>} : memref<80x64xf32, #tpu.memory_space<vmem>>, vector<1x16xf32>,
      %get3A_319 = vector.shape_cast %get3A_318 : vector<1x16xf32> to vector<16xf32>
      %mul3A_320 = vector.broadcast %squeeze3A_301 : f32 to vector<16xf32>
      %mul3A_321 = arith.mulf %get3A_319, %mul3A_320 : vector<16xf32>
      %swap3A_322 = arith.constant 5 : i32
      %swap3A_323 = arith.index_cast %swap3A_322 : i32 to index
      %swap3A_324 = arith.constant 16 : index
      %swap3A_325 = tpu.vector_load %arg13[%swap3A_323, %swap3A_324] {strides = array<i32>} : memref<80x64xf32, #tpu.memory_space<vmem>>, vector<1x16xf32>,
      %swap3A_326 = vector.shape_cast %swap3A_325 : vector<1x16xf32> to vector<16xf32>
      %swap3A_327 = vector.shape_cast %mul3A_321 : vector<16xf32> to vector<1x16xf32>
      tpu.vector_store %arg13[%swap3A_323, %swap3A_324], %swap3A_327 {strides = array<i32>} : memref<80x64xf32, #tpu.memory_space<vmem>>, vector<1x16xf32>,
      %get3A_328 = arith.constant 5 : i32
      %get3A_329 = arith.index_cast %get3A_328 : i32 to index
      %get3A_330 = arith.constant 32 : index
      %get3A_331 = tpu.vector_load %arg13[%get3A_329, %get3A_330] {strides = array<i32>} : memref<80x64xf32, #tpu.memory_space<vmem>>, vector<1x16xf32>,
      %get3A_332 = vector.shape_cast %get3A_331 : vector<1x16xf32> to vector<16xf32>
      %mul3A_333 = vector.broadcast %squeeze3A_301 : f32 to vector<16xf32>
      %mul3A_334 = arith.mulf %get3A_332, %mul3A_333 : vector<16xf32>
      %swap3A_335 = arith.constant 5 : i32
      %swap3A_336 = arith.index_cast %swap3A_335 : i32 to index
      %swap3A_337 = arith.constant 32 : index
      %swap3A_338 = tpu.vector_load %arg13[%swap3A_336, %swap3A_337] {strides = array<i32>} : memref<80x64xf32, #tpu.memory_space<vmem>>, vector<1x16xf32>,
      %swap3A_339 = vector.shape_cast %swap3A_338 : vector<1x16xf32> to vector<16xf32>
      %swap3A_340 = vector.shape_cast %mul3A_334 : vector<16xf32> to vector<1x16xf32>
      tpu.vector_store %arg13[%swap3A_336, %swap3A_337], %swap3A_340 {strides = array<i32>} : memref<80x64xf32, #tpu.memory_space<vmem>>, vector<1x16xf32>,
      %get3A_341 = arith.constant 5 : i32
      %get3A_342 = arith.index_cast %get3A_341 : i32 to index
      %get3A_343 = arith.constant 48 : index
      %get3A_344 = tpu.vector_load %arg13[%get3A_342, %get3A_343] {strides = array<i32>} : memref<80x64xf32, #tpu.memory_space<vmem>>, vector<1x16xf32>,
      %get3A_345 = vector.shape_cast %get3A_344 : vector<1x16xf32> to vector<16xf32>
      %mul3A_346 = vector.broadcast %squeeze3A_301 : f32 to vector<16xf32>
      %mul3A_347 = arith.mulf %get3A_345, %mul3A_346 : vector<16xf32>
      %swap3A_348 = arith.constant 5 : i32
      %swap3A_349 = arith.index_cast %swap3A_348 : i32 to index
      %swap3A_350 = arith.constant 48 : index
      %swap3A_351 = tpu.vector_load %arg13[%swap3A_349, %swap3A_350] {strides = array<i32>} : memref<80x64xf32, #tpu.memory_space<vmem>>, vector<1x16xf32>,
      %swap3A_352 = vector.shape_cast %swap3A_351 : vector<1x16xf32> to vector<16xf32>
      %swap3A_353 = vector.shape_cast %mul3A_347 : vector<16xf32> to vector<1x16xf32>
      tpu.vector_store %arg13[%swap3A_349, %swap3A_350], %swap3A_353 {strides = array<i32>} : memref<80x64xf32, #tpu.memory_space<vmem>>, vector<1x16xf32>,
      %slice3A_354 = vector.extract_strided_slice %get3A_32 {offsets = [6], sizes = [1], strides = [1]} : vector<16xf32> to vector<1xf32>
      %squeeze3A_355 = vector.extract %slice3A_354[0] : f32 from vector<1xf32>
      %get3A_356 = arith.constant 6 : i32
      %get3A_357 = arith.index_cast %get3A_356 : i32 to index
      %get3A_358 = arith.constant 0 : index
      %get3A_359 = tpu.vector_load %arg13[%get3A_357, %get3A_358] {strides = array<i32>} : memref<80x64xf32, #tpu.memory_space<vmem>>, vector<1x16xf32>,
      %get3A_360 = vector.shape_cast %get3A_359 : vector<1x16xf32> to vector<16xf32>
      %mul3A_361 = vector.broadcast %squeeze3A_355 : f32 to vector<16xf32>
      %mul3A_362 = arith.mulf %get3A_360, %mul3A_361 : vector<16xf32>
      %swap3A_363 = arith.constant 6 : i32
      %swap3A_364 = arith.index_cast %swap3A_363 : i32 to index
      %swap3A_365 = arith.constant 0 : index
      %swap3A_366 = tpu.vector_load %arg13[%swap3A_364, %swap3A_365] {strides = array<i32>} : memref<80x64xf32, #tpu.memory_space<vmem>>, vector<1x16xf32>,
      %swap3A_367 = vector.shape_cast %swap3A_366 : vector<1x16xf32> to vector<16xf32>
      %swap3A_368 = vector.shape_cast %mul3A_362 : vector<16xf32> to vector<1x16xf32>
      tpu.vector_store %arg13[%swap3A_364, %swap3A_365], %swap3A_368 {strides = array<i32>} : memref<80x64xf32, #tpu.memory_space<vmem>>, vector<1x16xf32>,
      %get3A_369 = arith.constant 6 : i32
      %get3A_370 = arith.index_cast %get3A_369 : i32 to index
      %get3A_371 = arith.constant 16 : index
      %get3A_372 = tpu.vector_load %arg13[%get3A_370, %get3A_371] {strides = array<i32>} : memref<80x64xf32, #tpu.memory_space<vmem>>, vector<1x16xf32>,
      %get3A_373 = vector.shape_cast %get3A_372 : vector<1x16xf32> to vector<16xf32>
      %mul3A_374 = vector.broadcast %squeeze3A_355 : f32 to vector<16xf32>
      %mul3A_375 = arith.mulf %get3A_373, %mul3A_374 : vector<16xf32>
      %swap3A_376 = arith.constant 6 : i32
      %swap3A_377 = arith.index_cast %swap3A_376 : i32 to index
      %swap3A_378 = arith.constant 16 : index
      %swap3A_379 = tpu.vector_load %arg13[%swap3A_377, %swap3A_378] {strides = array<i32>} : memref<80x64xf32, #tpu.memory_space<vmem>>, vector<1x16xf32>,
      %swap3A_380 = vector.shape_cast %swap3A_379 : vector<1x16xf32> to vector<16xf32>
      %swap3A_381 = vector.shape_cast %mul3A_375 : vector<16xf32> to vector<1x16xf32>
      tpu.vector_store %arg13[%swap3A_377, %swap3A_378], %swap3A_381 {strides = array<i32>} : memref<80x64xf32, #tpu.memory_space<vmem>>, vector<1x16xf32>,
      %get3A_382 = arith.constant 6 : i32
      %get3A_383 = arith.index_cast %get3A_382 : i32 to index
      %get3A_384 = arith.constant 32 : index
      %get3A_385 = tpu.vector_load %arg13[%get3A_383, %get3A_384] {strides = array<i32>} : memref<80x64xf32, #tpu.memory_space<vmem>>, vector<1x16xf32>,
      %get3A_386 = vector.shape_cast %get3A_385 : vector<1x16xf32> to vector<16xf32>
      %mul3A_387 = vector.broadcast %squeeze3A_355 : f32 to vector<16xf32>
      %mul3A_388 = arith.mulf %get3A_386, %mul3A_387 : vector<16xf32>
      %swap3A_389 = arith.constant 6 : i32
      %swap3A_390 = arith.index_cast %swap3A_389 : i32 to index
      %swap3A_391 = arith.constant 32 : index
      %swap3A_392 = tpu.vector_load %arg13[%swap3A_390, %swap3A_391] {strides = array<i32>} : memref<80x64xf32, #tpu.memory_space<vmem>>, vector<1x16xf32>,
      %swap3A_393 = vector.shape_cast %swap3A_392 : vector<1x16xf32> to vector<16xf32>
      %swap3A_394 = vector.shape_cast %mul3A_388 : vector<16xf32> to vector<1x16xf32>
      tpu.vector_store %arg13[%swap3A_390, %swap3A_391], %swap3A_394 {strides = array<i32>} : memref<80x64xf32, #tpu.memory_space<vmem>>, vector<1x16xf32>,
      %get3A_395 = arith.constant 6 : i32
      %get3A_396 = arith.index_cast %get3A_395 : i32 to index
      %get3A_397 = arith.constant 48 : index
      %get3A_398 = tpu.vector_load %arg13[%get3A_396, %get3A_397] {strides = array<i32>} : memref<80x64xf32, #tpu.memory_space<vmem>>, vector<1x16xf32>,
      %get3A_399 = vector.shape_cast %get3A_398 : vector<1x16xf32> to vector<16xf32>
      %mul3A_400 = vector.broadcast %squeeze3A_355 : f32 to vector<16xf32>
      %mul3A_401 = arith.mulf %get3A_399, %mul3A_400 : vector<16xf32>
      %swap3A_402 = arith.constant 6 : i32
      %swap3A_403 = arith.index_cast %swap3A_402 : i32 to index
      %swap3A_404 = arith.constant 48 : index
      %swap3A_405 = tpu.vector_load %arg13[%swap3A_403, %swap3A_404] {strides = array<i32>} : memref<80x64xf32, #tpu.memory_space<vmem>>, vector<1x16xf32>,
      %swap3A_406 = vector.shape_cast %swap3A_405 : vector<1x16xf32> to vector<16xf32>
      %swap3A_407 = vector.shape_cast %mul3A_401 : vector<16xf32> to vector<1x16xf32>
      tpu.vector_store %arg13[%swap3A_403, %swap3A_404], %swap3A_407 {strides = array<i32>} : memref<80x64xf32, #tpu.memory_space<vmem>>, vector<1x16xf32>,
      %slice3A_408 = vector.extract_strided_slice %get3A_32 {offsets = [7], sizes = [1], strides = [1]} : vector<16xf32> to vector<1xf32>
      %squeeze3A_409 = vector.extract %slice3A_408[0] : f32 from vector<1xf32>
      %get3A_410 = arith.constant 7 : i32
      %get3A_411 = arith.index_cast %get3A_410 : i32 to index
      %get3A_412 = arith.constant 0 : index
      %get3A_413 = tpu.vector_load %arg13[%get3A_411, %get3A_412] {strides = array<i32>} : memref<80x64xf32, #tpu.memory_space<vmem>>, vector<1x16xf32>,
      %get3A_414 = vector.shape_cast %get3A_413 : vector<1x16xf32> to vector<16xf32>
      %mul3A_415 = vector.broadcast %squeeze3A_409 : f32 to vector<16xf32>
      %mul3A_416 = arith.mulf %get3A_414, %mul3A_415 : vector<16xf32>
      %swap3A_417 = arith.constant 7 : i32
      %swap3A_418 = arith.index_cast %swap3A_417 : i32 to index
      %swap3A_419 = arith.constant 0 : index
      %swap3A_420 = tpu.vector_load %arg13[%swap3A_418, %swap3A_419] {strides = array<i32>} : memref<80x64xf32, #tpu.memory_space<vmem>>, vector<1x16xf32>,
      %swap3A_421 = vector.shape_cast %swap3A_420 : vector<1x16xf32> to vector<16xf32>
      %swap3A_422 = vector.shape_cast %mul3A_416 : vector<16xf32> to vector<1x16xf32>
      tpu.vector_store %arg13[%swap3A_418, %swap3A_419], %swap3A_422 {strides = array<i32>} : memref<80x64xf32, #tpu.memory_space<vmem>>, vector<1x16xf32>,
      %get3A_423 = arith.constant 7 : i32
      %get3A_424 = arith.index_cast %get3A_423 : i32 to index
      %get3A_425 = arith.constant 16 : index
      %get3A_426 = tpu.vector_load %arg13[%get3A_424, %get3A_425] {strides = array<i32>} : memref<80x64xf32, #tpu.memory_space<vmem>>, vector<1x16xf32>,
      %get3A_427 = vector.shape_cast %get3A_426 : vector<1x16xf32> to vector<16xf32>
      %mul3A_428 = vector.broadcast %squeeze3A_409 : f32 to vector<16xf32>
      %mul3A_429 = arith.mulf %get3A_427, %mul3A_428 : vector<16xf32>
      %swap3A_430 = arith.constant 7 : i32
      %swap3A_431 = arith.index_cast %swap3A_430 : i32 to index
      %swap3A_432 = arith.constant 16 : index
      %swap3A_433 = tpu.vector_load %arg13[%swap3A_431, %swap3A_432] {strides = array<i32>} : memref<80x64xf32, #tpu.memory_space<vmem>>, vector<1x16xf32>,
      %swap3A_434 = vector.shape_cast %swap3A_433 : vector<1x16xf32> to vector<16xf32>
      %swap3A_435 = vector.shape_cast %mul3A_429 : vector<16xf32> to vector<1x16xf32>
      tpu.vector_store %arg13[%swap3A_431, %swap3A_432], %swap3A_435 {strides = array<i32>} : memref<80x64xf32, #tpu.memory_space<vmem>>, vector<1x16xf32>,
      %get3A_436 = arith.constant 7 : i32
      %get3A_437 = arith.index_cast %get3A_436 : i32 to index
      %get3A_438 = arith.constant 32 : index
      %get3A_439 = tpu.vector_load %arg13[%get3A_437, %get3A_438] {strides = array<i32>} : memref<80x64xf32, #tpu.memory_space<vmem>>, vector<1x16xf32>,
      %get3A_440 = vector.shape_cast %get3A_439 : vector<1x16xf32> to vector<16xf32>
      %mul3A_441 = vector.broadcast %squeeze3A_409 : f32 to vector<16xf32>
      %mul3A_442 = arith.mulf %get3A_440, %mul3A_441 : vector<16xf32>
      %swap3A_443 = arith.constant 7 : i32
      %swap3A_444 = arith.index_cast %swap3A_443 : i32 to index
      %swap3A_445 = arith.constant 32 : index
      %swap3A_446 = tpu.vector_load %arg13[%swap3A_444, %swap3A_445] {strides = array<i32>} : memref<80x64xf32, #tpu.memory_space<vmem>>, vector<1x16xf32>,
      %swap3A_447 = vector.shape_cast %swap3A_446 : vector<1x16xf32> to vector<16xf32>
      %swap3A_448 = vector.shape_cast %mul3A_442 : vector<16xf32> to vector<1x16xf32>
      tpu.vector_store %arg13[%swap3A_444, %swap3A_445], %swap3A_448 {strides = array<i32>} : memref<80x64xf32, #tpu.memory_space<vmem>>, vector<1x16xf32>,
      %get3A_449 = arith.constant 7 : i32
      %get3A_450 = arith.index_cast %get3A_449 : i32 to index
      %get3A_451 = arith.constant 48 : index
      %get3A_452 = tpu.vector_load %arg13[%get3A_450, %get3A_451] {strides = array<i32>} : memref<80x64xf32, #tpu.memory_space<vmem>>, vector<1x16xf32>,
      %get3A_453 = vector.shape_cast %get3A_452 : vector<1x16xf32> to vector<16xf32>
      %mul3A_454 = vector.broadcast %squeeze3A_409 : f32 to vector<16xf32>
      %mul3A_455 = arith.mulf %get3A_453, %mul3A_454 : vector<16xf32>
      %swap3A_456 = arith.constant 7 : i32
      %swap3A_457 = arith.index_cast %swap3A_456 : i32 to index
      %swap3A_458 = arith.constant 48 : index
      %swap3A_459 = tpu.vector_load %arg13[%swap3A_457, %swap3A_458] {strides = array<i32>} : memref<80x64xf32, #tpu.memory_space<vmem>>, vector<1x16xf32>,
      %swap3A_460 = vector.shape_cast %swap3A_459 : vector<1x16xf32> to vector<16xf32>
      %swap3A_461 = vector.shape_cast %mul3A_455 : vector<16xf32> to vector<1x16xf32>
      tpu.vector_store %arg13[%swap3A_457, %swap3A_458], %swap3A_461 {strides = array<i32>} : memref<80x64xf32, #tpu.memory_space<vmem>>, vector<1x16xf32>,
      %slice3A_462 = vector.extract_strided_slice %get3A_32 {offsets = [8], sizes = [1], strides = [1]} : vector<16xf32> to vector<1xf32>
      %squeeze3A_463 = vector.extract %slice3A_462[0] : f32 from vector<1xf32>
      %get3A_464 = arith.constant 8 : i32
      %get3A_465 = arith.index_cast %get3A_464 : i32 to index
      %get3A_466 = arith.constant 0 : index
      %get3A_467 = tpu.vector_load %arg13[%get3A_465, %get3A_466] {strides = array<i32>} : memref<80x64xf32, #tpu.memory_space<vmem>>, vector<1x16xf32>,
      %get3A_468 = vector.shape_cast %get3A_467 : vector<1x16xf32> to vector<16xf32>
      %mul3A_469 = vector.broadcast %squeeze3A_463 : f32 to vector<16xf32>
      %mul3A_470 = arith.mulf %get3A_468, %mul3A_469 : vector<16xf32>
      %swap3A_471 = arith.constant 8 : i32
      %swap3A_472 = arith.index_cast %swap3A_471 : i32 to index
      %swap3A_473 = arith.constant 0 : index
      %swap3A_474 = tpu.vector_load %arg13[%swap3A_472, %swap3A_473] {strides = array<i32>} : memref<80x64xf32, #tpu.memory_space<vmem>>, vector<1x16xf32>,
      %swap3A_475 = vector.shape_cast %swap3A_474 : vector<1x16xf32> to vector<16xf32>
      %swap3A_476 = vector.shape_cast %mul3A_470 : vector<16xf32> to vector<1x16xf32>
      tpu.vector_store %arg13[%swap3A_472, %swap3A_473], %swap3A_476 {strides = array<i32>} : memref<80x64xf32, #tpu.memory_space<vmem>>, vector<1x16xf32>,
      %get3A_477 = arith.constant 8 : i32
      %get3A_478 = arith.index_cast %get3A_477 : i32 to index
      %get3A_479 = arith.constant 16 : index
      %get3A_480 = tpu.vector_load %arg13[%get3A_478, %get3A_479] {strides = array<i32>} : memref<80x64xf32, #tpu.memory_space<vmem>>, vector<1x16xf32>,
      %get3A_481 = vector.shape_cast %get3A_480 : vector<1x16xf32> to vector<16xf32>
      %mul3A_482 = vector.broadcast %squeeze3A_463 : f32 to vector<16xf32>
      %mul3A_483 = arith.mulf %get3A_481, %mul3A_482 : vector<16xf32>
      %swap3A_484 = arith.constant 8 : i32
      %swap3A_485 = arith.index_cast %swap3A_484 : i32 to index
      %swap3A_486 = arith.constant 16 : index
      %swap3A_487 = tpu.vector_load %arg13[%swap3A_485, %swap3A_486] {strides = array<i32>} : memref<80x64xf32, #tpu.memory_space<vmem>>, vector<1x16xf32>,
      %swap3A_488 = vector.shape_cast %swap3A_487 : vector<1x16xf32> to vector<16xf32>
      %swap3A_489 = vector.shape_cast %mul3A_483 : vector<16xf32> to vector<1x16xf32>
      tpu.vector_store %arg13[%swap3A_485, %swap3A_486], %swap3A_489 {strides = array<i32>} : memref<80x64xf32, #tpu.memory_space<vmem>>, vector<1x16xf32>,
      %get3A_490 = arith.constant 8 : i32
      %get3A_491 = arith.index_cast %get3A_490 : i32 to index
      %get3A_492 = arith.constant 32 : index
      %get3A_493 = tpu.vector_load %arg13[%get3A_491, %get3A_492] {strides = array<i32>} : memref<80x64xf32, #tpu.memory_space<vmem>>, vector<1x16xf32>,
      %get3A_494 = vector.shape_cast %get3A_493 : vector<1x16xf32> to vector<16xf32>
      %mul3A_495 = vector.broadcast %squeeze3A_463 : f32 to vector<16xf32>
      %mul3A_496 = arith.mulf %get3A_494, %mul3A_495 : vector<16xf32>
      %swap3A_497 = arith.constant 8 : i32
      %swap3A_498 = arith.index_cast %swap3A_497 : i32 to index
      %swap3A_499 = arith.constant 32 : index
      %swap3A_500 = tpu.vector_load %arg13[%swap3A_498, %swap3A_499] {strides = array<i32>} : memref<80x64xf32, #tpu.memory_space<vmem>>, vector<1x16xf32>,
      %swap3A_501 = vector.shape_cast %swap3A_500 : vector<1x16xf32> to vector<16xf32>
      %swap3A_502 = vector.shape_cast %mul3A_496 : vector<16xf32> to vector<1x16xf32>
      tpu.vector_store %arg13[%swap3A_498, %swap3A_499], %swap3A_502 {strides = array<i32>} : memref<80x64xf32, #tpu.memory_space<vmem>>, vector<1x16xf32>,
      %get3A_503 = arith.constant 8 : i32
      %get3A_504 = arith.index_cast %get3A_503 : i32 to index
      %get3A_505 = arith.constant 48 : index
      %get3A_506 = tpu.vector_load %arg13[%get3A_504, %get3A_505] {strides = array<i32>} : memref<80x64xf32, #tpu.memory_space<vmem>>, vector<1x16xf32>,
      %get3A_507 = vector.shape_cast %get3A_506 : vector<1x16xf32> to vector<16xf32>
      %mul3A_508 = vector.broadcast %squeeze3A_463 : f32 to vector<16xf32>
      %mul3A_509 = arith.mulf %get3A_507, %mul3A_508 : vector<16xf32>
      %swap3A_510 = arith.constant 8 : i32
      %swap3A_511 = arith.index_cast %swap3A_510 : i32 to index
      %swap3A_512 = arith.constant 48 : index
      %swap3A_513 = tpu.vector_load %arg13[%swap3A_511, %swap3A_512] {strides = array<i32>} : memref<80x64xf32, #tpu.memory_space<vmem>>, vector<1x16xf32>,
      %swap3A_514 = vector.shape_cast %swap3A_513 : vector<1x16xf32> to vector<16xf32>
      %swap3A_515 = vector.shape_cast %mul3A_509 : vector<16xf32> to vector<1x16xf32>
      tpu.vector_store %arg13[%swap3A_511, %swap3A_512], %swap3A_515 {strides = array<i32>} : memref<80x64xf32, #tpu.memory_space<vmem>>, vector<1x16xf32>,
      %slice3A_516 = vector.extract_strided_slice %get3A_32 {offsets = [9], sizes = [1], strides = [1]} : vector<16xf32> to vector<1xf32>
      %squeeze3A_517 = vector.extract %slice3A_516[0] : f32 from vector<1xf32>
      %get3A_518 = arith.constant 9 : i32
      %get3A_519 = arith.index_cast %get3A_518 : i32 to index
      %get3A_520 = arith.constant 0 : index
      %get3A_521 = tpu.vector_load %arg13[%get3A_519, %get3A_520] {strides = array<i32>} : memref<80x64xf32, #tpu.memory_space<vmem>>, vector<1x16xf32>,
      %get3A_522 = vector.shape_cast %get3A_521 : vector<1x16xf32> to vector<16xf32>
      %mul3A_523 = vector.broadcast %squeeze3A_517 : f32 to vector<16xf32>
      %mul3A_524 = arith.mulf %get3A_522, %mul3A_523 : vector<16xf32>
      %swap3A_525 = arith.constant 9 : i32
      %swap3A_526 = arith.index_cast %swap3A_525 : i32 to index
      %swap3A_527 = arith.constant 0 : index
      %swap3A_528 = tpu.vector_load %arg13[%swap3A_526, %swap3A_527] {strides = array<i32>} : memref<80x64xf32, #tpu.memory_space<vmem>>, vector<1x16xf32>,
      %swap3A_529 = vector.shape_cast %swap3A_528 : vector<1x16xf32> to vector<16xf32>
      %swap3A_530 = vector.shape_cast %mul3A_524 : vector<16xf32> to vector<1x16xf32>
      tpu.vector_store %arg13[%swap3A_526, %swap3A_527], %swap3A_530 {strides = array<i32>} : memref<80x64xf32, #tpu.memory_space<vmem>>, vector<1x16xf32>,
      %get3A_531 = arith.constant 9 : i32
      %get3A_532 = arith.index_cast %get3A_531 : i32 to index
      %get3A_533 = arith.constant 16 : index
      %get3A_534 = tpu.vector_load %arg13[%get3A_532, %get3A_533] {strides = array<i32>} : memref<80x64xf32, #tpu.memory_space<vmem>>, vector<1x16xf32>,
      %get3A_535 = vector.shape_cast %get3A_534 : vector<1x16xf32> to vector<16xf32>
      %mul3A_536 = vector.broadcast %squeeze3A_517 : f32 to vector<16xf32>
      %mul3A_537 = arith.mulf %get3A_535, %mul3A_536 : vector<16xf32>
      %swap3A_538 = arith.constant 9 : i32
      %swap3A_539 = arith.index_cast %swap3A_538 : i32 to index
      %swap3A_540 = arith.constant 16 : index
      %swap3A_541 = tpu.vector_load %arg13[%swap3A_539, %swap3A_540] {strides = array<i32>} : memref<80x64xf32, #tpu.memory_space<vmem>>, vector<1x16xf32>,
      %swap3A_542 = vector.shape_cast %swap3A_541 : vector<1x16xf32> to vector<16xf32>
      %swap3A_543 = vector.shape_cast %mul3A_537 : vector<16xf32> to vector<1x16xf32>
      tpu.vector_store %arg13[%swap3A_539, %swap3A_540], %swap3A_543 {strides = array<i32>} : memref<80x64xf32, #tpu.memory_space<vmem>>, vector<1x16xf32>,
      %get3A_544 = arith.constant 9 : i32
      %get3A_545 = arith.index_cast %get3A_544 : i32 to index
      %get3A_546 = arith.constant 32 : index
      %get3A_547 = tpu.vector_load %arg13[%get3A_545, %get3A_546] {strides = array<i32>} : memref<80x64xf32, #tpu.memory_space<vmem>>, vector<1x16xf32>,
      %get3A_548 = vector.shape_cast %get3A_547 : vector<1x16xf32> to vector<16xf32>
      %mul3A_549 = vector.broadcast %squeeze3A_517 : f32 to vector<16xf32>
      %mul3A_550 = arith.mulf %get3A_548, %mul3A_549 : vector<16xf32>
      %swap3A_551 = arith.constant 9 : i32
      %swap3A_552 = arith.index_cast %swap3A_551 : i32 to index
      %swap3A_553 = arith.constant 32 : index
      %swap3A_554 = tpu.vector_load %arg13[%swap3A_552, %swap3A_553] {strides = array<i32>} : memref<80x64xf32, #tpu.memory_space<vmem>>, vector<1x16xf32>,
      %swap3A_555 = vector.shape_cast %swap3A_554 : vector<1x16xf32> to vector<16xf32>
      %swap3A_556 = vector.shape_cast %mul3A_550 : vector<16xf32> to vector<1x16xf32>
      tpu.vector_store %arg13[%swap3A_552, %swap3A_553], %swap3A_556 {strides = array<i32>} : memref<80x64xf32, #tpu.memory_space<vmem>>, vector<1x16xf32>,
      %get3A_557 = arith.constant 9 : i32
      %get3A_558 = arith.index_cast %get3A_557 : i32 to index
      %get3A_559 = arith.constant 48 : index
      %get3A_560 = tpu.vector_load %arg13[%get3A_558, %get3A_559] {strides = array<i32>} : memref<80x64xf32, #tpu.memory_space<vmem>>, vector<1x16xf32>,
      %get3A_561 = vector.shape_cast %get3A_560 : vector<1x16xf32> to vector<16xf32>
      %mul3A_562 = vector.broadcast %squeeze3A_517 : f32 to vector<16xf32>
      %mul3A_563 = arith.mulf %get3A_561, %mul3A_562 : vector<16xf32>
      %swap3A_564 = arith.constant 9 : i32
      %swap3A_565 = arith.index_cast %swap3A_564 : i32 to index
      %swap3A_566 = arith.constant 48 : index
      %swap3A_567 = tpu.vector_load %arg13[%swap3A_565, %swap3A_566] {strides = array<i32>} : memref<80x64xf32, #tpu.memory_space<vmem>>, vector<1x16xf32>,
      %swap3A_568 = vector.shape_cast %swap3A_567 : vector<1x16xf32> to vector<16xf32>
      %swap3A_569 = vector.shape_cast %mul3A_563 : vector<16xf32> to vector<1x16xf32>
      tpu.vector_store %arg13[%swap3A_565, %swap3A_566], %swap3A_569 {strides = array<i32>} : memref<80x64xf32, #tpu.memory_space<vmem>>, vector<1x16xf32>,
      %slice3A_570 = vector.extract_strided_slice %get3A_32 {offsets = [10], sizes = [1], strides = [1]} : vector<16xf32> to vector<1xf32>
      %squeeze3A_571 = vector.extract %slice3A_570[0] : f32 from vector<1xf32>
      %get3A_572 = arith.constant 10 : i32
      %get3A_573 = arith.index_cast %get3A_572 : i32 to index
      %get3A_574 = arith.constant 0 : index
      %get3A_575 = tpu.vector_load %arg13[%get3A_573, %get3A_574] {strides = array<i32>} : memref<80x64xf32, #tpu.memory_space<vmem>>, vector<1x16xf32>,
      %get3A_576 = vector.shape_cast %get3A_575 : vector<1x16xf32> to vector<16xf32>
      %mul3A_577 = vector.broadcast %squeeze3A_571 : f32 to vector<16xf32>
      %mul3A_578 = arith.mulf %get3A_576, %mul3A_577 : vector<16xf32>
      %swap3A_579 = arith.constant 10 : i32
      %swap3A_580 = arith.index_cast %swap3A_579 : i32 to index
      %swap3A_581 = arith.constant 0 : index
      %swap3A_582 = tpu.vector_load %arg13[%swap3A_580, %swap3A_581] {strides = array<i32>} : memref<80x64xf32, #tpu.memory_space<vmem>>, vector<1x16xf32>,
      %swap3A_583 = vector.shape_cast %swap3A_582 : vector<1x16xf32> to vector<16xf32>
      %swap3A_584 = vector.shape_cast %mul3A_578 : vector<16xf32> to vector<1x16xf32>
      tpu.vector_store %arg13[%swap3A_580, %swap3A_581], %swap3A_584 {strides = array<i32>} : memref<80x64xf32, #tpu.memory_space<vmem>>, vector<1x16xf32>,
      %get3A_585 = arith.constant 10 : i32
      %get3A_586 = arith.index_cast %get3A_585 : i32 to index
      %get3A_587 = arith.constant 16 : index
      %get3A_588 = tpu.vector_load %arg13[%get3A_586, %get3A_587] {strides = array<i32>} : memref<80x64xf32, #tpu.memory_space<vmem>>, vector<1x16xf32>,
      %get3A_589 = vector.shape_cast %get3A_588 : vector<1x16xf32> to vector<16xf32>
      %mul3A_590 = vector.broadcast %squeeze3A_571 : f32 to vector<16xf32>
      %mul3A_591 = arith.mulf %get3A_589, %mul3A_590 : vector<16xf32>
      %swap3A_592 = arith.constant 10 : i32
      %swap3A_593 = arith.index_cast %swap3A_592 : i32 to index
      %swap3A_594 = arith.constant 16 : index
      %swap3A_595 = tpu.vector_load %arg13[%swap3A_593, %swap3A_594] {strides = array<i32>} : memref<80x64xf32, #tpu.memory_space<vmem>>, vector<1x16xf32>,
      %swap3A_596 = vector.shape_cast %swap3A_595 : vector<1x16xf32> to vector<16xf32>
      %swap3A_597 = vector.shape_cast %mul3A_591 : vector<16xf32> to vector<1x16xf32>
      tpu.vector_store %arg13[%swap3A_593, %swap3A_594], %swap3A_597 {strides = array<i32>} : memref<80x64xf32, #tpu.memory_space<vmem>>, vector<1x16xf32>,
      %get3A_598 = arith.constant 10 : i32
      %get3A_599 = arith.index_cast %get3A_598 : i32 to index
      %get3A_600 = arith.constant 32 : index
      %get3A_601 = tpu.vector_load %arg13[%get3A_599, %get3A_600] {strides = array<i32>} : memref<80x64xf32, #tpu.memory_space<vmem>>, vector<1x16xf32>,
      %get3A_602 = vector.shape_cast %get3A_601 : vector<1x16xf32> to vector<16xf32>
      %mul3A_603 = vector.broadcast %squeeze3A_571 : f32 to vector<16xf32>
      %mul3A_604 = arith.mulf %get3A_602, %mul3A_603 : vector<16xf32>
      %swap3A_605 = arith.constant 10 : i32
      %swap3A_606 = arith.index_cast %swap3A_605 : i32 to index
      %swap3A_607 = arith.constant 32 : index
      %swap3A_608 = tpu.vector_load %arg13[%swap3A_606, %swap3A_607] {strides = array<i32>} : memref<80x64xf32, #tpu.memory_space<vmem>>, vector<1x16xf32>,
      %swap3A_609 = vector.shape_cast %swap3A_608 : vector<1x16xf32> to vector<16xf32>
      %swap3A_610 = vector.shape_cast %mul3A_604 : vector<16xf32> to vector<1x16xf32>
      tpu.vector_store %arg13[%swap3A_606, %swap3A_607], %swap3A_610 {strides = array<i32>} : memref<80x64xf32, #tpu.memory_space<vmem>>, vector<1x16xf32>,
      %get3A_611 = arith.constant 10 : i32
      %get3A_612 = arith.index_cast %get3A_611 : i32 to index
      %get3A_613 = arith.constant 48 : index
      %get3A_614 = tpu.vector_load %arg13[%get3A_612, %get3A_613] {strides = array<i32>} : memref<80x64xf32, #tpu.memory_space<vmem>>, vector<1x16xf32>,
      %get3A_615 = vector.shape_cast %get3A_614 : vector<1x16xf32> to vector<16xf32>
      %mul3A_616 = vector.broadcast %squeeze3A_571 : f32 to vector<16xf32>
      %mul3A_617 = arith.mulf %get3A_615, %mul3A_616 : vector<16xf32>
      %swap3A_618 = arith.constant 10 : i32
      %swap3A_619 = arith.index_cast %swap3A_618 : i32 to index
      %swap3A_620 = arith.constant 48 : index
      %swap3A_621 = tpu.vector_load %arg13[%swap3A_619, %swap3A_620] {strides = array<i32>} : memref<80x64xf32, #tpu.memory_space<vmem>>, vector<1x16xf32>,
      %swap3A_622 = vector.shape_cast %swap3A_621 : vector<1x16xf32> to vector<16xf32>
      %swap3A_623 = vector.shape_cast %mul3A_617 : vector<16xf32> to vector<1x16xf32>
      tpu.vector_store %arg13[%swap3A_619, %swap3A_620], %swap3A_623 {strides = array<i32>} : memref<80x64xf32, #tpu.memory_space<vmem>>, vector<1x16xf32>,
      %slice3A_624 = vector.extract_strided_slice %get3A_32 {offsets = [11], sizes = [1], strides = [1]} : vector<16xf32> to vector<1xf32>
      %squeeze3A_625 = vector.extract %slice3A_624[0] : f32 from vector<1xf32>
      %get3A_626 = arith.constant 11 : i32
      %get3A_627 = arith.index_cast %get3A_626 : i32 to index
      %get3A_628 = arith.constant 0 : index
      %get3A_629 = tpu.vector_load %arg13[%get3A_627, %get3A_628] {strides = array<i32>} : memref<80x64xf32, #tpu.memory_space<vmem>>, vector<1x16xf32>,
      %get3A_630 = vector.shape_cast %get3A_629 : vector<1x16xf32> to vector<16xf32>
      %mul3A_631 = vector.broadcast %squeeze3A_625 : f32 to vector<16xf32>
      %mul3A_632 = arith.mulf %get3A_630, %mul3A_631 : vector<16xf32>
      %swap3A_633 = arith.constant 11 : i32
      %swap3A_634 = arith.index_cast %swap3A_633 : i32 to index
      %swap3A_635 = arith.constant 0 : index
      %swap3A_636 = tpu.vector_load %arg13[%swap3A_634, %swap3A_635] {strides = array<i32>} : memref<80x64xf32, #tpu.memory_space<vmem>>, vector<1x16xf32>,
      %swap3A_637 = vector.shape_cast %swap3A_636 : vector<1x16xf32> to vector<16xf32>
      %swap3A_638 = vector.shape_cast %mul3A_632 : vector<16xf32> to vector<1x16xf32>
      tpu.vector_store %arg13[%swap3A_634, %swap3A_635], %swap3A_638 {strides = array<i32>} : memref<80x64xf32, #tpu.memory_space<vmem>>, vector<1x16xf32>,
      %get3A_639 = arith.constant 11 : i32
      %get3A_640 = arith.index_cast %get3A_639 : i32 to index
      %get3A_641 = arith.constant 16 : index
      %get3A_642 = tpu.vector_load %arg13[%get3A_640, %get3A_641] {strides = array<i32>} : memref<80x64xf32, #tpu.memory_space<vmem>>, vector<1x16xf32>,
      %get3A_643 = vector.shape_cast %get3A_642 : vector<1x16xf32> to vector<16xf32>
      %mul3A_644 = vector.broadcast %squeeze3A_625 : f32 to vector<16xf32>
      %mul3A_645 = arith.mulf %get3A_643, %mul3A_644 : vector<16xf32>
      %swap3A_646 = arith.constant 11 : i32
      %swap3A_647 = arith.index_cast %swap3A_646 : i32 to index
      %swap3A_648 = arith.constant 16 : index
      %swap3A_649 = tpu.vector_load %arg13[%swap3A_647, %swap3A_648] {strides = array<i32>} : memref<80x64xf32, #tpu.memory_space<vmem>>, vector<1x16xf32>,
      %swap3A_650 = vector.shape_cast %swap3A_649 : vector<1x16xf32> to vector<16xf32>
      %swap3A_651 = vector.shape_cast %mul3A_645 : vector<16xf32> to vector<1x16xf32>
      tpu.vector_store %arg13[%swap3A_647, %swap3A_648], %swap3A_651 {strides = array<i32>} : memref<80x64xf32, #tpu.memory_space<vmem>>, vector<1x16xf32>,
      %get3A_652 = arith.constant 11 : i32
      %get3A_653 = arith.index_cast %get3A_652 : i32 to index
      %get3A_654 = arith.constant 32 : index
      %get3A_655 = tpu.vector_load %arg13[%get3A_653, %get3A_654] {strides = array<i32>} : memref<80x64xf32, #tpu.memory_space<vmem>>, vector<1x16xf32>,
      %get3A_656 = vector.shape_cast %get3A_655 : vector<1x16xf32> to vector<16xf32>
      %mul3A_657 = vector.broadcast %squeeze3A_625 : f32 to vector<16xf32>
      %mul3A_658 = arith.mulf %get3A_656, %mul3A_657 : vector<16xf32>
      %swap3A_659 = arith.constant 11 : i32
      %swap3A_660 = arith.index_cast %swap3A_659 : i32 to index
      %swap3A_661 = arith.constant 32 : index
      %swap3A_662 = tpu.vector_load %arg13[%swap3A_660, %swap3A_661] {strides = array<i32>} : memref<80x64xf32, #tpu.memory_space<vmem>>, vector<1x16xf32>,
      %swap3A_663 = vector.shape_cast %swap3A_662 : vector<1x16xf32> to vector<16xf32>
      %swap3A_664 = vector.shape_cast %mul3A_658 : vector<16xf32> to vector<1x16xf32>
      tpu.vector_store %arg13[%swap3A_660, %swap3A_661], %swap3A_664 {strides = array<i32>} : memref<80x64xf32, #tpu.memory_space<vmem>>, vector<1x16xf32>,
      %get3A_665 = arith.constant 11 : i32
      %get3A_666 = arith.index_cast %get3A_665 : i32 to index
      %get3A_667 = arith.constant 48 : index
      %get3A_668 = tpu.vector_load %arg13[%get3A_666, %get3A_667] {strides = array<i32>} : memref<80x64xf32, #tpu.memory_space<vmem>>, vector<1x16xf32>,
      %get3A_669 = vector.shape_cast %get3A_668 : vector<1x16xf32> to vector<16xf32>
      %mul3A_670 = vector.broadcast %squeeze3A_625 : f32 to vector<16xf32>
      %mul3A_671 = arith.mulf %get3A_669, %mul3A_670 : vector<16xf32>
      %swap3A_672 = arith.constant 11 : i32
      %swap3A_673 = arith.index_cast %swap3A_672 : i32 to index
      %swap3A_674 = arith.constant 48 : index
      %swap3A_675 = tpu.vector_load %arg13[%swap3A_673, %swap3A_674] {strides = array<i32>} : memref<80x64xf32, #tpu.memory_space<vmem>>, vector<1x16xf32>,
      %swap3A_676 = vector.shape_cast %swap3A_675 : vector<1x16xf32> to vector<16xf32>
      %swap3A_677 = vector.shape_cast %mul3A_671 : vector<16xf32> to vector<1x16xf32>
      tpu.vector_store %arg13[%swap3A_673, %swap3A_674], %swap3A_677 {strides = array<i32>} : memref<80x64xf32, #tpu.memory_space<vmem>>, vector<1x16xf32>,
      %slice3A_678 = vector.extract_strided_slice %get3A_32 {offsets = [12], sizes = [1], strides = [1]} : vector<16xf32> to vector<1xf32>
      %squeeze3A_679 = vector.extract %slice3A_678[0] : f32 from vector<1xf32>
      %get3A_680 = arith.constant 12 : i32
      %get3A_681 = arith.index_cast %get3A_680 : i32 to index
      %get3A_682 = arith.constant 0 : index
      %get3A_683 = tpu.vector_load %arg13[%get3A_681, %get3A_682] {strides = array<i32>} : memref<80x64xf32, #tpu.memory_space<vmem>>, vector<1x16xf32>,
      %get3A_684 = vector.shape_cast %get3A_683 : vector<1x16xf32> to vector<16xf32>
      %mul3A_685 = vector.broadcast %squeeze3A_679 : f32 to vector<16xf32>
      %mul3A_686 = arith.mulf %get3A_684, %mul3A_685 : vector<16xf32>
      %swap3A_687 = arith.constant 12 : i32
      %swap3A_688 = arith.index_cast %swap3A_687 : i32 to index
      %swap3A_689 = arith.constant 0 : index
      %swap3A_690 = tpu.vector_load %arg13[%swap3A_688, %swap3A_689] {strides = array<i32>} : memref<80x64xf32, #tpu.memory_space<vmem>>, vector<1x16xf32>,
      %swap3A_691 = vector.shape_cast %swap3A_690 : vector<1x16xf32> to vector<16xf32>
      %swap3A_692 = vector.shape_cast %mul3A_686 : vector<16xf32> to vector<1x16xf32>
      tpu.vector_store %arg13[%swap3A_688, %swap3A_689], %swap3A_692 {strides = array<i32>} : memref<80x64xf32, #tpu.memory_space<vmem>>, vector<1x16xf32>,
      %get3A_693 = arith.constant 12 : i32
      %get3A_694 = arith.index_cast %get3A_693 : i32 to index
      %get3A_695 = arith.constant 16 : index
      %get3A_696 = tpu.vector_load %arg13[%get3A_694, %get3A_695] {strides = array<i32>} : memref<80x64xf32, #tpu.memory_space<vmem>>, vector<1x16xf32>,
      %get3A_697 = vector.shape_cast %get3A_696 : vector<1x16xf32> to vector<16xf32>
      %mul3A_698 = vector.broadcast %squeeze3A_679 : f32 to vector<16xf32>
      %mul3A_699 = arith.mulf %get3A_697, %mul3A_698 : vector<16xf32>
      %swap3A_700 = arith.constant 12 : i32
      %swap3A_701 = arith.index_cast %swap3A_700 : i32 to index
      %swap3A_702 = arith.constant 16 : index
      %swap3A_703 = tpu.vector_load %arg13[%swap3A_701, %swap3A_702] {strides = array<i32>} : memref<80x64xf32, #tpu.memory_space<vmem>>, vector<1x16xf32>,
      %swap3A_704 = vector.shape_cast %swap3A_703 : vector<1x16xf32> to vector<16xf32>
      %swap3A_705 = vector.shape_cast %mul3A_699 : vector<16xf32> to vector<1x16xf32>
      tpu.vector_store %arg13[%swap3A_701, %swap3A_702], %swap3A_705 {strides = array<i32>} : memref<80x64xf32, #tpu.memory_space<vmem>>, vector<1x16xf32>,
      %get3A_706 = arith.constant 12 : i32
      %get3A_707 = arith.index_cast %get3A_706 : i32 to index
      %get3A_708 = arith.constant 32 : index
      %get3A_709 = tpu.vector_load %arg13[%get3A_707, %get3A_708] {strides = array<i32>} : memref<80x64xf32, #tpu.memory_space<vmem>>, vector<1x16xf32>,
      %get3A_710 = vector.shape_cast %get3A_709 : vector<1x16xf32> to vector<16xf32>
      %mul3A_711 = vector.broadcast %squeeze3A_679 : f32 to vector<16xf32>
      %mul3A_712 = arith.mulf %get3A_710, %mul3A_711 : vector<16xf32>
      %swap3A_713 = arith.constant 12 : i32
      %swap3A_714 = arith.index_cast %swap3A_713 : i32 to index
      %swap3A_715 = arith.constant 32 : index
      %swap3A_716 = tpu.vector_load %arg13[%swap3A_714, %swap3A_715] {strides = array<i32>} : memref<80x64xf32, #tpu.memory_space<vmem>>, vector<1x16xf32>,
      %swap3A_717 = vector.shape_cast %swap3A_716 : vector<1x16xf32> to vector<16xf32>
      %swap3A_718 = vector.shape_cast %mul3A_712 : vector<16xf32> to vector<1x16xf32>
      tpu.vector_store %arg13[%swap3A_714, %swap3A_715], %swap3A_718 {strides = array<i32>} : memref<80x64xf32, #tpu.memory_space<vmem>>, vector<1x16xf32>,
      %get3A_719 = arith.constant 12 : i32
      %get3A_720 = arith.index_cast %get3A_719 : i32 to index
      %get3A_721 = arith.constant 48 : index
      %get3A_722 = tpu.vector_load %arg13[%get3A_720, %get3A_721] {strides = array<i32>} : memref<80x64xf32, #tpu.memory_space<vmem>>, vector<1x16xf32>,
      %get3A_723 = vector.shape_cast %get3A_722 : vector<1x16xf32> to vector<16xf32>
      %mul3A_724 = vector.broadcast %squeeze3A_679 : f32 to vector<16xf32>
      %mul3A_725 = arith.mulf %get3A_723, %mul3A_724 : vector<16xf32>
      %swap3A_726 = arith.constant 12 : i32
      %swap3A_727 = arith.index_cast %swap3A_726 : i32 to index
      %swap3A_728 = arith.constant 48 : index
      %swap3A_729 = tpu.vector_load %arg13[%swap3A_727, %swap3A_728] {strides = array<i32>} : memref<80x64xf32, #tpu.memory_space<vmem>>, vector<1x16xf32>,
      %swap3A_730 = vector.shape_cast %swap3A_729 : vector<1x16xf32> to vector<16xf32>
      %swap3A_731 = vector.shape_cast %mul3A_725 : vector<16xf32> to vector<1x16xf32>
      tpu.vector_store %arg13[%swap3A_727, %swap3A_728], %swap3A_731 {strides = array<i32>} : memref<80x64xf32, #tpu.memory_space<vmem>>, vector<1x16xf32>,
      %slice3A_732 = vector.extract_strided_slice %get3A_32 {offsets = [13], sizes = [1], strides = [1]} : vector<16xf32> to vector<1xf32>
      %squeeze3A_733 = vector.extract %slice3A_732[0] : f32 from vector<1xf32>
      %get3A_734 = arith.constant 13 : i32
      %get3A_735 = arith.index_cast %get3A_734 : i32 to index
      %get3A_736 = arith.constant 0 : index
      %get3A_737 = tpu.vector_load %arg13[%get3A_735, %get3A_736] {strides = array<i32>} : memref<80x64xf32, #tpu.memory_space<vmem>>, vector<1x16xf32>,
      %get3A_738 = vector.shape_cast %get3A_737 : vector<1x16xf32> to vector<16xf32>
      %mul3A_739 = vector.broadcast %squeeze3A_733 : f32 to vector<16xf32>
      %mul3A_740 = arith.mulf %get3A_738, %mul3A_739 : vector<16xf32>
      %swap3A_741 = arith.constant 13 : i32
      %swap3A_742 = arith.index_cast %swap3A_741 : i32 to index
      %swap3A_743 = arith.constant 0 : index
      %swap3A_744 = tpu.vector_load %arg13[%swap3A_742, %swap3A_743] {strides = array<i32>} : memref<80x64xf32, #tpu.memory_space<vmem>>, vector<1x16xf32>,
      %swap3A_745 = vector.shape_cast %swap3A_744 : vector<1x16xf32> to vector<16xf32>
      %swap3A_746 = vector.shape_cast %mul3A_740 : vector<16xf32> to vector<1x16xf32>
      tpu.vector_store %arg13[%swap3A_742, %swap3A_743], %swap3A_746 {strides = array<i32>} : memref<80x64xf32, #tpu.memory_space<vmem>>, vector<1x16xf32>,
      %get3A_747 = arith.constant 13 : i32
      %get3A_748 = arith.index_cast %get3A_747 : i32 to index
      %get3A_749 = arith.constant 16 : index
      %get3A_750 = tpu.vector_load %arg13[%get3A_748, %get3A_749] {strides = array<i32>} : memref<80x64xf32, #tpu.memory_space<vmem>>, vector<1x16xf32>,
      %get3A_751 = vector.shape_cast %get3A_750 : vector<1x16xf32> to vector<16xf32>
      %mul3A_752 = vector.broadcast %squeeze3A_733 : f32 to vector<16xf32>
      %mul3A_753 = arith.mulf %get3A_751, %mul3A_752 : vector<16xf32>
      %swap3A_754 = arith.constant 13 : i32
      %swap3A_755 = arith.index_cast %swap3A_754 : i32 to index
      %swap3A_756 = arith.constant 16 : index
      %swap3A_757 = tpu.vector_load %arg13[%swap3A_755, %swap3A_756] {strides = array<i32>} : memref<80x64xf32, #tpu.memory_space<vmem>>, vector<1x16xf32>,
      %swap3A_758 = vector.shape_cast %swap3A_757 : vector<1x16xf32> to vector<16xf32>
      %swap3A_759 = vector.shape_cast %mul3A_753 : vector<16xf32> to vector<1x16xf32>
      tpu.vector_store %arg13[%swap3A_755, %swap3A_756], %swap3A_759 {strides = array<i32>} : memref<80x64xf32, #tpu.memory_space<vmem>>, vector<1x16xf32>,
      %get3A_760 = arith.constant 13 : i32
      %get3A_761 = arith.index_cast %get3A_760 : i32 to index
      %get3A_762 = arith.constant 32 : index
      %get3A_763 = tpu.vector_load %arg13[%get3A_761, %get3A_762] {strides = array<i32>} : memref<80x64xf32, #tpu.memory_space<vmem>>, vector<1x16xf32>,
      %get3A_764 = vector.shape_cast %get3A_763 : vector<1x16xf32> to vector<16xf32>
      %mul3A_765 = vector.broadcast %squeeze3A_733 : f32 to vector<16xf32>
      %mul3A_766 = arith.mulf %get3A_764, %mul3A_765 : vector<16xf32>
      %swap3A_767 = arith.constant 13 : i32
      %swap3A_768 = arith.index_cast %swap3A_767 : i32 to index
      %swap3A_769 = arith.constant 32 : index
      %swap3A_770 = tpu.vector_load %arg13[%swap3A_768, %swap3A_769] {strides = array<i32>} : memref<80x64xf32, #tpu.memory_space<vmem>>, vector<1x16xf32>,
      %swap3A_771 = vector.shape_cast %swap3A_770 : vector<1x16xf32> to vector<16xf32>
      %swap3A_772 = vector.shape_cast %mul3A_766 : vector<16xf32> to vector<1x16xf32>
      tpu.vector_store %arg13[%swap3A_768, %swap3A_769], %swap3A_772 {strides = array<i32>} : memref<80x64xf32, #tpu.memory_space<vmem>>, vector<1x16xf32>,
      %get3A_773 = arith.constant 13 : i32
      %get3A_774 = arith.index_cast %get3A_773 : i32 to index
      %get3A_775 = arith.constant 48 : index
      %get3A_776 = tpu.vector_load %arg13[%get3A_774, %get3A_775] {strides = array<i32>} : memref<80x64xf32, #tpu.memory_space<vmem>>, vector<1x16xf32>,
      %get3A_777 = vector.shape_cast %get3A_776 : vector<1x16xf32> to vector<16xf32>
      %mul3A_778 = vector.broadcast %squeeze3A_733 : f32 to vector<16xf32>
      %mul3A_779 = arith.mulf %get3A_777, %mul3A_778 : vector<16xf32>
      %swap3A_780 = arith.constant 13 : i32
      %swap3A_781 = arith.index_cast %swap3A_780 : i32 to index
      %swap3A_782 = arith.constant 48 : index
      %swap3A_783 = tpu.vector_load %arg13[%swap3A_781, %swap3A_782] {strides = array<i32>} : memref<80x64xf32, #tpu.memory_space<vmem>>, vector<1x16xf32>,
      %swap3A_784 = vector.shape_cast %swap3A_783 : vector<1x16xf32> to vector<16xf32>
      %swap3A_785 = vector.shape_cast %mul3A_779 : vector<16xf32> to vector<1x16xf32>
      tpu.vector_store %arg13[%swap3A_781, %swap3A_782], %swap3A_785 {strides = array<i32>} : memref<80x64xf32, #tpu.memory_space<vmem>>, vector<1x16xf32>,
      %slice3A_786 = vector.extract_strided_slice %get3A_32 {offsets = [14], sizes = [1], strides = [1]} : vector<16xf32> to vector<1xf32>
      %squeeze3A_787 = vector.extract %slice3A_786[0] : f32 from vector<1xf32>
      %get3A_788 = arith.constant 14 : i32
      %get3A_789 = arith.index_cast %get3A_788 : i32 to index
      %get3A_790 = arith.constant 0 : index
      %get3A_791 = tpu.vector_load %arg13[%get3A_789, %get3A_790] {strides = array<i32>} : memref<80x64xf32, #tpu.memory_space<vmem>>, vector<1x16xf32>,
      %get3A_792 = vector.shape_cast %get3A_791 : vector<1x16xf32> to vector<16xf32>
      %mul3A_793 = vector.broadcast %squeeze3A_787 : f32 to vector<16xf32>
      %mul3A_794 = arith.mulf %get3A_792, %mul3A_793 : vector<16xf32>
      %swap3A_795 = arith.constant 14 : i32
      %swap3A_796 = arith.index_cast %swap3A_795 : i32 to index
      %swap3A_797 = arith.constant 0 : index
      %swap3A_798 = tpu.vector_load %arg13[%swap3A_796, %swap3A_797] {strides = array<i32>} : memref<80x64xf32, #tpu.memory_space<vmem>>, vector<1x16xf32>,
      %swap3A_799 = vector.shape_cast %swap3A_798 : vector<1x16xf32> to vector<16xf32>
      %swap3A_800 = vector.shape_cast %mul3A_794 : vector<16xf32> to vector<1x16xf32>
      tpu.vector_store %arg13[%swap3A_796, %swap3A_797], %swap3A_800 {strides = array<i32>} : memref<80x64xf32, #tpu.memory_space<vmem>>, vector<1x16xf32>,
      %get3A_801 = arith.constant 14 : i32
      %get3A_802 = arith.index_cast %get3A_801 : i32 to index
      %get3A_803 = arith.constant 16 : index
      %get3A_804 = tpu.vector_load %arg13[%get3A_802, %get3A_803] {strides = array<i32>} : memref<80x64xf32, #tpu.memory_space<vmem>>, vector<1x16xf32>,
      %get3A_805 = vector.shape_cast %get3A_804 : vector<1x16xf32> to vector<16xf32>
      %mul3A_806 = vector.broadcast %squeeze3A_787 : f32 to vector<16xf32>
      %mul3A_807 = arith.mulf %get3A_805, %mul3A_806 : vector<16xf32>
      %swap3A_808 = arith.constant 14 : i32
      %swap3A_809 = arith.index_cast %swap3A_808 : i32 to index
      %swap3A_810 = arith.constant 16 : index
      %swap3A_811 = tpu.vector_load %arg13[%swap3A_809, %swap3A_810] {strides = array<i32>} : memref<80x64xf32, #tpu.memory_space<vmem>>, vector<1x16xf32>,
      %swap3A_812 = vector.shape_cast %swap3A_811 : vector<1x16xf32> to vector<16xf32>
      %swap3A_813 = vector.shape_cast %mul3A_807 : vector<16xf32> to vector<1x16xf32>
      tpu.vector_store %arg13[%swap3A_809, %swap3A_810], %swap3A_813 {strides = array<i32>} : memref<80x64xf32, #tpu.memory_space<vmem>>, vector<1x16xf32>,
      %get3A_814 = arith.constant 14 : i32
      %get3A_815 = arith.index_cast %get3A_814 : i32 to index
      %get3A_816 = arith.constant 32 : index
      %get3A_817 = tpu.vector_load %arg13[%get3A_815, %get3A_816] {strides = array<i32>} : memref<80x64xf32, #tpu.memory_space<vmem>>, vector<1x16xf32>,
      %get3A_818 = vector.shape_cast %get3A_817 : vector<1x16xf32> to vector<16xf32>
      %mul3A_819 = vector.broadcast %squeeze3A_787 : f32 to vector<16xf32>
      %mul3A_820 = arith.mulf %get3A_818, %mul3A_819 : vector<16xf32>
      %swap3A_821 = arith.constant 14 : i32
      %swap3A_822 = arith.index_cast %swap3A_821 : i32 to index
      %swap3A_823 = arith.constant 32 : index
      %swap3A_824 = tpu.vector_load %arg13[%swap3A_822, %swap3A_823] {strides = array<i32>} : memref<80x64xf32, #tpu.memory_space<vmem>>, vector<1x16xf32>,
      %swap3A_825 = vector.shape_cast %swap3A_824 : vector<1x16xf32> to vector<16xf32>
      %swap3A_826 = vector.shape_cast %mul3A_820 : vector<16xf32> to vector<1x16xf32>
      tpu.vector_store %arg13[%swap3A_822, %swap3A_823], %swap3A_826 {strides = array<i32>} : memref<80x64xf32, #tpu.memory_space<vmem>>, vector<1x16xf32>,
      %get3A_827 = arith.constant 14 : i32
      %get3A_828 = arith.index_cast %get3A_827 : i32 to index
      %get3A_829 = arith.constant 48 : index
      %get3A_830 = tpu.vector_load %arg13[%get3A_828, %get3A_829] {strides = array<i32>} : memref<80x64xf32, #tpu.memory_space<vmem>>, vector<1x16xf32>,
      %get3A_831 = vector.shape_cast %get3A_830 : vector<1x16xf32> to vector<16xf32>
      %mul3A_832 = vector.broadcast %squeeze3A_787 : f32 to vector<16xf32>
      %mul3A_833 = arith.mulf %get3A_831, %mul3A_832 : vector<16xf32>
      %swap3A_834 = arith.constant 14 : i32
      %swap3A_835 = arith.index_cast %swap3A_834 : i32 to index
      %swap3A_836 = arith.constant 48 : index
      %swap3A_837 = tpu.vector_load %arg13[%swap3A_835, %swap3A_836] {strides = array<i32>} : memref<80x64xf32, #tpu.memory_space<vmem>>, vector<1x16xf32>,
      %swap3A_838 = vector.shape_cast %swap3A_837 : vector<1x16xf32> to vector<16xf32>
      %swap3A_839 = vector.shape_cast %mul3A_833 : vector<16xf32> to vector<1x16xf32>
      tpu.vector_store %arg13[%swap3A_835, %swap3A_836], %swap3A_839 {strides = array<i32>} : memref<80x64xf32, #tpu.memory_space<vmem>>, vector<1x16xf32>,
      %slice3A_840 = vector.extract_strided_slice %get3A_32 {offsets = [15], sizes = [1], strides = [1]} : vector<16xf32> to vector<1xf32>
      %squeeze3A_841 = vector.extract %slice3A_840[0] : f32 from vector<1xf32>
      %get3A_842 = arith.constant 15 : i32
      %get3A_843 = arith.index_cast %get3A_842 : i32 to index
      %get3A_844 = arith.constant 0 : index
      %get3A_845 = tpu.vector_load %arg13[%get3A_843, %get3A_844] {strides = array<i32>} : memref<80x64xf32, #tpu.memory_space<vmem>>, vector<1x16xf32>,
      %get3A_846 = vector.shape_cast %get3A_845 : vector<1x16xf32> to vector<16xf32>
      %mul3A_847 = vector.broadcast %squeeze3A_841 : f32 to vector<16xf32>
      %mul3A_848 = arith.mulf %get3A_846, %mul3A_847 : vector<16xf32>
      %swap3A_849 = arith.constant 15 : i32
      %swap3A_850 = arith.index_cast %swap3A_849 : i32 to index
      %swap3A_851 = arith.constant 0 : index
      %swap3A_852 = tpu.vector_load %arg13[%swap3A_850, %swap3A_851] {strides = array<i32>} : memref<80x64xf32, #tpu.memory_space<vmem>>, vector<1x16xf32>,
      %swap3A_853 = vector.shape_cast %swap3A_852 : vector<1x16xf32> to vector<16xf32>
      %swap3A_854 = vector.shape_cast %mul3A_848 : vector<16xf32> to vector<1x16xf32>
      tpu.vector_store %arg13[%swap3A_850, %swap3A_851], %swap3A_854 {strides = array<i32>} : memref<80x64xf32, #tpu.memory_space<vmem>>, vector<1x16xf32>,
      %get3A_855 = arith.constant 15 : i32
      %get3A_856 = arith.index_cast %get3A_855 : i32 to index
      %get3A_857 = arith.constant 16 : index
      %get3A_858 = tpu.vector_load %arg13[%get3A_856, %get3A_857] {strides = array<i32>} : memref<80x64xf32, #tpu.memory_space<vmem>>, vector<1x16xf32>,
      %get3A_859 = vector.shape_cast %get3A_858 : vector<1x16xf32> to vector<16xf32>
      %mul3A_860 = vector.broadcast %squeeze3A_841 : f32 to vector<16xf32>
      %mul3A_861 = arith.mulf %get3A_859, %mul3A_860 : vector<16xf32>
      %swap3A_862 = arith.constant 15 : i32
      %swap3A_863 = arith.index_cast %swap3A_862 : i32 to index
      %swap3A_864 = arith.constant 16 : index
      %swap3A_865 = tpu.vector_load %arg13[%swap3A_863, %swap3A_864] {strides = array<i32>} : memref<80x64xf32, #tpu.memory_space<vmem>>, vector<1x16xf32>,
      %swap3A_866 = vector.shape_cast %swap3A_865 : vector<1x16xf32> to vector<16xf32>
      %swap3A_867 = vector.shape_cast %mul3A_861 : vector<16xf32> to vector<1x16xf32>
      tpu.vector_store %arg13[%swap3A_863, %swap3A_864], %swap3A_867 {strides = array<i32>} : memref<80x64xf32, #tpu.memory_space<vmem>>, vector<1x16xf32>,
      %get3A_868 = arith.constant 15 : i32
      %get3A_869 = arith.index_cast %get3A_868 : i32 to index
      %get3A_870 = arith.constant 32 : index
      %get3A_871 = tpu.vector_load %arg13[%get3A_869, %get3A_870] {strides = array<i32>} : memref<80x64xf32, #tpu.memory_space<vmem>>, vector<1x16xf32>,
      %get3A_872 = vector.shape_cast %get3A_871 : vector<1x16xf32> to vector<16xf32>
      %mul3A_873 = vector.broadcast %squeeze3A_841 : f32 to vector<16xf32>
      %mul3A_874 = arith.mulf %get3A_872, %mul3A_873 : vector<16xf32>
      %swap3A_875 = arith.constant 15 : i32
      %swap3A_876 = arith.index_cast %swap3A_875 : i32 to index
      %swap3A_877 = arith.constant 32 : index
      %swap3A_878 = tpu.vector_load %arg13[%swap3A_876, %swap3A_877] {strides = array<i32>} : memref<80x64xf32, #tpu.memory_space<vmem>>, vector<1x16xf32>,
      %swap3A_879 = vector.shape_cast %swap3A_878 : vector<1x16xf32> to vector<16xf32>
      %swap3A_880 = vector.shape_cast %mul3A_874 : vector<16xf32> to vector<1x16xf32>
      tpu.vector_store %arg13[%swap3A_876, %swap3A_877], %swap3A_880 {strides = array<i32>} : memref<80x64xf32, #tpu.memory_space<vmem>>, vector<1x16xf32>,
      %get3A_881 = arith.constant 15 : i32
      %get3A_882 = arith.index_cast %get3A_881 : i32 to index
      %get3A_883 = arith.constant 48 : index
      %get3A_884 = tpu.vector_load %arg13[%get3A_882, %get3A_883] {strides = array<i32>} : memref<80x64xf32, #tpu.memory_space<vmem>>, vector<1x16xf32>,
      %get3A_885 = vector.shape_cast %get3A_884 : vector<1x16xf32> to vector<16xf32>
      %mul3A_886 = vector.broadcast %squeeze3A_841 : f32 to vector<16xf32>
      %mul3A_887 = arith.mulf %get3A_885, %mul3A_886 : vector<16xf32>
      %swap3A_888 = arith.constant 15 : i32
      %swap3A_889 = arith.index_cast %swap3A_888 : i32 to index
      %swap3A_890 = arith.constant 48 : index
      %swap3A_891 = tpu.vector_load %arg13[%swap3A_889, %swap3A_890] {strides = array<i32>} : memref<80x64xf32, #tpu.memory_space<vmem>>, vector<1x16xf32>,
      %swap3A_892 = vector.shape_cast %swap3A_891 : vector<1x16xf32> to vector<16xf32>
      %swap3A_893 = vector.shape_cast %mul3A_887 : vector<16xf32> to vector<1x16xf32>
      tpu.vector_store %arg13[%swap3A_889, %swap3A_890], %swap3A_893 {strides = array<i32>} : memref<80x64xf32, #tpu.memory_space<vmem>>, vector<1x16xf32>,
      %get3A_894 = arith.constant 16 : index
      %get3A_895 = tpu.vector_load %arg12[%get3A_894] {strides = array<i32>} : memref<80xf32, #tpu.memory_space<vmem>>, vector<16xf32>,
      %get3A_896 = vector.shape_cast %get3A_895 : vector<16xf32> to vector<16xf32>
      %slice3A_897 = vector.extract_strided_slice %get3A_896 {offsets = [0], sizes = [1], strides = [1]} : vector<16xf32> to vector<1xf32>
      %squeeze3A_898 = vector.extract %slice3A_897[0] : f32 from vector<1xf32>
      %get3A_899 = arith.constant 16 : i32
      %get3A_900 = arith.index_cast %get3A_899 : i32 to index
      %get3A_901 = arith.constant 0 : index
      %get3A_902 = tpu.vector_load %arg13[%get3A_900, %get3A_901] {strides = array<i32>} : memref<80x64xf32, #tpu.memory_space<vmem>>, vector<1x16xf32>,
      %get3A_903 = vector.shape_cast %get3A_902 : vector<1x16xf32> to vector<16xf32>
      %mul3A_904 = vector.broadcast %squeeze3A_898 : f32 to vector<16xf32>
      %mul3A_905 = arith.mulf %get3A_903, %mul3A_904 : vector<16xf32>
      %swap3A_906 = arith.constant 16 : i32
      %swap3A_907 = arith.index_cast %swap3A_906 : i32 to index
      %swap3A_908 = arith.constant 0 : index
      %swap3A_909 = tpu.vector_load %arg13[%swap3A_907, %swap3A_908] {strides = array<i32>} : memref<80x64xf32, #tpu.memory_space<vmem>>, vector<1x16xf32>,
      %swap3A_910 = vector.shape_cast %swap3A_909 : vector<1x16xf32> to vector<16xf32>
      %swap3A_911 = vector.shape_cast %mul3A_905 : vector<16xf32> to vector<1x16xf32>
      tpu.vector_store %arg13[%swap3A_907, %swap3A_908], %swap3A_911 {strides = array<i32>} : memref<80x64xf32, #tpu.memory_space<vmem>>, vector<1x16xf32>,
      %get3A_912 = arith.constant 16 : i32
      %get3A_913 = arith.index_cast %get3A_912 : i32 to index
      %get3A_914 = arith.constant 16 : index
      %get3A_915 = tpu.vector_load %arg13[%get3A_913, %get3A_914] {strides = array<i32>} : memref<80x64xf32, #tpu.memory_space<vmem>>, vector<1x16xf32>,
      %get3A_916 = vector.shape_cast %get3A_915 : vector<1x16xf32> to vector<16xf32>
      %mul3A_917 = vector.broadcast %squeeze3A_898 : f32 to vector<16xf32>
      %mul3A_918 = arith.mulf %get3A_916, %mul3A_917 : vector<16xf32>
      %swap3A_919 = arith.constant 16 : i32
      %swap3A_920 = arith.index_cast %swap3A_919 : i32 to index
      %swap3A_921 = arith.constant 16 : index
      %swap3A_922 = tpu.vector_load %arg13[%swap3A_920, %swap3A_921] {strides = array<i32>} : memref<80x64xf32, #tpu.memory_space<vmem>>, vector<1x16xf32>,
      %swap3A_923 = vector.shape_cast %swap3A_922 : vector<1x16xf32> to vector<16xf32>
      %swap3A_924 = vector.shape_cast %mul3A_918 : vector<16xf32> to vector<1x16xf32>
      tpu.vector_store %arg13[%swap3A_920, %swap3A_921], %swap3A_924 {strides = array<i32>} : memref<80x64xf32, #tpu.memory_space<vmem>>, vector<1x16xf32>,
      %get3A_925 = arith.constant 16 : i32
      %get3A_926 = arith.index_cast %get3A_925 : i32 to index
      %get3A_927 = arith.constant 32 : index
      %get3A_928 = tpu.vector_load %arg13[%get3A_926, %get3A_927] {strides = array<i32>} : memref<80x64xf32, #tpu.memory_space<vmem>>, vector<1x16xf32>,
      %get3A_929 = vector.shape_cast %get3A_928 : vector<1x16xf32> to vector<16xf32>
      %mul3A_930 = vector.broadcast %squeeze3A_898 : f32 to vector<16xf32>
      %mul3A_931 = arith.mulf %get3A_929, %mul3A_930 : vector<16xf32>
      %swap3A_932 = arith.constant 16 : i32
      %swap3A_933 = arith.index_cast %swap3A_932 : i32 to index
      %swap3A_934 = arith.constant 32 : index
      %swap3A_935 = tpu.vector_load %arg13[%swap3A_933, %swap3A_934] {strides = array<i32>} : memref<80x64xf32, #tpu.memory_space<vmem>>, vector<1x16xf32>,
      %swap3A_936 = vector.shape_cast %swap3A_935 : vector<1x16xf32> to vector<16xf32>
      %swap3A_937 = vector.shape_cast %mul3A_931 : vector<16xf32> to vector<1x16xf32>
      tpu.vector_store %arg13[%swap3A_933, %swap3A_934], %swap3A_937 {strides = array<i32>} : memref<80x64xf32, #tpu.memory_space<vmem>>, vector<1x16xf32>,
      %get3A_938 = arith.constant 16 : i32
      %get3A_939 = arith.index_cast %get3A_938 : i32 to index
      %get3A_940 = arith.constant 48 : index
      %get3A_941 = tpu.vector_load %arg13[%get3A_939, %get3A_940] {strides = array<i32>} : memref<80x64xf32, #tpu.memory_space<vmem>>, vector<1x16xf32>,
      %get3A_942 = vector.shape_cast %get3A_941 : vector<1x16xf32> to vector<16xf32>
      %mul3A_943 = vector.broadcast %squeeze3A_898 : f32 to vector<16xf32>
      %mul3A_944 = arith.mulf %get3A_942, %mul3A_943 : vector<16xf32>
      %swap3A_945 = arith.constant 16 : i32
      %swap3A_946 = arith.index_cast %swap3A_945 : i32 to index
      %swap3A_947 = arith.constant 48 : index
      %swap3A_948 = tpu.vector_load %arg13[%swap3A_946, %swap3A_947] {strides = array<i32>} : memref<80x64xf32, #tpu.memory_space<vmem>>, vector<1x16xf32>,
      %swap3A_949 = vector.shape_cast %swap3A_948 : vector<1x16xf32> to vector<16xf32>
      %swap3A_950 = vector.shape_cast %mul3A_944 : vector<16xf32> to vector<1x16xf32>
      tpu.vector_store %arg13[%swap3A_946, %swap3A_947], %swap3A_950 {strides = array<i32>} : memref<80x64xf32, #tpu.memory_space<vmem>>, vector<1x16xf32>,
      %slice3A_951 = vector.extract_strided_slice %get3A_896 {offsets = [1], sizes = [1], strides = [1]} : vector<16xf32> to vector<1xf32>
      %squeeze3A_952 = vector.extract %slice3A_951[0] : f32 from vector<1xf32>
      %get3A_953 = arith.constant 17 : i32
      %get3A_954 = arith.index_cast %get3A_953 : i32 to index
      %get3A_955 = arith.constant 0 : index
      %get3A_956 = tpu.vector_load %arg13[%get3A_954, %get3A_955] {strides = array<i32>} : memref<80x64xf32, #tpu.memory_space<vmem>>, vector<1x16xf32>,
      %get3A_957 = vector.shape_cast %get3A_956 : vector<1x16xf32> to vector<16xf32>
      %mul3A_958 = vector.broadcast %squeeze3A_952 : f32 to vector<16xf32>
      %mul3A_959 = arith.mulf %get3A_957, %mul3A_958 : vector<16xf32>
      %swap3A_960 = arith.constant 17 : i32
      %swap3A_961 = arith.index_cast %swap3A_960 : i32 to index
      %swap3A_962 = arith.constant 0 : index
      %swap3A_963 = tpu.vector_load %arg13[%swap3A_961, %swap3A_962] {strides = array<i32>} : memref<80x64xf32, #tpu.memory_space<vmem>>, vector<1x16xf32>,
      %swap3A_964 = vector.shape_cast %swap3A_963 : vector<1x16xf32> to vector<16xf32>
      %swap3A_965 = vector.shape_cast %mul3A_959 : vector<16xf32> to vector<1x16xf32>
      tpu.vector_store %arg13[%swap3A_961, %swap3A_962], %swap3A_965 {strides = array<i32>} : memref<80x64xf32, #tpu.memory_space<vmem>>, vector<1x16xf32>,
      %get3A_966 = arith.constant 17 : i32
      %get3A_967 = arith.index_cast %get3A_966 : i32 to index
      %get3A_968 = arith.constant 16 : index
      %get3A_969 = tpu.vector_load %arg13[%get3A_967, %get3A_968] {strides = array<i32>} : memref<80x64xf32, #tpu.memory_space<vmem>>, vector<1x16xf32>,
      %get3A_970 = vector.shape_cast %get3A_969 : vector<1x16xf32> to vector<16xf32>
      %mul3A_971 = vector.broadcast %squeeze3A_952 : f32 to vector<16xf32>
      %mul3A_972 = arith.mulf %get3A_970, %mul3A_971 : vector<16xf32>
      %swap3A_973 = arith.constant 17 : i32
      %swap3A_974 = arith.index_cast %swap3A_973 : i32 to index
      %swap3A_975 = arith.constant 16 : index
      %swap3A_976 = tpu.vector_load %arg13[%swap3A_974, %swap3A_975] {strides = array<i32>} : memref<80x64xf32, #tpu.memory_space<vmem>>, vector<1x16xf32>,
      %swap3A_977 = vector.shape_cast %swap3A_976 : vector<1x16xf32> to vector<16xf32>
      %swap3A_978 = vector.shape_cast %mul3A_972 : vector<16xf32> to vector<1x16xf32>
      tpu.vector_store %arg13[%swap3A_974, %swap3A_975], %swap3A_978 {strides = array<i32>} : memref<80x64xf32, #tpu.memory_space<vmem>>, vector<1x16xf32>,
      %get3A_979 = arith.constant 17 : i32
      %get3A_980 = arith.index_cast %get3A_979 : i32 to index
      %get3A_981 = arith.constant 32 : index
      %get3A_982 = tpu.vector_load %arg13[%get3A_980, %get3A_981] {strides = array<i32>} : memref<80x64xf32, #tpu.memory_space<vmem>>, vector<1x16xf32>,
      %get3A_983 = vector.shape_cast %get3A_982 : vector<1x16xf32> to vector<16xf32>
      %mul3A_984 = vector.broadcast %squeeze3A_952 : f32 to vector<16xf32>
      %mul3A_985 = arith.mulf %get3A_983, %mul3A_984 : vector<16xf32>
      %swap3A_986 = arith.constant 17 : i32
      %swap3A_987 = arith.index_cast %swap3A_986 : i32 to index
      %swap3A_988 = arith.constant 32 : index
      %swap3A_989 = tpu.vector_load %arg13[%swap3A_987, %swap3A_988] {strides = array<i32>} : memref<80x64xf32, #tpu.memory_space<vmem>>, vector<1x16xf32>,
      %swap3A_990 = vector.shape_cast %swap3A_989 : vector<1x16xf32> to vector<16xf32>
      %swap3A_991 = vector.shape_cast %mul3A_985 : vector<16xf32> to vector<1x16xf32>
      tpu.vector_store %arg13[%swap3A_987, %swap3A_988], %swap3A_991 {strides = array<i32>} : memref<80x64xf32, #tpu.memory_space<vmem>>, vector<1x16xf32>,
      %get3A_992 = arith.constant 17 : i32
      %get3A_993 = arith.index_cast %get3A_992 : i32 to index
      %get3A_994 = arith.constant 48 : index
      %get3A_995 = tpu.vector_load %arg13[%get3A_993, %get3A_994] {strides = array<i32>} : memref<80x64xf32, #tpu.memory_space<vmem>>, vector<1x16xf32>,
      %get3A_996 = vector.shape_cast %get3A_995 : vector<1x16xf32> to vector<16xf32>
      %mul3A_997 = vector.broadcast %squeeze3A_952 : f32 to vector<16xf32>
      %mul3A_998 = arith.mulf %get3A_996, %mul3A_997 : vector<16xf32>
      %swap3A_999 = arith.constant 17 : i32
      %swap3A_1000 = arith.index_cast %swap3A_999 : i32 to index
      %swap3A_1001 = arith.constant 48 : index
      %swap3A_1002 = tpu.vector_load %arg13[%swap3A_1000, %swap3A_1001] {strides = array<i32>} : memref<80x64xf32, #tpu.memory_space<vmem>>, vector<1x16xf32>,
      %swap3A_1003 = vector.shape_cast %swap3A_1002 : vector<1x16xf32> to vector<16xf32>
      %swap3A_1004 = vector.shape_cast %mul3A_998 : vector<16xf32> to vector<1x16xf32>
      tpu.vector_store %arg13[%swap3A_1000, %swap3A_1001], %swap3A_1004 {strides = array<i32>} : memref<80x64xf32, #tpu.memory_space<vmem>>, vector<1x16xf32>,
      %slice3A_1005 = vector.extract_strided_slice %get3A_896 {offsets = [2], sizes = [1], strides = [1]} : vector<16xf32> to vector<1xf32>
      %squeeze3A_1006 = vector.extract %slice3A_1005[0] : f32 from vector<1xf32>
      %get3A_1007 = arith.constant 18 : i32
      %get3A_1008 = arith.index_cast %get3A_1007 : i32 to index
      %get3A_1009 = arith.constant 0 : index
      %get3A_1010 = tpu.vector_load %arg13[%get3A_1008, %get3A_1009] {strides = array<i32>} : memref<80x64xf32, #tpu.memory_space<vmem>>, vector<1x16xf32>,
      %get3A_1011 = vector.shape_cast %get3A_1010 : vector<1x16xf32> to vector<16xf32>
      %mul3A_1012 = vector.broadcast %squeeze3A_1006 : f32 to vector<16xf32>
      %mul3A_1013 = arith.mulf %get3A_1011, %mul3A_1012 : vector<16xf32>
      %swap3A_1014 = arith.constant 18 : i32
      %swap3A_1015 = arith.index_cast %swap3A_1014 : i32 to index
      %swap3A_1016 = arith.constant 0 : index
      %swap3A_1017 = tpu.vector_load %arg13[%swap3A_1015, %swap3A_1016] {strides = array<i32>} : memref<80x64xf32, #tpu.memory_space<vmem>>, vector<1x16xf32>,
      %swap3A_1018 = vector.shape_cast %swap3A_1017 : vector<1x16xf32> to vector<16xf32>
      %swap3A_1019 = vector.shape_cast %mul3A_1013 : vector<16xf32> to vector<1x16xf32>
      tpu.vector_store %arg13[%swap3A_1015, %swap3A_1016], %swap3A_1019 {strides = array<i32>} : memref<80x64xf32, #tpu.memory_space<vmem>>, vector<1x16xf32>,
      %get3A_1020 = arith.constant 18 : i32
      %get3A_1021 = arith.index_cast %get3A_1020 : i32 to index
      %get3A_1022 = arith.constant 16 : index
      %get3A_1023 = tpu.vector_load %arg13[%get3A_1021, %get3A_1022] {strides = array<i32>} : memref<80x64xf32, #tpu.memory_space<vmem>>, vector<1x16xf32>,
      %get3A_1024 = vector.shape_cast %get3A_1023 : vector<1x16xf32> to vector<16xf32>
      %mul3A_1025 = vector.broadcast %squeeze3A_1006 : f32 to vector<16xf32>
      %mul3A_1026 = arith.mulf %get3A_1024, %mul3A_1025 : vector<16xf32>
      %swap3A_1027 = arith.constant 18 : i32
      %swap3A_1028 = arith.index_cast %swap3A_1027 : i32 to index
      %swap3A_1029 = arith.constant 16 : index
      %swap3A_1030 = tpu.vector_load %arg13[%swap3A_1028, %swap3A_1029] {strides = array<i32>} : memref<80x64xf32, #tpu.memory_space<vmem>>, vector<1x16xf32>,
      %swap3A_1031 = vector.shape_cast %swap3A_1030 : vector<1x16xf32> to vector<16xf32>
      %swap3A_1032 = vector.shape_cast %mul3A_1026 : vector<16xf32> to vector<1x16xf32>
      tpu.vector_store %arg13[%swap3A_1028, %swap3A_1029], %swap3A_1032 {strides = array<i32>} : memref<80x64xf32, #tpu.memory_space<vmem>>, vector<1x16xf32>,
      %get3A_1033 = arith.constant 18 : i32
      %get3A_1034 = arith.index_cast %get3A_1033 : i32 to index
      %get3A_1035 = arith.constant 32 : index
      %get3A_1036 = tpu.vector_load %arg13[%get3A_1034, %get3A_1035] {strides = array<i32>} : memref<80x64xf32, #tpu.memory_space<vmem>>, vector<1x16xf32>,
      %get3A_1037 = vector.shape_cast %get3A_1036 : vector<1x16xf32> to vector<16xf32>
      %mul3A_1038 = vector.broadcast %squeeze3A_1006 : f32 to vector<16xf32>
      %mul3A_1039 = arith.mulf %get3A_1037, %mul3A_1038 : vector<16xf32>
      %swap3A_1040 = arith.constant 18 : i32
      %swap3A_1041 = arith.index_cast %swap3A_1040 : i32 to index
      %swap3A_1042 = arith.constant 32 : index
      %swap3A_1043 = tpu.vector_load %arg13[%swap3A_1041, %swap3A_1042] {strides = array<i32>} : memref<80x64xf32, #tpu.memory_space<vmem>>, vector<1x16xf32>,
      %swap3A_1044 = vector.shape_cast %swap3A_1043 : vector<1x16xf32> to vector<16xf32>
      %swap3A_1045 = vector.shape_cast %mul3A_1039 : vector<16xf32> to vector<1x16xf32>
      tpu.vector_store %arg13[%swap3A_1041, %swap3A_1042], %swap3A_1045 {strides = array<i32>} : memref<80x64xf32, #tpu.memory_space<vmem>>, vector<1x16xf32>,
      %get3A_1046 = arith.constant 18 : i32
      %get3A_1047 = arith.index_cast %get3A_1046 : i32 to index
      %get3A_1048 = arith.constant 48 : index
      %get3A_1049 = tpu.vector_load %arg13[%get3A_1047, %get3A_1048] {strides = array<i32>} : memref<80x64xf32, #tpu.memory_space<vmem>>, vector<1x16xf32>,
      %get3A_1050 = vector.shape_cast %get3A_1049 : vector<1x16xf32> to vector<16xf32>
      %mul3A_1051 = vector.broadcast %squeeze3A_1006 : f32 to vector<16xf32>
      %mul3A_1052 = arith.mulf %get3A_1050, %mul3A_1051 : vector<16xf32>
      %swap3A_1053 = arith.constant 18 : i32
      %swap3A_1054 = arith.index_cast %swap3A_1053 : i32 to index
      %swap3A_1055 = arith.constant 48 : index
      %swap3A_1056 = tpu.vector_load %arg13[%swap3A_1054, %swap3A_1055] {strides = array<i32>} : memref<80x64xf32, #tpu.memory_space<vmem>>, vector<1x16xf32>,
      %swap3A_1057 = vector.shape_cast %swap3A_1056 : vector<1x16xf32> to vector<16xf32>
      %swap3A_1058 = vector.shape_cast %mul3A_1052 : vector<16xf32> to vector<1x16xf32>
      tpu.vector_store %arg13[%swap3A_1054, %swap3A_1055], %swap3A_1058 {strides = array<i32>} : memref<80x64xf32, #tpu.memory_space<vmem>>, vector<1x16xf32>,
      %slice3A_1059 = vector.extract_strided_slice %get3A_896 {offsets = [3], sizes = [1], strides = [1]} : vector<16xf32> to vector<1xf32>
      %squeeze3A_1060 = vector.extract %slice3A_1059[0] : f32 from vector<1xf32>
      %get3A_1061 = arith.constant 19 : i32
      %get3A_1062 = arith.index_cast %get3A_1061 : i32 to index
      %get3A_1063 = arith.constant 0 : index
      %get3A_1064 = tpu.vector_load %arg13[%get3A_1062, %get3A_1063] {strides = array<i32>} : memref<80x64xf32, #tpu.memory_space<vmem>>, vector<1x16xf32>,
      %get3A_1065 = vector.shape_cast %get3A_1064 : vector<1x16xf32> to vector<16xf32>
      %mul3A_1066 = vector.broadcast %squeeze3A_1060 : f32 to vector<16xf32>
      %mul3A_1067 = arith.mulf %get3A_1065, %mul3A_1066 : vector<16xf32>
      %swap3A_1068 = arith.constant 19 : i32
      %swap3A_1069 = arith.index_cast %swap3A_1068 : i32 to index
      %swap3A_1070 = arith.constant 0 : index
      %swap3A_1071 = tpu.vector_load %arg13[%swap3A_1069, %swap3A_1070] {strides = array<i32>} : memref<80x64xf32, #tpu.memory_space<vmem>>, vector<1x16xf32>,
      %swap3A_1072 = vector.shape_cast %swap3A_1071 : vector<1x16xf32> to vector<16xf32>
      %swap3A_1073 = vector.shape_cast %mul3A_1067 : vector<16xf32> to vector<1x16xf32>
      tpu.vector_store %arg13[%swap3A_1069, %swap3A_1070], %swap3A_1073 {strides = array<i32>} : memref<80x64xf32, #tpu.memory_space<vmem>>, vector<1x16xf32>,
      %get3A_1074 = arith.constant 19 : i32
      %get3A_1075 = arith.index_cast %get3A_1074 : i32 to index
      %get3A_1076 = arith.constant 16 : index
      %get3A_1077 = tpu.vector_load %arg13[%get3A_1075, %get3A_1076] {strides = array<i32>} : memref<80x64xf32, #tpu.memory_space<vmem>>, vector<1x16xf32>,
      %get3A_1078 = vector.shape_cast %get3A_1077 : vector<1x16xf32> to vector<16xf32>
      %mul3A_1079 = vector.broadcast %squeeze3A_1060 : f32 to vector<16xf32>
      %mul3A_1080 = arith.mulf %get3A_1078, %mul3A_1079 : vector<16xf32>
      %swap3A_1081 = arith.constant 19 : i32
      %swap3A_1082 = arith.index_cast %swap3A_1081 : i32 to index
      %swap3A_1083 = arith.constant 16 : index
      %swap3A_1084 = tpu.vector_load %arg13[%swap3A_1082, %swap3A_1083] {strides = array<i32>} : memref<80x64xf32, #tpu.memory_space<vmem>>, vector<1x16xf32>,
      %swap3A_1085 = vector.shape_cast %swap3A_1084 : vector<1x16xf32> to vector<16xf32>
      %swap3A_1086 = vector.shape_cast %mul3A_1080 : vector<16xf32> to vector<1x16xf32>
      tpu.vector_store %arg13[%swap3A_1082, %swap3A_1083], %swap3A_1086 {strides = array<i32>} : memref<80x64xf32, #tpu.memory_space<vmem>>, vector<1x16xf32>,
      %get3A_1087 = arith.constant 19 : i32
      %get3A_1088 = arith.index_cast %get3A_1087 : i32 to index
      %get3A_1089 = arith.constant 32 : index
      %get3A_1090 = tpu.vector_load %arg13[%get3A_1088, %get3A_1089] {strides = array<i32>} : memref<80x64xf32, #tpu.memory_space<vmem>>, vector<1x16xf32>,
      %get3A_1091 = vector.shape_cast %get3A_1090 : vector<1x16xf32> to vector<16xf32>
      %mul3A_1092 = vector.broadcast %squeeze3A_1060 : f32 to vector<16xf32>
      %mul3A_1093 = arith.mulf %get3A_1091, %mul3A_1092 : vector<16xf32>
      %swap3A_1094 = arith.constant 19 : i32
      %swap3A_1095 = arith.index_cast %swap3A_1094 : i32 to index
      %swap3A_1096 = arith.constant 32 : index
      %swap3A_1097 = tpu.vector_load %arg13[%swap3A_1095, %swap3A_1096] {strides = array<i32>} : memref<80x64xf32, #tpu.memory_space<vmem>>, vector<1x16xf32>,
      %swap3A_1098 = vector.shape_cast %swap3A_1097 : vector<1x16xf32> to vector<16xf32>
      %swap3A_1099 = vector.shape_cast %mul3A_1093 : vector<16xf32> to vector<1x16xf32>
      tpu.vector_store %arg13[%swap3A_1095, %swap3A_1096], %swap3A_1099 {strides = array<i32>} : memref<80x64xf32, #tpu.memory_space<vmem>>, vector<1x16xf32>,
      %get3A_1100 = arith.constant 19 : i32
      %get3A_1101 = arith.index_cast %get3A_1100 : i32 to index
      %get3A_1102 = arith.constant 48 : index
      %get3A_1103 = tpu.vector_load %arg13[%get3A_1101, %get3A_1102] {strides = array<i32>} : memref<80x64xf32, #tpu.memory_space<vmem>>, vector<1x16xf32>,
      %get3A_1104 = vector.shape_cast %get3A_1103 : vector<1x16xf32> to vector<16xf32>
      %mul3A_1105 = vector.broadcast %squeeze3A_1060 : f32 to vector<16xf32>
      %mul3A_1106 = arith.mulf %get3A_1104, %mul3A_1105 : vector<16xf32>
      %swap3A_1107 = arith.constant 19 : i32
      %swap3A_1108 = arith.index_cast %swap3A_1107 : i32 to index
      %swap3A_1109 = arith.constant 48 : index
      %swap3A_1110 = tpu.vector_load %arg13[%swap3A_1108, %swap3A_1109] {strides = array<i32>} : memref<80x64xf32, #tpu.memory_space<vmem>>, vector<1x16xf32>,
      %swap3A_1111 = vector.shape_cast %swap3A_1110 : vector<1x16xf32> to vector<16xf32>
      %swap3A_1112 = vector.shape_cast %mul3A_1106 : vector<16xf32> to vector<1x16xf32>
      tpu.vector_store %arg13[%swap3A_1108, %swap3A_1109], %swap3A_1112 {strides = array<i32>} : memref<80x64xf32, #tpu.memory_space<vmem>>, vector<1x16xf32>,
      %slice3A_1113 = vector.extract_strided_slice %get3A_896 {offsets = [4], sizes = [1], strides = [1]} : vector<16xf32> to vector<1xf32>
      %squeeze3A_1114 = vector.extract %slice3A_1113[0] : f32 from vector<1xf32>
      %get3A_1115 = arith.constant 20 : i32
      %get3A_1116 = arith.index_cast %get3A_1115 : i32 to index
      %get3A_1117 = arith.constant 0 : index
      %get3A_1118 = tpu.vector_load %arg13[%get3A_1116, %get3A_1117] {strides = array<i32>} : memref<80x64xf32, #tpu.memory_space<vmem>>, vector<1x16xf32>,
      %get3A_1119 = vector.shape_cast %get3A_1118 : vector<1x16xf32> to vector<16xf32>
      %mul3A_1120 = vector.broadcast %squeeze3A_1114 : f32 to vector<16xf32>
      %mul3A_1121 = arith.mulf %get3A_1119, %mul3A_1120 : vector<16xf32>
      %swap3A_1122 = arith.constant 20 : i32
      %swap3A_1123 = arith.index_cast %swap3A_1122 : i32 to index
      %swap3A_1124 = arith.constant 0 : index
      %swap3A_1125 = tpu.vector_load %arg13[%swap3A_1123, %swap3A_1124] {strides = array<i32>} : memref<80x64xf32, #tpu.memory_space<vmem>>, vector<1x16xf32>,
      %swap3A_1126 = vector.shape_cast %swap3A_1125 : vector<1x16xf32> to vector<16xf32>
      %swap3A_1127 = vector.shape_cast %mul3A_1121 : vector<16xf32> to vector<1x16xf32>
      tpu.vector_store %arg13[%swap3A_1123, %swap3A_1124], %swap3A_1127 {strides = array<i32>} : memref<80x64xf32, #tpu.memory_space<vmem>>, vector<1x16xf32>,
      %get3A_1128 = arith.constant 20 : i32
      %get3A_1129 = arith.index_cast %get3A_1128 : i32 to index
      %get3A_1130 = arith.constant 16 : index
      %get3A_1131 = tpu.vector_load %arg13[%get3A_1129, %get3A_1130] {strides = array<i32>} : memref<80x64xf32, #tpu.memory_space<vmem>>, vector<1x16xf32>,
      %get3A_1132 = vector.shape_cast %get3A_1131 : vector<1x16xf32> to vector<16xf32>
      %mul3A_1133 = vector.broadcast %squeeze3A_1114 : f32 to vector<16xf32>
      %mul3A_1134 = arith.mulf %get3A_1132, %mul3A_1133 : vector<16xf32>
      %swap3A_1135 = arith.constant 20 : i32
      %swap3A_1136 = arith.index_cast %swap3A_1135 : i32 to index
      %swap3A_1137 = arith.constant 16 : index
      %swap3A_1138 = tpu.vector_load %arg13[%swap3A_1136, %swap3A_1137] {strides = array<i32>} : memref<80x64xf32, #tpu.memory_space<vmem>>, vector<1x16xf32>,
      %swap3A_1139 = vector.shape_cast %swap3A_1138 : vector<1x16xf32> to vector<16xf32>
      %swap3A_1140 = vector.shape_cast %mul3A_1134 : vector<16xf32> to vector<1x16xf32>
      tpu.vector_store %arg13[%swap3A_1136, %swap3A_1137], %swap3A_1140 {strides = array<i32>} : memref<80x64xf32, #tpu.memory_space<vmem>>, vector<1x16xf32>,
      %get3A_1141 = arith.constant 20 : i32
      %get3A_1142 = arith.index_cast %get3A_1141 : i32 to index
      %get3A_1143 = arith.constant 32 : index
      %get3A_1144 = tpu.vector_load %arg13[%get3A_1142, %get3A_1143] {strides = array<i32>} : memref<80x64xf32, #tpu.memory_space<vmem>>, vector<1x16xf32>,
      %get3A_1145 = vector.shape_cast %get3A_1144 : vector<1x16xf32> to vector<16xf32>
      %mul3A_1146 = vector.broadcast %squeeze3A_1114 : f32 to vector<16xf32>
      %mul3A_1147 = arith.mulf %get3A_1145, %mul3A_1146 : vector<16xf32>
      %swap3A_1148 = arith.constant 20 : i32
      %swap3A_1149 = arith.index_cast %swap3A_1148 : i32 to index
      %swap3A_1150 = arith.constant 32 : index
      %swap3A_1151 = tpu.vector_load %arg13[%swap3A_1149, %swap3A_1150] {strides = array<i32>} : memref<80x64xf32, #tpu.memory_space<vmem>>, vector<1x16xf32>,
      %swap3A_1152 = vector.shape_cast %swap3A_1151 : vector<1x16xf32> to vector<16xf32>
      %swap3A_1153 = vector.shape_cast %mul3A_1147 : vector<16xf32> to vector<1x16xf32>
      tpu.vector_store %arg13[%swap3A_1149, %swap3A_1150], %swap3A_1153 {strides = array<i32>} : memref<80x64xf32, #tpu.memory_space<vmem>>, vector<1x16xf32>,
      %get3A_1154 = arith.constant 20 : i32
      %get3A_1155 = arith.index_cast %get3A_1154 : i32 to index
      %get3A_1156 = arith.constant 48 : index
      %get3A_1157 = tpu.vector_load %arg13[%get3A_1155, %get3A_1156] {strides = array<i32>} : memref<80x64xf32, #tpu.memory_space<vmem>>, vector<1x16xf32>,
      %get3A_1158 = vector.shape_cast %get3A_1157 : vector<1x16xf32> to vector<16xf32>
      %mul3A_1159 = vector.broadcast %squeeze3A_1114 : f32 to vector<16xf32>
      %mul3A_1160 = arith.mulf %get3A_1158, %mul3A_1159 : vector<16xf32>
      %swap3A_1161 = arith.constant 20 : i32
      %swap3A_1162 = arith.index_cast %swap3A_1161 : i32 to index
      %swap3A_1163 = arith.constant 48 : index
      %swap3A_1164 = tpu.vector_load %arg13[%swap3A_1162, %swap3A_1163] {strides = array<i32>} : memref<80x64xf32, #tpu.memory_space<vmem>>, vector<1x16xf32>,
      %swap3A_1165 = vector.shape_cast %swap3A_1164 : vector<1x16xf32> to vector<16xf32>
      %swap3A_1166 = vector.shape_cast %mul3A_1160 : vector<16xf32> to vector<1x16xf32>
      tpu.vector_store %arg13[%swap3A_1162, %swap3A_1163], %swap3A_1166 {strides = array<i32>} : memref<80x64xf32, #tpu.memory_space<vmem>>, vector<1x16xf32>,
      %slice3A_1167 = vector.extract_strided_slice %get3A_896 {offsets = [5], sizes = [1], strides = [1]} : vector<16xf32> to vector<1xf32>
      %squeeze3A_1168 = vector.extract %slice3A_1167[0] : f32 from vector<1xf32>
      %get3A_1169 = arith.constant 21 : i32
      %get3A_1170 = arith.index_cast %get3A_1169 : i32 to index
      %get3A_1171 = arith.constant 0 : index
      %get3A_1172 = tpu.vector_load %arg13[%get3A_1170, %get3A_1171] {strides = array<i32>} : memref<80x64xf32, #tpu.memory_space<vmem>>, vector<1x16xf32>,
      %get3A_1173 = vector.shape_cast %get3A_1172 : vector<1x16xf32> to vector<16xf32>
      %mul3A_1174 = vector.broadcast %squeeze3A_1168 : f32 to vector<16xf32>
      %mul3A_1175 = arith.mulf %get3A_1173, %mul3A_1174 : vector<16xf32>
      %swap3A_1176 = arith.constant 21 : i32
      %swap3A_1177 = arith.index_cast %swap3A_1176 : i32 to index
      %swap3A_1178 = arith.constant 0 : index
      %swap3A_1179 = tpu.vector_load %arg13[%swap3A_1177, %swap3A_1178] {strides = array<i32>} : memref<80x64xf32, #tpu.memory_space<vmem>>, vector<1x16xf32>,
      %swap3A_1180 = vector.shape_cast %swap3A_1179 : vector<1x16xf32> to vector<16xf32>
      %swap3A_1181 = vector.shape_cast %mul3A_1175 : vector<16xf32> to vector<1x16xf32>
      tpu.vector_store %arg13[%swap3A_1177, %swap3A_1178], %swap3A_1181 {strides = array<i32>} : memref<80x64xf32, #tpu.memory_space<vmem>>, vector<1x16xf32>,
      %get3A_1182 = arith.constant 21 : i32
      %get3A_1183 = arith.index_cast %get3A_1182 : i32 to index
      %get3A_1184 = arith.constant 16 : index
      %get3A_1185 = tpu.vector_load %arg13[%get3A_1183, %get3A_1184] {strides = array<i32>} : memref<80x64xf32, #tpu.memory_space<vmem>>, vector<1x16xf32>,
      %get3A_1186 = vector.shape_cast %get3A_1185 : vector<1x16xf32> to vector<16xf32>
      %mul3A_1187 = vector.broadcast %squeeze3A_1168 : f32 to vector<16xf32>
      %mul3A_1188 = arith.mulf %get3A_1186, %mul3A_1187 : vector<16xf32>
      %swap3A_1189 = arith.constant 21 : i32
      %swap3A_1190 = arith.index_cast %swap3A_1189 : i32 to index
      %swap3A_1191 = arith.constant 16 : index
      %swap3A_1192 = tpu.vector_load %arg13[%swap3A_1190, %swap3A_1191] {strides = array<i32>} : memref<80x64xf32, #tpu.memory_space<vmem>>, vector<1x16xf32>,
      %swap3A_1193 = vector.shape_cast %swap3A_1192 : vector<1x16xf32> to vector<16xf32>
      %swap3A_1194 = vector.shape_cast %mul3A_1188 : vector<16xf32> to vector<1x16xf32>
      tpu.vector_store %arg13[%swap3A_1190, %swap3A_1191], %swap3A_1194 {strides = array<i32>} : memref<80x64xf32, #tpu.memory_space<vmem>>, vector<1x16xf32>,
      %get3A_1195 = arith.constant 21 : i32
      %get3A_1196 = arith.index_cast %get3A_1195 : i32 to index
      %get3A_1197 = arith.constant 32 : index
      %get3A_1198 = tpu.vector_load %arg13[%get3A_1196, %get3A_1197] {strides = array<i32>} : memref<80x64xf32, #tpu.memory_space<vmem>>, vector<1x16xf32>,
      %get3A_1199 = vector.shape_cast %get3A_1198 : vector<1x16xf32> to vector<16xf32>
      %mul3A_1200 = vector.broadcast %squeeze3A_1168 : f32 to vector<16xf32>
      %mul3A_1201 = arith.mulf %get3A_1199, %mul3A_1200 : vector<16xf32>
      %swap3A_1202 = arith.constant 21 : i32
      %swap3A_1203 = arith.index_cast %swap3A_1202 : i32 to index
      %swap3A_1204 = arith.constant 32 : index
      %swap3A_1205 = tpu.vector_load %arg13[%swap3A_1203, %swap3A_1204] {strides = array<i32>} : memref<80x64xf32, #tpu.memory_space<vmem>>, vector<1x16xf32>,
      %swap3A_1206 = vector.shape_cast %swap3A_1205 : vector<1x16xf32> to vector<16xf32>
      %swap3A_1207 = vector.shape_cast %mul3A_1201 : vector<16xf32> to vector<1x16xf32>
      tpu.vector_store %arg13[%swap3A_1203, %swap3A_1204], %swap3A_1207 {strides = array<i32>} : memref<80x64xf32, #tpu.memory_space<vmem>>, vector<1x16xf32>,
      %get3A_1208 = arith.constant 21 : i32
      %get3A_1209 = arith.index_cast %get3A_1208 : i32 to index
      %get3A_1210 = arith.constant 48 : index
      %get3A_1211 = tpu.vector_load %arg13[%get3A_1209, %get3A_1210] {strides = array<i32>} : memref<80x64xf32, #tpu.memory_space<vmem>>, vector<1x16xf32>,
      %get3A_1212 = vector.shape_cast %get3A_1211 : vector<1x16xf32> to vector<16xf32>
      %mul3A_1213 = vector.broadcast %squeeze3A_1168 : f32 to vector<16xf32>
      %mul3A_1214 = arith.mulf %get3A_1212, %mul3A_1213 : vector<16xf32>
      %swap3A_1215 = arith.constant 21 : i32
      %swap3A_1216 = arith.index_cast %swap3A_1215 : i32 to index
      %swap3A_1217 = arith.constant 48 : index
      %swap3A_1218 = tpu.vector_load %arg13[%swap3A_1216, %swap3A_1217] {strides = array<i32>} : memref<80x64xf32, #tpu.memory_space<vmem>>, vector<1x16xf32>,
      %swap3A_1219 = vector.shape_cast %swap3A_1218 : vector<1x16xf32> to vector<16xf32>
      %swap3A_1220 = vector.shape_cast %mul3A_1214 : vector<16xf32> to vector<1x16xf32>
      tpu.vector_store %arg13[%swap3A_1216, %swap3A_1217], %swap3A_1220 {strides = array<i32>} : memref<80x64xf32, #tpu.memory_space<vmem>>, vector<1x16xf32>,
      %slice3A_1221 = vector.extract_strided_slice %get3A_896 {offsets = [6], sizes = [1], strides = [1]} : vector<16xf32> to vector<1xf32>
      %squeeze3A_1222 = vector.extract %slice3A_1221[0] : f32 from vector<1xf32>
      %get3A_1223 = arith.constant 22 : i32
      %get3A_1224 = arith.index_cast %get3A_1223 : i32 to index
      %get3A_1225 = arith.constant 0 : index
      %get3A_1226 = tpu.vector_load %arg13[%get3A_1224, %get3A_1225] {strides = array<i32>} : memref<80x64xf32, #tpu.memory_space<vmem>>, vector<1x16xf32>,
      %get3A_1227 = vector.shape_cast %get3A_1226 : vector<1x16xf32> to vector<16xf32>
      %mul3A_1228 = vector.broadcast %squeeze3A_1222 : f32 to vector<16xf32>
      %mul3A_1229 = arith.mulf %get3A_1227, %mul3A_1228 : vector<16xf32>
      %swap3A_1230 = arith.constant 22 : i32
      %swap3A_1231 = arith.index_cast %swap3A_1230 : i32 to index
      %swap3A_1232 = arith.constant 0 : index
      %swap3A_1233 = tpu.vector_load %arg13[%swap3A_1231, %swap3A_1232] {strides = array<i32>} : memref<80x64xf32, #tpu.memory_space<vmem>>, vector<1x16xf32>,
      %swap3A_1234 = vector.shape_cast %swap3A_1233 : vector<1x16xf32> to vector<16xf32>
      %swap3A_1235 = vector.shape_cast %mul3A_1229 : vector<16xf32> to vector<1x16xf32>
      tpu.vector_store %arg13[%swap3A_1231, %swap3A_1232], %swap3A_1235 {strides = array<i32>} : memref<80x64xf32, #tpu.memory_space<vmem>>, vector<1x16xf32>,
      %get3A_1236 = arith.constant 22 : i32
      %get3A_1237 = arith.index_cast %get3A_1236 : i32 to index
      %get3A_1238 = arith.constant 16 : index
      %get3A_1239 = tpu.vector_load %arg13[%get3A_1237, %get3A_1238] {strides = array<i32>} : memref<80x64xf32, #tpu.memory_space<vmem>>, vector<1x16xf32>,
      %get3A_1240 = vector.shape_cast %get3A_1239 : vector<1x16xf32> to vector<16xf32>
      %mul3A_1241 = vector.broadcast %squeeze3A_1222 : f32 to vector<16xf32>
      %mul3A_1242 = arith.mulf %get3A_1240, %mul3A_1241 : vector<16xf32>
      %swap3A_1243 = arith.constant 22 : i32
      %swap3A_1244 = arith.index_cast %swap3A_1243 : i32 to index
      %swap3A_1245 = arith.constant 16 : index
      %swap3A_1246 = tpu.vector_load %arg13[%swap3A_1244, %swap3A_1245] {strides = array<i32>} : memref<80x64xf32, #tpu.memory_space<vmem>>, vector<1x16xf32>,
      %swap3A_1247 = vector.shape_cast %swap3A_1246 : vector<1x16xf32> to vector<16xf32>
      %swap3A_1248 = vector.shape_cast %mul3A_1242 : vector<16xf32> to vector<1x16xf32>
      tpu.vector_store %arg13[%swap3A_1244, %swap3A_1245], %swap3A_1248 {strides = array<i32>} : memref<80x64xf32, #tpu.memory_space<vmem>>, vector<1x16xf32>,
      %get3A_1249 = arith.constant 22 : i32
      %get3A_1250 = arith.index_cast %get3A_1249 : i32 to index
      %get3A_1251 = arith.constant 32 : index
      %get3A_1252 = tpu.vector_load %arg13[%get3A_1250, %get3A_1251] {strides = array<i32>} : memref<80x64xf32, #tpu.memory_space<vmem>>, vector<1x16xf32>,
      %get3A_1253 = vector.shape_cast %get3A_1252 : vector<1x16xf32> to vector<16xf32>
      %mul3A_1254 = vector.broadcast %squeeze3A_1222 : f32 to vector<16xf32>
      %mul3A_1255 = arith.mulf %get3A_1253, %mul3A_1254 : vector<16xf32>
      %swap3A_1256 = arith.constant 22 : i32
      %swap3A_1257 = arith.index_cast %swap3A_1256 : i32 to index
      %swap3A_1258 = arith.constant 32 : index
      %swap3A_1259 = tpu.vector_load %arg13[%swap3A_1257, %swap3A_1258] {strides = array<i32>} : memref<80x64xf32, #tpu.memory_space<vmem>>, vector<1x16xf32>,
      %swap3A_1260 = vector.shape_cast %swap3A_1259 : vector<1x16xf32> to vector<16xf32>
      %swap3A_1261 = vector.shape_cast %mul3A_1255 : vector<16xf32> to vector<1x16xf32>
      tpu.vector_store %arg13[%swap3A_1257, %swap3A_1258], %swap3A_1261 {strides = array<i32>} : memref<80x64xf32, #tpu.memory_space<vmem>>, vector<1x16xf32>,
      %get3A_1262 = arith.constant 22 : i32
      %get3A_1263 = arith.index_cast %get3A_1262 : i32 to index
      %get3A_1264 = arith.constant 48 : index
      %get3A_1265 = tpu.vector_load %arg13[%get3A_1263, %get3A_1264] {strides = array<i32>} : memref<80x64xf32, #tpu.memory_space<vmem>>, vector<1x16xf32>,
      %get3A_1266 = vector.shape_cast %get3A_1265 : vector<1x16xf32> to vector<16xf32>
      %mul3A_1267 = vector.broadcast %squeeze3A_1222 : f32 to vector<16xf32>
      %mul3A_1268 = arith.mulf %get3A_1266, %mul3A_1267 : vector<16xf32>
      %swap3A_1269 = arith.constant 22 : i32
      %swap3A_1270 = arith.index_cast %swap3A_1269 : i32 to index
      %swap3A_1271 = arith.constant 48 : index
      %swap3A_1272 = tpu.vector_load %arg13[%swap3A_1270, %swap3A_1271] {strides = array<i32>} : memref<80x64xf32, #tpu.memory_space<vmem>>, vector<1x16xf32>,
      %swap3A_1273 = vector.shape_cast %swap3A_1272 : vector<1x16xf32> to vector<16xf32>
      %swap3A_1274 = vector.shape_cast %mul3A_1268 : vector<16xf32> to vector<1x16xf32>
      tpu.vector_store %arg13[%swap3A_1270, %swap3A_1271], %swap3A_1274 {strides = array<i32>} : memref<80x64xf32, #tpu.memory_space<vmem>>, vector<1x16xf32>,
      %slice3A_1275 = vector.extract_strided_slice %get3A_896 {offsets = [7], sizes = [1], strides = [1]} : vector<16xf32> to vector<1xf32>
      %squeeze3A_1276 = vector.extract %slice3A_1275[0] : f32 from vector<1xf32>
      %get3A_1277 = arith.constant 23 : i32
      %get3A_1278 = arith.index_cast %get3A_1277 : i32 to index
      %get3A_1279 = arith.constant 0 : index
      %get3A_1280 = tpu.vector_load %arg13[%get3A_1278, %get3A_1279] {strides = array<i32>} : memref<80x64xf32, #tpu.memory_space<vmem>>, vector<1x16xf32>,
      %get3A_1281 = vector.shape_cast %get3A_1280 : vector<1x16xf32> to vector<16xf32>
      %mul3A_1282 = vector.broadcast %squeeze3A_1276 : f32 to vector<16xf32>
      %mul3A_1283 = arith.mulf %get3A_1281, %mul3A_1282 : vector<16xf32>
      %swap3A_1284 = arith.constant 23 : i32
      %swap3A_1285 = arith.index_cast %swap3A_1284 : i32 to index
      %swap3A_1286 = arith.constant 0 : index
      %swap3A_1287 = tpu.vector_load %arg13[%swap3A_1285, %swap3A_1286] {strides = array<i32>} : memref<80x64xf32, #tpu.memory_space<vmem>>, vector<1x16xf32>,
      %swap3A_1288 = vector.shape_cast %swap3A_1287 : vector<1x16xf32> to vector<16xf32>
      %swap3A_1289 = vector.shape_cast %mul3A_1283 : vector<16xf32> to vector<1x16xf32>
      tpu.vector_store %arg13[%swap3A_1285, %swap3A_1286], %swap3A_1289 {strides = array<i32>} : memref<80x64xf32, #tpu.memory_space<vmem>>, vector<1x16xf32>,
      %get3A_1290 = arith.constant 23 : i32
      %get3A_1291 = arith.index_cast %get3A_1290 : i32 to index
      %get3A_1292 = arith.constant 16 : index
      %get3A_1293 = tpu.vector_load %arg13[%get3A_1291, %get3A_1292] {strides = array<i32>} : memref<80x64xf32, #tpu.memory_space<vmem>>, vector<1x16xf32>,
      %get3A_1294 = vector.shape_cast %get3A_1293 : vector<1x16xf32> to vector<16xf32>
      %mul3A_1295 = vector.broadcast %squeeze3A_1276 : f32 to vector<16xf32>
      %mul3A_1296 = arith.mulf %get3A_1294, %mul3A_1295 : vector<16xf32>
      %swap3A_1297 = arith.constant 23 : i32
      %swap3A_1298 = arith.index_cast %swap3A_1297 : i32 to index
      %swap3A_1299 = arith.constant 16 : index
      %swap3A_1300 = tpu.vector_load %arg13[%swap3A_1298, %swap3A_1299] {strides = array<i32>} : memref<80x64xf32, #tpu.memory_space<vmem>>, vector<1x16xf32>,
      %swap3A_1301 = vector.shape_cast %swap3A_1300 : vector<1x16xf32> to vector<16xf32>
      %swap3A_1302 = vector.shape_cast %mul3A_1296 : vector<16xf32> to vector<1x16xf32>
      tpu.vector_store %arg13[%swap3A_1298, %swap3A_1299], %swap3A_1302 {strides = array<i32>} : memref<80x64xf32, #tpu.memory_space<vmem>>, vector<1x16xf32>,
      %get3A_1303 = arith.constant 23 : i32
      %get3A_1304 = arith.index_cast %get3A_1303 : i32 to index
      %get3A_1305 = arith.constant 32 : index
      %get3A_1306 = tpu.vector_load %arg13[%get3A_1304, %get3A_1305] {strides = array<i32>} : memref<80x64xf32, #tpu.memory_space<vmem>>, vector<1x16xf32>,
      %get3A_1307 = vector.shape_cast %get3A_1306 : vector<1x16xf32> to vector<16xf32>
      %mul3A_1308 = vector.broadcast %squeeze3A_1276 : f32 to vector<16xf32>
      %mul3A_1309 = arith.mulf %get3A_1307, %mul3A_1308 : vector<16xf32>
      %swap3A_1310 = arith.constant 23 : i32
      %swap3A_1311 = arith.index_cast %swap3A_1310 : i32 to index
      %swap3A_1312 = arith.constant 32 : index
      %swap3A_1313 = tpu.vector_load %arg13[%swap3A_1311, %swap3A_1312] {strides = array<i32>} : memref<80x64xf32, #tpu.memory_space<vmem>>, vector<1x16xf32>,
      %swap3A_1314 = vector.shape_cast %swap3A_1313 : vector<1x16xf32> to vector<16xf32>
      %swap3A_1315 = vector.shape_cast %mul3A_1309 : vector<16xf32> to vector<1x16xf32>
      tpu.vector_store %arg13[%swap3A_1311, %swap3A_1312], %swap3A_1315 {strides = array<i32>} : memref<80x64xf32, #tpu.memory_space<vmem>>, vector<1x16xf32>,
      %get3A_1316 = arith.constant 23 : i32
      %get3A_1317 = arith.index_cast %get3A_1316 : i32 to index
      %get3A_1318 = arith.constant 48 : index
      %get3A_1319 = tpu.vector_load %arg13[%get3A_1317, %get3A_1318] {strides = array<i32>} : memref<80x64xf32, #tpu.memory_space<vmem>>, vector<1x16xf32>,
      %get3A_1320 = vector.shape_cast %get3A_1319 : vector<1x16xf32> to vector<16xf32>
      %mul3A_1321 = vector.broadcast %squeeze3A_1276 : f32 to vector<16xf32>
      %mul3A_1322 = arith.mulf %get3A_1320, %mul3A_1321 : vector<16xf32>
      %swap3A_1323 = arith.constant 23 : i32
      %swap3A_1324 = arith.index_cast %swap3A_1323 : i32 to index
      %swap3A_1325 = arith.constant 48 : index
      %swap3A_1326 = tpu.vector_load %arg13[%swap3A_1324, %swap3A_1325] {strides = array<i32>} : memref<80x64xf32, #tpu.memory_space<vmem>>, vector<1x16xf32>,
      %swap3A_1327 = vector.shape_cast %swap3A_1326 : vector<1x16xf32> to vector<16xf32>
      %swap3A_1328 = vector.shape_cast %mul3A_1322 : vector<16xf32> to vector<1x16xf32>
      tpu.vector_store %arg13[%swap3A_1324, %swap3A_1325], %swap3A_1328 {strides = array<i32>} : memref<80x64xf32, #tpu.memory_space<vmem>>, vector<1x16xf32>,
      %slice3A_1329 = vector.extract_strided_slice %get3A_896 {offsets = [8], sizes = [1], strides = [1]} : vector<16xf32> to vector<1xf32>
      %squeeze3A_1330 = vector.extract %slice3A_1329[0] : f32 from vector<1xf32>
      %get3A_1331 = arith.constant 24 : i32
      %get3A_1332 = arith.index_cast %get3A_1331 : i32 to index
      %get3A_1333 = arith.constant 0 : index
      %get3A_1334 = tpu.vector_load %arg13[%get3A_1332, %get3A_1333] {strides = array<i32>} : memref<80x64xf32, #tpu.memory_space<vmem>>, vector<1x16xf32>,
      %get3A_1335 = vector.shape_cast %get3A_1334 : vector<1x16xf32> to vector<16xf32>
      %mul3A_1336 = vector.broadcast %squeeze3A_1330 : f32 to vector<16xf32>
      %mul3A_1337 = arith.mulf %get3A_1335, %mul3A_1336 : vector<16xf32>
      %swap3A_1338 = arith.constant 24 : i32
      %swap3A_1339 = arith.index_cast %swap3A_1338 : i32 to index
      %swap3A_1340 = arith.constant 0 : index
      %swap3A_1341 = tpu.vector_load %arg13[%swap3A_1339, %swap3A_1340] {strides = array<i32>} : memref<80x64xf32, #tpu.memory_space<vmem>>, vector<1x16xf32>,
      %swap3A_1342 = vector.shape_cast %swap3A_1341 : vector<1x16xf32> to vector<16xf32>
      %swap3A_1343 = vector.shape_cast %mul3A_1337 : vector<16xf32> to vector<1x16xf32>
      tpu.vector_store %arg13[%swap3A_1339, %swap3A_1340], %swap3A_1343 {strides = array<i32>} : memref<80x64xf32, #tpu.memory_space<vmem>>, vector<1x16xf32>,
      %get3A_1344 = arith.constant 24 : i32
      %get3A_1345 = arith.index_cast %get3A_1344 : i32 to index
      %get3A_1346 = arith.constant 16 : index
      %get3A_1347 = tpu.vector_load %arg13[%get3A_1345, %get3A_1346] {strides = array<i32>} : memref<80x64xf32, #tpu.memory_space<vmem>>, vector<1x16xf32>,
      %get3A_1348 = vector.shape_cast %get3A_1347 : vector<1x16xf32> to vector<16xf32>
      %mul3A_1349 = vector.broadcast %squeeze3A_1330 : f32 to vector<16xf32>
      %mul3A_1350 = arith.mulf %get3A_1348, %mul3A_1349 : vector<16xf32>
      %swap3A_1351 = arith.constant 24 : i32
      %swap3A_1352 = arith.index_cast %swap3A_1351 : i32 to index
      %swap3A_1353 = arith.constant 16 : index
      %swap3A_1354 = tpu.vector_load %arg13[%swap3A_1352, %swap3A_1353] {strides = array<i32>} : memref<80x64xf32, #tpu.memory_space<vmem>>, vector<1x16xf32>,
      %swap3A_1355 = vector.shape_cast %swap3A_1354 : vector<1x16xf32> to vector<16xf32>
      %swap3A_1356 = vector.shape_cast %mul3A_1350 : vector<16xf32> to vector<1x16xf32>
      tpu.vector_store %arg13[%swap3A_1352, %swap3A_1353], %swap3A_1356 {strides = array<i32>} : memref<80x64xf32, #tpu.memory_space<vmem>>, vector<1x16xf32>,
      %get3A_1357 = arith.constant 24 : i32
      %get3A_1358 = arith.index_cast %get3A_1357 : i32 to index
      %get3A_1359 = arith.constant 32 : index
      %get3A_1360 = tpu.vector_load %arg13[%get3A_1358, %get3A_1359] {strides = array<i32>} : memref<80x64xf32, #tpu.memory_space<vmem>>, vector<1x16xf32>,
      %get3A_1361 = vector.shape_cast %get3A_1360 : vector<1x16xf32> to vector<16xf32>
      %mul3A_1362 = vector.broadcast %squeeze3A_1330 : f32 to vector<16xf32>
      %mul3A_1363 = arith.mulf %get3A_1361, %mul3A_1362 : vector<16xf32>
      %swap3A_1364 = arith.constant 24 : i32
      %swap3A_1365 = arith.index_cast %swap3A_1364 : i32 to index
      %swap3A_1366 = arith.constant 32 : index
      %swap3A_1367 = tpu.vector_load %arg13[%swap3A_1365, %swap3A_1366] {strides = array<i32>} : memref<80x64xf32, #tpu.memory_space<vmem>>, vector<1x16xf32>,
      %swap3A_1368 = vector.shape_cast %swap3A_1367 : vector<1x16xf32> to vector<16xf32>
      %swap3A_1369 = vector.shape_cast %mul3A_1363 : vector<16xf32> to vector<1x16xf32>
      tpu.vector_store %arg13[%swap3A_1365, %swap3A_1366], %swap3A_1369 {strides = array<i32>} : memref<80x64xf32, #tpu.memory_space<vmem>>, vector<1x16xf32>,
      %get3A_1370 = arith.constant 24 : i32
      %get3A_1371 = arith.index_cast %get3A_1370 : i32 to index
      %get3A_1372 = arith.constant 48 : index
      %get3A_1373 = tpu.vector_load %arg13[%get3A_1371, %get3A_1372] {strides = array<i32>} : memref<80x64xf32, #tpu.memory_space<vmem>>, vector<1x16xf32>,
      %get3A_1374 = vector.shape_cast %get3A_1373 : vector<1x16xf32> to vector<16xf32>
      %mul3A_1375 = vector.broadcast %squeeze3A_1330 : f32 to vector<16xf32>
      %mul3A_1376 = arith.mulf %get3A_1374, %mul3A_1375 : vector<16xf32>
      %swap3A_1377 = arith.constant 24 : i32
      %swap3A_1378 = arith.index_cast %swap3A_1377 : i32 to index
      %swap3A_1379 = arith.constant 48 : index
      %swap3A_1380 = tpu.vector_load %arg13[%swap3A_1378, %swap3A_1379] {strides = array<i32>} : memref<80x64xf32, #tpu.memory_space<vmem>>, vector<1x16xf32>,
      %swap3A_1381 = vector.shape_cast %swap3A_1380 : vector<1x16xf32> to vector<16xf32>
      %swap3A_1382 = vector.shape_cast %mul3A_1376 : vector<16xf32> to vector<1x16xf32>
      tpu.vector_store %arg13[%swap3A_1378, %swap3A_1379], %swap3A_1382 {strides = array<i32>} : memref<80x64xf32, #tpu.memory_space<vmem>>, vector<1x16xf32>,
      %slice3A_1383 = vector.extract_strided_slice %get3A_896 {offsets = [9], sizes = [1], strides = [1]} : vector<16xf32> to vector<1xf32>
      %squeeze3A_1384 = vector.extract %slice3A_1383[0] : f32 from vector<1xf32>
      %get3A_1385 = arith.constant 25 : i32
      %get3A_1386 = arith.index_cast %get3A_1385 : i32 to index
      %get3A_1387 = arith.constant 0 : index
      %get3A_1388 = tpu.vector_load %arg13[%get3A_1386, %get3A_1387] {strides = array<i32>} : memref<80x64xf32, #tpu.memory_space<vmem>>, vector<1x16xf32>,
      %get3A_1389 = vector.shape_cast %get3A_1388 : vector<1x16xf32> to vector<16xf32>
      %mul3A_1390 = vector.broadcast %squeeze3A_1384 : f32 to vector<16xf32>
      %mul3A_1391 = arith.mulf %get3A_1389, %mul3A_1390 : vector<16xf32>
      %swap3A_1392 = arith.constant 25 : i32
      %swap3A_1393 = arith.index_cast %swap3A_1392 : i32 to index
      %swap3A_1394 = arith.constant 0 : index
      %swap3A_1395 = tpu.vector_load %arg13[%swap3A_1393, %swap3A_1394] {strides = array<i32>} : memref<80x64xf32, #tpu.memory_space<vmem>>, vector<1x16xf32>,
      %swap3A_1396 = vector.shape_cast %swap3A_1395 : vector<1x16xf32> to vector<16xf32>
      %swap3A_1397 = vector.shape_cast %mul3A_1391 : vector<16xf32> to vector<1x16xf32>
      tpu.vector_store %arg13[%swap3A_1393, %swap3A_1394], %swap3A_1397 {strides = array<i32>} : memref<80x64xf32, #tpu.memory_space<vmem>>, vector<1x16xf32>,
      %get3A_1398 = arith.constant 25 : i32
      %get3A_1399 = arith.index_cast %get3A_1398 : i32 to index
      %get3A_1400 = arith.constant 16 : index
      %get3A_1401 = tpu.vector_load %arg13[%get3A_1399, %get3A_1400] {strides = array<i32>} : memref<80x64xf32, #tpu.memory_space<vmem>>, vector<1x16xf32>,
      %get3A_1402 = vector.shape_cast %get3A_1401 : vector<1x16xf32> to vector<16xf32>
      %mul3A_1403 = vector.broadcast %squeeze3A_1384 : f32 to vector<16xf32>
      %mul3A_1404 = arith.mulf %get3A_1402, %mul3A_1403 : vector<16xf32>
      %swap3A_1405 = arith.constant 25 : i32
      %swap3A_1406 = arith.index_cast %swap3A_1405 : i32 to index
      %swap3A_1407 = arith.constant 16 : index
      %swap3A_1408 = tpu.vector_load %arg13[%swap3A_1406, %swap3A_1407] {strides = array<i32>} : memref<80x64xf32, #tpu.memory_space<vmem>>, vector<1x16xf32>,
      %swap3A_1409 = vector.shape_cast %swap3A_1408 : vector<1x16xf32> to vector<16xf32>
      %swap3A_1410 = vector.shape_cast %mul3A_1404 : vector<16xf32> to vector<1x16xf32>
      tpu.vector_store %arg13[%swap3A_1406, %swap3A_1407], %swap3A_1410 {strides = array<i32>} : memref<80x64xf32, #tpu.memory_space<vmem>>, vector<1x16xf32>,
      %get3A_1411 = arith.constant 25 : i32
      %get3A_1412 = arith.index_cast %get3A_1411 : i32 to index
      %get3A_1413 = arith.constant 32 : index
      %get3A_1414 = tpu.vector_load %arg13[%get3A_1412, %get3A_1413] {strides = array<i32>} : memref<80x64xf32, #tpu.memory_space<vmem>>, vector<1x16xf32>,
      %get3A_1415 = vector.shape_cast %get3A_1414 : vector<1x16xf32> to vector<16xf32>
      %mul3A_1416 = vector.broadcast %squeeze3A_1384 : f32 to vector<16xf32>
      %mul3A_1417 = arith.mulf %get3A_1415, %mul3A_1416 : vector<16xf32>
      %swap3A_1418 = arith.constant 25 : i32
      %swap3A_1419 = arith.index_cast %swap3A_1418 : i32 to index
      %swap3A_1420 = arith.constant 32 : index
      %swap3A_1421 = tpu.vector_load %arg13[%swap3A_1419, %swap3A_1420] {strides = array<i32>} : memref<80x64xf32, #tpu.memory_space<vmem>>, vector<1x16xf32>,
      %swap3A_1422 = vector.shape_cast %swap3A_1421 : vector<1x16xf32> to vector<16xf32>
      %swap3A_1423 = vector.shape_cast %mul3A_1417 : vector<16xf32> to vector<1x16xf32>
      tpu.vector_store %arg13[%swap3A_1419, %swap3A_1420], %swap3A_1423 {strides = array<i32>} : memref<80x64xf32, #tpu.memory_space<vmem>>, vector<1x16xf32>,
      %get3A_1424 = arith.constant 25 : i32
      %get3A_1425 = arith.index_cast %get3A_1424 : i32 to index
      %get3A_1426 = arith.constant 48 : index
      %get3A_1427 = tpu.vector_load %arg13[%get3A_1425, %get3A_1426] {strides = array<i32>} : memref<80x64xf32, #tpu.memory_space<vmem>>, vector<1x16xf32>,
      %get3A_1428 = vector.shape_cast %get3A_1427 : vector<1x16xf32> to vector<16xf32>
      %mul3A_1429 = vector.broadcast %squeeze3A_1384 : f32 to vector<16xf32>
      %mul3A_1430 = arith.mulf %get3A_1428, %mul3A_1429 : vector<16xf32>
      %swap3A_1431 = arith.constant 25 : i32
      %swap3A_1432 = arith.index_cast %swap3A_1431 : i32 to index
      %swap3A_1433 = arith.constant 48 : index
      %swap3A_1434 = tpu.vector_load %arg13[%swap3A_1432, %swap3A_1433] {strides = array<i32>} : memref<80x64xf32, #tpu.memory_space<vmem>>, vector<1x16xf32>,
      %swap3A_1435 = vector.shape_cast %swap3A_1434 : vector<1x16xf32> to vector<16xf32>
      %swap3A_1436 = vector.shape_cast %mul3A_1430 : vector<16xf32> to vector<1x16xf32>
      tpu.vector_store %arg13[%swap3A_1432, %swap3A_1433], %swap3A_1436 {strides = array<i32>} : memref<80x64xf32, #tpu.memory_space<vmem>>, vector<1x16xf32>,
      %slice3A_1437 = vector.extract_strided_slice %get3A_896 {offsets = [10], sizes = [1], strides = [1]} : vector<16xf32> to vector<1xf32>
      %squeeze3A_1438 = vector.extract %slice3A_1437[0] : f32 from vector<1xf32>
      %get3A_1439 = arith.constant 26 : i32
      %get3A_1440 = arith.index_cast %get3A_1439 : i32 to index
      %get3A_1441 = arith.constant 0 : index
      %get3A_1442 = tpu.vector_load %arg13[%get3A_1440, %get3A_1441] {strides = array<i32>} : memref<80x64xf32, #tpu.memory_space<vmem>>, vector<1x16xf32>,
      %get3A_1443 = vector.shape_cast %get3A_1442 : vector<1x16xf32> to vector<16xf32>
      %mul3A_1444 = vector.broadcast %squeeze3A_1438 : f32 to vector<16xf32>
      %mul3A_1445 = arith.mulf %get3A_1443, %mul3A_1444 : vector<16xf32>
      %swap3A_1446 = arith.constant 26 : i32
      %swap3A_1447 = arith.index_cast %swap3A_1446 : i32 to index
      %swap3A_1448 = arith.constant 0 : index
      %swap3A_1449 = tpu.vector_load %arg13[%swap3A_1447, %swap3A_1448] {strides = array<i32>} : memref<80x64xf32, #tpu.memory_space<vmem>>, vector<1x16xf32>,
      %swap3A_1450 = vector.shape_cast %swap3A_1449 : vector<1x16xf32> to vector<16xf32>
      %swap3A_1451 = vector.shape_cast %mul3A_1445 : vector<16xf32> to vector<1x16xf32>
      tpu.vector_store %arg13[%swap3A_1447, %swap3A_1448], %swap3A_1451 {strides = array<i32>} : memref<80x64xf32, #tpu.memory_space<vmem>>, vector<1x16xf32>,
      %get3A_1452 = arith.constant 26 : i32
      %get3A_1453 = arith.index_cast %get3A_1452 : i32 to index
      %get3A_1454 = arith.constant 16 : index
      %get3A_1455 = tpu.vector_load %arg13[%get3A_1453, %get3A_1454] {strides = array<i32>} : memref<80x64xf32, #tpu.memory_space<vmem>>, vector<1x16xf32>,
      %get3A_1456 = vector.shape_cast %get3A_1455 : vector<1x16xf32> to vector<16xf32>
      %mul3A_1457 = vector.broadcast %squeeze3A_1438 : f32 to vector<16xf32>
      %mul3A_1458 = arith.mulf %get3A_1456, %mul3A_1457 : vector<16xf32>
      %swap3A_1459 = arith.constant 26 : i32
      %swap3A_1460 = arith.index_cast %swap3A_1459 : i32 to index
      %swap3A_1461 = arith.constant 16 : index
      %swap3A_1462 = tpu.vector_load %arg13[%swap3A_1460, %swap3A_1461] {strides = array<i32>} : memref<80x64xf32, #tpu.memory_space<vmem>>, vector<1x16xf32>,
      %swap3A_1463 = vector.shape_cast %swap3A_1462 : vector<1x16xf32> to vector<16xf32>
      %swap3A_1464 = vector.shape_cast %mul3A_1458 : vector<16xf32> to vector<1x16xf32>
      tpu.vector_store %arg13[%swap3A_1460, %swap3A_1461], %swap3A_1464 {strides = array<i32>} : memref<80x64xf32, #tpu.memory_space<vmem>>, vector<1x16xf32>,
      %get3A_1465 = arith.constant 26 : i32
      %get3A_1466 = arith.index_cast %get3A_1465 : i32 to index
      %get3A_1467 = arith.constant 32 : index
      %get3A_1468 = tpu.vector_load %arg13[%get3A_1466, %get3A_1467] {strides = array<i32>} : memref<80x64xf32, #tpu.memory_space<vmem>>, vector<1x16xf32>,
      %get3A_1469 = vector.shape_cast %get3A_1468 : vector<1x16xf32> to vector<16xf32>
      %mul3A_1470 = vector.broadcast %squeeze3A_1438 : f32 to vector<16xf32>
      %mul3A_1471 = arith.mulf %get3A_1469, %mul3A_1470 : vector<16xf32>
      %swap3A_1472 = arith.constant 26 : i32
      %swap3A_1473 = arith.index_cast %swap3A_1472 : i32 to index
      %swap3A_1474 = arith.constant 32 : index
      %swap3A_1475 = tpu.vector_load %arg13[%swap3A_1473, %swap3A_1474] {strides = array<i32>} : memref<80x64xf32, #tpu.memory_space<vmem>>, vector<1x16xf32>,
      %swap3A_1476 = vector.shape_cast %swap3A_1475 : vector<1x16xf32> to vector<16xf32>
      %swap3A_1477 = vector.shape_cast %mul3A_1471 : vector<16xf32> to vector<1x16xf32>
      tpu.vector_store %arg13[%swap3A_1473, %swap3A_1474], %swap3A_1477 {strides = array<i32>} : memref<80x64xf32, #tpu.memory_space<vmem>>, vector<1x16xf32>,
      %get3A_1478 = arith.constant 26 : i32
      %get3A_1479 = arith.index_cast %get3A_1478 : i32 to index
      %get3A_1480 = arith.constant 48 : index
      %get3A_1481 = tpu.vector_load %arg13[%get3A_1479, %get3A_1480] {strides = array<i32>} : memref<80x64xf32, #tpu.memory_space<vmem>>, vector<1x16xf32>,
      %get3A_1482 = vector.shape_cast %get3A_1481 : vector<1x16xf32> to vector<16xf32>
      %mul3A_1483 = vector.broadcast %squeeze3A_1438 : f32 to vector<16xf32>
      %mul3A_1484 = arith.mulf %get3A_1482, %mul3A_1483 : vector<16xf32>
      %swap3A_1485 = arith.constant 26 : i32
      %swap3A_1486 = arith.index_cast %swap3A_1485 : i32 to index
      %swap3A_1487 = arith.constant 48 : index
      %swap3A_1488 = tpu.vector_load %arg13[%swap3A_1486, %swap3A_1487] {strides = array<i32>} : memref<80x64xf32, #tpu.memory_space<vmem>>, vector<1x16xf32>,
      %swap3A_1489 = vector.shape_cast %swap3A_1488 : vector<1x16xf32> to vector<16xf32>
      %swap3A_1490 = vector.shape_cast %mul3A_1484 : vector<16xf32> to vector<1x16xf32>
      tpu.vector_store %arg13[%swap3A_1486, %swap3A_1487], %swap3A_1490 {strides = array<i32>} : memref<80x64xf32, #tpu.memory_space<vmem>>, vector<1x16xf32>,
      %slice3A_1491 = vector.extract_strided_slice %get3A_896 {offsets = [11], sizes = [1], strides = [1]} : vector<16xf32> to vector<1xf32>
      %squeeze3A_1492 = vector.extract %slice3A_1491[0] : f32 from vector<1xf32>
      %get3A_1493 = arith.constant 27 : i32
      %get3A_1494 = arith.index_cast %get3A_1493 : i32 to index
      %get3A_1495 = arith.constant 0 : index
      %get3A_1496 = tpu.vector_load %arg13[%get3A_1494, %get3A_1495] {strides = array<i32>} : memref<80x64xf32, #tpu.memory_space<vmem>>, vector<1x16xf32>,
      %get3A_1497 = vector.shape_cast %get3A_1496 : vector<1x16xf32> to vector<16xf32>
      %mul3A_1498 = vector.broadcast %squeeze3A_1492 : f32 to vector<16xf32>
      %mul3A_1499 = arith.mulf %get3A_1497, %mul3A_1498 : vector<16xf32>
      %swap3A_1500 = arith.constant 27 : i32
      %swap3A_1501 = arith.index_cast %swap3A_1500 : i32 to index
      %swap3A_1502 = arith.constant 0 : index
      %swap3A_1503 = tpu.vector_load %arg13[%swap3A_1501, %swap3A_1502] {strides = array<i32>} : memref<80x64xf32, #tpu.memory_space<vmem>>, vector<1x16xf32>,
      %swap3A_1504 = vector.shape_cast %swap3A_1503 : vector<1x16xf32> to vector<16xf32>
      %swap3A_1505 = vector.shape_cast %mul3A_1499 : vector<16xf32> to vector<1x16xf32>
      tpu.vector_store %arg13[%swap3A_1501, %swap3A_1502], %swap3A_1505 {strides = array<i32>} : memref<80x64xf32, #tpu.memory_space<vmem>>, vector<1x16xf32>,
      %get3A_1506 = arith.constant 27 : i32
      %get3A_1507 = arith.index_cast %get3A_1506 : i32 to index
      %get3A_1508 = arith.constant 16 : index
      %get3A_1509 = tpu.vector_load %arg13[%get3A_1507, %get3A_1508] {strides = array<i32>} : memref<80x64xf32, #tpu.memory_space<vmem>>, vector<1x16xf32>,
      %get3A_1510 = vector.shape_cast %get3A_1509 : vector<1x16xf32> to vector<16xf32>
      %mul3A_1511 = vector.broadcast %squeeze3A_1492 : f32 to vector<16xf32>
      %mul3A_1512 = arith.mulf %get3A_1510, %mul3A_1511 : vector<16xf32>
      %swap3A_1513 = arith.constant 27 : i32
      %swap3A_1514 = arith.index_cast %swap3A_1513 : i32 to index
      %swap3A_1515 = arith.constant 16 : index
      %swap3A_1516 = tpu.vector_load %arg13[%swap3A_1514, %swap3A_1515] {strides = array<i32>} : memref<80x64xf32, #tpu.memory_space<vmem>>, vector<1x16xf32>,
      %swap3A_1517 = vector.shape_cast %swap3A_1516 : vector<1x16xf32> to vector<16xf32>
      %swap3A_1518 = vector.shape_cast %mul3A_1512 : vector<16xf32> to vector<1x16xf32>
      tpu.vector_store %arg13[%swap3A_1514, %swap3A_1515], %swap3A_1518 {strides = array<i32>} : memref<80x64xf32, #tpu.memory_space<vmem>>, vector<1x16xf32>,
      %get3A_1519 = arith.constant 27 : i32
      %get3A_1520 = arith.index_cast %get3A_1519 : i32 to index
      %get3A_1521 = arith.constant 32 : index
      %get3A_1522 = tpu.vector_load %arg13[%get3A_1520, %get3A_1521] {strides = array<i32>} : memref<80x64xf32, #tpu.memory_space<vmem>>, vector<1x16xf32>,
      %get3A_1523 = vector.shape_cast %get3A_1522 : vector<1x16xf32> to vector<16xf32>
      %mul3A_1524 = vector.broadcast %squeeze3A_1492 : f32 to vector<16xf32>
      %mul3A_1525 = arith.mulf %get3A_1523, %mul3A_1524 : vector<16xf32>
      %swap3A_1526 = arith.constant 27 : i32
      %swap3A_1527 = arith.index_cast %swap3A_1526 : i32 to index
      %swap3A_1528 = arith.constant 32 : index
      %swap3A_1529 = tpu.vector_load %arg13[%swap3A_1527, %swap3A_1528] {strides = array<i32>} : memref<80x64xf32, #tpu.memory_space<vmem>>, vector<1x16xf32>,
      %swap3A_1530 = vector.shape_cast %swap3A_1529 : vector<1x16xf32> to vector<16xf32>
      %swap3A_1531 = vector.shape_cast %mul3A_1525 : vector<16xf32> to vector<1x16xf32>
      tpu.vector_store %arg13[%swap3A_1527, %swap3A_1528], %swap3A_1531 {strides = array<i32>} : memref<80x64xf32, #tpu.memory_space<vmem>>, vector<1x16xf32>,
      %get3A_1532 = arith.constant 27 : i32
      %get3A_1533 = arith.index_cast %get3A_1532 : i32 to index
      %get3A_1534 = arith.constant 48 : index
      %get3A_1535 = tpu.vector_load %arg13[%get3A_1533, %get3A_1534] {strides = array<i32>} : memref<80x64xf32, #tpu.memory_space<vmem>>, vector<1x16xf32>,
      %get3A_1536 = vector.shape_cast %get3A_1535 : vector<1x16xf32> to vector<16xf32>
      %mul3A_1537 = vector.broadcast %squeeze3A_1492 : f32 to vector<16xf32>
      %mul3A_1538 = arith.mulf %get3A_1536, %mul3A_1537 : vector<16xf32>
      %swap3A_1539 = arith.constant 27 : i32
      %swap3A_1540 = arith.index_cast %swap3A_1539 : i32 to index
      %swap3A_1541 = arith.constant 48 : index
      %swap3A_1542 = tpu.vector_load %arg13[%swap3A_1540, %swap3A_1541] {strides = array<i32>} : memref<80x64xf32, #tpu.memory_space<vmem>>, vector<1x16xf32>,
      %swap3A_1543 = vector.shape_cast %swap3A_1542 : vector<1x16xf32> to vector<16xf32>
      %swap3A_1544 = vector.shape_cast %mul3A_1538 : vector<16xf32> to vector<1x16xf32>
      tpu.vector_store %arg13[%swap3A_1540, %swap3A_1541], %swap3A_1544 {strides = array<i32>} : memref<80x64xf32, #tpu.memory_space<vmem>>, vector<1x16xf32>,
      %slice3A_1545 = vector.extract_strided_slice %get3A_896 {offsets = [12], sizes = [1], strides = [1]} : vector<16xf32> to vector<1xf32>
      %squeeze3A_1546 = vector.extract %slice3A_1545[0] : f32 from vector<1xf32>
      %get3A_1547 = arith.constant 28 : i32
      %get3A_1548 = arith.index_cast %get3A_1547 : i32 to index
      %get3A_1549 = arith.constant 0 : index
      %get3A_1550 = tpu.vector_load %arg13[%get3A_1548, %get3A_1549] {strides = array<i32>} : memref<80x64xf32, #tpu.memory_space<vmem>>, vector<1x16xf32>,
      %get3A_1551 = vector.shape_cast %get3A_1550 : vector<1x16xf32> to vector<16xf32>
      %mul3A_1552 = vector.broadcast %squeeze3A_1546 : f32 to vector<16xf32>
      %mul3A_1553 = arith.mulf %get3A_1551, %mul3A_1552 : vector<16xf32>
      %swap3A_1554 = arith.constant 28 : i32
      %swap3A_1555 = arith.index_cast %swap3A_1554 : i32 to index
      %swap3A_1556 = arith.constant 0 : index
      %swap3A_1557 = tpu.vector_load %arg13[%swap3A_1555, %swap3A_1556] {strides = array<i32>} : memref<80x64xf32, #tpu.memory_space<vmem>>, vector<1x16xf32>,
      %swap3A_1558 = vector.shape_cast %swap3A_1557 : vector<1x16xf32> to vector<16xf32>
      %swap3A_1559 = vector.shape_cast %mul3A_1553 : vector<16xf32> to vector<1x16xf32>
      tpu.vector_store %arg13[%swap3A_1555, %swap3A_1556], %swap3A_1559 {strides = array<i32>} : memref<80x64xf32, #tpu.memory_space<vmem>>, vector<1x16xf32>,
      %get3A_1560 = arith.constant 28 : i32
      %get3A_1561 = arith.index_cast %get3A_1560 : i32 to index
      %get3A_1562 = arith.constant 16 : index
      %get3A_1563 = tpu.vector_load %arg13[%get3A_1561, %get3A_1562] {strides = array<i32>} : memref<80x64xf32, #tpu.memory_space<vmem>>, vector<1x16xf32>,
      %get3A_1564 = vector.shape_cast %get3A_1563 : vector<1x16xf32> to vector<16xf32>
      %mul3A_1565 = vector.broadcast %squeeze3A_1546 : f32 to vector<16xf32>
      %mul3A_1566 = arith.mulf %get3A_1564, %mul3A_1565 : vector<16xf32>
      %swap3A_1567 = arith.constant 28 : i32
      %swap3A_1568 = arith.index_cast %swap3A_1567 : i32 to index
      %swap3A_1569 = arith.constant 16 : index
      %swap3A_1570 = tpu.vector_load %arg13[%swap3A_1568, %swap3A_1569] {strides = array<i32>} : memref<80x64xf32, #tpu.memory_space<vmem>>, vector<1x16xf32>,
      %swap3A_1571 = vector.shape_cast %swap3A_1570 : vector<1x16xf32> to vector<16xf32>
      %swap3A_1572 = vector.shape_cast %mul3A_1566 : vector<16xf32> to vector<1x16xf32>
      tpu.vector_store %arg13[%swap3A_1568, %swap3A_1569], %swap3A_1572 {strides = array<i32>} : memref<80x64xf32, #tpu.memory_space<vmem>>, vector<1x16xf32>,
      %get3A_1573 = arith.constant 28 : i32
      %get3A_1574 = arith.index_cast %get3A_1573 : i32 to index
      %get3A_1575 = arith.constant 32 : index
      %get3A_1576 = tpu.vector_load %arg13[%get3A_1574, %get3A_1575] {strides = array<i32>} : memref<80x64xf32, #tpu.memory_space<vmem>>, vector<1x16xf32>,
      %get3A_1577 = vector.shape_cast %get3A_1576 : vector<1x16xf32> to vector<16xf32>
      %mul3A_1578 = vector.broadcast %squeeze3A_1546 : f32 to vector<16xf32>
      %mul3A_1579 = arith.mulf %get3A_1577, %mul3A_1578 : vector<16xf32>
      %swap3A_1580 = arith.constant 28 : i32
      %swap3A_1581 = arith.index_cast %swap3A_1580 : i32 to index
      %swap3A_1582 = arith.constant 32 : index
      %swap3A_1583 = tpu.vector_load %arg13[%swap3A_1581, %swap3A_1582] {strides = array<i32>} : memref<80x64xf32, #tpu.memory_space<vmem>>, vector<1x16xf32>,
      %swap3A_1584 = vector.shape_cast %swap3A_1583 : vector<1x16xf32> to vector<16xf32>
      %swap3A_1585 = vector.shape_cast %mul3A_1579 : vector<16xf32> to vector<1x16xf32>
      tpu.vector_store %arg13[%swap3A_1581, %swap3A_1582], %swap3A_1585 {strides = array<i32>} : memref<80x64xf32, #tpu.memory_space<vmem>>, vector<1x16xf32>,
      %get3A_1586 = arith.constant 28 : i32
      %get3A_1587 = arith.index_cast %get3A_1586 : i32 to index
      %get3A_1588 = arith.constant 48 : index
      %get3A_1589 = tpu.vector_load %arg13[%get3A_1587, %get3A_1588] {strides = array<i32>} : memref<80x64xf32, #tpu.memory_space<vmem>>, vector<1x16xf32>,
      %get3A_1590 = vector.shape_cast %get3A_1589 : vector<1x16xf32> to vector<16xf32>
      %mul3A_1591 = vector.broadcast %squeeze3A_1546 : f32 to vector<16xf32>
      %mul3A_1592 = arith.mulf %get3A_1590, %mul3A_1591 : vector<16xf32>
      %swap3A_1593 = arith.constant 28 : i32
      %swap3A_1594 = arith.index_cast %swap3A_1593 : i32 to index
      %swap3A_1595 = arith.constant 48 : index
      %swap3A_1596 = tpu.vector_load %arg13[%swap3A_1594, %swap3A_1595] {strides = array<i32>} : memref<80x64xf32, #tpu.memory_space<vmem>>, vector<1x16xf32>,
      %swap3A_1597 = vector.shape_cast %swap3A_1596 : vector<1x16xf32> to vector<16xf32>
      %swap3A_1598 = vector.shape_cast %mul3A_1592 : vector<16xf32> to vector<1x16xf32>
      tpu.vector_store %arg13[%swap3A_1594, %swap3A_1595], %swap3A_1598 {strides = array<i32>} : memref<80x64xf32, #tpu.memory_space<vmem>>, vector<1x16xf32>,
      %slice3A_1599 = vector.extract_strided_slice %get3A_896 {offsets = [13], sizes = [1], strides = [1]} : vector<16xf32> to vector<1xf32>
      %squeeze3A_1600 = vector.extract %slice3A_1599[0] : f32 from vector<1xf32>
      %get3A_1601 = arith.constant 29 : i32
      %get3A_1602 = arith.index_cast %get3A_1601 : i32 to index
      %get3A_1603 = arith.constant 0 : index
      %get3A_1604 = tpu.vector_load %arg13[%get3A_1602, %get3A_1603] {strides = array<i32>} : memref<80x64xf32, #tpu.memory_space<vmem>>, vector<1x16xf32>,
      %get3A_1605 = vector.shape_cast %get3A_1604 : vector<1x16xf32> to vector<16xf32>
      %mul3A_1606 = vector.broadcast %squeeze3A_1600 : f32 to vector<16xf32>
      %mul3A_1607 = arith.mulf %get3A_1605, %mul3A_1606 : vector<16xf32>
      %swap3A_1608 = arith.constant 29 : i32
      %swap3A_1609 = arith.index_cast %swap3A_1608 : i32 to index
      %swap3A_1610 = arith.constant 0 : index
      %swap3A_1611 = tpu.vector_load %arg13[%swap3A_1609, %swap3A_1610] {strides = array<i32>} : memref<80x64xf32, #tpu.memory_space<vmem>>, vector<1x16xf32>,
      %swap3A_1612 = vector.shape_cast %swap3A_1611 : vector<1x16xf32> to vector<16xf32>
      %swap3A_1613 = vector.shape_cast %mul3A_1607 : vector<16xf32> to vector<1x16xf32>
      tpu.vector_store %arg13[%swap3A_1609, %swap3A_1610], %swap3A_1613 {strides = array<i32>} : memref<80x64xf32, #tpu.memory_space<vmem>>, vector<1x16xf32>,
      %get3A_1614 = arith.constant 29 : i32
      %get3A_1615 = arith.index_cast %get3A_1614 : i32 to index
      %get3A_1616 = arith.constant 16 : index
      %get3A_1617 = tpu.vector_load %arg13[%get3A_1615, %get3A_1616] {strides = array<i32>} : memref<80x64xf32, #tpu.memory_space<vmem>>, vector<1x16xf32>,
      %get3A_1618 = vector.shape_cast %get3A_1617 : vector<1x16xf32> to vector<16xf32>
      %mul3A_1619 = vector.broadcast %squeeze3A_1600 : f32 to vector<16xf32>
      %mul3A_1620 = arith.mulf %get3A_1618, %mul3A_1619 : vector<16xf32>
      %swap3A_1621 = arith.constant 29 : i32
      %swap3A_1622 = arith.index_cast %swap3A_1621 : i32 to index
      %swap3A_1623 = arith.constant 16 : index
      %swap3A_1624 = tpu.vector_load %arg13[%swap3A_1622, %swap3A_1623] {strides = array<i32>} : memref<80x64xf32, #tpu.memory_space<vmem>>, vector<1x16xf32>,
      %swap3A_1625 = vector.shape_cast %swap3A_1624 : vector<1x16xf32> to vector<16xf32>
      %swap3A_1626 = vector.shape_cast %mul3A_1620 : vector<16xf32> to vector<1x16xf32>
      tpu.vector_store %arg13[%swap3A_1622, %swap3A_1623], %swap3A_1626 {strides = array<i32>} : memref<80x64xf32, #tpu.memory_space<vmem>>, vector<1x16xf32>,
      %get3A_1627 = arith.constant 29 : i32
      %get3A_1628 = arith.index_cast %get3A_1627 : i32 to index
      %get3A_1629 = arith.constant 32 : index
      %get3A_1630 = tpu.vector_load %arg13[%get3A_1628, %get3A_1629] {strides = array<i32>} : memref<80x64xf32, #tpu.memory_space<vmem>>, vector<1x16xf32>,
      %get3A_1631 = vector.shape_cast %get3A_1630 : vector<1x16xf32> to vector<16xf32>
      %mul3A_1632 = vector.broadcast %squeeze3A_1600 : f32 to vector<16xf32>
      %mul3A_1633 = arith.mulf %get3A_1631, %mul3A_1632 : vector<16xf32>
      %swap3A_1634 = arith.constant 29 : i32
      %swap3A_1635 = arith.index_cast %swap3A_1634 : i32 to index
      %swap3A_1636 = arith.constant 32 : index
      %swap3A_1637 = tpu.vector_load %arg13[%swap3A_1635, %swap3A_1636] {strides = array<i32>} : memref<80x64xf32, #tpu.memory_space<vmem>>, vector<1x16xf32>,
      %swap3A_1638 = vector.shape_cast %swap3A_1637 : vector<1x16xf32> to vector<16xf32>
      %swap3A_1639 = vector.shape_cast %mul3A_1633 : vector<16xf32> to vector<1x16xf32>
      tpu.vector_store %arg13[%swap3A_1635, %swap3A_1636], %swap3A_1639 {strides = array<i32>} : memref<80x64xf32, #tpu.memory_space<vmem>>, vector<1x16xf32>,
      %get3A_1640 = arith.constant 29 : i32
      %get3A_1641 = arith.index_cast %get3A_1640 : i32 to index
      %get3A_1642 = arith.constant 48 : index
      %get3A_1643 = tpu.vector_load %arg13[%get3A_1641, %get3A_1642] {strides = array<i32>} : memref<80x64xf32, #tpu.memory_space<vmem>>, vector<1x16xf32>,
      %get3A_1644 = vector.shape_cast %get3A_1643 : vector<1x16xf32> to vector<16xf32>
      %mul3A_1645 = vector.broadcast %squeeze3A_1600 : f32 to vector<16xf32>
      %mul3A_1646 = arith.mulf %get3A_1644, %mul3A_1645 : vector<16xf32>
      %swap3A_1647 = arith.constant 29 : i32
      %swap3A_1648 = arith.index_cast %swap3A_1647 : i32 to index
      %swap3A_1649 = arith.constant 48 : index
      %swap3A_1650 = tpu.vector_load %arg13[%swap3A_1648, %swap3A_1649] {strides = array<i32>} : memref<80x64xf32, #tpu.memory_space<vmem>>, vector<1x16xf32>,
      %swap3A_1651 = vector.shape_cast %swap3A_1650 : vector<1x16xf32> to vector<16xf32>
      %swap3A_1652 = vector.shape_cast %mul3A_1646 : vector<16xf32> to vector<1x16xf32>
      tpu.vector_store %arg13[%swap3A_1648, %swap3A_1649], %swap3A_1652 {strides = array<i32>} : memref<80x64xf32, #tpu.memory_space<vmem>>, vector<1x16xf32>,
      %slice3A_1653 = vector.extract_strided_slice %get3A_896 {offsets = [14], sizes = [1], strides = [1]} : vector<16xf32> to vector<1xf32>
      %squeeze3A_1654 = vector.extract %slice3A_1653[0] : f32 from vector<1xf32>
      %get3A_1655 = arith.constant 30 : i32
      %get3A_1656 = arith.index_cast %get3A_1655 : i32 to index
      %get3A_1657 = arith.constant 0 : index
      %get3A_1658 = tpu.vector_load %arg13[%get3A_1656, %get3A_1657] {strides = array<i32>} : memref<80x64xf32, #tpu.memory_space<vmem>>, vector<1x16xf32>,
      %get3A_1659 = vector.shape_cast %get3A_1658 : vector<1x16xf32> to vector<16xf32>
      %mul3A_1660 = vector.broadcast %squeeze3A_1654 : f32 to vector<16xf32>
      %mul3A_1661 = arith.mulf %get3A_1659, %mul3A_1660 : vector<16xf32>
      %swap3A_1662 = arith.constant 30 : i32
      %swap3A_1663 = arith.index_cast %swap3A_1662 : i32 to index
      %swap3A_1664 = arith.constant 0 : index
      %swap3A_1665 = tpu.vector_load %arg13[%swap3A_1663, %swap3A_1664] {strides = array<i32>} : memref<80x64xf32, #tpu.memory_space<vmem>>, vector<1x16xf32>,
      %swap3A_1666 = vector.shape_cast %swap3A_1665 : vector<1x16xf32> to vector<16xf32>
      %swap3A_1667 = vector.shape_cast %mul3A_1661 : vector<16xf32> to vector<1x16xf32>
      tpu.vector_store %arg13[%swap3A_1663, %swap3A_1664], %swap3A_1667 {strides = array<i32>} : memref<80x64xf32, #tpu.memory_space<vmem>>, vector<1x16xf32>,
      %get3A_1668 = arith.constant 30 : i32
      %get3A_1669 = arith.index_cast %get3A_1668 : i32 to index
      %get3A_1670 = arith.constant 16 : index
      %get3A_1671 = tpu.vector_load %arg13[%get3A_1669, %get3A_1670] {strides = array<i32>} : memref<80x64xf32, #tpu.memory_space<vmem>>, vector<1x16xf32>,
      %get3A_1672 = vector.shape_cast %get3A_1671 : vector<1x16xf32> to vector<16xf32>
      %mul3A_1673 = vector.broadcast %squeeze3A_1654 : f32 to vector<16xf32>
      %mul3A_1674 = arith.mulf %get3A_1672, %mul3A_1673 : vector<16xf32>
      %swap3A_1675 = arith.constant 30 : i32
      %swap3A_1676 = arith.index_cast %swap3A_1675 : i32 to index
      %swap3A_1677 = arith.constant 16 : index
      %swap3A_1678 = tpu.vector_load %arg13[%swap3A_1676, %swap3A_1677] {strides = array<i32>} : memref<80x64xf32, #tpu.memory_space<vmem>>, vector<1x16xf32>,
      %swap3A_1679 = vector.shape_cast %swap3A_1678 : vector<1x16xf32> to vector<16xf32>
      %swap3A_1680 = vector.shape_cast %mul3A_1674 : vector<16xf32> to vector<1x16xf32>
      tpu.vector_store %arg13[%swap3A_1676, %swap3A_1677], %swap3A_1680 {strides = array<i32>} : memref<80x64xf32, #tpu.memory_space<vmem>>, vector<1x16xf32>,
      %get3A_1681 = arith.constant 30 : i32
      %get3A_1682 = arith.index_cast %get3A_1681 : i32 to index
      %get3A_1683 = arith.constant 32 : index
      %get3A_1684 = tpu.vector_load %arg13[%get3A_1682, %get3A_1683] {strides = array<i32>} : memref<80x64xf32, #tpu.memory_space<vmem>>, vector<1x16xf32>,
      %get3A_1685 = vector.shape_cast %get3A_1684 : vector<1x16xf32> to vector<16xf32>
      %mul3A_1686 = vector.broadcast %squeeze3A_1654 : f32 to vector<16xf32>
      %mul3A_1687 = arith.mulf %get3A_1685, %mul3A_1686 : vector<16xf32>
      %swap3A_1688 = arith.constant 30 : i32
      %swap3A_1689 = arith.index_cast %swap3A_1688 : i32 to index
      %swap3A_1690 = arith.constant 32 : index
      %swap3A_1691 = tpu.vector_load %arg13[%swap3A_1689, %swap3A_1690] {strides = array<i32>} : memref<80x64xf32, #tpu.memory_space<vmem>>, vector<1x16xf32>,
      %swap3A_1692 = vector.shape_cast %swap3A_1691 : vector<1x16xf32> to vector<16xf32>
      %swap3A_1693 = vector.shape_cast %mul3A_1687 : vector<16xf32> to vector<1x16xf32>
      tpu.vector_store %arg13[%swap3A_1689, %swap3A_1690], %swap3A_1693 {strides = array<i32>} : memref<80x64xf32, #tpu.memory_space<vmem>>, vector<1x16xf32>,
      %get3A_1694 = arith.constant 30 : i32
      %get3A_1695 = arith.index_cast %get3A_1694 : i32 to index
      %get3A_1696 = arith.constant 48 : index
      %get3A_1697 = tpu.vector_load %arg13[%get3A_1695, %get3A_1696] {strides = array<i32>} : memref<80x64xf32, #tpu.memory_space<vmem>>, vector<1x16xf32>,
      %get3A_1698 = vector.shape_cast %get3A_1697 : vector<1x16xf32> to vector<16xf32>
      %mul3A_1699 = vector.broadcast %squeeze3A_1654 : f32 to vector<16xf32>
      %mul3A_1700 = arith.mulf %get3A_1698, %mul3A_1699 : vector<16xf32>
      %swap3A_1701 = arith.constant 30 : i32
      %swap3A_1702 = arith.index_cast %swap3A_1701 : i32 to index
      %swap3A_1703 = arith.constant 48 : index
      %swap3A_1704 = tpu.vector_load %arg13[%swap3A_1702, %swap3A_1703] {strides = array<i32>} : memref<80x64xf32, #tpu.memory_space<vmem>>, vector<1x16xf32>,
      %swap3A_1705 = vector.shape_cast %swap3A_1704 : vector<1x16xf32> to vector<16xf32>
      %swap3A_1706 = vector.shape_cast %mul3A_1700 : vector<16xf32> to vector<1x16xf32>
      tpu.vector_store %arg13[%swap3A_1702, %swap3A_1703], %swap3A_1706 {strides = array<i32>} : memref<80x64xf32, #tpu.memory_space<vmem>>, vector<1x16xf32>,
      %slice3A_1707 = vector.extract_strided_slice %get3A_896 {offsets = [15], sizes = [1], strides = [1]} : vector<16xf32> to vector<1xf32>
      %squeeze3A_1708 = vector.extract %slice3A_1707[0] : f32 from vector<1xf32>
      %get3A_1709 = arith.constant 31 : i32
      %get3A_1710 = arith.index_cast %get3A_1709 : i32 to index
      %get3A_1711 = arith.constant 0 : index
      %get3A_1712 = tpu.vector_load %arg13[%get3A_1710, %get3A_1711] {strides = array<i32>} : memref<80x64xf32, #tpu.memory_space<vmem>>, vector<1x16xf32>,
      %get3A_1713 = vector.shape_cast %get3A_1712 : vector<1x16xf32> to vector<16xf32>
      %mul3A_1714 = vector.broadcast %squeeze3A_1708 : f32 to vector<16xf32>
      %mul3A_1715 = arith.mulf %get3A_1713, %mul3A_1714 : vector<16xf32>
      %swap3A_1716 = arith.constant 31 : i32
      %swap3A_1717 = arith.index_cast %swap3A_1716 : i32 to index
      %swap3A_1718 = arith.constant 0 : index
      %swap3A_1719 = tpu.vector_load %arg13[%swap3A_1717, %swap3A_1718] {strides = array<i32>} : memref<80x64xf32, #tpu.memory_space<vmem>>, vector<1x16xf32>,
      %swap3A_1720 = vector.shape_cast %swap3A_1719 : vector<1x16xf32> to vector<16xf32>
      %swap3A_1721 = vector.shape_cast %mul3A_1715 : vector<16xf32> to vector<1x16xf32>
      tpu.vector_store %arg13[%swap3A_1717, %swap3A_1718], %swap3A_1721 {strides = array<i32>} : memref<80x64xf32, #tpu.memory_space<vmem>>, vector<1x16xf32>,
      %get3A_1722 = arith.constant 31 : i32
      %get3A_1723 = arith.index_cast %get3A_1722 : i32 to index
      %get3A_1724 = arith.constant 16 : index
      %get3A_1725 = tpu.vector_load %arg13[%get3A_1723, %get3A_1724] {strides = array<i32>} : memref<80x64xf32, #tpu.memory_space<vmem>>, vector<1x16xf32>,
      %get3A_1726 = vector.shape_cast %get3A_1725 : vector<1x16xf32> to vector<16xf32>
      %mul3A_1727 = vector.broadcast %squeeze3A_1708 : f32 to vector<16xf32>
      %mul3A_1728 = arith.mulf %get3A_1726, %mul3A_1727 : vector<16xf32>
      %swap3A_1729 = arith.constant 31 : i32
      %swap3A_1730 = arith.index_cast %swap3A_1729 : i32 to index
      %swap3A_1731 = arith.constant 16 : index
      %swap3A_1732 = tpu.vector_load %arg13[%swap3A_1730, %swap3A_1731] {strides = array<i32>} : memref<80x64xf32, #tpu.memory_space<vmem>>, vector<1x16xf32>,
      %swap3A_1733 = vector.shape_cast %swap3A_1732 : vector<1x16xf32> to vector<16xf32>
      %swap3A_1734 = vector.shape_cast %mul3A_1728 : vector<16xf32> to vector<1x16xf32>
      tpu.vector_store %arg13[%swap3A_1730, %swap3A_1731], %swap3A_1734 {strides = array<i32>} : memref<80x64xf32, #tpu.memory_space<vmem>>, vector<1x16xf32>,
      %get3A_1735 = arith.constant 31 : i32
      %get3A_1736 = arith.index_cast %get3A_1735 : i32 to index
      %get3A_1737 = arith.constant 32 : index
      %get3A_1738 = tpu.vector_load %arg13[%get3A_1736, %get3A_1737] {strides = array<i32>} : memref<80x64xf32, #tpu.memory_space<vmem>>, vector<1x16xf32>,
      %get3A_1739 = vector.shape_cast %get3A_1738 : vector<1x16xf32> to vector<16xf32>
      %mul3A_1740 = vector.broadcast %squeeze3A_1708 : f32 to vector<16xf32>
      %mul3A_1741 = arith.mulf %get3A_1739, %mul3A_1740 : vector<16xf32>
      %swap3A_1742 = arith.constant 31 : i32
      %swap3A_1743 = arith.index_cast %swap3A_1742 : i32 to index
      %swap3A_1744 = arith.constant 32 : index
      %swap3A_1745 = tpu.vector_load %arg13[%swap3A_1743, %swap3A_1744] {strides = array<i32>} : memref<80x64xf32, #tpu.memory_space<vmem>>, vector<1x16xf32>,
      %swap3A_1746 = vector.shape_cast %swap3A_1745 : vector<1x16xf32> to vector<16xf32>
      %swap3A_1747 = vector.shape_cast %mul3A_1741 : vector<16xf32> to vector<1x16xf32>
      tpu.vector_store %arg13[%swap3A_1743, %swap3A_1744], %swap3A_1747 {strides = array<i32>} : memref<80x64xf32, #tpu.memory_space<vmem>>, vector<1x16xf32>,
      %get3A_1748 = arith.constant 31 : i32
      %get3A_1749 = arith.index_cast %get3A_1748 : i32 to index
      %get3A_1750 = arith.constant 48 : index
      %get3A_1751 = tpu.vector_load %arg13[%get3A_1749, %get3A_1750] {strides = array<i32>} : memref<80x64xf32, #tpu.memory_space<vmem>>, vector<1x16xf32>,
      %get3A_1752 = vector.shape_cast %get3A_1751 : vector<1x16xf32> to vector<16xf32>
      %mul3A_1753 = vector.broadcast %squeeze3A_1708 : f32 to vector<16xf32>
      %mul3A_1754 = arith.mulf %get3A_1752, %mul3A_1753 : vector<16xf32>
      %swap3A_1755 = arith.constant 31 : i32
      %swap3A_1756 = arith.index_cast %swap3A_1755 : i32 to index
      %swap3A_1757 = arith.constant 48 : index
      %swap3A_1758 = tpu.vector_load %arg13[%swap3A_1756, %swap3A_1757] {strides = array<i32>} : memref<80x64xf32, #tpu.memory_space<vmem>>, vector<1x16xf32>,
      %swap3A_1759 = vector.shape_cast %swap3A_1758 : vector<1x16xf32> to vector<16xf32>
      %swap3A_1760 = vector.shape_cast %mul3A_1754 : vector<16xf32> to vector<1x16xf32>
      tpu.vector_store %arg13[%swap3A_1756, %swap3A_1757], %swap3A_1760 {strides = array<i32>} : memref<80x64xf32, #tpu.memory_space<vmem>>, vector<1x16xf32>,
      %get3A_1761 = arith.constant 32 : index
      %get3A_1762 = tpu.vector_load %arg12[%get3A_1761] {strides = array<i32>} : memref<80xf32, #tpu.memory_space<vmem>>, vector<16xf32>,
      %get3A_1763 = vector.shape_cast %get3A_1762 : vector<16xf32> to vector<16xf32>
      %slice3A_1764 = vector.extract_strided_slice %get3A_1763 {offsets = [0], sizes = [1], strides = [1]} : vector<16xf32> to vector<1xf32>
      %squeeze3A_1765 = vector.extract %slice3A_1764[0] : f32 from vector<1xf32>
      %get3A_1766 = arith.constant 32 : i32
      %get3A_1767 = arith.index_cast %get3A_1766 : i32 to index
      %get3A_1768 = arith.constant 0 : index
      %get3A_1769 = tpu.vector_load %arg13[%get3A_1767, %get3A_1768] {strides = array<i32>} : memref<80x64xf32, #tpu.memory_space<vmem>>, vector<1x16xf32>,
      %get3A_1770 = vector.shape_cast %get3A_1769 : vector<1x16xf32> to vector<16xf32>
      %mul3A_1771 = vector.broadcast %squeeze3A_1765 : f32 to vector<16xf32>
      %mul3A_1772 = arith.mulf %get3A_1770, %mul3A_1771 : vector<16xf32>
      %swap3A_1773 = arith.constant 32 : i32
      %swap3A_1774 = arith.index_cast %swap3A_1773 : i32 to index
      %swap3A_1775 = arith.constant 0 : index
      %swap3A_1776 = tpu.vector_load %arg13[%swap3A_1774, %swap3A_1775] {strides = array<i32>} : memref<80x64xf32, #tpu.memory_space<vmem>>, vector<1x16xf32>,
      %swap3A_1777 = vector.shape_cast %swap3A_1776 : vector<1x16xf32> to vector<16xf32>
      %swap3A_1778 = vector.shape_cast %mul3A_1772 : vector<16xf32> to vector<1x16xf32>
      tpu.vector_store %arg13[%swap3A_1774, %swap3A_1775], %swap3A_1778 {strides = array<i32>} : memref<80x64xf32, #tpu.memory_space<vmem>>, vector<1x16xf32>,
      %get3A_1779 = arith.constant 32 : i32
      %get3A_1780 = arith.index_cast %get3A_1779 : i32 to index
      %get3A_1781 = arith.constant 16 : index
      %get3A_1782 = tpu.vector_load %arg13[%get3A_1780, %get3A_1781] {strides = array<i32>} : memref<80x64xf32, #tpu.memory_space<vmem>>, vector<1x16xf32>,
      %get3A_1783 = vector.shape_cast %get3A_1782 : vector<1x16xf32> to vector<16xf32>
      %mul3A_1784 = vector.broadcast %squeeze3A_1765 : f32 to vector<16xf32>
      %mul3A_1785 = arith.mulf %get3A_1783, %mul3A_1784 : vector<16xf32>
      %swap3A_1786 = arith.constant 32 : i32
      %swap3A_1787 = arith.index_cast %swap3A_1786 : i32 to index
      %swap3A_1788 = arith.constant 16 : index
      %swap3A_1789 = tpu.vector_load %arg13[%swap3A_1787, %swap3A_1788] {strides = array<i32>} : memref<80x64xf32, #tpu.memory_space<vmem>>, vector<1x16xf32>,
      %swap3A_1790 = vector.shape_cast %swap3A_1789 : vector<1x16xf32> to vector<16xf32>
      %swap3A_1791 = vector.shape_cast %mul3A_1785 : vector<16xf32> to vector<1x16xf32>
      tpu.vector_store %arg13[%swap3A_1787, %swap3A_1788], %swap3A_1791 {strides = array<i32>} : memref<80x64xf32, #tpu.memory_space<vmem>>, vector<1x16xf32>,
      %get3A_1792 = arith.constant 32 : i32
      %get3A_1793 = arith.index_cast %get3A_1792 : i32 to index
      %get3A_1794 = arith.constant 32 : index
      %get3A_1795 = tpu.vector_load %arg13[%get3A_1793, %get3A_1794] {strides = array<i32>} : memref<80x64xf32, #tpu.memory_space<vmem>>, vector<1x16xf32>,
      %get3A_1796 = vector.shape_cast %get3A_1795 : vector<1x16xf32> to vector<16xf32>
      %mul3A_1797 = vector.broadcast %squeeze3A_1765 : f32 to vector<16xf32>
      %mul3A_1798 = arith.mulf %get3A_1796, %mul3A_1797 : vector<16xf32>
      %swap3A_1799 = arith.constant 32 : i32
      %swap3A_1800 = arith.index_cast %swap3A_1799 : i32 to index
      %swap3A_1801 = arith.constant 32 : index
      %swap3A_1802 = tpu.vector_load %arg13[%swap3A_1800, %swap3A_1801] {strides = array<i32>} : memref<80x64xf32, #tpu.memory_space<vmem>>, vector<1x16xf32>,
      %swap3A_1803 = vector.shape_cast %swap3A_1802 : vector<1x16xf32> to vector<16xf32>
      %swap3A_1804 = vector.shape_cast %mul3A_1798 : vector<16xf32> to vector<1x16xf32>
      tpu.vector_store %arg13[%swap3A_1800, %swap3A_1801], %swap3A_1804 {strides = array<i32>} : memref<80x64xf32, #tpu.memory_space<vmem>>, vector<1x16xf32>,
      %get3A_1805 = arith.constant 32 : i32
      %get3A_1806 = arith.index_cast %get3A_1805 : i32 to index
      %get3A_1807 = arith.constant 48 : index
      %get3A_1808 = tpu.vector_load %arg13[%get3A_1806, %get3A_1807] {strides = array<i32>} : memref<80x64xf32, #tpu.memory_space<vmem>>, vector<1x16xf32>,
      %get3A_1809 = vector.shape_cast %get3A_1808 : vector<1x16xf32> to vector<16xf32>
      %mul3A_1810 = vector.broadcast %squeeze3A_1765 : f32 to vector<16xf32>
      %mul3A_1811 = arith.mulf %get3A_1809, %mul3A_1810 : vector<16xf32>
      %swap3A_1812 = arith.constant 32 : i32
      %swap3A_1813 = arith.index_cast %swap3A_1812 : i32 to index
      %swap3A_1814 = arith.constant 48 : index
      %swap3A_1815 = tpu.vector_load %arg13[%swap3A_1813, %swap3A_1814] {strides = array<i32>} : memref<80x64xf32, #tpu.memory_space<vmem>>, vector<1x16xf32>,
      %swap3A_1816 = vector.shape_cast %swap3A_1815 : vector<1x16xf32> to vector<16xf32>
      %swap3A_1817 = vector.shape_cast %mul3A_1811 : vector<16xf32> to vector<1x16xf32>
      tpu.vector_store %arg13[%swap3A_1813, %swap3A_1814], %swap3A_1817 {strides = array<i32>} : memref<80x64xf32, #tpu.memory_space<vmem>>, vector<1x16xf32>,
      %slice3A_1818 = vector.extract_strided_slice %get3A_1763 {offsets = [1], sizes = [1], strides = [1]} : vector<16xf32> to vector<1xf32>
      %squeeze3A_1819 = vector.extract %slice3A_1818[0] : f32 from vector<1xf32>
      %get3A_1820 = arith.constant 33 : i32
      %get3A_1821 = arith.index_cast %get3A_1820 : i32 to index
      %get3A_1822 = arith.constant 0 : index
      %get3A_1823 = tpu.vector_load %arg13[%get3A_1821, %get3A_1822] {strides = array<i32>} : memref<80x64xf32, #tpu.memory_space<vmem>>, vector<1x16xf32>,
      %get3A_1824 = vector.shape_cast %get3A_1823 : vector<1x16xf32> to vector<16xf32>
      %mul3A_1825 = vector.broadcast %squeeze3A_1819 : f32 to vector<16xf32>
      %mul3A_1826 = arith.mulf %get3A_1824, %mul3A_1825 : vector<16xf32>
      %swap3A_1827 = arith.constant 33 : i32
      %swap3A_1828 = arith.index_cast %swap3A_1827 : i32 to index
      %swap3A_1829 = arith.constant 0 : index
      %swap3A_1830 = tpu.vector_load %arg13[%swap3A_1828, %swap3A_1829] {strides = array<i32>} : memref<80x64xf32, #tpu.memory_space<vmem>>, vector<1x16xf32>,
      %swap3A_1831 = vector.shape_cast %swap3A_1830 : vector<1x16xf32> to vector<16xf32>
      %swap3A_1832 = vector.shape_cast %mul3A_1826 : vector<16xf32> to vector<1x16xf32>
      tpu.vector_store %arg13[%swap3A_1828, %swap3A_1829], %swap3A_1832 {strides = array<i32>} : memref<80x64xf32, #tpu.memory_space<vmem>>, vector<1x16xf32>,
      %get3A_1833 = arith.constant 33 : i32
      %get3A_1834 = arith.index_cast %get3A_1833 : i32 to index
      %get3A_1835 = arith.constant 16 : index
      %get3A_1836 = tpu.vector_load %arg13[%get3A_1834, %get3A_1835] {strides = array<i32>} : memref<80x64xf32, #tpu.memory_space<vmem>>, vector<1x16xf32>,
      %get3A_1837 = vector.shape_cast %get3A_1836 : vector<1x16xf32> to vector<16xf32>
      %mul3A_1838 = vector.broadcast %squeeze3A_1819 : f32 to vector<16xf32>
      %mul3A_1839 = arith.mulf %get3A_1837, %mul3A_1838 : vector<16xf32>
      %swap3A_1840 = arith.constant 33 : i32
      %swap3A_1841 = arith.index_cast %swap3A_1840 : i32 to index
      %swap3A_1842 = arith.constant 16 : index
      %swap3A_1843 = tpu.vector_load %arg13[%swap3A_1841, %swap3A_1842] {strides = array<i32>} : memref<80x64xf32, #tpu.memory_space<vmem>>, vector<1x16xf32>,
      %swap3A_1844 = vector.shape_cast %swap3A_1843 : vector<1x16xf32> to vector<16xf32>
      %swap3A_1845 = vector.shape_cast %mul3A_1839 : vector<16xf32> to vector<1x16xf32>
      tpu.vector_store %arg13[%swap3A_1841, %swap3A_1842], %swap3A_1845 {strides = array<i32>} : memref<80x64xf32, #tpu.memory_space<vmem>>, vector<1x16xf32>,
      %get3A_1846 = arith.constant 33 : i32
      %get3A_1847 = arith.index_cast %get3A_1846 : i32 to index
      %get3A_1848 = arith.constant 32 : index
      %get3A_1849 = tpu.vector_load %arg13[%get3A_1847, %get3A_1848] {strides = array<i32>} : memref<80x64xf32, #tpu.memory_space<vmem>>, vector<1x16xf32>,
      %get3A_1850 = vector.shape_cast %get3A_1849 : vector<1x16xf32> to vector<16xf32>
      %mul3A_1851 = vector.broadcast %squeeze3A_1819 : f32 to vector<16xf32>
      %mul3A_1852 = arith.mulf %get3A_1850, %mul3A_1851 : vector<16xf32>
      %swap3A_1853 = arith.constant 33 : i32
      %swap3A_1854 = arith.index_cast %swap3A_1853 : i32 to index
      %swap3A_1855 = arith.constant 32 : index
      %swap3A_1856 = tpu.vector_load %arg13[%swap3A_1854, %swap3A_1855] {strides = array<i32>} : memref<80x64xf32, #tpu.memory_space<vmem>>, vector<1x16xf32>,
      %swap3A_1857 = vector.shape_cast %swap3A_1856 : vector<1x16xf32> to vector<16xf32>
      %swap3A_1858 = vector.shape_cast %mul3A_1852 : vector<16xf32> to vector<1x16xf32>
      tpu.vector_store %arg13[%swap3A_1854, %swap3A_1855], %swap3A_1858 {strides = array<i32>} : memref<80x64xf32, #tpu.memory_space<vmem>>, vector<1x16xf32>,
      %get3A_1859 = arith.constant 33 : i32
      %get3A_1860 = arith.index_cast %get3A_1859 : i32 to index
      %get3A_1861 = arith.constant 48 : index
      %get3A_1862 = tpu.vector_load %arg13[%get3A_1860, %get3A_1861] {strides = array<i32>} : memref<80x64xf32, #tpu.memory_space<vmem>>, vector<1x16xf32>,
      %get3A_1863 = vector.shape_cast %get3A_1862 : vector<1x16xf32> to vector<16xf32>
      %mul3A_1864 = vector.broadcast %squeeze3A_1819 : f32 to vector<16xf32>
      %mul3A_1865 = arith.mulf %get3A_1863, %mul3A_1864 : vector<16xf32>
      %swap3A_1866 = arith.constant 33 : i32
      %swap3A_1867 = arith.index_cast %swap3A_1866 : i32 to index
      %swap3A_1868 = arith.constant 48 : index
      %swap3A_1869 = tpu.vector_load %arg13[%swap3A_1867, %swap3A_1868] {strides = array<i32>} : memref<80x64xf32, #tpu.memory_space<vmem>>, vector<1x16xf32>,
      %swap3A_1870 = vector.shape_cast %swap3A_1869 : vector<1x16xf32> to vector<16xf32>
      %swap3A_1871 = vector.shape_cast %mul3A_1865 : vector<16xf32> to vector<1x16xf32>
      tpu.vector_store %arg13[%swap3A_1867, %swap3A_1868], %swap3A_1871 {strides = array<i32>} : memref<80x64xf32, #tpu.memory_space<vmem>>, vector<1x16xf32>,
      %slice3A_1872 = vector.extract_strided_slice %get3A_1763 {offsets = [2], sizes = [1], strides = [1]} : vector<16xf32> to vector<1xf32>
      %squeeze3A_1873 = vector.extract %slice3A_1872[0] : f32 from vector<1xf32>
      %get3A_1874 = arith.constant 34 : i32
      %get3A_1875 = arith.index_cast %get3A_1874 : i32 to index
      %get3A_1876 = arith.constant 0 : index
      %get3A_1877 = tpu.vector_load %arg13[%get3A_1875, %get3A_1876] {strides = array<i32>} : memref<80x64xf32, #tpu.memory_space<vmem>>, vector<1x16xf32>,
      %get3A_1878 = vector.shape_cast %get3A_1877 : vector<1x16xf32> to vector<16xf32>
      %mul3A_1879 = vector.broadcast %squeeze3A_1873 : f32 to vector<16xf32>
      %mul3A_1880 = arith.mulf %get3A_1878, %mul3A_1879 : vector<16xf32>
      %swap3A_1881 = arith.constant 34 : i32
      %swap3A_1882 = arith.index_cast %swap3A_1881 : i32 to index
      %swap3A_1883 = arith.constant 0 : index
      %swap3A_1884 = tpu.vector_load %arg13[%swap3A_1882, %swap3A_1883] {strides = array<i32>} : memref<80x64xf32, #tpu.memory_space<vmem>>, vector<1x16xf32>,
      %swap3A_1885 = vector.shape_cast %swap3A_1884 : vector<1x16xf32> to vector<16xf32>
      %swap3A_1886 = vector.shape_cast %mul3A_1880 : vector<16xf32> to vector<1x16xf32>
      tpu.vector_store %arg13[%swap3A_1882, %swap3A_1883], %swap3A_1886 {strides = array<i32>} : memref<80x64xf32, #tpu.memory_space<vmem>>, vector<1x16xf32>,
      %get3A_1887 = arith.constant 34 : i32
      %get3A_1888 = arith.index_cast %get3A_1887 : i32 to index
      %get3A_1889 = arith.constant 16 : index
      %get3A_1890 = tpu.vector_load %arg13[%get3A_1888, %get3A_1889] {strides = array<i32>} : memref<80x64xf32, #tpu.memory_space<vmem>>, vector<1x16xf32>,
      %get3A_1891 = vector.shape_cast %get3A_1890 : vector<1x16xf32> to vector<16xf32>
      %mul3A_1892 = vector.broadcast %squeeze3A_1873 : f32 to vector<16xf32>
      %mul3A_1893 = arith.mulf %get3A_1891, %mul3A_1892 : vector<16xf32>
      %swap3A_1894 = arith.constant 34 : i32
      %swap3A_1895 = arith.index_cast %swap3A_1894 : i32 to index
      %swap3A_1896 = arith.constant 16 : index
      %swap3A_1897 = tpu.vector_load %arg13[%swap3A_1895, %swap3A_1896] {strides = array<i32>} : memref<80x64xf32, #tpu.memory_space<vmem>>, vector<1x16xf32>,
      %swap3A_1898 = vector.shape_cast %swap3A_1897 : vector<1x16xf32> to vector<16xf32>
      %swap3A_1899 = vector.shape_cast %mul3A_1893 : vector<16xf32> to vector<1x16xf32>
      tpu.vector_store %arg13[%swap3A_1895, %swap3A_1896], %swap3A_1899 {strides = array<i32>} : memref<80x64xf32, #tpu.memory_space<vmem>>, vector<1x16xf32>,
      %get3A_1900 = arith.constant 34 : i32
      %get3A_1901 = arith.index_cast %get3A_1900 : i32 to index
      %get3A_1902 = arith.constant 32 : index
      %get3A_1903 = tpu.vector_load %arg13[%get3A_1901, %get3A_1902] {strides = array<i32>} : memref<80x64xf32, #tpu.memory_space<vmem>>, vector<1x16xf32>,
      %get3A_1904 = vector.shape_cast %get3A_1903 : vector<1x16xf32> to vector<16xf32>
      %mul3A_1905 = vector.broadcast %squeeze3A_1873 : f32 to vector<16xf32>
      %mul3A_1906 = arith.mulf %get3A_1904, %mul3A_1905 : vector<16xf32>
      %swap3A_1907 = arith.constant 34 : i32
      %swap3A_1908 = arith.index_cast %swap3A_1907 : i32 to index
      %swap3A_1909 = arith.constant 32 : index
      %swap3A_1910 = tpu.vector_load %arg13[%swap3A_1908, %swap3A_1909] {strides = array<i32>} : memref<80x64xf32, #tpu.memory_space<vmem>>, vector<1x16xf32>,
      %swap3A_1911 = vector.shape_cast %swap3A_1910 : vector<1x16xf32> to vector<16xf32>
      %swap3A_1912 = vector.shape_cast %mul3A_1906 : vector<16xf32> to vector<1x16xf32>
      tpu.vector_store %arg13[%swap3A_1908, %swap3A_1909], %swap3A_1912 {strides = array<i32>} : memref<80x64xf32, #tpu.memory_space<vmem>>, vector<1x16xf32>,
      %get3A_1913 = arith.constant 34 : i32
      %get3A_1914 = arith.index_cast %get3A_1913 : i32 to index
      %get3A_1915 = arith.constant 48 : index
      %get3A_1916 = tpu.vector_load %arg13[%get3A_1914, %get3A_1915] {strides = array<i32>} : memref<80x64xf32, #tpu.memory_space<vmem>>, vector<1x16xf32>,
      %get3A_1917 = vector.shape_cast %get3A_1916 : vector<1x16xf32> to vector<16xf32>
      %mul3A_1918 = vector.broadcast %squeeze3A_1873 : f32 to vector<16xf32>
      %mul3A_1919 = arith.mulf %get3A_1917, %mul3A_1918 : vector<16xf32>
      %swap3A_1920 = arith.constant 34 : i32
      %swap3A_1921 = arith.index_cast %swap3A_1920 : i32 to index
      %swap3A_1922 = arith.constant 48 : index
      %swap3A_1923 = tpu.vector_load %arg13[%swap3A_1921, %swap3A_1922] {strides = array<i32>} : memref<80x64xf32, #tpu.memory_space<vmem>>, vector<1x16xf32>,
      %swap3A_1924 = vector.shape_cast %swap3A_1923 : vector<1x16xf32> to vector<16xf32>
      %swap3A_1925 = vector.shape_cast %mul3A_1919 : vector<16xf32> to vector<1x16xf32>
      tpu.vector_store %arg13[%swap3A_1921, %swap3A_1922], %swap3A_1925 {strides = array<i32>} : memref<80x64xf32, #tpu.memory_space<vmem>>, vector<1x16xf32>,
      %slice3A_1926 = vector.extract_strided_slice %get3A_1763 {offsets = [3], sizes = [1], strides = [1]} : vector<16xf32> to vector<1xf32>
      %squeeze3A_1927 = vector.extract %slice3A_1926[0] : f32 from vector<1xf32>
      %get3A_1928 = arith.constant 35 : i32
      %get3A_1929 = arith.index_cast %get3A_1928 : i32 to index
      %get3A_1930 = arith.constant 0 : index
      %get3A_1931 = tpu.vector_load %arg13[%get3A_1929, %get3A_1930] {strides = array<i32>} : memref<80x64xf32, #tpu.memory_space<vmem>>, vector<1x16xf32>,
      %get3A_1932 = vector.shape_cast %get3A_1931 : vector<1x16xf32> to vector<16xf32>
      %mul3A_1933 = vector.broadcast %squeeze3A_1927 : f32 to vector<16xf32>
      %mul3A_1934 = arith.mulf %get3A_1932, %mul3A_1933 : vector<16xf32>
      %swap3A_1935 = arith.constant 35 : i32
      %swap3A_1936 = arith.index_cast %swap3A_1935 : i32 to index
      %swap3A_1937 = arith.constant 0 : index
      %swap3A_1938 = tpu.vector_load %arg13[%swap3A_1936, %swap3A_1937] {strides = array<i32>} : memref<80x64xf32, #tpu.memory_space<vmem>>, vector<1x16xf32>,
      %swap3A_1939 = vector.shape_cast %swap3A_1938 : vector<1x16xf32> to vector<16xf32>
      %swap3A_1940 = vector.shape_cast %mul3A_1934 : vector<16xf32> to vector<1x16xf32>
      tpu.vector_store %arg13[%swap3A_1936, %swap3A_1937], %swap3A_1940 {strides = array<i32>} : memref<80x64xf32, #tpu.memory_space<vmem>>, vector<1x16xf32>,
      %get3A_1941 = arith.constant 35 : i32
      %get3A_1942 = arith.index_cast %get3A_1941 : i32 to index
      %get3A_1943 = arith.constant 16 : index
      %get3A_1944 = tpu.vector_load %arg13[%get3A_1942, %get3A_1943] {strides = array<i32>} : memref<80x64xf32, #tpu.memory_space<vmem>>, vector<1x16xf32>,
      %get3A_1945 = vector.shape_cast %get3A_1944 : vector<1x16xf32> to vector<16xf32>
      %mul3A_1946 = vector.broadcast %squeeze3A_1927 : f32 to vector<16xf32>
      %mul3A_1947 = arith.mulf %get3A_1945, %mul3A_1946 : vector<16xf32>
      %swap3A_1948 = arith.constant 35 : i32
      %swap3A_1949 = arith.index_cast %swap3A_1948 : i32 to index
      %swap3A_1950 = arith.constant 16 : index
      %swap3A_1951 = tpu.vector_load %arg13[%swap3A_1949, %swap3A_1950] {strides = array<i32>} : memref<80x64xf32, #tpu.memory_space<vmem>>, vector<1x16xf32>,
      %swap3A_1952 = vector.shape_cast %swap3A_1951 : vector<1x16xf32> to vector<16xf32>
      %swap3A_1953 = vector.shape_cast %mul3A_1947 : vector<16xf32> to vector<1x16xf32>
      tpu.vector_store %arg13[%swap3A_1949, %swap3A_1950], %swap3A_1953 {strides = array<i32>} : memref<80x64xf32, #tpu.memory_space<vmem>>, vector<1x16xf32>,
      %get3A_1954 = arith.constant 35 : i32
      %get3A_1955 = arith.index_cast %get3A_1954 : i32 to index
      %get3A_1956 = arith.constant 32 : index
      %get3A_1957 = tpu.vector_load %arg13[%get3A_1955, %get3A_1956] {strides = array<i32>} : memref<80x64xf32, #tpu.memory_space<vmem>>, vector<1x16xf32>,
      %get3A_1958 = vector.shape_cast %get3A_1957 : vector<1x16xf32> to vector<16xf32>
      %mul3A_1959 = vector.broadcast %squeeze3A_1927 : f32 to vector<16xf32>
      %mul3A_1960 = arith.mulf %get3A_1958, %mul3A_1959 : vector<16xf32>
      %swap3A_1961 = arith.constant 35 : i32
      %swap3A_1962 = arith.index_cast %swap3A_1961 : i32 to index
      %swap3A_1963 = arith.constant 32 : index
      %swap3A_1964 = tpu.vector_load %arg13[%swap3A_1962, %swap3A_1963] {strides = array<i32>} : memref<80x64xf32, #tpu.memory_space<vmem>>, vector<1x16xf32>,
      %swap3A_1965 = vector.shape_cast %swap3A_1964 : vector<1x16xf32> to vector<16xf32>
      %swap3A_1966 = vector.shape_cast %mul3A_1960 : vector<16xf32> to vector<1x16xf32>
      tpu.vector_store %arg13[%swap3A_1962, %swap3A_1963], %swap3A_1966 {strides = array<i32>} : memref<80x64xf32, #tpu.memory_space<vmem>>, vector<1x16xf32>,
      %get3A_1967 = arith.constant 35 : i32
      %get3A_1968 = arith.index_cast %get3A_1967 : i32 to index
      %get3A_1969 = arith.constant 48 : index
      %get3A_1970 = tpu.vector_load %arg13[%get3A_1968, %get3A_1969] {strides = array<i32>} : memref<80x64xf32, #tpu.memory_space<vmem>>, vector<1x16xf32>,
      %get3A_1971 = vector.shape_cast %get3A_1970 : vector<1x16xf32> to vector<16xf32>
      %mul3A_1972 = vector.broadcast %squeeze3A_1927 : f32 to vector<16xf32>
      %mul3A_1973 = arith.mulf %get3A_1971, %mul3A_1972 : vector<16xf32>
      %swap3A_1974 = arith.constant 35 : i32
      %swap3A_1975 = arith.index_cast %swap3A_1974 : i32 to index
      %swap3A_1976 = arith.constant 48 : index
      %swap3A_1977 = tpu.vector_load %arg13[%swap3A_1975, %swap3A_1976] {strides = array<i32>} : memref<80x64xf32, #tpu.memory_space<vmem>>, vector<1x16xf32>,
      %swap3A_1978 = vector.shape_cast %swap3A_1977 : vector<1x16xf32> to vector<16xf32>
      %swap3A_1979 = vector.shape_cast %mul3A_1973 : vector<16xf32> to vector<1x16xf32>
      tpu.vector_store %arg13[%swap3A_1975, %swap3A_1976], %swap3A_1979 {strides = array<i32>} : memref<80x64xf32, #tpu.memory_space<vmem>>, vector<1x16xf32>,
      %slice3A_1980 = vector.extract_strided_slice %get3A_1763 {offsets = [4], sizes = [1], strides = [1]} : vector<16xf32> to vector<1xf32>
      %squeeze3A_1981 = vector.extract %slice3A_1980[0] : f32 from vector<1xf32>
      %get3A_1982 = arith.constant 36 : i32
      %get3A_1983 = arith.index_cast %get3A_1982 : i32 to index
      %get3A_1984 = arith.constant 0 : index
      %get3A_1985 = tpu.vector_load %arg13[%get3A_1983, %get3A_1984] {strides = array<i32>} : memref<80x64xf32, #tpu.memory_space<vmem>>, vector<1x16xf32>,
      %get3A_1986 = vector.shape_cast %get3A_1985 : vector<1x16xf32> to vector<16xf32>
      %mul3A_1987 = vector.broadcast %squeeze3A_1981 : f32 to vector<16xf32>
      %mul3A_1988 = arith.mulf %get3A_1986, %mul3A_1987 : vector<16xf32>
      %swap3A_1989 = arith.constant 36 : i32
      %swap3A_1990 = arith.index_cast %swap3A_1989 : i32 to index
      %swap3A_1991 = arith.constant 0 : index
      %swap3A_1992 = tpu.vector_load %arg13[%swap3A_1990, %swap3A_1991] {strides = array<i32>} : memref<80x64xf32, #tpu.memory_space<vmem>>, vector<1x16xf32>,
      %swap3A_1993 = vector.shape_cast %swap3A_1992 : vector<1x16xf32> to vector<16xf32>
      %swap3A_1994 = vector.shape_cast %mul3A_1988 : vector<16xf32> to vector<1x16xf32>
      tpu.vector_store %arg13[%swap3A_1990, %swap3A_1991], %swap3A_1994 {strides = array<i32>} : memref<80x64xf32, #tpu.memory_space<vmem>>, vector<1x16xf32>,
      %get3A_1995 = arith.constant 36 : i32
      %get3A_1996 = arith.index_cast %get3A_1995 : i32 to index
      %get3A_1997 = arith.constant 16 : index
      %get3A_1998 = tpu.vector_load %arg13[%get3A_1996, %get3A_1997] {strides = array<i32>} : memref<80x64xf32, #tpu.memory_space<vmem>>, vector<1x16xf32>,
      %get3A_1999 = vector.shape_cast %get3A_1998 : vector<1x16xf32> to vector<16xf32>
      %mul3A_2000 = vector.broadcast %squeeze3A_1981 : f32 to vector<16xf32>
      %mul3A_2001 = arith.mulf %get3A_1999, %mul3A_2000 : vector<16xf32>
      %swap3A_2002 = arith.constant 36 : i32
      %swap3A_2003 = arith.index_cast %swap3A_2002 : i32 to index
      %swap3A_2004 = arith.constant 16 : index
      %swap3A_2005 = tpu.vector_load %arg13[%swap3A_2003, %swap3A_2004] {strides = array<i32>} : memref<80x64xf32, #tpu.memory_space<vmem>>, vector<1x16xf32>,
      %swap3A_2006 = vector.shape_cast %swap3A_2005 : vector<1x16xf32> to vector<16xf32>
      %swap3A_2007 = vector.shape_cast %mul3A_2001 : vector<16xf32> to vector<1x16xf32>
      tpu.vector_store %arg13[%swap3A_2003, %swap3A_2004], %swap3A_2007 {strides = array<i32>} : memref<80x64xf32, #tpu.memory_space<vmem>>, vector<1x16xf32>,
      %get3A_2008 = arith.constant 36 : i32
      %get3A_2009 = arith.index_cast %get3A_2008 : i32 to index
      %get3A_2010 = arith.constant 32 : index
      %get3A_2011 = tpu.vector_load %arg13[%get3A_2009, %get3A_2010] {strides = array<i32>} : memref<80x64xf32, #tpu.memory_space<vmem>>, vector<1x16xf32>,
      %get3A_2012 = vector.shape_cast %get3A_2011 : vector<1x16xf32> to vector<16xf32>
      %mul3A_2013 = vector.broadcast %squeeze3A_1981 : f32 to vector<16xf32>
      %mul3A_2014 = arith.mulf %get3A_2012, %mul3A_2013 : vector<16xf32>
      %swap3A_2015 = arith.constant 36 : i32
      %swap3A_2016 = arith.index_cast %swap3A_2015 : i32 to index
      %swap3A_2017 = arith.constant 32 : index
      %swap3A_2018 = tpu.vector_load %arg13[%swap3A_2016, %swap3A_2017] {strides = array<i32>} : memref<80x64xf32, #tpu.memory_space<vmem>>, vector<1x16xf32>,
      %swap3A_2019 = vector.shape_cast %swap3A_2018 : vector<1x16xf32> to vector<16xf32>
      %swap3A_2020 = vector.shape_cast %mul3A_2014 : vector<16xf32> to vector<1x16xf32>
      tpu.vector_store %arg13[%swap3A_2016, %swap3A_2017], %swap3A_2020 {strides = array<i32>} : memref<80x64xf32, #tpu.memory_space<vmem>>, vector<1x16xf32>,
      %get3A_2021 = arith.constant 36 : i32
      %get3A_2022 = arith.index_cast %get3A_2021 : i32 to index
      %get3A_2023 = arith.constant 48 : index
      %get3A_2024 = tpu.vector_load %arg13[%get3A_2022, %get3A_2023] {strides = array<i32>} : memref<80x64xf32, #tpu.memory_space<vmem>>, vector<1x16xf32>,
      %get3A_2025 = vector.shape_cast %get3A_2024 : vector<1x16xf32> to vector<16xf32>
      %mul3A_2026 = vector.broadcast %squeeze3A_1981 : f32 to vector<16xf32>
      %mul3A_2027 = arith.mulf %get3A_2025, %mul3A_2026 : vector<16xf32>
      %swap3A_2028 = arith.constant 36 : i32
      %swap3A_2029 = arith.index_cast %swap3A_2028 : i32 to index
      %swap3A_2030 = arith.constant 48 : index
      %swap3A_2031 = tpu.vector_load %arg13[%swap3A_2029, %swap3A_2030] {strides = array<i32>} : memref<80x64xf32, #tpu.memory_space<vmem>>, vector<1x16xf32>,
      %swap3A_2032 = vector.shape_cast %swap3A_2031 : vector<1x16xf32> to vector<16xf32>
      %swap3A_2033 = vector.shape_cast %mul3A_2027 : vector<16xf32> to vector<1x16xf32>
      tpu.vector_store %arg13[%swap3A_2029, %swap3A_2030], %swap3A_2033 {strides = array<i32>} : memref<80x64xf32, #tpu.memory_space<vmem>>, vector<1x16xf32>,
      %slice3A_2034 = vector.extract_strided_slice %get3A_1763 {offsets = [5], sizes = [1], strides = [1]} : vector<16xf32> to vector<1xf32>
      %squeeze3A_2035 = vector.extract %slice3A_2034[0] : f32 from vector<1xf32>
      %get3A_2036 = arith.constant 37 : i32
      %get3A_2037 = arith.index_cast %get3A_2036 : i32 to index
      %get3A_2038 = arith.constant 0 : index
      %get3A_2039 = tpu.vector_load %arg13[%get3A_2037, %get3A_2038] {strides = array<i32>} : memref<80x64xf32, #tpu.memory_space<vmem>>, vector<1x16xf32>,
      %get3A_2040 = vector.shape_cast %get3A_2039 : vector<1x16xf32> to vector<16xf32>
      %mul3A_2041 = vector.broadcast %squeeze3A_2035 : f32 to vector<16xf32>
      %mul3A_2042 = arith.mulf %get3A_2040, %mul3A_2041 : vector<16xf32>
      %swap3A_2043 = arith.constant 37 : i32
      %swap3A_2044 = arith.index_cast %swap3A_2043 : i32 to index
      %swap3A_2045 = arith.constant 0 : index
      %swap3A_2046 = tpu.vector_load %arg13[%swap3A_2044, %swap3A_2045] {strides = array<i32>} : memref<80x64xf32, #tpu.memory_space<vmem>>, vector<1x16xf32>,
      %swap3A_2047 = vector.shape_cast %swap3A_2046 : vector<1x16xf32> to vector<16xf32>
      %swap3A_2048 = vector.shape_cast %mul3A_2042 : vector<16xf32> to vector<1x16xf32>
      tpu.vector_store %arg13[%swap3A_2044, %swap3A_2045], %swap3A_2048 {strides = array<i32>} : memref<80x64xf32, #tpu.memory_space<vmem>>, vector<1x16xf32>,
      %get3A_2049 = arith.constant 37 : i32
      %get3A_2050 = arith.index_cast %get3A_2049 : i32 to index
      %get3A_2051 = arith.constant 16 : index
      %get3A_2052 = tpu.vector_load %arg13[%get3A_2050, %get3A_2051] {strides = array<i32>} : memref<80x64xf32, #tpu.memory_space<vmem>>, vector<1x16xf32>,
      %get3A_2053 = vector.shape_cast %get3A_2052 : vector<1x16xf32> to vector<16xf32>
      %mul3A_2054 = vector.broadcast %squeeze3A_2035 : f32 to vector<16xf32>
      %mul3A_2055 = arith.mulf %get3A_2053, %mul3A_2054 : vector<16xf32>
      %swap3A_2056 = arith.constant 37 : i32
      %swap3A_2057 = arith.index_cast %swap3A_2056 : i32 to index
      %swap3A_2058 = arith.constant 16 : index
      %swap3A_2059 = tpu.vector_load %arg13[%swap3A_2057, %swap3A_2058] {strides = array<i32>} : memref<80x64xf32, #tpu.memory_space<vmem>>, vector<1x16xf32>,
      %swap3A_2060 = vector.shape_cast %swap3A_2059 : vector<1x16xf32> to vector<16xf32>
      %swap3A_2061 = vector.shape_cast %mul3A_2055 : vector<16xf32> to vector<1x16xf32>
      tpu.vector_store %arg13[%swap3A_2057, %swap3A_2058], %swap3A_2061 {strides = array<i32>} : memref<80x64xf32, #tpu.memory_space<vmem>>, vector<1x16xf32>,
      %get3A_2062 = arith.constant 37 : i32
      %get3A_2063 = arith.index_cast %get3A_2062 : i32 to index
      %get3A_2064 = arith.constant 32 : index
      %get3A_2065 = tpu.vector_load %arg13[%get3A_2063, %get3A_2064] {strides = array<i32>} : memref<80x64xf32, #tpu.memory_space<vmem>>, vector<1x16xf32>,
      %get3A_2066 = vector.shape_cast %get3A_2065 : vector<1x16xf32> to vector<16xf32>
      %mul3A_2067 = vector.broadcast %squeeze3A_2035 : f32 to vector<16xf32>
      %mul3A_2068 = arith.mulf %get3A_2066, %mul3A_2067 : vector<16xf32>
      %swap3A_2069 = arith.constant 37 : i32
      %swap3A_2070 = arith.index_cast %swap3A_2069 : i32 to index
      %swap3A_2071 = arith.constant 32 : index
      %swap3A_2072 = tpu.vector_load %arg13[%swap3A_2070, %swap3A_2071] {strides = array<i32>} : memref<80x64xf32, #tpu.memory_space<vmem>>, vector<1x16xf32>,
      %swap3A_2073 = vector.shape_cast %swap3A_2072 : vector<1x16xf32> to vector<16xf32>
      %swap3A_2074 = vector.shape_cast %mul3A_2068 : vector<16xf32> to vector<1x16xf32>
      tpu.vector_store %arg13[%swap3A_2070, %swap3A_2071], %swap3A_2074 {strides = array<i32>} : memref<80x64xf32, #tpu.memory_space<vmem>>, vector<1x16xf32>,
      %get3A_2075 = arith.constant 37 : i32
      %get3A_2076 = arith.index_cast %get3A_2075 : i32 to index
      %get3A_2077 = arith.constant 48 : index
      %get3A_2078 = tpu.vector_load %arg13[%get3A_2076, %get3A_2077] {strides = array<i32>} : memref<80x64xf32, #tpu.memory_space<vmem>>, vector<1x16xf32>,
      %get3A_2079 = vector.shape_cast %get3A_2078 : vector<1x16xf32> to vector<16xf32>
      %mul3A_2080 = vector.broadcast %squeeze3A_2035 : f32 to vector<16xf32>
      %mul3A_2081 = arith.mulf %get3A_2079, %mul3A_2080 : vector<16xf32>
      %swap3A_2082 = arith.constant 37 : i32
      %swap3A_2083 = arith.index_cast %swap3A_2082 : i32 to index
      %swap3A_2084 = arith.constant 48 : index
      %swap3A_2085 = tpu.vector_load %arg13[%swap3A_2083, %swap3A_2084] {strides = array<i32>} : memref<80x64xf32, #tpu.memory_space<vmem>>, vector<1x16xf32>,
      %swap3A_2086 = vector.shape_cast %swap3A_2085 : vector<1x16xf32> to vector<16xf32>
      %swap3A_2087 = vector.shape_cast %mul3A_2081 : vector<16xf32> to vector<1x16xf32>
      tpu.vector_store %arg13[%swap3A_2083, %swap3A_2084], %swap3A_2087 {strides = array<i32>} : memref<80x64xf32, #tpu.memory_space<vmem>>, vector<1x16xf32>,
      %slice3A_2088 = vector.extract_strided_slice %get3A_1763 {offsets = [6], sizes = [1], strides = [1]} : vector<16xf32> to vector<1xf32>
      %squeeze3A_2089 = vector.extract %slice3A_2088[0] : f32 from vector<1xf32>
      %get3A_2090 = arith.constant 38 : i32
      %get3A_2091 = arith.index_cast %get3A_2090 : i32 to index
      %get3A_2092 = arith.constant 0 : index
      %get3A_2093 = tpu.vector_load %arg13[%get3A_2091, %get3A_2092] {strides = array<i32>} : memref<80x64xf32, #tpu.memory_space<vmem>>, vector<1x16xf32>,
      %get3A_2094 = vector.shape_cast %get3A_2093 : vector<1x16xf32> to vector<16xf32>
      %mul3A_2095 = vector.broadcast %squeeze3A_2089 : f32 to vector<16xf32>
      %mul3A_2096 = arith.mulf %get3A_2094, %mul3A_2095 : vector<16xf32>
      %swap3A_2097 = arith.constant 38 : i32
      %swap3A_2098 = arith.index_cast %swap3A_2097 : i32 to index
      %swap3A_2099 = arith.constant 0 : index
      %swap3A_2100 = tpu.vector_load %arg13[%swap3A_2098, %swap3A_2099] {strides = array<i32>} : memref<80x64xf32, #tpu.memory_space<vmem>>, vector<1x16xf32>,
      %swap3A_2101 = vector.shape_cast %swap3A_2100 : vector<1x16xf32> to vector<16xf32>
      %swap3A_2102 = vector.shape_cast %mul3A_2096 : vector<16xf32> to vector<1x16xf32>
      tpu.vector_store %arg13[%swap3A_2098, %swap3A_2099], %swap3A_2102 {strides = array<i32>} : memref<80x64xf32, #tpu.memory_space<vmem>>, vector<1x16xf32>,
      %get3A_2103 = arith.constant 38 : i32
      %get3A_2104 = arith.index_cast %get3A_2103 : i32 to index
      %get3A_2105 = arith.constant 16 : index
      %get3A_2106 = tpu.vector_load %arg13[%get3A_2104, %get3A_2105] {strides = array<i32>} : memref<80x64xf32, #tpu.memory_space<vmem>>, vector<1x16xf32>,
      %get3A_2107 = vector.shape_cast %get3A_2106 : vector<1x16xf32> to vector<16xf32>
      %mul3A_2108 = vector.broadcast %squeeze3A_2089 : f32 to vector<16xf32>
      %mul3A_2109 = arith.mulf %get3A_2107, %mul3A_2108 : vector<16xf32>
      %swap3A_2110 = arith.constant 38 : i32
      %swap3A_2111 = arith.index_cast %swap3A_2110 : i32 to index
      %swap3A_2112 = arith.constant 16 : index
      %swap3A_2113 = tpu.vector_load %arg13[%swap3A_2111, %swap3A_2112] {strides = array<i32>} : memref<80x64xf32, #tpu.memory_space<vmem>>, vector<1x16xf32>,
      %swap3A_2114 = vector.shape_cast %swap3A_2113 : vector<1x16xf32> to vector<16xf32>
      %swap3A_2115 = vector.shape_cast %mul3A_2109 : vector<16xf32> to vector<1x16xf32>
      tpu.vector_store %arg13[%swap3A_2111, %swap3A_2112], %swap3A_2115 {strides = array<i32>} : memref<80x64xf32, #tpu.memory_space<vmem>>, vector<1x16xf32>,
      %get3A_2116 = arith.constant 38 : i32
      %get3A_2117 = arith.index_cast %get3A_2116 : i32 to index
      %get3A_2118 = arith.constant 32 : index
      %get3A_2119 = tpu.vector_load %arg13[%get3A_2117, %get3A_2118] {strides = array<i32>} : memref<80x64xf32, #tpu.memory_space<vmem>>, vector<1x16xf32>,
      %get3A_2120 = vector.shape_cast %get3A_2119 : vector<1x16xf32> to vector<16xf32>
      %mul3A_2121 = vector.broadcast %squeeze3A_2089 : f32 to vector<16xf32>
      %mul3A_2122 = arith.mulf %get3A_2120, %mul3A_2121 : vector<16xf32>
      %swap3A_2123 = arith.constant 38 : i32
      %swap3A_2124 = arith.index_cast %swap3A_2123 : i32 to index
      %swap3A_2125 = arith.constant 32 : index
      %swap3A_2126 = tpu.vector_load %arg13[%swap3A_2124, %swap3A_2125] {strides = array<i32>} : memref<80x64xf32, #tpu.memory_space<vmem>>, vector<1x16xf32>,
      %swap3A_2127 = vector.shape_cast %swap3A_2126 : vector<1x16xf32> to vector<16xf32>
      %swap3A_2128 = vector.shape_cast %mul3A_2122 : vector<16xf32> to vector<1x16xf32>
      tpu.vector_store %arg13[%swap3A_2124, %swap3A_2125], %swap3A_2128 {strides = array<i32>} : memref<80x64xf32, #tpu.memory_space<vmem>>, vector<1x16xf32>,
      %get3A_2129 = arith.constant 38 : i32
      %get3A_2130 = arith.index_cast %get3A_2129 : i32 to index
      %get3A_2131 = arith.constant 48 : index
      %get3A_2132 = tpu.vector_load %arg13[%get3A_2130, %get3A_2131] {strides = array<i32>} : memref<80x64xf32, #tpu.memory_space<vmem>>, vector<1x16xf32>,
      %get3A_2133 = vector.shape_cast %get3A_2132 : vector<1x16xf32> to vector<16xf32>
      %mul3A_2134 = vector.broadcast %squeeze3A_2089 : f32 to vector<16xf32>
      %mul3A_2135 = arith.mulf %get3A_2133, %mul3A_2134 : vector<16xf32>
      %swap3A_2136 = arith.constant 38 : i32
      %swap3A_2137 = arith.index_cast %swap3A_2136 : i32 to index
      %swap3A_2138 = arith.constant 48 : index
      %swap3A_2139 = tpu.vector_load %arg13[%swap3A_2137, %swap3A_2138] {strides = array<i32>} : memref<80x64xf32, #tpu.memory_space<vmem>>, vector<1x16xf32>,
      %swap3A_2140 = vector.shape_cast %swap3A_2139 : vector<1x16xf32> to vector<16xf32>
      %swap3A_2141 = vector.shape_cast %mul3A_2135 : vector<16xf32> to vector<1x16xf32>
      tpu.vector_store %arg13[%swap3A_2137, %swap3A_2138], %swap3A_2141 {strides = array<i32>} : memref<80x64xf32, #tpu.memory_space<vmem>>, vector<1x16xf32>,
      %slice3A_2142 = vector.extract_strided_slice %get3A_1763 {offsets = [7], sizes = [1], strides = [1]} : vector<16xf32> to vector<1xf32>
      %squeeze3A_2143 = vector.extract %slice3A_2142[0] : f32 from vector<1xf32>
      %get3A_2144 = arith.constant 39 : i32
      %get3A_2145 = arith.index_cast %get3A_2144 : i32 to index
      %get3A_2146 = arith.constant 0 : index
      %get3A_2147 = tpu.vector_load %arg13[%get3A_2145, %get3A_2146] {strides = array<i32>} : memref<80x64xf32, #tpu.memory_space<vmem>>, vector<1x16xf32>,
      %get3A_2148 = vector.shape_cast %get3A_2147 : vector<1x16xf32> to vector<16xf32>
      %mul3A_2149 = vector.broadcast %squeeze3A_2143 : f32 to vector<16xf32>
      %mul3A_2150 = arith.mulf %get3A_2148, %mul3A_2149 : vector<16xf32>
      %swap3A_2151 = arith.constant 39 : i32
      %swap3A_2152 = arith.index_cast %swap3A_2151 : i32 to index
      %swap3A_2153 = arith.constant 0 : index
      %swap3A_2154 = tpu.vector_load %arg13[%swap3A_2152, %swap3A_2153] {strides = array<i32>} : memref<80x64xf32, #tpu.memory_space<vmem>>, vector<1x16xf32>,
      %swap3A_2155 = vector.shape_cast %swap3A_2154 : vector<1x16xf32> to vector<16xf32>
      %swap3A_2156 = vector.shape_cast %mul3A_2150 : vector<16xf32> to vector<1x16xf32>
      tpu.vector_store %arg13[%swap3A_2152, %swap3A_2153], %swap3A_2156 {strides = array<i32>} : memref<80x64xf32, #tpu.memory_space<vmem>>, vector<1x16xf32>,
      %get3A_2157 = arith.constant 39 : i32
      %get3A_2158 = arith.index_cast %get3A_2157 : i32 to index
      %get3A_2159 = arith.constant 16 : index
      %get3A_2160 = tpu.vector_load %arg13[%get3A_2158, %get3A_2159] {strides = array<i32>} : memref<80x64xf32, #tpu.memory_space<vmem>>, vector<1x16xf32>,
      %get3A_2161 = vector.shape_cast %get3A_2160 : vector<1x16xf32> to vector<16xf32>
      %mul3A_2162 = vector.broadcast %squeeze3A_2143 : f32 to vector<16xf32>
      %mul3A_2163 = arith.mulf %get3A_2161, %mul3A_2162 : vector<16xf32>
      %swap3A_2164 = arith.constant 39 : i32
      %swap3A_2165 = arith.index_cast %swap3A_2164 : i32 to index
      %swap3A_2166 = arith.constant 16 : index
      %swap3A_2167 = tpu.vector_load %arg13[%swap3A_2165, %swap3A_2166] {strides = array<i32>} : memref<80x64xf32, #tpu.memory_space<vmem>>, vector<1x16xf32>,
      %swap3A_2168 = vector.shape_cast %swap3A_2167 : vector<1x16xf32> to vector<16xf32>
      %swap3A_2169 = vector.shape_cast %mul3A_2163 : vector<16xf32> to vector<1x16xf32>
      tpu.vector_store %arg13[%swap3A_2165, %swap3A_2166], %swap3A_2169 {strides = array<i32>} : memref<80x64xf32, #tpu.memory_space<vmem>>, vector<1x16xf32>,
      %get3A_2170 = arith.constant 39 : i32
      %get3A_2171 = arith.index_cast %get3A_2170 : i32 to index
      %get3A_2172 = arith.constant 32 : index
      %get3A_2173 = tpu.vector_load %arg13[%get3A_2171, %get3A_2172] {strides = array<i32>} : memref<80x64xf32, #tpu.memory_space<vmem>>, vector<1x16xf32>,
      %get3A_2174 = vector.shape_cast %get3A_2173 : vector<1x16xf32> to vector<16xf32>
      %mul3A_2175 = vector.broadcast %squeeze3A_2143 : f32 to vector<16xf32>
      %mul3A_2176 = arith.mulf %get3A_2174, %mul3A_2175 : vector<16xf32>
      %swap3A_2177 = arith.constant 39 : i32
      %swap3A_2178 = arith.index_cast %swap3A_2177 : i32 to index
      %swap3A_2179 = arith.constant 32 : index
      %swap3A_2180 = tpu.vector_load %arg13[%swap3A_2178, %swap3A_2179] {strides = array<i32>} : memref<80x64xf32, #tpu.memory_space<vmem>>, vector<1x16xf32>,
      %swap3A_2181 = vector.shape_cast %swap3A_2180 : vector<1x16xf32> to vector<16xf32>
      %swap3A_2182 = vector.shape_cast %mul3A_2176 : vector<16xf32> to vector<1x16xf32>
      tpu.vector_store %arg13[%swap3A_2178, %swap3A_2179], %swap3A_2182 {strides = array<i32>} : memref<80x64xf32, #tpu.memory_space<vmem>>, vector<1x16xf32>,
      %get3A_2183 = arith.constant 39 : i32
      %get3A_2184 = arith.index_cast %get3A_2183 : i32 to index
      %get3A_2185 = arith.constant 48 : index
      %get3A_2186 = tpu.vector_load %arg13[%get3A_2184, %get3A_2185] {strides = array<i32>} : memref<80x64xf32, #tpu.memory_space<vmem>>, vector<1x16xf32>,
      %get3A_2187 = vector.shape_cast %get3A_2186 : vector<1x16xf32> to vector<16xf32>
      %mul3A_2188 = vector.broadcast %squeeze3A_2143 : f32 to vector<16xf32>
      %mul3A_2189 = arith.mulf %get3A_2187, %mul3A_2188 : vector<16xf32>
      %swap3A_2190 = arith.constant 39 : i32
      %swap3A_2191 = arith.index_cast %swap3A_2190 : i32 to index
      %swap3A_2192 = arith.constant 48 : index
      %swap3A_2193 = tpu.vector_load %arg13[%swap3A_2191, %swap3A_2192] {strides = array<i32>} : memref<80x64xf32, #tpu.memory_space<vmem>>, vector<1x16xf32>,
      %swap3A_2194 = vector.shape_cast %swap3A_2193 : vector<1x16xf32> to vector<16xf32>
      %swap3A_2195 = vector.shape_cast %mul3A_2189 : vector<16xf32> to vector<1x16xf32>
      tpu.vector_store %arg13[%swap3A_2191, %swap3A_2192], %swap3A_2195 {strides = array<i32>} : memref<80x64xf32, #tpu.memory_space<vmem>>, vector<1x16xf32>,
      %slice3A_2196 = vector.extract_strided_slice %get3A_1763 {offsets = [8], sizes = [1], strides = [1]} : vector<16xf32> to vector<1xf32>
      %squeeze3A_2197 = vector.extract %slice3A_2196[0] : f32 from vector<1xf32>
      %get3A_2198 = arith.constant 40 : i32
      %get3A_2199 = arith.index_cast %get3A_2198 : i32 to index
      %get3A_2200 = arith.constant 0 : index
      %get3A_2201 = tpu.vector_load %arg13[%get3A_2199, %get3A_2200] {strides = array<i32>} : memref<80x64xf32, #tpu.memory_space<vmem>>, vector<1x16xf32>,
      %get3A_2202 = vector.shape_cast %get3A_2201 : vector<1x16xf32> to vector<16xf32>
      %mul3A_2203 = vector.broadcast %squeeze3A_2197 : f32 to vector<16xf32>
      %mul3A_2204 = arith.mulf %get3A_2202, %mul3A_2203 : vector<16xf32>
      %swap3A_2205 = arith.constant 40 : i32
      %swap3A_2206 = arith.index_cast %swap3A_2205 : i32 to index
      %swap3A_2207 = arith.constant 0 : index
      %swap3A_2208 = tpu.vector_load %arg13[%swap3A_2206, %swap3A_2207] {strides = array<i32>} : memref<80x64xf32, #tpu.memory_space<vmem>>, vector<1x16xf32>,
      %swap3A_2209 = vector.shape_cast %swap3A_2208 : vector<1x16xf32> to vector<16xf32>
      %swap3A_2210 = vector.shape_cast %mul3A_2204 : vector<16xf32> to vector<1x16xf32>
      tpu.vector_store %arg13[%swap3A_2206, %swap3A_2207], %swap3A_2210 {strides = array<i32>} : memref<80x64xf32, #tpu.memory_space<vmem>>, vector<1x16xf32>,
      %get3A_2211 = arith.constant 40 : i32
      %get3A_2212 = arith.index_cast %get3A_2211 : i32 to index
      %get3A_2213 = arith.constant 16 : index
      %get3A_2214 = tpu.vector_load %arg13[%get3A_2212, %get3A_2213] {strides = array<i32>} : memref<80x64xf32, #tpu.memory_space<vmem>>, vector<1x16xf32>,
      %get3A_2215 = vector.shape_cast %get3A_2214 : vector<1x16xf32> to vector<16xf32>
      %mul3A_2216 = vector.broadcast %squeeze3A_2197 : f32 to vector<16xf32>
      %mul3A_2217 = arith.mulf %get3A_2215, %mul3A_2216 : vector<16xf32>
      %swap3A_2218 = arith.constant 40 : i32
      %swap3A_2219 = arith.index_cast %swap3A_2218 : i32 to index
      %swap3A_2220 = arith.constant 16 : index
      %swap3A_2221 = tpu.vector_load %arg13[%swap3A_2219, %swap3A_2220] {strides = array<i32>} : memref<80x64xf32, #tpu.memory_space<vmem>>, vector<1x16xf32>,
      %swap3A_2222 = vector.shape_cast %swap3A_2221 : vector<1x16xf32> to vector<16xf32>
      %swap3A_2223 = vector.shape_cast %mul3A_2217 : vector<16xf32> to vector<1x16xf32>
      tpu.vector_store %arg13[%swap3A_2219, %swap3A_2220], %swap3A_2223 {strides = array<i32>} : memref<80x64xf32, #tpu.memory_space<vmem>>, vector<1x16xf32>,
      %get3A_2224 = arith.constant 40 : i32
      %get3A_2225 = arith.index_cast %get3A_2224 : i32 to index
      %get3A_2226 = arith.constant 32 : index
      %get3A_2227 = tpu.vector_load %arg13[%get3A_2225, %get3A_2226] {strides = array<i32>} : memref<80x64xf32, #tpu.memory_space<vmem>>, vector<1x16xf32>,
      %get3A_2228 = vector.shape_cast %get3A_2227 : vector<1x16xf32> to vector<16xf32>
      %mul3A_2229 = vector.broadcast %squeeze3A_2197 : f32 to vector<16xf32>
      %mul3A_2230 = arith.mulf %get3A_2228, %mul3A_2229 : vector<16xf32>
      %swap3A_2231 = arith.constant 40 : i32
      %swap3A_2232 = arith.index_cast %swap3A_2231 : i32 to index
      %swap3A_2233 = arith.constant 32 : index
      %swap3A_2234 = tpu.vector_load %arg13[%swap3A_2232, %swap3A_2233] {strides = array<i32>} : memref<80x64xf32, #tpu.memory_space<vmem>>, vector<1x16xf32>,
      %swap3A_2235 = vector.shape_cast %swap3A_2234 : vector<1x16xf32> to vector<16xf32>
      %swap3A_2236 = vector.shape_cast %mul3A_2230 : vector<16xf32> to vector<1x16xf32>
      tpu.vector_store %arg13[%swap3A_2232, %swap3A_2233], %swap3A_2236 {strides = array<i32>} : memref<80x64xf32, #tpu.memory_space<vmem>>, vector<1x16xf32>,
      %get3A_2237 = arith.constant 40 : i32
      %get3A_2238 = arith.index_cast %get3A_2237 : i32 to index
      %get3A_2239 = arith.constant 48 : index
      %get3A_2240 = tpu.vector_load %arg13[%get3A_2238, %get3A_2239] {strides = array<i32>} : memref<80x64xf32, #tpu.memory_space<vmem>>, vector<1x16xf32>,
      %get3A_2241 = vector.shape_cast %get3A_2240 : vector<1x16xf32> to vector<16xf32>
      %mul3A_2242 = vector.broadcast %squeeze3A_2197 : f32 to vector<16xf32>
      %mul3A_2243 = arith.mulf %get3A_2241, %mul3A_2242 : vector<16xf32>
      %swap3A_2244 = arith.constant 40 : i32
      %swap3A_2245 = arith.index_cast %swap3A_2244 : i32 to index
      %swap3A_2246 = arith.constant 48 : index
      %swap3A_2247 = tpu.vector_load %arg13[%swap3A_2245, %swap3A_2246] {strides = array<i32>} : memref<80x64xf32, #tpu.memory_space<vmem>>, vector<1x16xf32>,
      %swap3A_2248 = vector.shape_cast %swap3A_2247 : vector<1x16xf32> to vector<16xf32>
      %swap3A_2249 = vector.shape_cast %mul3A_2243 : vector<16xf32> to vector<1x16xf32>
      tpu.vector_store %arg13[%swap3A_2245, %swap3A_2246], %swap3A_2249 {strides = array<i32>} : memref<80x64xf32, #tpu.memory_space<vmem>>, vector<1x16xf32>,
      %slice3A_2250 = vector.extract_strided_slice %get3A_1763 {offsets = [9], sizes = [1], strides = [1]} : vector<16xf32> to vector<1xf32>
      %squeeze3A_2251 = vector.extract %slice3A_2250[0] : f32 from vector<1xf32>
      %get3A_2252 = arith.constant 41 : i32
      %get3A_2253 = arith.index_cast %get3A_2252 : i32 to index
      %get3A_2254 = arith.constant 0 : index
      %get3A_2255 = tpu.vector_load %arg13[%get3A_2253, %get3A_2254] {strides = array<i32>} : memref<80x64xf32, #tpu.memory_space<vmem>>, vector<1x16xf32>,
      %get3A_2256 = vector.shape_cast %get3A_2255 : vector<1x16xf32> to vector<16xf32>
      %mul3A_2257 = vector.broadcast %squeeze3A_2251 : f32 to vector<16xf32>
      %mul3A_2258 = arith.mulf %get3A_2256, %mul3A_2257 : vector<16xf32>
      %swap3A_2259 = arith.constant 41 : i32
      %swap3A_2260 = arith.index_cast %swap3A_2259 : i32 to index
      %swap3A_2261 = arith.constant 0 : index
      %swap3A_2262 = tpu.vector_load %arg13[%swap3A_2260, %swap3A_2261] {strides = array<i32>} : memref<80x64xf32, #tpu.memory_space<vmem>>, vector<1x16xf32>,
      %swap3A_2263 = vector.shape_cast %swap3A_2262 : vector<1x16xf32> to vector<16xf32>
      %swap3A_2264 = vector.shape_cast %mul3A_2258 : vector<16xf32> to vector<1x16xf32>
      tpu.vector_store %arg13[%swap3A_2260, %swap3A_2261], %swap3A_2264 {strides = array<i32>} : memref<80x64xf32, #tpu.memory_space<vmem>>, vector<1x16xf32>,
      %get3A_2265 = arith.constant 41 : i32
      %get3A_2266 = arith.index_cast %get3A_2265 : i32 to index
      %get3A_2267 = arith.constant 16 : index
      %get3A_2268 = tpu.vector_load %arg13[%get3A_2266, %get3A_2267] {strides = array<i32>} : memref<80x64xf32, #tpu.memory_space<vmem>>, vector<1x16xf32>,
      %get3A_2269 = vector.shape_cast %get3A_2268 : vector<1x16xf32> to vector<16xf32>
      %mul3A_2270 = vector.broadcast %squeeze3A_2251 : f32 to vector<16xf32>
      %mul3A_2271 = arith.mulf %get3A_2269, %mul3A_2270 : vector<16xf32>
      %swap3A_2272 = arith.constant 41 : i32
      %swap3A_2273 = arith.index_cast %swap3A_2272 : i32 to index
      %swap3A_2274 = arith.constant 16 : index
      %swap3A_2275 = tpu.vector_load %arg13[%swap3A_2273, %swap3A_2274] {strides = array<i32>} : memref<80x64xf32, #tpu.memory_space<vmem>>, vector<1x16xf32>,
      %swap3A_2276 = vector.shape_cast %swap3A_2275 : vector<1x16xf32> to vector<16xf32>
      %swap3A_2277 = vector.shape_cast %mul3A_2271 : vector<16xf32> to vector<1x16xf32>
      tpu.vector_store %arg13[%swap3A_2273, %swap3A_2274], %swap3A_2277 {strides = array<i32>} : memref<80x64xf32, #tpu.memory_space<vmem>>, vector<1x16xf32>,
      %get3A_2278 = arith.constant 41 : i32
      %get3A_2279 = arith.index_cast %get3A_2278 : i32 to index
      %get3A_2280 = arith.constant 32 : index
      %get3A_2281 = tpu.vector_load %arg13[%get3A_2279, %get3A_2280] {strides = array<i32>} : memref<80x64xf32, #tpu.memory_space<vmem>>, vector<1x16xf32>,
      %get3A_2282 = vector.shape_cast %get3A_2281 : vector<1x16xf32> to vector<16xf32>
      %mul3A_2283 = vector.broadcast %squeeze3A_2251 : f32 to vector<16xf32>
      %mul3A_2284 = arith.mulf %get3A_2282, %mul3A_2283 : vector<16xf32>
      %swap3A_2285 = arith.constant 41 : i32
      %swap3A_2286 = arith.index_cast %swap3A_2285 : i32 to index
      %swap3A_2287 = arith.constant 32 : index
      %swap3A_2288 = tpu.vector_load %arg13[%swap3A_2286, %swap3A_2287] {strides = array<i32>} : memref<80x64xf32, #tpu.memory_space<vmem>>, vector<1x16xf32>,
      %swap3A_2289 = vector.shape_cast %swap3A_2288 : vector<1x16xf32> to vector<16xf32>
      %swap3A_2290 = vector.shape_cast %mul3A_2284 : vector<16xf32> to vector<1x16xf32>
      tpu.vector_store %arg13[%swap3A_2286, %swap3A_2287], %swap3A_2290 {strides = array<i32>} : memref<80x64xf32, #tpu.memory_space<vmem>>, vector<1x16xf32>,
      %get3A_2291 = arith.constant 41 : i32
      %get3A_2292 = arith.index_cast %get3A_2291 : i32 to index
      %get3A_2293 = arith.constant 48 : index
      %get3A_2294 = tpu.vector_load %arg13[%get3A_2292, %get3A_2293] {strides = array<i32>} : memref<80x64xf32, #tpu.memory_space<vmem>>, vector<1x16xf32>,
      %get3A_2295 = vector.shape_cast %get3A_2294 : vector<1x16xf32> to vector<16xf32>
      %mul3A_2296 = vector.broadcast %squeeze3A_2251 : f32 to vector<16xf32>
      %mul3A_2297 = arith.mulf %get3A_2295, %mul3A_2296 : vector<16xf32>
      %swap3A_2298 = arith.constant 41 : i32
      %swap3A_2299 = arith.index_cast %swap3A_2298 : i32 to index
      %swap3A_2300 = arith.constant 48 : index
      %swap3A_2301 = tpu.vector_load %arg13[%swap3A_2299, %swap3A_2300] {strides = array<i32>} : memref<80x64xf32, #tpu.memory_space<vmem>>, vector<1x16xf32>,
      %swap3A_2302 = vector.shape_cast %swap3A_2301 : vector<1x16xf32> to vector<16xf32>
      %swap3A_2303 = vector.shape_cast %mul3A_2297 : vector<16xf32> to vector<1x16xf32>
      tpu.vector_store %arg13[%swap3A_2299, %swap3A_2300], %swap3A_2303 {strides = array<i32>} : memref<80x64xf32, #tpu.memory_space<vmem>>, vector<1x16xf32>,
      %slice3A_2304 = vector.extract_strided_slice %get3A_1763 {offsets = [10], sizes = [1], strides = [1]} : vector<16xf32> to vector<1xf32>
      %squeeze3A_2305 = vector.extract %slice3A_2304[0] : f32 from vector<1xf32>
      %get3A_2306 = arith.constant 42 : i32
      %get3A_2307 = arith.index_cast %get3A_2306 : i32 to index
      %get3A_2308 = arith.constant 0 : index
      %get3A_2309 = tpu.vector_load %arg13[%get3A_2307, %get3A_2308] {strides = array<i32>} : memref<80x64xf32, #tpu.memory_space<vmem>>, vector<1x16xf32>,
      %get3A_2310 = vector.shape_cast %get3A_2309 : vector<1x16xf32> to vector<16xf32>
      %mul3A_2311 = vector.broadcast %squeeze3A_2305 : f32 to vector<16xf32>
      %mul3A_2312 = arith.mulf %get3A_2310, %mul3A_2311 : vector<16xf32>
      %swap3A_2313 = arith.constant 42 : i32
      %swap3A_2314 = arith.index_cast %swap3A_2313 : i32 to index
      %swap3A_2315 = arith.constant 0 : index
      %swap3A_2316 = tpu.vector_load %arg13[%swap3A_2314, %swap3A_2315] {strides = array<i32>} : memref<80x64xf32, #tpu.memory_space<vmem>>, vector<1x16xf32>,
      %swap3A_2317 = vector.shape_cast %swap3A_2316 : vector<1x16xf32> to vector<16xf32>
      %swap3A_2318 = vector.shape_cast %mul3A_2312 : vector<16xf32> to vector<1x16xf32>
      tpu.vector_store %arg13[%swap3A_2314, %swap3A_2315], %swap3A_2318 {strides = array<i32>} : memref<80x64xf32, #tpu.memory_space<vmem>>, vector<1x16xf32>,
      %get3A_2319 = arith.constant 42 : i32
      %get3A_2320 = arith.index_cast %get3A_2319 : i32 to index
      %get3A_2321 = arith.constant 16 : index
      %get3A_2322 = tpu.vector_load %arg13[%get3A_2320, %get3A_2321] {strides = array<i32>} : memref<80x64xf32, #tpu.memory_space<vmem>>, vector<1x16xf32>,
      %get3A_2323 = vector.shape_cast %get3A_2322 : vector<1x16xf32> to vector<16xf32>
      %mul3A_2324 = vector.broadcast %squeeze3A_2305 : f32 to vector<16xf32>
      %mul3A_2325 = arith.mulf %get3A_2323, %mul3A_2324 : vector<16xf32>
      %swap3A_2326 = arith.constant 42 : i32
      %swap3A_2327 = arith.index_cast %swap3A_2326 : i32 to index
      %swap3A_2328 = arith.constant 16 : index
      %swap3A_2329 = tpu.vector_load %arg13[%swap3A_2327, %swap3A_2328] {strides = array<i32>} : memref<80x64xf32, #tpu.memory_space<vmem>>, vector<1x16xf32>,
      %swap3A_2330 = vector.shape_cast %swap3A_2329 : vector<1x16xf32> to vector<16xf32>
      %swap3A_2331 = vector.shape_cast %mul3A_2325 : vector<16xf32> to vector<1x16xf32>
      tpu.vector_store %arg13[%swap3A_2327, %swap3A_2328], %swap3A_2331 {strides = array<i32>} : memref<80x64xf32, #tpu.memory_space<vmem>>, vector<1x16xf32>,
      %get3A_2332 = arith.constant 42 : i32
      %get3A_2333 = arith.index_cast %get3A_2332 : i32 to index
      %get3A_2334 = arith.constant 32 : index
      %get3A_2335 = tpu.vector_load %arg13[%get3A_2333, %get3A_2334] {strides = array<i32>} : memref<80x64xf32, #tpu.memory_space<vmem>>, vector<1x16xf32>,
      %get3A_2336 = vector.shape_cast %get3A_2335 : vector<1x16xf32> to vector<16xf32>
      %mul3A_2337 = vector.broadcast %squeeze3A_2305 : f32 to vector<16xf32>
      %mul3A_2338 = arith.mulf %get3A_2336, %mul3A_2337 : vector<16xf32>
      %swap3A_2339 = arith.constant 42 : i32
      %swap3A_2340 = arith.index_cast %swap3A_2339 : i32 to index
      %swap3A_2341 = arith.constant 32 : index
      %swap3A_2342 = tpu.vector_load %arg13[%swap3A_2340, %swap3A_2341] {strides = array<i32>} : memref<80x64xf32, #tpu.memory_space<vmem>>, vector<1x16xf32>,
      %swap3A_2343 = vector.shape_cast %swap3A_2342 : vector<1x16xf32> to vector<16xf32>
      %swap3A_2344 = vector.shape_cast %mul3A_2338 : vector<16xf32> to vector<1x16xf32>
      tpu.vector_store %arg13[%swap3A_2340, %swap3A_2341], %swap3A_2344 {strides = array<i32>} : memref<80x64xf32, #tpu.memory_space<vmem>>, vector<1x16xf32>,
      %get3A_2345 = arith.constant 42 : i32
      %get3A_2346 = arith.index_cast %get3A_2345 : i32 to index
      %get3A_2347 = arith.constant 48 : index
      %get3A_2348 = tpu.vector_load %arg13[%get3A_2346, %get3A_2347] {strides = array<i32>} : memref<80x64xf32, #tpu.memory_space<vmem>>, vector<1x16xf32>,
      %get3A_2349 = vector.shape_cast %get3A_2348 : vector<1x16xf32> to vector<16xf32>
      %mul3A_2350 = vector.broadcast %squeeze3A_2305 : f32 to vector<16xf32>
      %mul3A_2351 = arith.mulf %get3A_2349, %mul3A_2350 : vector<16xf32>
      %swap3A_2352 = arith.constant 42 : i32
      %swap3A_2353 = arith.index_cast %swap3A_2352 : i32 to index
      %swap3A_2354 = arith.constant 48 : index
      %swap3A_2355 = tpu.vector_load %arg13[%swap3A_2353, %swap3A_2354] {strides = array<i32>} : memref<80x64xf32, #tpu.memory_space<vmem>>, vector<1x16xf32>,
      %swap3A_2356 = vector.shape_cast %swap3A_2355 : vector<1x16xf32> to vector<16xf32>
      %swap3A_2357 = vector.shape_cast %mul3A_2351 : vector<16xf32> to vector<1x16xf32>
      tpu.vector_store %arg13[%swap3A_2353, %swap3A_2354], %swap3A_2357 {strides = array<i32>} : memref<80x64xf32, #tpu.memory_space<vmem>>, vector<1x16xf32>,
      %slice3A_2358 = vector.extract_strided_slice %get3A_1763 {offsets = [11], sizes = [1], strides = [1]} : vector<16xf32> to vector<1xf32>
      %squeeze3A_2359 = vector.extract %slice3A_2358[0] : f32 from vector<1xf32>
      %get3A_2360 = arith.constant 43 : i32
      %get3A_2361 = arith.index_cast %get3A_2360 : i32 to index
      %get3A_2362 = arith.constant 0 : index
      %get3A_2363 = tpu.vector_load %arg13[%get3A_2361, %get3A_2362] {strides = array<i32>} : memref<80x64xf32, #tpu.memory_space<vmem>>, vector<1x16xf32>,
      %get3A_2364 = vector.shape_cast %get3A_2363 : vector<1x16xf32> to vector<16xf32>
      %mul3A_2365 = vector.broadcast %squeeze3A_2359 : f32 to vector<16xf32>
      %mul3A_2366 = arith.mulf %get3A_2364, %mul3A_2365 : vector<16xf32>
      %swap3A_2367 = arith.constant 43 : i32
      %swap3A_2368 = arith.index_cast %swap3A_2367 : i32 to index
      %swap3A_2369 = arith.constant 0 : index
      %swap3A_2370 = tpu.vector_load %arg13[%swap3A_2368, %swap3A_2369] {strides = array<i32>} : memref<80x64xf32, #tpu.memory_space<vmem>>, vector<1x16xf32>,
      %swap3A_2371 = vector.shape_cast %swap3A_2370 : vector<1x16xf32> to vector<16xf32>
      %swap3A_2372 = vector.shape_cast %mul3A_2366 : vector<16xf32> to vector<1x16xf32>
      tpu.vector_store %arg13[%swap3A_2368, %swap3A_2369], %swap3A_2372 {strides = array<i32>} : memref<80x64xf32, #tpu.memory_space<vmem>>, vector<1x16xf32>,
      %get3A_2373 = arith.constant 43 : i32
      %get3A_2374 = arith.index_cast %get3A_2373 : i32 to index
      %get3A_2375 = arith.constant 16 : index
      %get3A_2376 = tpu.vector_load %arg13[%get3A_2374, %get3A_2375] {strides = array<i32>} : memref<80x64xf32, #tpu.memory_space<vmem>>, vector<1x16xf32>,
      %get3A_2377 = vector.shape_cast %get3A_2376 : vector<1x16xf32> to vector<16xf32>
      %mul3A_2378 = vector.broadcast %squeeze3A_2359 : f32 to vector<16xf32>
      %mul3A_2379 = arith.mulf %get3A_2377, %mul3A_2378 : vector<16xf32>
      %swap3A_2380 = arith.constant 43 : i32
      %swap3A_2381 = arith.index_cast %swap3A_2380 : i32 to index
      %swap3A_2382 = arith.constant 16 : index
      %swap3A_2383 = tpu.vector_load %arg13[%swap3A_2381, %swap3A_2382] {strides = array<i32>} : memref<80x64xf32, #tpu.memory_space<vmem>>, vector<1x16xf32>,
      %swap3A_2384 = vector.shape_cast %swap3A_2383 : vector<1x16xf32> to vector<16xf32>
      %swap3A_2385 = vector.shape_cast %mul3A_2379 : vector<16xf32> to vector<1x16xf32>
      tpu.vector_store %arg13[%swap3A_2381, %swap3A_2382], %swap3A_2385 {strides = array<i32>} : memref<80x64xf32, #tpu.memory_space<vmem>>, vector<1x16xf32>,
      %get3A_2386 = arith.constant 43 : i32
      %get3A_2387 = arith.index_cast %get3A_2386 : i32 to index
      %get3A_2388 = arith.constant 32 : index
      %get3A_2389 = tpu.vector_load %arg13[%get3A_2387, %get3A_2388] {strides = array<i32>} : memref<80x64xf32, #tpu.memory_space<vmem>>, vector<1x16xf32>,
      %get3A_2390 = vector.shape_cast %get3A_2389 : vector<1x16xf32> to vector<16xf32>
      %mul3A_2391 = vector.broadcast %squeeze3A_2359 : f32 to vector<16xf32>
      %mul3A_2392 = arith.mulf %get3A_2390, %mul3A_2391 : vector<16xf32>
      %swap3A_2393 = arith.constant 43 : i32
      %swap3A_2394 = arith.index_cast %swap3A_2393 : i32 to index
      %swap3A_2395 = arith.constant 32 : index
      %swap3A_2396 = tpu.vector_load %arg13[%swap3A_2394, %swap3A_2395] {strides = array<i32>} : memref<80x64xf32, #tpu.memory_space<vmem>>, vector<1x16xf32>,
      %swap3A_2397 = vector.shape_cast %swap3A_2396 : vector<1x16xf32> to vector<16xf32>
      %swap3A_2398 = vector.shape_cast %mul3A_2392 : vector<16xf32> to vector<1x16xf32>
      tpu.vector_store %arg13[%swap3A_2394, %swap3A_2395], %swap3A_2398 {strides = array<i32>} : memref<80x64xf32, #tpu.memory_space<vmem>>, vector<1x16xf32>,
      %get3A_2399 = arith.constant 43 : i32
      %get3A_2400 = arith.index_cast %get3A_2399 : i32 to index
      %get3A_2401 = arith.constant 48 : index
      %get3A_2402 = tpu.vector_load %arg13[%get3A_2400, %get3A_2401] {strides = array<i32>} : memref<80x64xf32, #tpu.memory_space<vmem>>, vector<1x16xf32>,
      %get3A_2403 = vector.shape_cast %get3A_2402 : vector<1x16xf32> to vector<16xf32>
      %mul3A_2404 = vector.broadcast %squeeze3A_2359 : f32 to vector<16xf32>
      %mul3A_2405 = arith.mulf %get3A_2403, %mul3A_2404 : vector<16xf32>
      %swap3A_2406 = arith.constant 43 : i32
      %swap3A_2407 = arith.index_cast %swap3A_2406 : i32 to index
      %swap3A_2408 = arith.constant 48 : index
      %swap3A_2409 = tpu.vector_load %arg13[%swap3A_2407, %swap3A_2408] {strides = array<i32>} : memref<80x64xf32, #tpu.memory_space<vmem>>, vector<1x16xf32>,
      %swap3A_2410 = vector.shape_cast %swap3A_2409 : vector<1x16xf32> to vector<16xf32>
      %swap3A_2411 = vector.shape_cast %mul3A_2405 : vector<16xf32> to vector<1x16xf32>
      tpu.vector_store %arg13[%swap3A_2407, %swap3A_2408], %swap3A_2411 {strides = array<i32>} : memref<80x64xf32, #tpu.memory_space<vmem>>, vector<1x16xf32>,
      %slice3A_2412 = vector.extract_strided_slice %get3A_1763 {offsets = [12], sizes = [1], strides = [1]} : vector<16xf32> to vector<1xf32>
      %squeeze3A_2413 = vector.extract %slice3A_2412[0] : f32 from vector<1xf32>
      %get3A_2414 = arith.constant 44 : i32
      %get3A_2415 = arith.index_cast %get3A_2414 : i32 to index
      %get3A_2416 = arith.constant 0 : index
      %get3A_2417 = tpu.vector_load %arg13[%get3A_2415, %get3A_2416] {strides = array<i32>} : memref<80x64xf32, #tpu.memory_space<vmem>>, vector<1x16xf32>,
      %get3A_2418 = vector.shape_cast %get3A_2417 : vector<1x16xf32> to vector<16xf32>
      %mul3A_2419 = vector.broadcast %squeeze3A_2413 : f32 to vector<16xf32>
      %mul3A_2420 = arith.mulf %get3A_2418, %mul3A_2419 : vector<16xf32>
      %swap3A_2421 = arith.constant 44 : i32
      %swap3A_2422 = arith.index_cast %swap3A_2421 : i32 to index
      %swap3A_2423 = arith.constant 0 : index
      %swap3A_2424 = tpu.vector_load %arg13[%swap3A_2422, %swap3A_2423] {strides = array<i32>} : memref<80x64xf32, #tpu.memory_space<vmem>>, vector<1x16xf32>,
      %swap3A_2425 = vector.shape_cast %swap3A_2424 : vector<1x16xf32> to vector<16xf32>
      %swap3A_2426 = vector.shape_cast %mul3A_2420 : vector<16xf32> to vector<1x16xf32>
      tpu.vector_store %arg13[%swap3A_2422, %swap3A_2423], %swap3A_2426 {strides = array<i32>} : memref<80x64xf32, #tpu.memory_space<vmem>>, vector<1x16xf32>,
      %get3A_2427 = arith.constant 44 : i32
      %get3A_2428 = arith.index_cast %get3A_2427 : i32 to index
      %get3A_2429 = arith.constant 16 : index
      %get3A_2430 = tpu.vector_load %arg13[%get3A_2428, %get3A_2429] {strides = array<i32>} : memref<80x64xf32, #tpu.memory_space<vmem>>, vector<1x16xf32>,
      %get3A_2431 = vector.shape_cast %get3A_2430 : vector<1x16xf32> to vector<16xf32>
      %mul3A_2432 = vector.broadcast %squeeze3A_2413 : f32 to vector<16xf32>
      %mul3A_2433 = arith.mulf %get3A_2431, %mul3A_2432 : vector<16xf32>
      %swap3A_2434 = arith.constant 44 : i32
      %swap3A_2435 = arith.index_cast %swap3A_2434 : i32 to index
      %swap3A_2436 = arith.constant 16 : index
      %swap3A_2437 = tpu.vector_load %arg13[%swap3A_2435, %swap3A_2436] {strides = array<i32>} : memref<80x64xf32, #tpu.memory_space<vmem>>, vector<1x16xf32>,
      %swap3A_2438 = vector.shape_cast %swap3A_2437 : vector<1x16xf32> to vector<16xf32>
      %swap3A_2439 = vector.shape_cast %mul3A_2433 : vector<16xf32> to vector<1x16xf32>
      tpu.vector_store %arg13[%swap3A_2435, %swap3A_2436], %swap3A_2439 {strides = array<i32>} : memref<80x64xf32, #tpu.memory_space<vmem>>, vector<1x16xf32>,
      %get3A_2440 = arith.constant 44 : i32
      %get3A_2441 = arith.index_cast %get3A_2440 : i32 to index
      %get3A_2442 = arith.constant 32 : index
      %get3A_2443 = tpu.vector_load %arg13[%get3A_2441, %get3A_2442] {strides = array<i32>} : memref<80x64xf32, #tpu.memory_space<vmem>>, vector<1x16xf32>,
      %get3A_2444 = vector.shape_cast %get3A_2443 : vector<1x16xf32> to vector<16xf32>
      %mul3A_2445 = vector.broadcast %squeeze3A_2413 : f32 to vector<16xf32>
      %mul3A_2446 = arith.mulf %get3A_2444, %mul3A_2445 : vector<16xf32>
      %swap3A_2447 = arith.constant 44 : i32
      %swap3A_2448 = arith.index_cast %swap3A_2447 : i32 to index
      %swap3A_2449 = arith.constant 32 : index
      %swap3A_2450 = tpu.vector_load %arg13[%swap3A_2448, %swap3A_2449] {strides = array<i32>} : memref<80x64xf32, #tpu.memory_space<vmem>>, vector<1x16xf32>,
      %swap3A_2451 = vector.shape_cast %swap3A_2450 : vector<1x16xf32> to vector<16xf32>
      %swap3A_2452 = vector.shape_cast %mul3A_2446 : vector<16xf32> to vector<1x16xf32>
      tpu.vector_store %arg13[%swap3A_2448, %swap3A_2449], %swap3A_2452 {strides = array<i32>} : memref<80x64xf32, #tpu.memory_space<vmem>>, vector<1x16xf32>,
      %get3A_2453 = arith.constant 44 : i32
      %get3A_2454 = arith.index_cast %get3A_2453 : i32 to index
      %get3A_2455 = arith.constant 48 : index
      %get3A_2456 = tpu.vector_load %arg13[%get3A_2454, %get3A_2455] {strides = array<i32>} : memref<80x64xf32, #tpu.memory_space<vmem>>, vector<1x16xf32>,
      %get3A_2457 = vector.shape_cast %get3A_2456 : vector<1x16xf32> to vector<16xf32>
      %mul3A_2458 = vector.broadcast %squeeze3A_2413 : f32 to vector<16xf32>
      %mul3A_2459 = arith.mulf %get3A_2457, %mul3A_2458 : vector<16xf32>
      %swap3A_2460 = arith.constant 44 : i32
      %swap3A_2461 = arith.index_cast %swap3A_2460 : i32 to index
      %swap3A_2462 = arith.constant 48 : index
      %swap3A_2463 = tpu.vector_load %arg13[%swap3A_2461, %swap3A_2462] {strides = array<i32>} : memref<80x64xf32, #tpu.memory_space<vmem>>, vector<1x16xf32>,
      %swap3A_2464 = vector.shape_cast %swap3A_2463 : vector<1x16xf32> to vector<16xf32>
      %swap3A_2465 = vector.shape_cast %mul3A_2459 : vector<16xf32> to vector<1x16xf32>
      tpu.vector_store %arg13[%swap3A_2461, %swap3A_2462], %swap3A_2465 {strides = array<i32>} : memref<80x64xf32, #tpu.memory_space<vmem>>, vector<1x16xf32>,
      %slice3A_2466 = vector.extract_strided_slice %get3A_1763 {offsets = [13], sizes = [1], strides = [1]} : vector<16xf32> to vector<1xf32>
      %squeeze3A_2467 = vector.extract %slice3A_2466[0] : f32 from vector<1xf32>
      %get3A_2468 = arith.constant 45 : i32
      %get3A_2469 = arith.index_cast %get3A_2468 : i32 to index
      %get3A_2470 = arith.constant 0 : index
      %get3A_2471 = tpu.vector_load %arg13[%get3A_2469, %get3A_2470] {strides = array<i32>} : memref<80x64xf32, #tpu.memory_space<vmem>>, vector<1x16xf32>,
      %get3A_2472 = vector.shape_cast %get3A_2471 : vector<1x16xf32> to vector<16xf32>
      %mul3A_2473 = vector.broadcast %squeeze3A_2467 : f32 to vector<16xf32>
      %mul3A_2474 = arith.mulf %get3A_2472, %mul3A_2473 : vector<16xf32>
      %swap3A_2475 = arith.constant 45 : i32
      %swap3A_2476 = arith.index_cast %swap3A_2475 : i32 to index
      %swap3A_2477 = arith.constant 0 : index
      %swap3A_2478 = tpu.vector_load %arg13[%swap3A_2476, %swap3A_2477] {strides = array<i32>} : memref<80x64xf32, #tpu.memory_space<vmem>>, vector<1x16xf32>,
      %swap3A_2479 = vector.shape_cast %swap3A_2478 : vector<1x16xf32> to vector<16xf32>
      %swap3A_2480 = vector.shape_cast %mul3A_2474 : vector<16xf32> to vector<1x16xf32>
      tpu.vector_store %arg13[%swap3A_2476, %swap3A_2477], %swap3A_2480 {strides = array<i32>} : memref<80x64xf32, #tpu.memory_space<vmem>>, vector<1x16xf32>,
      %get3A_2481 = arith.constant 45 : i32
      %get3A_2482 = arith.index_cast %get3A_2481 : i32 to index
      %get3A_2483 = arith.constant 16 : index
      %get3A_2484 = tpu.vector_load %arg13[%get3A_2482, %get3A_2483] {strides = array<i32>} : memref<80x64xf32, #tpu.memory_space<vmem>>, vector<1x16xf32>,
      %get3A_2485 = vector.shape_cast %get3A_2484 : vector<1x16xf32> to vector<16xf32>
      %mul3A_2486 = vector.broadcast %squeeze3A_2467 : f32 to vector<16xf32>
      %mul3A_2487 = arith.mulf %get3A_2485, %mul3A_2486 : vector<16xf32>
      %swap3A_2488 = arith.constant 45 : i32
      %swap3A_2489 = arith.index_cast %swap3A_2488 : i32 to index
      %swap3A_2490 = arith.constant 16 : index
      %swap3A_2491 = tpu.vector_load %arg13[%swap3A_2489, %swap3A_2490] {strides = array<i32>} : memref<80x64xf32, #tpu.memory_space<vmem>>, vector<1x16xf32>,
      %swap3A_2492 = vector.shape_cast %swap3A_2491 : vector<1x16xf32> to vector<16xf32>
      %swap3A_2493 = vector.shape_cast %mul3A_2487 : vector<16xf32> to vector<1x16xf32>
      tpu.vector_store %arg13[%swap3A_2489, %swap3A_2490], %swap3A_2493 {strides = array<i32>} : memref<80x64xf32, #tpu.memory_space<vmem>>, vector<1x16xf32>,
      %get3A_2494 = arith.constant 45 : i32
      %get3A_2495 = arith.index_cast %get3A_2494 : i32 to index
      %get3A_2496 = arith.constant 32 : index
      %get3A_2497 = tpu.vector_load %arg13[%get3A_2495, %get3A_2496] {strides = array<i32>} : memref<80x64xf32, #tpu.memory_space<vmem>>, vector<1x16xf32>,
      %get3A_2498 = vector.shape_cast %get3A_2497 : vector<1x16xf32> to vector<16xf32>
      %mul3A_2499 = vector.broadcast %squeeze3A_2467 : f32 to vector<16xf32>
      %mul3A_2500 = arith.mulf %get3A_2498, %mul3A_2499 : vector<16xf32>
      %swap3A_2501 = arith.constant 45 : i32
      %swap3A_2502 = arith.index_cast %swap3A_2501 : i32 to index
      %swap3A_2503 = arith.constant 32 : index
      %swap3A_2504 = tpu.vector_load %arg13[%swap3A_2502, %swap3A_2503] {strides = array<i32>} : memref<80x64xf32, #tpu.memory_space<vmem>>, vector<1x16xf32>,
      %swap3A_2505 = vector.shape_cast %swap3A_2504 : vector<1x16xf32> to vector<16xf32>
      %swap3A_2506 = vector.shape_cast %mul3A_2500 : vector<16xf32> to vector<1x16xf32>
      tpu.vector_store %arg13[%swap3A_2502, %swap3A_2503], %swap3A_2506 {strides = array<i32>} : memref<80x64xf32, #tpu.memory_space<vmem>>, vector<1x16xf32>,
      %get3A_2507 = arith.constant 45 : i32
      %get3A_2508 = arith.index_cast %get3A_2507 : i32 to index
      %get3A_2509 = arith.constant 48 : index
      %get3A_2510 = tpu.vector_load %arg13[%get3A_2508, %get3A_2509] {strides = array<i32>} : memref<80x64xf32, #tpu.memory_space<vmem>>, vector<1x16xf32>,
      %get3A_2511 = vector.shape_cast %get3A_2510 : vector<1x16xf32> to vector<16xf32>
      %mul3A_2512 = vector.broadcast %squeeze3A_2467 : f32 to vector<16xf32>
      %mul3A_2513 = arith.mulf %get3A_2511, %mul3A_2512 : vector<16xf32>
      %swap3A_2514 = arith.constant 45 : i32
      %swap3A_2515 = arith.index_cast %swap3A_2514 : i32 to index
      %swap3A_2516 = arith.constant 48 : index
      %swap3A_2517 = tpu.vector_load %arg13[%swap3A_2515, %swap3A_2516] {strides = array<i32>} : memref<80x64xf32, #tpu.memory_space<vmem>>, vector<1x16xf32>,
      %swap3A_2518 = vector.shape_cast %swap3A_2517 : vector<1x16xf32> to vector<16xf32>
      %swap3A_2519 = vector.shape_cast %mul3A_2513 : vector<16xf32> to vector<1x16xf32>
      tpu.vector_store %arg13[%swap3A_2515, %swap3A_2516], %swap3A_2519 {strides = array<i32>} : memref<80x64xf32, #tpu.memory_space<vmem>>, vector<1x16xf32>,
      %slice3A_2520 = vector.extract_strided_slice %get3A_1763 {offsets = [14], sizes = [1], strides = [1]} : vector<16xf32> to vector<1xf32>
      %squeeze3A_2521 = vector.extract %slice3A_2520[0] : f32 from vector<1xf32>
      %get3A_2522 = arith.constant 46 : i32
      %get3A_2523 = arith.index_cast %get3A_2522 : i32 to index
      %get3A_2524 = arith.constant 0 : index
      %get3A_2525 = tpu.vector_load %arg13[%get3A_2523, %get3A_2524] {strides = array<i32>} : memref<80x64xf32, #tpu.memory_space<vmem>>, vector<1x16xf32>,
      %get3A_2526 = vector.shape_cast %get3A_2525 : vector<1x16xf32> to vector<16xf32>
      %mul3A_2527 = vector.broadcast %squeeze3A_2521 : f32 to vector<16xf32>
      %mul3A_2528 = arith.mulf %get3A_2526, %mul3A_2527 : vector<16xf32>
      %swap3A_2529 = arith.constant 46 : i32
      %swap3A_2530 = arith.index_cast %swap3A_2529 : i32 to index
      %swap3A_2531 = arith.constant 0 : index
      %swap3A_2532 = tpu.vector_load %arg13[%swap3A_2530, %swap3A_2531] {strides = array<i32>} : memref<80x64xf32, #tpu.memory_space<vmem>>, vector<1x16xf32>,
      %swap3A_2533 = vector.shape_cast %swap3A_2532 : vector<1x16xf32> to vector<16xf32>
      %swap3A_2534 = vector.shape_cast %mul3A_2528 : vector<16xf32> to vector<1x16xf32>
      tpu.vector_store %arg13[%swap3A_2530, %swap3A_2531], %swap3A_2534 {strides = array<i32>} : memref<80x64xf32, #tpu.memory_space<vmem>>, vector<1x16xf32>,
      %get3A_2535 = arith.constant 46 : i32
      %get3A_2536 = arith.index_cast %get3A_2535 : i32 to index
      %get3A_2537 = arith.constant 16 : index
      %get3A_2538 = tpu.vector_load %arg13[%get3A_2536, %get3A_2537] {strides = array<i32>} : memref<80x64xf32, #tpu.memory_space<vmem>>, vector<1x16xf32>,
      %get3A_2539 = vector.shape_cast %get3A_2538 : vector<1x16xf32> to vector<16xf32>
      %mul3A_2540 = vector.broadcast %squeeze3A_2521 : f32 to vector<16xf32>
      %mul3A_2541 = arith.mulf %get3A_2539, %mul3A_2540 : vector<16xf32>
      %swap3A_2542 = arith.constant 46 : i32
      %swap3A_2543 = arith.index_cast %swap3A_2542 : i32 to index
      %swap3A_2544 = arith.constant 16 : index
      %swap3A_2545 = tpu.vector_load %arg13[%swap3A_2543, %swap3A_2544] {strides = array<i32>} : memref<80x64xf32, #tpu.memory_space<vmem>>, vector<1x16xf32>,
      %swap3A_2546 = vector.shape_cast %swap3A_2545 : vector<1x16xf32> to vector<16xf32>
      %swap3A_2547 = vector.shape_cast %mul3A_2541 : vector<16xf32> to vector<1x16xf32>
      tpu.vector_store %arg13[%swap3A_2543, %swap3A_2544], %swap3A_2547 {strides = array<i32>} : memref<80x64xf32, #tpu.memory_space<vmem>>, vector<1x16xf32>,
      %get3A_2548 = arith.constant 46 : i32
      %get3A_2549 = arith.index_cast %get3A_2548 : i32 to index
      %get3A_2550 = arith.constant 32 : index
      %get3A_2551 = tpu.vector_load %arg13[%get3A_2549, %get3A_2550] {strides = array<i32>} : memref<80x64xf32, #tpu.memory_space<vmem>>, vector<1x16xf32>,
      %get3A_2552 = vector.shape_cast %get3A_2551 : vector<1x16xf32> to vector<16xf32>
      %mul3A_2553 = vector.broadcast %squeeze3A_2521 : f32 to vector<16xf32>
      %mul3A_2554 = arith.mulf %get3A_2552, %mul3A_2553 : vector<16xf32>
      %swap3A_2555 = arith.constant 46 : i32
      %swap3A_2556 = arith.index_cast %swap3A_2555 : i32 to index
      %swap3A_2557 = arith.constant 32 : index
      %swap3A_2558 = tpu.vector_load %arg13[%swap3A_2556, %swap3A_2557] {strides = array<i32>} : memref<80x64xf32, #tpu.memory_space<vmem>>, vector<1x16xf32>,
      %swap3A_2559 = vector.shape_cast %swap3A_2558 : vector<1x16xf32> to vector<16xf32>
      %swap3A_2560 = vector.shape_cast %mul3A_2554 : vector<16xf32> to vector<1x16xf32>
      tpu.vector_store %arg13[%swap3A_2556, %swap3A_2557], %swap3A_2560 {strides = array<i32>} : memref<80x64xf32, #tpu.memory_space<vmem>>, vector<1x16xf32>,
      %get3A_2561 = arith.constant 46 : i32
      %get3A_2562 = arith.index_cast %get3A_2561 : i32 to index
      %get3A_2563 = arith.constant 48 : index
      %get3A_2564 = tpu.vector_load %arg13[%get3A_2562, %get3A_2563] {strides = array<i32>} : memref<80x64xf32, #tpu.memory_space<vmem>>, vector<1x16xf32>,
      %get3A_2565 = vector.shape_cast %get3A_2564 : vector<1x16xf32> to vector<16xf32>
      %mul3A_2566 = vector.broadcast %squeeze3A_2521 : f32 to vector<16xf32>
      %mul3A_2567 = arith.mulf %get3A_2565, %mul3A_2566 : vector<16xf32>
      %swap3A_2568 = arith.constant 46 : i32
      %swap3A_2569 = arith.index_cast %swap3A_2568 : i32 to index
      %swap3A_2570 = arith.constant 48 : index
      %swap3A_2571 = tpu.vector_load %arg13[%swap3A_2569, %swap3A_2570] {strides = array<i32>} : memref<80x64xf32, #tpu.memory_space<vmem>>, vector<1x16xf32>,
      %swap3A_2572 = vector.shape_cast %swap3A_2571 : vector<1x16xf32> to vector<16xf32>
      %swap3A_2573 = vector.shape_cast %mul3A_2567 : vector<16xf32> to vector<1x16xf32>
      tpu.vector_store %arg13[%swap3A_2569, %swap3A_2570], %swap3A_2573 {strides = array<i32>} : memref<80x64xf32, #tpu.memory_space<vmem>>, vector<1x16xf32>,
      %slice3A_2574 = vector.extract_strided_slice %get3A_1763 {offsets = [15], sizes = [1], strides = [1]} : vector<16xf32> to vector<1xf32>
      %squeeze3A_2575 = vector.extract %slice3A_2574[0] : f32 from vector<1xf32>
      %get3A_2576 = arith.constant 47 : i32
      %get3A_2577 = arith.index_cast %get3A_2576 : i32 to index
      %get3A_2578 = arith.constant 0 : index
      %get3A_2579 = tpu.vector_load %arg13[%get3A_2577, %get3A_2578] {strides = array<i32>} : memref<80x64xf32, #tpu.memory_space<vmem>>, vector<1x16xf32>,
      %get3A_2580 = vector.shape_cast %get3A_2579 : vector<1x16xf32> to vector<16xf32>
      %mul3A_2581 = vector.broadcast %squeeze3A_2575 : f32 to vector<16xf32>
      %mul3A_2582 = arith.mulf %get3A_2580, %mul3A_2581 : vector<16xf32>
      %swap3A_2583 = arith.constant 47 : i32
      %swap3A_2584 = arith.index_cast %swap3A_2583 : i32 to index
      %swap3A_2585 = arith.constant 0 : index
      %swap3A_2586 = tpu.vector_load %arg13[%swap3A_2584, %swap3A_2585] {strides = array<i32>} : memref<80x64xf32, #tpu.memory_space<vmem>>, vector<1x16xf32>,
      %swap3A_2587 = vector.shape_cast %swap3A_2586 : vector<1x16xf32> to vector<16xf32>
      %swap3A_2588 = vector.shape_cast %mul3A_2582 : vector<16xf32> to vector<1x16xf32>
      tpu.vector_store %arg13[%swap3A_2584, %swap3A_2585], %swap3A_2588 {strides = array<i32>} : memref<80x64xf32, #tpu.memory_space<vmem>>, vector<1x16xf32>,
      %get3A_2589 = arith.constant 47 : i32
      %get3A_2590 = arith.index_cast %get3A_2589 : i32 to index
      %get3A_2591 = arith.constant 16 : index
      %get3A_2592 = tpu.vector_load %arg13[%get3A_2590, %get3A_2591] {strides = array<i32>} : memref<80x64xf32, #tpu.memory_space<vmem>>, vector<1x16xf32>,
      %get3A_2593 = vector.shape_cast %get3A_2592 : vector<1x16xf32> to vector<16xf32>
      %mul3A_2594 = vector.broadcast %squeeze3A_2575 : f32 to vector<16xf32>
      %mul3A_2595 = arith.mulf %get3A_2593, %mul3A_2594 : vector<16xf32>
      %swap3A_2596 = arith.constant 47 : i32
      %swap3A_2597 = arith.index_cast %swap3A_2596 : i32 to index
      %swap3A_2598 = arith.constant 16 : index
      %swap3A_2599 = tpu.vector_load %arg13[%swap3A_2597, %swap3A_2598] {strides = array<i32>} : memref<80x64xf32, #tpu.memory_space<vmem>>, vector<1x16xf32>,
      %swap3A_2600 = vector.shape_cast %swap3A_2599 : vector<1x16xf32> to vector<16xf32>
      %swap3A_2601 = vector.shape_cast %mul3A_2595 : vector<16xf32> to vector<1x16xf32>
      tpu.vector_store %arg13[%swap3A_2597, %swap3A_2598], %swap3A_2601 {strides = array<i32>} : memref<80x64xf32, #tpu.memory_space<vmem>>, vector<1x16xf32>,
      %get3A_2602 = arith.constant 47 : i32
      %get3A_2603 = arith.index_cast %get3A_2602 : i32 to index
      %get3A_2604 = arith.constant 32 : index
      %get3A_2605 = tpu.vector_load %arg13[%get3A_2603, %get3A_2604] {strides = array<i32>} : memref<80x64xf32, #tpu.memory_space<vmem>>, vector<1x16xf32>,
      %get3A_2606 = vector.shape_cast %get3A_2605 : vector<1x16xf32> to vector<16xf32>
      %mul3A_2607 = vector.broadcast %squeeze3A_2575 : f32 to vector<16xf32>
      %mul3A_2608 = arith.mulf %get3A_2606, %mul3A_2607 : vector<16xf32>
      %swap3A_2609 = arith.constant 47 : i32
      %swap3A_2610 = arith.index_cast %swap3A_2609 : i32 to index
      %swap3A_2611 = arith.constant 32 : index
      %swap3A_2612 = tpu.vector_load %arg13[%swap3A_2610, %swap3A_2611] {strides = array<i32>} : memref<80x64xf32, #tpu.memory_space<vmem>>, vector<1x16xf32>,
      %swap3A_2613 = vector.shape_cast %swap3A_2612 : vector<1x16xf32> to vector<16xf32>
      %swap3A_2614 = vector.shape_cast %mul3A_2608 : vector<16xf32> to vector<1x16xf32>
      tpu.vector_store %arg13[%swap3A_2610, %swap3A_2611], %swap3A_2614 {strides = array<i32>} : memref<80x64xf32, #tpu.memory_space<vmem>>, vector<1x16xf32>,
      %get3A_2615 = arith.constant 47 : i32
      %get3A_2616 = arith.index_cast %get3A_2615 : i32 to index
      %get3A_2617 = arith.constant 48 : index
      %get3A_2618 = tpu.vector_load %arg13[%get3A_2616, %get3A_2617] {strides = array<i32>} : memref<80x64xf32, #tpu.memory_space<vmem>>, vector<1x16xf32>,
      %get3A_2619 = vector.shape_cast %get3A_2618 : vector<1x16xf32> to vector<16xf32>
      %mul3A_2620 = vector.broadcast %squeeze3A_2575 : f32 to vector<16xf32>
      %mul3A_2621 = arith.mulf %get3A_2619, %mul3A_2620 : vector<16xf32>
      %swap3A_2622 = arith.constant 47 : i32
      %swap3A_2623 = arith.index_cast %swap3A_2622 : i32 to index
      %swap3A_2624 = arith.constant 48 : index
      %swap3A_2625 = tpu.vector_load %arg13[%swap3A_2623, %swap3A_2624] {strides = array<i32>} : memref<80x64xf32, #tpu.memory_space<vmem>>, vector<1x16xf32>,
      %swap3A_2626 = vector.shape_cast %swap3A_2625 : vector<1x16xf32> to vector<16xf32>
      %swap3A_2627 = vector.shape_cast %mul3A_2621 : vector<16xf32> to vector<1x16xf32>
      tpu.vector_store %arg13[%swap3A_2623, %swap3A_2624], %swap3A_2627 {strides = array<i32>} : memref<80x64xf32, #tpu.memory_space<vmem>>, vector<1x16xf32>,
      %get3A_2628 = arith.constant 48 : index
      %get3A_2629 = tpu.vector_load %arg12[%get3A_2628] {strides = array<i32>} : memref<80xf32, #tpu.memory_space<vmem>>, vector<16xf32>,
      %get3A_2630 = vector.shape_cast %get3A_2629 : vector<16xf32> to vector<16xf32>
      %slice3A_2631 = vector.extract_strided_slice %get3A_2630 {offsets = [0], sizes = [1], strides = [1]} : vector<16xf32> to vector<1xf32>
      %squeeze3A_2632 = vector.extract %slice3A_2631[0] : f32 from vector<1xf32>
      %get3A_2633 = arith.constant 48 : i32
      %get3A_2634 = arith.index_cast %get3A_2633 : i32 to index
      %get3A_2635 = arith.constant 0 : index
      %get3A_2636 = tpu.vector_load %arg13[%get3A_2634, %get3A_2635] {strides = array<i32>} : memref<80x64xf32, #tpu.memory_space<vmem>>, vector<1x16xf32>,
      %get3A_2637 = vector.shape_cast %get3A_2636 : vector<1x16xf32> to vector<16xf32>
      %mul3A_2638 = vector.broadcast %squeeze3A_2632 : f32 to vector<16xf32>
      %mul3A_2639 = arith.mulf %get3A_2637, %mul3A_2638 : vector<16xf32>
      %swap3A_2640 = arith.constant 48 : i32
      %swap3A_2641 = arith.index_cast %swap3A_2640 : i32 to index
      %swap3A_2642 = arith.constant 0 : index
      %swap3A_2643 = tpu.vector_load %arg13[%swap3A_2641, %swap3A_2642] {strides = array<i32>} : memref<80x64xf32, #tpu.memory_space<vmem>>, vector<1x16xf32>,
      %swap3A_2644 = vector.shape_cast %swap3A_2643 : vector<1x16xf32> to vector<16xf32>
      %swap3A_2645 = vector.shape_cast %mul3A_2639 : vector<16xf32> to vector<1x16xf32>
      tpu.vector_store %arg13[%swap3A_2641, %swap3A_2642], %swap3A_2645 {strides = array<i32>} : memref<80x64xf32, #tpu.memory_space<vmem>>, vector<1x16xf32>,
      %get3A_2646 = arith.constant 48 : i32
      %get3A_2647 = arith.index_cast %get3A_2646 : i32 to index
      %get3A_2648 = arith.constant 16 : index
      %get3A_2649 = tpu.vector_load %arg13[%get3A_2647, %get3A_2648] {strides = array<i32>} : memref<80x64xf32, #tpu.memory_space<vmem>>, vector<1x16xf32>,
      %get3A_2650 = vector.shape_cast %get3A_2649 : vector<1x16xf32> to vector<16xf32>
      %mul3A_2651 = vector.broadcast %squeeze3A_2632 : f32 to vector<16xf32>
      %mul3A_2652 = arith.mulf %get3A_2650, %mul3A_2651 : vector<16xf32>
      %swap3A_2653 = arith.constant 48 : i32
      %swap3A_2654 = arith.index_cast %swap3A_2653 : i32 to index
      %swap3A_2655 = arith.constant 16 : index
      %swap3A_2656 = tpu.vector_load %arg13[%swap3A_2654, %swap3A_2655] {strides = array<i32>} : memref<80x64xf32, #tpu.memory_space<vmem>>, vector<1x16xf32>,
      %swap3A_2657 = vector.shape_cast %swap3A_2656 : vector<1x16xf32> to vector<16xf32>
      %swap3A_2658 = vector.shape_cast %mul3A_2652 : vector<16xf32> to vector<1x16xf32>
      tpu.vector_store %arg13[%swap3A_2654, %swap3A_2655], %swap3A_2658 {strides = array<i32>} : memref<80x64xf32, #tpu.memory_space<vmem>>, vector<1x16xf32>,
      %get3A_2659 = arith.constant 48 : i32
      %get3A_2660 = arith.index_cast %get3A_2659 : i32 to index
      %get3A_2661 = arith.constant 32 : index
      %get3A_2662 = tpu.vector_load %arg13[%get3A_2660, %get3A_2661] {strides = array<i32>} : memref<80x64xf32, #tpu.memory_space<vmem>>, vector<1x16xf32>,
      %get3A_2663 = vector.shape_cast %get3A_2662 : vector<1x16xf32> to vector<16xf32>
      %mul3A_2664 = vector.broadcast %squeeze3A_2632 : f32 to vector<16xf32>
      %mul3A_2665 = arith.mulf %get3A_2663, %mul3A_2664 : vector<16xf32>
      %swap3A_2666 = arith.constant 48 : i32
      %swap3A_2667 = arith.index_cast %swap3A_2666 : i32 to index
      %swap3A_2668 = arith.constant 32 : index
      %swap3A_2669 = tpu.vector_load %arg13[%swap3A_2667, %swap3A_2668] {strides = array<i32>} : memref<80x64xf32, #tpu.memory_space<vmem>>, vector<1x16xf32>,
      %swap3A_2670 = vector.shape_cast %swap3A_2669 : vector<1x16xf32> to vector<16xf32>
      %swap3A_2671 = vector.shape_cast %mul3A_2665 : vector<16xf32> to vector<1x16xf32>
      tpu.vector_store %arg13[%swap3A_2667, %swap3A_2668], %swap3A_2671 {strides = array<i32>} : memref<80x64xf32, #tpu.memory_space<vmem>>, vector<1x16xf32>,
      %get3A_2672 = arith.constant 48 : i32
      %get3A_2673 = arith.index_cast %get3A_2672 : i32 to index
      %get3A_2674 = arith.constant 48 : index
      %get3A_2675 = tpu.vector_load %arg13[%get3A_2673, %get3A_2674] {strides = array<i32>} : memref<80x64xf32, #tpu.memory_space<vmem>>, vector<1x16xf32>,
      %get3A_2676 = vector.shape_cast %get3A_2675 : vector<1x16xf32> to vector<16xf32>
      %mul3A_2677 = vector.broadcast %squeeze3A_2632 : f32 to vector<16xf32>
      %mul3A_2678 = arith.mulf %get3A_2676, %mul3A_2677 : vector<16xf32>
      %swap3A_2679 = arith.constant 48 : i32
      %swap3A_2680 = arith.index_cast %swap3A_2679 : i32 to index
      %swap3A_2681 = arith.constant 48 : index
      %swap3A_2682 = tpu.vector_load %arg13[%swap3A_2680, %swap3A_2681] {strides = array<i32>} : memref<80x64xf32, #tpu.memory_space<vmem>>, vector<1x16xf32>,
      %swap3A_2683 = vector.shape_cast %swap3A_2682 : vector<1x16xf32> to vector<16xf32>
      %swap3A_2684 = vector.shape_cast %mul3A_2678 : vector<16xf32> to vector<1x16xf32>
      tpu.vector_store %arg13[%swap3A_2680, %swap3A_2681], %swap3A_2684 {strides = array<i32>} : memref<80x64xf32, #tpu.memory_space<vmem>>, vector<1x16xf32>,
      %slice3A_2685 = vector.extract_strided_slice %get3A_2630 {offsets = [1], sizes = [1], strides = [1]} : vector<16xf32> to vector<1xf32>
      %squeeze3A_2686 = vector.extract %slice3A_2685[0] : f32 from vector<1xf32>
      %get3A_2687 = arith.constant 49 : i32
      %get3A_2688 = arith.index_cast %get3A_2687 : i32 to index
      %get3A_2689 = arith.constant 0 : index
      %get3A_2690 = tpu.vector_load %arg13[%get3A_2688, %get3A_2689] {strides = array<i32>} : memref<80x64xf32, #tpu.memory_space<vmem>>, vector<1x16xf32>,
      %get3A_2691 = vector.shape_cast %get3A_2690 : vector<1x16xf32> to vector<16xf32>
      %mul3A_2692 = vector.broadcast %squeeze3A_2686 : f32 to vector<16xf32>
      %mul3A_2693 = arith.mulf %get3A_2691, %mul3A_2692 : vector<16xf32>
      %swap3A_2694 = arith.constant 49 : i32
      %swap3A_2695 = arith.index_cast %swap3A_2694 : i32 to index
      %swap3A_2696 = arith.constant 0 : index
      %swap3A_2697 = tpu.vector_load %arg13[%swap3A_2695, %swap3A_2696] {strides = array<i32>} : memref<80x64xf32, #tpu.memory_space<vmem>>, vector<1x16xf32>,
      %swap3A_2698 = vector.shape_cast %swap3A_2697 : vector<1x16xf32> to vector<16xf32>
      %swap3A_2699 = vector.shape_cast %mul3A_2693 : vector<16xf32> to vector<1x16xf32>
      tpu.vector_store %arg13[%swap3A_2695, %swap3A_2696], %swap3A_2699 {strides = array<i32>} : memref<80x64xf32, #tpu.memory_space<vmem>>, vector<1x16xf32>,
      %get3A_2700 = arith.constant 49 : i32
      %get3A_2701 = arith.index_cast %get3A_2700 : i32 to index
      %get3A_2702 = arith.constant 16 : index
      %get3A_2703 = tpu.vector_load %arg13[%get3A_2701, %get3A_2702] {strides = array<i32>} : memref<80x64xf32, #tpu.memory_space<vmem>>, vector<1x16xf32>,
      %get3A_2704 = vector.shape_cast %get3A_2703 : vector<1x16xf32> to vector<16xf32>
      %mul3A_2705 = vector.broadcast %squeeze3A_2686 : f32 to vector<16xf32>
      %mul3A_2706 = arith.mulf %get3A_2704, %mul3A_2705 : vector<16xf32>
      %swap3A_2707 = arith.constant 49 : i32
      %swap3A_2708 = arith.index_cast %swap3A_2707 : i32 to index
      %swap3A_2709 = arith.constant 16 : index
      %swap3A_2710 = tpu.vector_load %arg13[%swap3A_2708, %swap3A_2709] {strides = array<i32>} : memref<80x64xf32, #tpu.memory_space<vmem>>, vector<1x16xf32>,
      %swap3A_2711 = vector.shape_cast %swap3A_2710 : vector<1x16xf32> to vector<16xf32>
      %swap3A_2712 = vector.shape_cast %mul3A_2706 : vector<16xf32> to vector<1x16xf32>
      tpu.vector_store %arg13[%swap3A_2708, %swap3A_2709], %swap3A_2712 {strides = array<i32>} : memref<80x64xf32, #tpu.memory_space<vmem>>, vector<1x16xf32>,
      %get3A_2713 = arith.constant 49 : i32
      %get3A_2714 = arith.index_cast %get3A_2713 : i32 to index
      %get3A_2715 = arith.constant 32 : index
      %get3A_2716 = tpu.vector_load %arg13[%get3A_2714, %get3A_2715] {strides = array<i32>} : memref<80x64xf32, #tpu.memory_space<vmem>>, vector<1x16xf32>,
      %get3A_2717 = vector.shape_cast %get3A_2716 : vector<1x16xf32> to vector<16xf32>
      %mul3A_2718 = vector.broadcast %squeeze3A_2686 : f32 to vector<16xf32>
      %mul3A_2719 = arith.mulf %get3A_2717, %mul3A_2718 : vector<16xf32>
      %swap3A_2720 = arith.constant 49 : i32
      %swap3A_2721 = arith.index_cast %swap3A_2720 : i32 to index
      %swap3A_2722 = arith.constant 32 : index
      %swap3A_2723 = tpu.vector_load %arg13[%swap3A_2721, %swap3A_2722] {strides = array<i32>} : memref<80x64xf32, #tpu.memory_space<vmem>>, vector<1x16xf32>,
      %swap3A_2724 = vector.shape_cast %swap3A_2723 : vector<1x16xf32> to vector<16xf32>
      %swap3A_2725 = vector.shape_cast %mul3A_2719 : vector<16xf32> to vector<1x16xf32>
      tpu.vector_store %arg13[%swap3A_2721, %swap3A_2722], %swap3A_2725 {strides = array<i32>} : memref<80x64xf32, #tpu.memory_space<vmem>>, vector<1x16xf32>,
      %get3A_2726 = arith.constant 49 : i32
      %get3A_2727 = arith.index_cast %get3A_2726 : i32 to index
      %get3A_2728 = arith.constant 48 : index
      %get3A_2729 = tpu.vector_load %arg13[%get3A_2727, %get3A_2728] {strides = array<i32>} : memref<80x64xf32, #tpu.memory_space<vmem>>, vector<1x16xf32>,
      %get3A_2730 = vector.shape_cast %get3A_2729 : vector<1x16xf32> to vector<16xf32>
      %mul3A_2731 = vector.broadcast %squeeze3A_2686 : f32 to vector<16xf32>
      %mul3A_2732 = arith.mulf %get3A_2730, %mul3A_2731 : vector<16xf32>
      %swap3A_2733 = arith.constant 49 : i32
      %swap3A_2734 = arith.index_cast %swap3A_2733 : i32 to index
      %swap3A_2735 = arith.constant 48 : index
      %swap3A_2736 = tpu.vector_load %arg13[%swap3A_2734, %swap3A_2735] {strides = array<i32>} : memref<80x64xf32, #tpu.memory_space<vmem>>, vector<1x16xf32>,
      %swap3A_2737 = vector.shape_cast %swap3A_2736 : vector<1x16xf32> to vector<16xf32>
      %swap3A_2738 = vector.shape_cast %mul3A_2732 : vector<16xf32> to vector<1x16xf32>
      tpu.vector_store %arg13[%swap3A_2734, %swap3A_2735], %swap3A_2738 {strides = array<i32>} : memref<80x64xf32, #tpu.memory_space<vmem>>, vector<1x16xf32>,
      %slice3A_2739 = vector.extract_strided_slice %get3A_2630 {offsets = [2], sizes = [1], strides = [1]} : vector<16xf32> to vector<1xf32>
      %squeeze3A_2740 = vector.extract %slice3A_2739[0] : f32 from vector<1xf32>
      %get3A_2741 = arith.constant 50 : i32
      %get3A_2742 = arith.index_cast %get3A_2741 : i32 to index
      %get3A_2743 = arith.constant 0 : index
      %get3A_2744 = tpu.vector_load %arg13[%get3A_2742, %get3A_2743] {strides = array<i32>} : memref<80x64xf32, #tpu.memory_space<vmem>>, vector<1x16xf32>,
      %get3A_2745 = vector.shape_cast %get3A_2744 : vector<1x16xf32> to vector<16xf32>
      %mul3A_2746 = vector.broadcast %squeeze3A_2740 : f32 to vector<16xf32>
      %mul3A_2747 = arith.mulf %get3A_2745, %mul3A_2746 : vector<16xf32>
      %swap3A_2748 = arith.constant 50 : i32
      %swap3A_2749 = arith.index_cast %swap3A_2748 : i32 to index
      %swap3A_2750 = arith.constant 0 : index
      %swap3A_2751 = tpu.vector_load %arg13[%swap3A_2749, %swap3A_2750] {strides = array<i32>} : memref<80x64xf32, #tpu.memory_space<vmem>>, vector<1x16xf32>,
      %swap3A_2752 = vector.shape_cast %swap3A_2751 : vector<1x16xf32> to vector<16xf32>
      %swap3A_2753 = vector.shape_cast %mul3A_2747 : vector<16xf32> to vector<1x16xf32>
      tpu.vector_store %arg13[%swap3A_2749, %swap3A_2750], %swap3A_2753 {strides = array<i32>} : memref<80x64xf32, #tpu.memory_space<vmem>>, vector<1x16xf32>,
      %get3A_2754 = arith.constant 50 : i32
      %get3A_2755 = arith.index_cast %get3A_2754 : i32 to index
      %get3A_2756 = arith.constant 16 : index
      %get3A_2757 = tpu.vector_load %arg13[%get3A_2755, %get3A_2756] {strides = array<i32>} : memref<80x64xf32, #tpu.memory_space<vmem>>, vector<1x16xf32>,
      %get3A_2758 = vector.shape_cast %get3A_2757 : vector<1x16xf32> to vector<16xf32>
      %mul3A_2759 = vector.broadcast %squeeze3A_2740 : f32 to vector<16xf32>
      %mul3A_2760 = arith.mulf %get3A_2758, %mul3A_2759 : vector<16xf32>
      %swap3A_2761 = arith.constant 50 : i32
      %swap3A_2762 = arith.index_cast %swap3A_2761 : i32 to index
      %swap3A_2763 = arith.constant 16 : index
      %swap3A_2764 = tpu.vector_load %arg13[%swap3A_2762, %swap3A_2763] {strides = array<i32>} : memref<80x64xf32, #tpu.memory_space<vmem>>, vector<1x16xf32>,
      %swap3A_2765 = vector.shape_cast %swap3A_2764 : vector<1x16xf32> to vector<16xf32>
      %swap3A_2766 = vector.shape_cast %mul3A_2760 : vector<16xf32> to vector<1x16xf32>
      tpu.vector_store %arg13[%swap3A_2762, %swap3A_2763], %swap3A_2766 {strides = array<i32>} : memref<80x64xf32, #tpu.memory_space<vmem>>, vector<1x16xf32>,
      %get3A_2767 = arith.constant 50 : i32
      %get3A_2768 = arith.index_cast %get3A_2767 : i32 to index
      %get3A_2769 = arith.constant 32 : index
      %get3A_2770 = tpu.vector_load %arg13[%get3A_2768, %get3A_2769] {strides = array<i32>} : memref<80x64xf32, #tpu.memory_space<vmem>>, vector<1x16xf32>,
      %get3A_2771 = vector.shape_cast %get3A_2770 : vector<1x16xf32> to vector<16xf32>
      %mul3A_2772 = vector.broadcast %squeeze3A_2740 : f32 to vector<16xf32>
      %mul3A_2773 = arith.mulf %get3A_2771, %mul3A_2772 : vector<16xf32>
      %swap3A_2774 = arith.constant 50 : i32
      %swap3A_2775 = arith.index_cast %swap3A_2774 : i32 to index
      %swap3A_2776 = arith.constant 32 : index
      %swap3A_2777 = tpu.vector_load %arg13[%swap3A_2775, %swap3A_2776] {strides = array<i32>} : memref<80x64xf32, #tpu.memory_space<vmem>>, vector<1x16xf32>,
      %swap3A_2778 = vector.shape_cast %swap3A_2777 : vector<1x16xf32> to vector<16xf32>
      %swap3A_2779 = vector.shape_cast %mul3A_2773 : vector<16xf32> to vector<1x16xf32>
      tpu.vector_store %arg13[%swap3A_2775, %swap3A_2776], %swap3A_2779 {strides = array<i32>} : memref<80x64xf32, #tpu.memory_space<vmem>>, vector<1x16xf32>,
      %get3A_2780 = arith.constant 50 : i32
      %get3A_2781 = arith.index_cast %get3A_2780 : i32 to index
      %get3A_2782 = arith.constant 48 : index
      %get3A_2783 = tpu.vector_load %arg13[%get3A_2781, %get3A_2782] {strides = array<i32>} : memref<80x64xf32, #tpu.memory_space<vmem>>, vector<1x16xf32>,
      %get3A_2784 = vector.shape_cast %get3A_2783 : vector<1x16xf32> to vector<16xf32>
      %mul3A_2785 = vector.broadcast %squeeze3A_2740 : f32 to vector<16xf32>
      %mul3A_2786 = arith.mulf %get3A_2784, %mul3A_2785 : vector<16xf32>
      %swap3A_2787 = arith.constant 50 : i32
      %swap3A_2788 = arith.index_cast %swap3A_2787 : i32 to index
      %swap3A_2789 = arith.constant 48 : index
      %swap3A_2790 = tpu.vector_load %arg13[%swap3A_2788, %swap3A_2789] {strides = array<i32>} : memref<80x64xf32, #tpu.memory_space<vmem>>, vector<1x16xf32>,
      %swap3A_2791 = vector.shape_cast %swap3A_2790 : vector<1x16xf32> to vector<16xf32>
      %swap3A_2792 = vector.shape_cast %mul3A_2786 : vector<16xf32> to vector<1x16xf32>
      tpu.vector_store %arg13[%swap3A_2788, %swap3A_2789], %swap3A_2792 {strides = array<i32>} : memref<80x64xf32, #tpu.memory_space<vmem>>, vector<1x16xf32>,
      %slice3A_2793 = vector.extract_strided_slice %get3A_2630 {offsets = [3], sizes = [1], strides = [1]} : vector<16xf32> to vector<1xf32>
      %squeeze3A_2794 = vector.extract %slice3A_2793[0] : f32 from vector<1xf32>
      %get3A_2795 = arith.constant 51 : i32
      %get3A_2796 = arith.index_cast %get3A_2795 : i32 to index
      %get3A_2797 = arith.constant 0 : index
      %get3A_2798 = tpu.vector_load %arg13[%get3A_2796, %get3A_2797] {strides = array<i32>} : memref<80x64xf32, #tpu.memory_space<vmem>>, vector<1x16xf32>,
      %get3A_2799 = vector.shape_cast %get3A_2798 : vector<1x16xf32> to vector<16xf32>
      %mul3A_2800 = vector.broadcast %squeeze3A_2794 : f32 to vector<16xf32>
      %mul3A_2801 = arith.mulf %get3A_2799, %mul3A_2800 : vector<16xf32>
      %swap3A_2802 = arith.constant 51 : i32
      %swap3A_2803 = arith.index_cast %swap3A_2802 : i32 to index
      %swap3A_2804 = arith.constant 0 : index
      %swap3A_2805 = tpu.vector_load %arg13[%swap3A_2803, %swap3A_2804] {strides = array<i32>} : memref<80x64xf32, #tpu.memory_space<vmem>>, vector<1x16xf32>,
      %swap3A_2806 = vector.shape_cast %swap3A_2805 : vector<1x16xf32> to vector<16xf32>
      %swap3A_2807 = vector.shape_cast %mul3A_2801 : vector<16xf32> to vector<1x16xf32>
      tpu.vector_store %arg13[%swap3A_2803, %swap3A_2804], %swap3A_2807 {strides = array<i32>} : memref<80x64xf32, #tpu.memory_space<vmem>>, vector<1x16xf32>,
      %get3A_2808 = arith.constant 51 : i32
      %get3A_2809 = arith.index_cast %get3A_2808 : i32 to index
      %get3A_2810 = arith.constant 16 : index
      %get3A_2811 = tpu.vector_load %arg13[%get3A_2809, %get3A_2810] {strides = array<i32>} : memref<80x64xf32, #tpu.memory_space<vmem>>, vector<1x16xf32>,
      %get3A_2812 = vector.shape_cast %get3A_2811 : vector<1x16xf32> to vector<16xf32>
      %mul3A_2813 = vector.broadcast %squeeze3A_2794 : f32 to vector<16xf32>
      %mul3A_2814 = arith.mulf %get3A_2812, %mul3A_2813 : vector<16xf32>
      %swap3A_2815 = arith.constant 51 : i32
      %swap3A_2816 = arith.index_cast %swap3A_2815 : i32 to index
      %swap3A_2817 = arith.constant 16 : index
      %swap3A_2818 = tpu.vector_load %arg13[%swap3A_2816, %swap3A_2817] {strides = array<i32>} : memref<80x64xf32, #tpu.memory_space<vmem>>, vector<1x16xf32>,
      %swap3A_2819 = vector.shape_cast %swap3A_2818 : vector<1x16xf32> to vector<16xf32>
      %swap3A_2820 = vector.shape_cast %mul3A_2814 : vector<16xf32> to vector<1x16xf32>
      tpu.vector_store %arg13[%swap3A_2816, %swap3A_2817], %swap3A_2820 {strides = array<i32>} : memref<80x64xf32, #tpu.memory_space<vmem>>, vector<1x16xf32>,
      %get3A_2821 = arith.constant 51 : i32
      %get3A_2822 = arith.index_cast %get3A_2821 : i32 to index
      %get3A_2823 = arith.constant 32 : index
      %get3A_2824 = tpu.vector_load %arg13[%get3A_2822, %get3A_2823] {strides = array<i32>} : memref<80x64xf32, #tpu.memory_space<vmem>>, vector<1x16xf32>,
      %get3A_2825 = vector.shape_cast %get3A_2824 : vector<1x16xf32> to vector<16xf32>
      %mul3A_2826 = vector.broadcast %squeeze3A_2794 : f32 to vector<16xf32>
      %mul3A_2827 = arith.mulf %get3A_2825, %mul3A_2826 : vector<16xf32>
      %swap3A_2828 = arith.constant 51 : i32
      %swap3A_2829 = arith.index_cast %swap3A_2828 : i32 to index
      %swap3A_2830 = arith.constant 32 : index
      %swap3A_2831 = tpu.vector_load %arg13[%swap3A_2829, %swap3A_2830] {strides = array<i32>} : memref<80x64xf32, #tpu.memory_space<vmem>>, vector<1x16xf32>,
      %swap3A_2832 = vector.shape_cast %swap3A_2831 : vector<1x16xf32> to vector<16xf32>
      %swap3A_2833 = vector.shape_cast %mul3A_2827 : vector<16xf32> to vector<1x16xf32>
      tpu.vector_store %arg13[%swap3A_2829, %swap3A_2830], %swap3A_2833 {strides = array<i32>} : memref<80x64xf32, #tpu.memory_space<vmem>>, vector<1x16xf32>,
      %get3A_2834 = arith.constant 51 : i32
      %get3A_2835 = arith.index_cast %get3A_2834 : i32 to index
      %get3A_2836 = arith.constant 48 : index
      %get3A_2837 = tpu.vector_load %arg13[%get3A_2835, %get3A_2836] {strides = array<i32>} : memref<80x64xf32, #tpu.memory_space<vmem>>, vector<1x16xf32>,
      %get3A_2838 = vector.shape_cast %get3A_2837 : vector<1x16xf32> to vector<16xf32>
      %mul3A_2839 = vector.broadcast %squeeze3A_2794 : f32 to vector<16xf32>
      %mul3A_2840 = arith.mulf %get3A_2838, %mul3A_2839 : vector<16xf32>
      %swap3A_2841 = arith.constant 51 : i32
      %swap3A_2842 = arith.index_cast %swap3A_2841 : i32 to index
      %swap3A_2843 = arith.constant 48 : index
      %swap3A_2844 = tpu.vector_load %arg13[%swap3A_2842, %swap3A_2843] {strides = array<i32>} : memref<80x64xf32, #tpu.memory_space<vmem>>, vector<1x16xf32>,
      %swap3A_2845 = vector.shape_cast %swap3A_2844 : vector<1x16xf32> to vector<16xf32>
      %swap3A_2846 = vector.shape_cast %mul3A_2840 : vector<16xf32> to vector<1x16xf32>
      tpu.vector_store %arg13[%swap3A_2842, %swap3A_2843], %swap3A_2846 {strides = array<i32>} : memref<80x64xf32, #tpu.memory_space<vmem>>, vector<1x16xf32>,
      %slice3A_2847 = vector.extract_strided_slice %get3A_2630 {offsets = [4], sizes = [1], strides = [1]} : vector<16xf32> to vector<1xf32>
      %squeeze3A_2848 = vector.extract %slice3A_2847[0] : f32 from vector<1xf32>
      %get3A_2849 = arith.constant 52 : i32
      %get3A_2850 = arith.index_cast %get3A_2849 : i32 to index
      %get3A_2851 = arith.constant 0 : index
      %get3A_2852 = tpu.vector_load %arg13[%get3A_2850, %get3A_2851] {strides = array<i32>} : memref<80x64xf32, #tpu.memory_space<vmem>>, vector<1x16xf32>,
      %get3A_2853 = vector.shape_cast %get3A_2852 : vector<1x16xf32> to vector<16xf32>
      %mul3A_2854 = vector.broadcast %squeeze3A_2848 : f32 to vector<16xf32>
      %mul3A_2855 = arith.mulf %get3A_2853, %mul3A_2854 : vector<16xf32>
      %swap3A_2856 = arith.constant 52 : i32
      %swap3A_2857 = arith.index_cast %swap3A_2856 : i32 to index
      %swap3A_2858 = arith.constant 0 : index
      %swap3A_2859 = tpu.vector_load %arg13[%swap3A_2857, %swap3A_2858] {strides = array<i32>} : memref<80x64xf32, #tpu.memory_space<vmem>>, vector<1x16xf32>,
      %swap3A_2860 = vector.shape_cast %swap3A_2859 : vector<1x16xf32> to vector<16xf32>
      %swap3A_2861 = vector.shape_cast %mul3A_2855 : vector<16xf32> to vector<1x16xf32>
      tpu.vector_store %arg13[%swap3A_2857, %swap3A_2858], %swap3A_2861 {strides = array<i32>} : memref<80x64xf32, #tpu.memory_space<vmem>>, vector<1x16xf32>,
      %get3A_2862 = arith.constant 52 : i32
      %get3A_2863 = arith.index_cast %get3A_2862 : i32 to index
      %get3A_2864 = arith.constant 16 : index
      %get3A_2865 = tpu.vector_load %arg13[%get3A_2863, %get3A_2864] {strides = array<i32>} : memref<80x64xf32, #tpu.memory_space<vmem>>, vector<1x16xf32>,
      %get3A_2866 = vector.shape_cast %get3A_2865 : vector<1x16xf32> to vector<16xf32>
      %mul3A_2867 = vector.broadcast %squeeze3A_2848 : f32 to vector<16xf32>
      %mul3A_2868 = arith.mulf %get3A_2866, %mul3A_2867 : vector<16xf32>
      %swap3A_2869 = arith.constant 52 : i32
      %swap3A_2870 = arith.index_cast %swap3A_2869 : i32 to index
      %swap3A_2871 = arith.constant 16 : index
      %swap3A_2872 = tpu.vector_load %arg13[%swap3A_2870, %swap3A_2871] {strides = array<i32>} : memref<80x64xf32, #tpu.memory_space<vmem>>, vector<1x16xf32>,
      %swap3A_2873 = vector.shape_cast %swap3A_2872 : vector<1x16xf32> to vector<16xf32>
      %swap3A_2874 = vector.shape_cast %mul3A_2868 : vector<16xf32> to vector<1x16xf32>
      tpu.vector_store %arg13[%swap3A_2870, %swap3A_2871], %swap3A_2874 {strides = array<i32>} : memref<80x64xf32, #tpu.memory_space<vmem>>, vector<1x16xf32>,
      %get3A_2875 = arith.constant 52 : i32
      %get3A_2876 = arith.index_cast %get3A_2875 : i32 to index
      %get3A_2877 = arith.constant 32 : index
      %get3A_2878 = tpu.vector_load %arg13[%get3A_2876, %get3A_2877] {strides = array<i32>} : memref<80x64xf32, #tpu.memory_space<vmem>>, vector<1x16xf32>,
      %get3A_2879 = vector.shape_cast %get3A_2878 : vector<1x16xf32> to vector<16xf32>
      %mul3A_2880 = vector.broadcast %squeeze3A_2848 : f32 to vector<16xf32>
      %mul3A_2881 = arith.mulf %get3A_2879, %mul3A_2880 : vector<16xf32>
      %swap3A_2882 = arith.constant 52 : i32
      %swap3A_2883 = arith.index_cast %swap3A_2882 : i32 to index
      %swap3A_2884 = arith.constant 32 : index
      %swap3A_2885 = tpu.vector_load %arg13[%swap3A_2883, %swap3A_2884] {strides = array<i32>} : memref<80x64xf32, #tpu.memory_space<vmem>>, vector<1x16xf32>,
      %swap3A_2886 = vector.shape_cast %swap3A_2885 : vector<1x16xf32> to vector<16xf32>
      %swap3A_2887 = vector.shape_cast %mul3A_2881 : vector<16xf32> to vector<1x16xf32>
      tpu.vector_store %arg13[%swap3A_2883, %swap3A_2884], %swap3A_2887 {strides = array<i32>} : memref<80x64xf32, #tpu.memory_space<vmem>>, vector<1x16xf32>,
      %get3A_2888 = arith.constant 52 : i32
      %get3A_2889 = arith.index_cast %get3A_2888 : i32 to index
      %get3A_2890 = arith.constant 48 : index
      %get3A_2891 = tpu.vector_load %arg13[%get3A_2889, %get3A_2890] {strides = array<i32>} : memref<80x64xf32, #tpu.memory_space<vmem>>, vector<1x16xf32>,
      %get3A_2892 = vector.shape_cast %get3A_2891 : vector<1x16xf32> to vector<16xf32>
      %mul3A_2893 = vector.broadcast %squeeze3A_2848 : f32 to vector<16xf32>
      %mul3A_2894 = arith.mulf %get3A_2892, %mul3A_2893 : vector<16xf32>
      %swap3A_2895 = arith.constant 52 : i32
      %swap3A_2896 = arith.index_cast %swap3A_2895 : i32 to index
      %swap3A_2897 = arith.constant 48 : index
      %swap3A_2898 = tpu.vector_load %arg13[%swap3A_2896, %swap3A_2897] {strides = array<i32>} : memref<80x64xf32, #tpu.memory_space<vmem>>, vector<1x16xf32>,
      %swap3A_2899 = vector.shape_cast %swap3A_2898 : vector<1x16xf32> to vector<16xf32>
      %swap3A_2900 = vector.shape_cast %mul3A_2894 : vector<16xf32> to vector<1x16xf32>
      tpu.vector_store %arg13[%swap3A_2896, %swap3A_2897], %swap3A_2900 {strides = array<i32>} : memref<80x64xf32, #tpu.memory_space<vmem>>, vector<1x16xf32>,
      %slice3A_2901 = vector.extract_strided_slice %get3A_2630 {offsets = [5], sizes = [1], strides = [1]} : vector<16xf32> to vector<1xf32>
      %squeeze3A_2902 = vector.extract %slice3A_2901[0] : f32 from vector<1xf32>
      %get3A_2903 = arith.constant 53 : i32
      %get3A_2904 = arith.index_cast %get3A_2903 : i32 to index
      %get3A_2905 = arith.constant 0 : index
      %get3A_2906 = tpu.vector_load %arg13[%get3A_2904, %get3A_2905] {strides = array<i32>} : memref<80x64xf32, #tpu.memory_space<vmem>>, vector<1x16xf32>,
      %get3A_2907 = vector.shape_cast %get3A_2906 : vector<1x16xf32> to vector<16xf32>
      %mul3A_2908 = vector.broadcast %squeeze3A_2902 : f32 to vector<16xf32>
      %mul3A_2909 = arith.mulf %get3A_2907, %mul3A_2908 : vector<16xf32>
      %swap3A_2910 = arith.constant 53 : i32
      %swap3A_2911 = arith.index_cast %swap3A_2910 : i32 to index
      %swap3A_2912 = arith.constant 0 : index
      %swap3A_2913 = tpu.vector_load %arg13[%swap3A_2911, %swap3A_2912] {strides = array<i32>} : memref<80x64xf32, #tpu.memory_space<vmem>>, vector<1x16xf32>,
      %swap3A_2914 = vector.shape_cast %swap3A_2913 : vector<1x16xf32> to vector<16xf32>
      %swap3A_2915 = vector.shape_cast %mul3A_2909 : vector<16xf32> to vector<1x16xf32>
      tpu.vector_store %arg13[%swap3A_2911, %swap3A_2912], %swap3A_2915 {strides = array<i32>} : memref<80x64xf32, #tpu.memory_space<vmem>>, vector<1x16xf32>,
      %get3A_2916 = arith.constant 53 : i32
      %get3A_2917 = arith.index_cast %get3A_2916 : i32 to index
      %get3A_2918 = arith.constant 16 : index
      %get3A_2919 = tpu.vector_load %arg13[%get3A_2917, %get3A_2918] {strides = array<i32>} : memref<80x64xf32, #tpu.memory_space<vmem>>, vector<1x16xf32>,
      %get3A_2920 = vector.shape_cast %get3A_2919 : vector<1x16xf32> to vector<16xf32>
      %mul3A_2921 = vector.broadcast %squeeze3A_2902 : f32 to vector<16xf32>
      %mul3A_2922 = arith.mulf %get3A_2920, %mul3A_2921 : vector<16xf32>
      %swap3A_2923 = arith.constant 53 : i32
      %swap3A_2924 = arith.index_cast %swap3A_2923 : i32 to index
      %swap3A_2925 = arith.constant 16 : index
      %swap3A_2926 = tpu.vector_load %arg13[%swap3A_2924, %swap3A_2925] {strides = array<i32>} : memref<80x64xf32, #tpu.memory_space<vmem>>, vector<1x16xf32>,
      %swap3A_2927 = vector.shape_cast %swap3A_2926 : vector<1x16xf32> to vector<16xf32>
      %swap3A_2928 = vector.shape_cast %mul3A_2922 : vector<16xf32> to vector<1x16xf32>
      tpu.vector_store %arg13[%swap3A_2924, %swap3A_2925], %swap3A_2928 {strides = array<i32>} : memref<80x64xf32, #tpu.memory_space<vmem>>, vector<1x16xf32>,
      %get3A_2929 = arith.constant 53 : i32
      %get3A_2930 = arith.index_cast %get3A_2929 : i32 to index
      %get3A_2931 = arith.constant 32 : index
      %get3A_2932 = tpu.vector_load %arg13[%get3A_2930, %get3A_2931] {strides = array<i32>} : memref<80x64xf32, #tpu.memory_space<vmem>>, vector<1x16xf32>,
      %get3A_2933 = vector.shape_cast %get3A_2932 : vector<1x16xf32> to vector<16xf32>
      %mul3A_2934 = vector.broadcast %squeeze3A_2902 : f32 to vector<16xf32>
      %mul3A_2935 = arith.mulf %get3A_2933, %mul3A_2934 : vector<16xf32>
      %swap3A_2936 = arith.constant 53 : i32
      %swap3A_2937 = arith.index_cast %swap3A_2936 : i32 to index
      %swap3A_2938 = arith.constant 32 : index
      %swap3A_2939 = tpu.vector_load %arg13[%swap3A_2937, %swap3A_2938] {strides = array<i32>} : memref<80x64xf32, #tpu.memory_space<vmem>>, vector<1x16xf32>,
      %swap3A_2940 = vector.shape_cast %swap3A_2939 : vector<1x16xf32> to vector<16xf32>
      %swap3A_2941 = vector.shape_cast %mul3A_2935 : vector<16xf32> to vector<1x16xf32>
      tpu.vector_store %arg13[%swap3A_2937, %swap3A_2938], %swap3A_2941 {strides = array<i32>} : memref<80x64xf32, #tpu.memory_space<vmem>>, vector<1x16xf32>,
      %get3A_2942 = arith.constant 53 : i32
      %get3A_2943 = arith.index_cast %get3A_2942 : i32 to index
      %get3A_2944 = arith.constant 48 : index
      %get3A_2945 = tpu.vector_load %arg13[%get3A_2943, %get3A_2944] {strides = array<i32>} : memref<80x64xf32, #tpu.memory_space<vmem>>, vector<1x16xf32>,
      %get3A_2946 = vector.shape_cast %get3A_2945 : vector<1x16xf32> to vector<16xf32>
      %mul3A_2947 = vector.broadcast %squeeze3A_2902 : f32 to vector<16xf32>
      %mul3A_2948 = arith.mulf %get3A_2946, %mul3A_2947 : vector<16xf32>
      %swap3A_2949 = arith.constant 53 : i32
      %swap3A_2950 = arith.index_cast %swap3A_2949 : i32 to index
      %swap3A_2951 = arith.constant 48 : index
      %swap3A_2952 = tpu.vector_load %arg13[%swap3A_2950, %swap3A_2951] {strides = array<i32>} : memref<80x64xf32, #tpu.memory_space<vmem>>, vector<1x16xf32>,
      %swap3A_2953 = vector.shape_cast %swap3A_2952 : vector<1x16xf32> to vector<16xf32>
      %swap3A_2954 = vector.shape_cast %mul3A_2948 : vector<16xf32> to vector<1x16xf32>
      tpu.vector_store %arg13[%swap3A_2950, %swap3A_2951], %swap3A_2954 {strides = array<i32>} : memref<80x64xf32, #tpu.memory_space<vmem>>, vector<1x16xf32>,
      %slice3A_2955 = vector.extract_strided_slice %get3A_2630 {offsets = [6], sizes = [1], strides = [1]} : vector<16xf32> to vector<1xf32>
      %squeeze3A_2956 = vector.extract %slice3A_2955[0] : f32 from vector<1xf32>
      %get3A_2957 = arith.constant 54 : i32
      %get3A_2958 = arith.index_cast %get3A_2957 : i32 to index
      %get3A_2959 = arith.constant 0 : index
      %get3A_2960 = tpu.vector_load %arg13[%get3A_2958, %get3A_2959] {strides = array<i32>} : memref<80x64xf32, #tpu.memory_space<vmem>>, vector<1x16xf32>,
      %get3A_2961 = vector.shape_cast %get3A_2960 : vector<1x16xf32> to vector<16xf32>
      %mul3A_2962 = vector.broadcast %squeeze3A_2956 : f32 to vector<16xf32>
      %mul3A_2963 = arith.mulf %get3A_2961, %mul3A_2962 : vector<16xf32>
      %swap3A_2964 = arith.constant 54 : i32
      %swap3A_2965 = arith.index_cast %swap3A_2964 : i32 to index
      %swap3A_2966 = arith.constant 0 : index
      %swap3A_2967 = tpu.vector_load %arg13[%swap3A_2965, %swap3A_2966] {strides = array<i32>} : memref<80x64xf32, #tpu.memory_space<vmem>>, vector<1x16xf32>,
      %swap3A_2968 = vector.shape_cast %swap3A_2967 : vector<1x16xf32> to vector<16xf32>
      %swap3A_2969 = vector.shape_cast %mul3A_2963 : vector<16xf32> to vector<1x16xf32>
      tpu.vector_store %arg13[%swap3A_2965, %swap3A_2966], %swap3A_2969 {strides = array<i32>} : memref<80x64xf32, #tpu.memory_space<vmem>>, vector<1x16xf32>,
      %get3A_2970 = arith.constant 54 : i32
      %get3A_2971 = arith.index_cast %get3A_2970 : i32 to index
      %get3A_2972 = arith.constant 16 : index
      %get3A_2973 = tpu.vector_load %arg13[%get3A_2971, %get3A_2972] {strides = array<i32>} : memref<80x64xf32, #tpu.memory_space<vmem>>, vector<1x16xf32>,
      %get3A_2974 = vector.shape_cast %get3A_2973 : vector<1x16xf32> to vector<16xf32>
      %mul3A_2975 = vector.broadcast %squeeze3A_2956 : f32 to vector<16xf32>
      %mul3A_2976 = arith.mulf %get3A_2974, %mul3A_2975 : vector<16xf32>
      %swap3A_2977 = arith.constant 54 : i32
      %swap3A_2978 = arith.index_cast %swap3A_2977 : i32 to index
      %swap3A_2979 = arith.constant 16 : index
      %swap3A_2980 = tpu.vector_load %arg13[%swap3A_2978, %swap3A_2979] {strides = array<i32>} : memref<80x64xf32, #tpu.memory_space<vmem>>, vector<1x16xf32>,
      %swap3A_2981 = vector.shape_cast %swap3A_2980 : vector<1x16xf32> to vector<16xf32>
      %swap3A_2982 = vector.shape_cast %mul3A_2976 : vector<16xf32> to vector<1x16xf32>
      tpu.vector_store %arg13[%swap3A_2978, %swap3A_2979], %swap3A_2982 {strides = array<i32>} : memref<80x64xf32, #tpu.memory_space<vmem>>, vector<1x16xf32>,
      %get3A_2983 = arith.constant 54 : i32
      %get3A_2984 = arith.index_cast %get3A_2983 : i32 to index
      %get3A_2985 = arith.constant 32 : index
      %get3A_2986 = tpu.vector_load %arg13[%get3A_2984, %get3A_2985] {strides = array<i32>} : memref<80x64xf32, #tpu.memory_space<vmem>>, vector<1x16xf32>,
      %get3A_2987 = vector.shape_cast %get3A_2986 : vector<1x16xf32> to vector<16xf32>
      %mul3A_2988 = vector.broadcast %squeeze3A_2956 : f32 to vector<16xf32>
      %mul3A_2989 = arith.mulf %get3A_2987, %mul3A_2988 : vector<16xf32>
      %swap3A_2990 = arith.constant 54 : i32
      %swap3A_2991 = arith.index_cast %swap3A_2990 : i32 to index
      %swap3A_2992 = arith.constant 32 : index
      %swap3A_2993 = tpu.vector_load %arg13[%swap3A_2991, %swap3A_2992] {strides = array<i32>} : memref<80x64xf32, #tpu.memory_space<vmem>>, vector<1x16xf32>,
      %swap3A_2994 = vector.shape_cast %swap3A_2993 : vector<1x16xf32> to vector<16xf32>
      %swap3A_2995 = vector.shape_cast %mul3A_2989 : vector<16xf32> to vector<1x16xf32>
      tpu.vector_store %arg13[%swap3A_2991, %swap3A_2992], %swap3A_2995 {strides = array<i32>} : memref<80x64xf32, #tpu.memory_space<vmem>>, vector<1x16xf32>,
      %get3A_2996 = arith.constant 54 : i32
      %get3A_2997 = arith.index_cast %get3A_2996 : i32 to index
      %get3A_2998 = arith.constant 48 : index
      %get3A_2999 = tpu.vector_load %arg13[%get3A_2997, %get3A_2998] {strides = array<i32>} : memref<80x64xf32, #tpu.memory_space<vmem>>, vector<1x16xf32>,
      %get3A_3000 = vector.shape_cast %get3A_2999 : vector<1x16xf32> to vector<16xf32>
      %mul3A_3001 = vector.broadcast %squeeze3A_2956 : f32 to vector<16xf32>
      %mul3A_3002 = arith.mulf %get3A_3000, %mul3A_3001 : vector<16xf32>
      %swap3A_3003 = arith.constant 54 : i32
      %swap3A_3004 = arith.index_cast %swap3A_3003 : i32 to index
      %swap3A_3005 = arith.constant 48 : index
      %swap3A_3006 = tpu.vector_load %arg13[%swap3A_3004, %swap3A_3005] {strides = array<i32>} : memref<80x64xf32, #tpu.memory_space<vmem>>, vector<1x16xf32>,
      %swap3A_3007 = vector.shape_cast %swap3A_3006 : vector<1x16xf32> to vector<16xf32>
      %swap3A_3008 = vector.shape_cast %mul3A_3002 : vector<16xf32> to vector<1x16xf32>
      tpu.vector_store %arg13[%swap3A_3004, %swap3A_3005], %swap3A_3008 {strides = array<i32>} : memref<80x64xf32, #tpu.memory_space<vmem>>, vector<1x16xf32>,
      %slice3A_3009 = vector.extract_strided_slice %get3A_2630 {offsets = [7], sizes = [1], strides = [1]} : vector<16xf32> to vector<1xf32>
      %squeeze3A_3010 = vector.extract %slice3A_3009[0] : f32 from vector<1xf32>
      %get3A_3011 = arith.constant 55 : i32
      %get3A_3012 = arith.index_cast %get3A_3011 : i32 to index
      %get3A_3013 = arith.constant 0 : index
      %get3A_3014 = tpu.vector_load %arg13[%get3A_3012, %get3A_3013] {strides = array<i32>} : memref<80x64xf32, #tpu.memory_space<vmem>>, vector<1x16xf32>,
      %get3A_3015 = vector.shape_cast %get3A_3014 : vector<1x16xf32> to vector<16xf32>
      %mul3A_3016 = vector.broadcast %squeeze3A_3010 : f32 to vector<16xf32>
      %mul3A_3017 = arith.mulf %get3A_3015, %mul3A_3016 : vector<16xf32>
      %swap3A_3018 = arith.constant 55 : i32
      %swap3A_3019 = arith.index_cast %swap3A_3018 : i32 to index
      %swap3A_3020 = arith.constant 0 : index
      %swap3A_3021 = tpu.vector_load %arg13[%swap3A_3019, %swap3A_3020] {strides = array<i32>} : memref<80x64xf32, #tpu.memory_space<vmem>>, vector<1x16xf32>,
      %swap3A_3022 = vector.shape_cast %swap3A_3021 : vector<1x16xf32> to vector<16xf32>
      %swap3A_3023 = vector.shape_cast %mul3A_3017 : vector<16xf32> to vector<1x16xf32>
      tpu.vector_store %arg13[%swap3A_3019, %swap3A_3020], %swap3A_3023 {strides = array<i32>} : memref<80x64xf32, #tpu.memory_space<vmem>>, vector<1x16xf32>,
      %get3A_3024 = arith.constant 55 : i32
      %get3A_3025 = arith.index_cast %get3A_3024 : i32 to index
      %get3A_3026 = arith.constant 16 : index
      %get3A_3027 = tpu.vector_load %arg13[%get3A_3025, %get3A_3026] {strides = array<i32>} : memref<80x64xf32, #tpu.memory_space<vmem>>, vector<1x16xf32>,
      %get3A_3028 = vector.shape_cast %get3A_3027 : vector<1x16xf32> to vector<16xf32>
      %mul3A_3029 = vector.broadcast %squeeze3A_3010 : f32 to vector<16xf32>
      %mul3A_3030 = arith.mulf %get3A_3028, %mul3A_3029 : vector<16xf32>
      %swap3A_3031 = arith.constant 55 : i32
      %swap3A_3032 = arith.index_cast %swap3A_3031 : i32 to index
      %swap3A_3033 = arith.constant 16 : index
      %swap3A_3034 = tpu.vector_load %arg13[%swap3A_3032, %swap3A_3033] {strides = array<i32>} : memref<80x64xf32, #tpu.memory_space<vmem>>, vector<1x16xf32>,
      %swap3A_3035 = vector.shape_cast %swap3A_3034 : vector<1x16xf32> to vector<16xf32>
      %swap3A_3036 = vector.shape_cast %mul3A_3030 : vector<16xf32> to vector<1x16xf32>
      tpu.vector_store %arg13[%swap3A_3032, %swap3A_3033], %swap3A_3036 {strides = array<i32>} : memref<80x64xf32, #tpu.memory_space<vmem>>, vector<1x16xf32>,
      %get3A_3037 = arith.constant 55 : i32
      %get3A_3038 = arith.index_cast %get3A_3037 : i32 to index
      %get3A_3039 = arith.constant 32 : index
      %get3A_3040 = tpu.vector_load %arg13[%get3A_3038, %get3A_3039] {strides = array<i32>} : memref<80x64xf32, #tpu.memory_space<vmem>>, vector<1x16xf32>,
      %get3A_3041 = vector.shape_cast %get3A_3040 : vector<1x16xf32> to vector<16xf32>
      %mul3A_3042 = vector.broadcast %squeeze3A_3010 : f32 to vector<16xf32>
      %mul3A_3043 = arith.mulf %get3A_3041, %mul3A_3042 : vector<16xf32>
      %swap3A_3044 = arith.constant 55 : i32
      %swap3A_3045 = arith.index_cast %swap3A_3044 : i32 to index
      %swap3A_3046 = arith.constant 32 : index
      %swap3A_3047 = tpu.vector_load %arg13[%swap3A_3045, %swap3A_3046] {strides = array<i32>} : memref<80x64xf32, #tpu.memory_space<vmem>>, vector<1x16xf32>,
      %swap3A_3048 = vector.shape_cast %swap3A_3047 : vector<1x16xf32> to vector<16xf32>
      %swap3A_3049 = vector.shape_cast %mul3A_3043 : vector<16xf32> to vector<1x16xf32>
      tpu.vector_store %arg13[%swap3A_3045, %swap3A_3046], %swap3A_3049 {strides = array<i32>} : memref<80x64xf32, #tpu.memory_space<vmem>>, vector<1x16xf32>,
      %get3A_3050 = arith.constant 55 : i32
      %get3A_3051 = arith.index_cast %get3A_3050 : i32 to index
      %get3A_3052 = arith.constant 48 : index
      %get3A_3053 = tpu.vector_load %arg13[%get3A_3051, %get3A_3052] {strides = array<i32>} : memref<80x64xf32, #tpu.memory_space<vmem>>, vector<1x16xf32>,
      %get3A_3054 = vector.shape_cast %get3A_3053 : vector<1x16xf32> to vector<16xf32>
      %mul3A_3055 = vector.broadcast %squeeze3A_3010 : f32 to vector<16xf32>
      %mul3A_3056 = arith.mulf %get3A_3054, %mul3A_3055 : vector<16xf32>
      %swap3A_3057 = arith.constant 55 : i32
      %swap3A_3058 = arith.index_cast %swap3A_3057 : i32 to index
      %swap3A_3059 = arith.constant 48 : index
      %swap3A_3060 = tpu.vector_load %arg13[%swap3A_3058, %swap3A_3059] {strides = array<i32>} : memref<80x64xf32, #tpu.memory_space<vmem>>, vector<1x16xf32>,
      %swap3A_3061 = vector.shape_cast %swap3A_3060 : vector<1x16xf32> to vector<16xf32>
      %swap3A_3062 = vector.shape_cast %mul3A_3056 : vector<16xf32> to vector<1x16xf32>
      tpu.vector_store %arg13[%swap3A_3058, %swap3A_3059], %swap3A_3062 {strides = array<i32>} : memref<80x64xf32, #tpu.memory_space<vmem>>, vector<1x16xf32>,
      %slice3A_3063 = vector.extract_strided_slice %get3A_2630 {offsets = [8], sizes = [1], strides = [1]} : vector<16xf32> to vector<1xf32>
      %squeeze3A_3064 = vector.extract %slice3A_3063[0] : f32 from vector<1xf32>
      %get3A_3065 = arith.constant 56 : i32
      %get3A_3066 = arith.index_cast %get3A_3065 : i32 to index
      %get3A_3067 = arith.constant 0 : index
      %get3A_3068 = tpu.vector_load %arg13[%get3A_3066, %get3A_3067] {strides = array<i32>} : memref<80x64xf32, #tpu.memory_space<vmem>>, vector<1x16xf32>,
      %get3A_3069 = vector.shape_cast %get3A_3068 : vector<1x16xf32> to vector<16xf32>
      %mul3A_3070 = vector.broadcast %squeeze3A_3064 : f32 to vector<16xf32>
      %mul3A_3071 = arith.mulf %get3A_3069, %mul3A_3070 : vector<16xf32>
      %swap3A_3072 = arith.constant 56 : i32
      %swap3A_3073 = arith.index_cast %swap3A_3072 : i32 to index
      %swap3A_3074 = arith.constant 0 : index
      %swap3A_3075 = tpu.vector_load %arg13[%swap3A_3073, %swap3A_3074] {strides = array<i32>} : memref<80x64xf32, #tpu.memory_space<vmem>>, vector<1x16xf32>,
      %swap3A_3076 = vector.shape_cast %swap3A_3075 : vector<1x16xf32> to vector<16xf32>
      %swap3A_3077 = vector.shape_cast %mul3A_3071 : vector<16xf32> to vector<1x16xf32>
      tpu.vector_store %arg13[%swap3A_3073, %swap3A_3074], %swap3A_3077 {strides = array<i32>} : memref<80x64xf32, #tpu.memory_space<vmem>>, vector<1x16xf32>,
      %get3A_3078 = arith.constant 56 : i32
      %get3A_3079 = arith.index_cast %get3A_3078 : i32 to index
      %get3A_3080 = arith.constant 16 : index
      %get3A_3081 = tpu.vector_load %arg13[%get3A_3079, %get3A_3080] {strides = array<i32>} : memref<80x64xf32, #tpu.memory_space<vmem>>, vector<1x16xf32>,
      %get3A_3082 = vector.shape_cast %get3A_3081 : vector<1x16xf32> to vector<16xf32>
      %mul3A_3083 = vector.broadcast %squeeze3A_3064 : f32 to vector<16xf32>
      %mul3A_3084 = arith.mulf %get3A_3082, %mul3A_3083 : vector<16xf32>
      %swap3A_3085 = arith.constant 56 : i32
      %swap3A_3086 = arith.index_cast %swap3A_3085 : i32 to index
      %swap3A_3087 = arith.constant 16 : index
      %swap3A_3088 = tpu.vector_load %arg13[%swap3A_3086, %swap3A_3087] {strides = array<i32>} : memref<80x64xf32, #tpu.memory_space<vmem>>, vector<1x16xf32>,
      %swap3A_3089 = vector.shape_cast %swap3A_3088 : vector<1x16xf32> to vector<16xf32>
      %swap3A_3090 = vector.shape_cast %mul3A_3084 : vector<16xf32> to vector<1x16xf32>
      tpu.vector_store %arg13[%swap3A_3086, %swap3A_3087], %swap3A_3090 {strides = array<i32>} : memref<80x64xf32, #tpu.memory_space<vmem>>, vector<1x16xf32>,
      %get3A_3091 = arith.constant 56 : i32
      %get3A_3092 = arith.index_cast %get3A_3091 : i32 to index
      %get3A_3093 = arith.constant 32 : index
      %get3A_3094 = tpu.vector_load %arg13[%get3A_3092, %get3A_3093] {strides = array<i32>} : memref<80x64xf32, #tpu.memory_space<vmem>>, vector<1x16xf32>,
      %get3A_3095 = vector.shape_cast %get3A_3094 : vector<1x16xf32> to vector<16xf32>
      %mul3A_3096 = vector.broadcast %squeeze3A_3064 : f32 to vector<16xf32>
      %mul3A_3097 = arith.mulf %get3A_3095, %mul3A_3096 : vector<16xf32>
      %swap3A_3098 = arith.constant 56 : i32
      %swap3A_3099 = arith.index_cast %swap3A_3098 : i32 to index
      %swap3A_3100 = arith.constant 32 : index
      %swap3A_3101 = tpu.vector_load %arg13[%swap3A_3099, %swap3A_3100] {strides = array<i32>} : memref<80x64xf32, #tpu.memory_space<vmem>>, vector<1x16xf32>,
      %swap3A_3102 = vector.shape_cast %swap3A_3101 : vector<1x16xf32> to vector<16xf32>
      %swap3A_3103 = vector.shape_cast %mul3A_3097 : vector<16xf32> to vector<1x16xf32>
      tpu.vector_store %arg13[%swap3A_3099, %swap3A_3100], %swap3A_3103 {strides = array<i32>} : memref<80x64xf32, #tpu.memory_space<vmem>>, vector<1x16xf32>,
      %get3A_3104 = arith.constant 56 : i32
      %get3A_3105 = arith.index_cast %get3A_3104 : i32 to index
      %get3A_3106 = arith.constant 48 : index
      %get3A_3107 = tpu.vector_load %arg13[%get3A_3105, %get3A_3106] {strides = array<i32>} : memref<80x64xf32, #tpu.memory_space<vmem>>, vector<1x16xf32>,
      %get3A_3108 = vector.shape_cast %get3A_3107 : vector<1x16xf32> to vector<16xf32>
      %mul3A_3109 = vector.broadcast %squeeze3A_3064 : f32 to vector<16xf32>
      %mul3A_3110 = arith.mulf %get3A_3108, %mul3A_3109 : vector<16xf32>
      %swap3A_3111 = arith.constant 56 : i32
      %swap3A_3112 = arith.index_cast %swap3A_3111 : i32 to index
      %swap3A_3113 = arith.constant 48 : index
      %swap3A_3114 = tpu.vector_load %arg13[%swap3A_3112, %swap3A_3113] {strides = array<i32>} : memref<80x64xf32, #tpu.memory_space<vmem>>, vector<1x16xf32>,
      %swap3A_3115 = vector.shape_cast %swap3A_3114 : vector<1x16xf32> to vector<16xf32>
      %swap3A_3116 = vector.shape_cast %mul3A_3110 : vector<16xf32> to vector<1x16xf32>
      tpu.vector_store %arg13[%swap3A_3112, %swap3A_3113], %swap3A_3116 {strides = array<i32>} : memref<80x64xf32, #tpu.memory_space<vmem>>, vector<1x16xf32>,
      %slice3A_3117 = vector.extract_strided_slice %get3A_2630 {offsets = [9], sizes = [1], strides = [1]} : vector<16xf32> to vector<1xf32>
      %squeeze3A_3118 = vector.extract %slice3A_3117[0] : f32 from vector<1xf32>
      %get3A_3119 = arith.constant 57 : i32
      %get3A_3120 = arith.index_cast %get3A_3119 : i32 to index
      %get3A_3121 = arith.constant 0 : index
      %get3A_3122 = tpu.vector_load %arg13[%get3A_3120, %get3A_3121] {strides = array<i32>} : memref<80x64xf32, #tpu.memory_space<vmem>>, vector<1x16xf32>,
      %get3A_3123 = vector.shape_cast %get3A_3122 : vector<1x16xf32> to vector<16xf32>
      %mul3A_3124 = vector.broadcast %squeeze3A_3118 : f32 to vector<16xf32>
      %mul3A_3125 = arith.mulf %get3A_3123, %mul3A_3124 : vector<16xf32>
      %swap3A_3126 = arith.constant 57 : i32
      %swap3A_3127 = arith.index_cast %swap3A_3126 : i32 to index
      %swap3A_3128 = arith.constant 0 : index
      %swap3A_3129 = tpu.vector_load %arg13[%swap3A_3127, %swap3A_3128] {strides = array<i32>} : memref<80x64xf32, #tpu.memory_space<vmem>>, vector<1x16xf32>,
      %swap3A_3130 = vector.shape_cast %swap3A_3129 : vector<1x16xf32> to vector<16xf32>
      %swap3A_3131 = vector.shape_cast %mul3A_3125 : vector<16xf32> to vector<1x16xf32>
      tpu.vector_store %arg13[%swap3A_3127, %swap3A_3128], %swap3A_3131 {strides = array<i32>} : memref<80x64xf32, #tpu.memory_space<vmem>>, vector<1x16xf32>,
      %get3A_3132 = arith.constant 57 : i32
      %get3A_3133 = arith.index_cast %get3A_3132 : i32 to index
      %get3A_3134 = arith.constant 16 : index
      %get3A_3135 = tpu.vector_load %arg13[%get3A_3133, %get3A_3134] {strides = array<i32>} : memref<80x64xf32, #tpu.memory_space<vmem>>, vector<1x16xf32>,
      %get3A_3136 = vector.shape_cast %get3A_3135 : vector<1x16xf32> to vector<16xf32>
      %mul3A_3137 = vector.broadcast %squeeze3A_3118 : f32 to vector<16xf32>
      %mul3A_3138 = arith.mulf %get3A_3136, %mul3A_3137 : vector<16xf32>
      %swap3A_3139 = arith.constant 57 : i32
      %swap3A_3140 = arith.index_cast %swap3A_3139 : i32 to index
      %swap3A_3141 = arith.constant 16 : index
      %swap3A_3142 = tpu.vector_load %arg13[%swap3A_3140, %swap3A_3141] {strides = array<i32>} : memref<80x64xf32, #tpu.memory_space<vmem>>, vector<1x16xf32>,
      %swap3A_3143 = vector.shape_cast %swap3A_3142 : vector<1x16xf32> to vector<16xf32>
      %swap3A_3144 = vector.shape_cast %mul3A_3138 : vector<16xf32> to vector<1x16xf32>
      tpu.vector_store %arg13[%swap3A_3140, %swap3A_3141], %swap3A_3144 {strides = array<i32>} : memref<80x64xf32, #tpu.memory_space<vmem>>, vector<1x16xf32>,
      %get3A_3145 = arith.constant 57 : i32
      %get3A_3146 = arith.index_cast %get3A_3145 : i32 to index
      %get3A_3147 = arith.constant 32 : index
      %get3A_3148 = tpu.vector_load %arg13[%get3A_3146, %get3A_3147] {strides = array<i32>} : memref<80x64xf32, #tpu.memory_space<vmem>>, vector<1x16xf32>,
      %get3A_3149 = vector.shape_cast %get3A_3148 : vector<1x16xf32> to vector<16xf32>
      %mul3A_3150 = vector.broadcast %squeeze3A_3118 : f32 to vector<16xf32>
      %mul3A_3151 = arith.mulf %get3A_3149, %mul3A_3150 : vector<16xf32>
      %swap3A_3152 = arith.constant 57 : i32
      %swap3A_3153 = arith.index_cast %swap3A_3152 : i32 to index
      %swap3A_3154 = arith.constant 32 : index
      %swap3A_3155 = tpu.vector_load %arg13[%swap3A_3153, %swap3A_3154] {strides = array<i32>} : memref<80x64xf32, #tpu.memory_space<vmem>>, vector<1x16xf32>,
      %swap3A_3156 = vector.shape_cast %swap3A_3155 : vector<1x16xf32> to vector<16xf32>
      %swap3A_3157 = vector.shape_cast %mul3A_3151 : vector<16xf32> to vector<1x16xf32>
      tpu.vector_store %arg13[%swap3A_3153, %swap3A_3154], %swap3A_3157 {strides = array<i32>} : memref<80x64xf32, #tpu.memory_space<vmem>>, vector<1x16xf32>,
      %get3A_3158 = arith.constant 57 : i32
      %get3A_3159 = arith.index_cast %get3A_3158 : i32 to index
      %get3A_3160 = arith.constant 48 : index
      %get3A_3161 = tpu.vector_load %arg13[%get3A_3159, %get3A_3160] {strides = array<i32>} : memref<80x64xf32, #tpu.memory_space<vmem>>, vector<1x16xf32>,
      %get3A_3162 = vector.shape_cast %get3A_3161 : vector<1x16xf32> to vector<16xf32>
      %mul3A_3163 = vector.broadcast %squeeze3A_3118 : f32 to vector<16xf32>
      %mul3A_3164 = arith.mulf %get3A_3162, %mul3A_3163 : vector<16xf32>
      %swap3A_3165 = arith.constant 57 : i32
      %swap3A_3166 = arith.index_cast %swap3A_3165 : i32 to index
      %swap3A_3167 = arith.constant 48 : index
      %swap3A_3168 = tpu.vector_load %arg13[%swap3A_3166, %swap3A_3167] {strides = array<i32>} : memref<80x64xf32, #tpu.memory_space<vmem>>, vector<1x16xf32>,
      %swap3A_3169 = vector.shape_cast %swap3A_3168 : vector<1x16xf32> to vector<16xf32>
      %swap3A_3170 = vector.shape_cast %mul3A_3164 : vector<16xf32> to vector<1x16xf32>
      tpu.vector_store %arg13[%swap3A_3166, %swap3A_3167], %swap3A_3170 {strides = array<i32>} : memref<80x64xf32, #tpu.memory_space<vmem>>, vector<1x16xf32>,
      %slice3A_3171 = vector.extract_strided_slice %get3A_2630 {offsets = [10], sizes = [1], strides = [1]} : vector<16xf32> to vector<1xf32>
      %squeeze3A_3172 = vector.extract %slice3A_3171[0] : f32 from vector<1xf32>
      %get3A_3173 = arith.constant 58 : i32
      %get3A_3174 = arith.index_cast %get3A_3173 : i32 to index
      %get3A_3175 = arith.constant 0 : index
      %get3A_3176 = tpu.vector_load %arg13[%get3A_3174, %get3A_3175] {strides = array<i32>} : memref<80x64xf32, #tpu.memory_space<vmem>>, vector<1x16xf32>,
      %get3A_3177 = vector.shape_cast %get3A_3176 : vector<1x16xf32> to vector<16xf32>
      %mul3A_3178 = vector.broadcast %squeeze3A_3172 : f32 to vector<16xf32>
      %mul3A_3179 = arith.mulf %get3A_3177, %mul3A_3178 : vector<16xf32>
      %swap3A_3180 = arith.constant 58 : i32
      %swap3A_3181 = arith.index_cast %swap3A_3180 : i32 to index
      %swap3A_3182 = arith.constant 0 : index
      %swap3A_3183 = tpu.vector_load %arg13[%swap3A_3181, %swap3A_3182] {strides = array<i32>} : memref<80x64xf32, #tpu.memory_space<vmem>>, vector<1x16xf32>,
      %swap3A_3184 = vector.shape_cast %swap3A_3183 : vector<1x16xf32> to vector<16xf32>
      %swap3A_3185 = vector.shape_cast %mul3A_3179 : vector<16xf32> to vector<1x16xf32>
      tpu.vector_store %arg13[%swap3A_3181, %swap3A_3182], %swap3A_3185 {strides = array<i32>} : memref<80x64xf32, #tpu.memory_space<vmem>>, vector<1x16xf32>,
      %get3A_3186 = arith.constant 58 : i32
      %get3A_3187 = arith.index_cast %get3A_3186 : i32 to index
      %get3A_3188 = arith.constant 16 : index
      %get3A_3189 = tpu.vector_load %arg13[%get3A_3187, %get3A_3188] {strides = array<i32>} : memref<80x64xf32, #tpu.memory_space<vmem>>, vector<1x16xf32>,
      %get3A_3190 = vector.shape_cast %get3A_3189 : vector<1x16xf32> to vector<16xf32>
      %mul3A_3191 = vector.broadcast %squeeze3A_3172 : f32 to vector<16xf32>
      %mul3A_3192 = arith.mulf %get3A_3190, %mul3A_3191 : vector<16xf32>
      %swap3A_3193 = arith.constant 58 : i32
      %swap3A_3194 = arith.index_cast %swap3A_3193 : i32 to index
      %swap3A_3195 = arith.constant 16 : index
      %swap3A_3196 = tpu.vector_load %arg13[%swap3A_3194, %swap3A_3195] {strides = array<i32>} : memref<80x64xf32, #tpu.memory_space<vmem>>, vector<1x16xf32>,
      %swap3A_3197 = vector.shape_cast %swap3A_3196 : vector<1x16xf32> to vector<16xf32>
      %swap3A_3198 = vector.shape_cast %mul3A_3192 : vector<16xf32> to vector<1x16xf32>
      tpu.vector_store %arg13[%swap3A_3194, %swap3A_3195], %swap3A_3198 {strides = array<i32>} : memref<80x64xf32, #tpu.memory_space<vmem>>, vector<1x16xf32>,
      %get3A_3199 = arith.constant 58 : i32
      %get3A_3200 = arith.index_cast %get3A_3199 : i32 to index
      %get3A_3201 = arith.constant 32 : index
      %get3A_3202 = tpu.vector_load %arg13[%get3A_3200, %get3A_3201] {strides = array<i32>} : memref<80x64xf32, #tpu.memory_space<vmem>>, vector<1x16xf32>,
      %get3A_3203 = vector.shape_cast %get3A_3202 : vector<1x16xf32> to vector<16xf32>
      %mul3A_3204 = vector.broadcast %squeeze3A_3172 : f32 to vector<16xf32>
      %mul3A_3205 = arith.mulf %get3A_3203, %mul3A_3204 : vector<16xf32>
      %swap3A_3206 = arith.constant 58 : i32
      %swap3A_3207 = arith.index_cast %swap3A_3206 : i32 to index
      %swap3A_3208 = arith.constant 32 : index
      %swap3A_3209 = tpu.vector_load %arg13[%swap3A_3207, %swap3A_3208] {strides = array<i32>} : memref<80x64xf32, #tpu.memory_space<vmem>>, vector<1x16xf32>,
      %swap3A_3210 = vector.shape_cast %swap3A_3209 : vector<1x16xf32> to vector<16xf32>
      %swap3A_3211 = vector.shape_cast %mul3A_3205 : vector<16xf32> to vector<1x16xf32>
      tpu.vector_store %arg13[%swap3A_3207, %swap3A_3208], %swap3A_3211 {strides = array<i32>} : memref<80x64xf32, #tpu.memory_space<vmem>>, vector<1x16xf32>,
      %get3A_3212 = arith.constant 58 : i32
      %get3A_3213 = arith.index_cast %get3A_3212 : i32 to index
      %get3A_3214 = arith.constant 48 : index
      %get3A_3215 = tpu.vector_load %arg13[%get3A_3213, %get3A_3214] {strides = array<i32>} : memref<80x64xf32, #tpu.memory_space<vmem>>, vector<1x16xf32>,
      %get3A_3216 = vector.shape_cast %get3A_3215 : vector<1x16xf32> to vector<16xf32>
      %mul3A_3217 = vector.broadcast %squeeze3A_3172 : f32 to vector<16xf32>
      %mul3A_3218 = arith.mulf %get3A_3216, %mul3A_3217 : vector<16xf32>
      %swap3A_3219 = arith.constant 58 : i32
      %swap3A_3220 = arith.index_cast %swap3A_3219 : i32 to index
      %swap3A_3221 = arith.constant 48 : index
      %swap3A_3222 = tpu.vector_load %arg13[%swap3A_3220, %swap3A_3221] {strides = array<i32>} : memref<80x64xf32, #tpu.memory_space<vmem>>, vector<1x16xf32>,
      %swap3A_3223 = vector.shape_cast %swap3A_3222 : vector<1x16xf32> to vector<16xf32>
      %swap3A_3224 = vector.shape_cast %mul3A_3218 : vector<16xf32> to vector<1x16xf32>
      tpu.vector_store %arg13[%swap3A_3220, %swap3A_3221], %swap3A_3224 {strides = array<i32>} : memref<80x64xf32, #tpu.memory_space<vmem>>, vector<1x16xf32>,
      %slice3A_3225 = vector.extract_strided_slice %get3A_2630 {offsets = [11], sizes = [1], strides = [1]} : vector<16xf32> to vector<1xf32>
      %squeeze3A_3226 = vector.extract %slice3A_3225[0] : f32 from vector<1xf32>
      %get3A_3227 = arith.constant 59 : i32
      %get3A_3228 = arith.index_cast %get3A_3227 : i32 to index
      %get3A_3229 = arith.constant 0 : index
      %get3A_3230 = tpu.vector_load %arg13[%get3A_3228, %get3A_3229] {strides = array<i32>} : memref<80x64xf32, #tpu.memory_space<vmem>>, vector<1x16xf32>,
      %get3A_3231 = vector.shape_cast %get3A_3230 : vector<1x16xf32> to vector<16xf32>
      %mul3A_3232 = vector.broadcast %squeeze3A_3226 : f32 to vector<16xf32>
      %mul3A_3233 = arith.mulf %get3A_3231, %mul3A_3232 : vector<16xf32>
      %swap3A_3234 = arith.constant 59 : i32
      %swap3A_3235 = arith.index_cast %swap3A_3234 : i32 to index
      %swap3A_3236 = arith.constant 0 : index
      %swap3A_3237 = tpu.vector_load %arg13[%swap3A_3235, %swap3A_3236] {strides = array<i32>} : memref<80x64xf32, #tpu.memory_space<vmem>>, vector<1x16xf32>,
      %swap3A_3238 = vector.shape_cast %swap3A_3237 : vector<1x16xf32> to vector<16xf32>
      %swap3A_3239 = vector.shape_cast %mul3A_3233 : vector<16xf32> to vector<1x16xf32>
      tpu.vector_store %arg13[%swap3A_3235, %swap3A_3236], %swap3A_3239 {strides = array<i32>} : memref<80x64xf32, #tpu.memory_space<vmem>>, vector<1x16xf32>,
      %get3A_3240 = arith.constant 59 : i32
      %get3A_3241 = arith.index_cast %get3A_3240 : i32 to index
      %get3A_3242 = arith.constant 16 : index
      %get3A_3243 = tpu.vector_load %arg13[%get3A_3241, %get3A_3242] {strides = array<i32>} : memref<80x64xf32, #tpu.memory_space<vmem>>, vector<1x16xf32>,
      %get3A_3244 = vector.shape_cast %get3A_3243 : vector<1x16xf32> to vector<16xf32>
      %mul3A_3245 = vector.broadcast %squeeze3A_3226 : f32 to vector<16xf32>
      %mul3A_3246 = arith.mulf %get3A_3244, %mul3A_3245 : vector<16xf32>
      %swap3A_3247 = arith.constant 59 : i32
      %swap3A_3248 = arith.index_cast %swap3A_3247 : i32 to index
      %swap3A_3249 = arith.constant 16 : index
      %swap3A_3250 = tpu.vector_load %arg13[%swap3A_3248, %swap3A_3249] {strides = array<i32>} : memref<80x64xf32, #tpu.memory_space<vmem>>, vector<1x16xf32>,
      %swap3A_3251 = vector.shape_cast %swap3A_3250 : vector<1x16xf32> to vector<16xf32>
      %swap3A_3252 = vector.shape_cast %mul3A_3246 : vector<16xf32> to vector<1x16xf32>
      tpu.vector_store %arg13[%swap3A_3248, %swap3A_3249], %swap3A_3252 {strides = array<i32>} : memref<80x64xf32, #tpu.memory_space<vmem>>, vector<1x16xf32>,
      %get3A_3253 = arith.constant 59 : i32
      %get3A_3254 = arith.index_cast %get3A_3253 : i32 to index
      %get3A_3255 = arith.constant 32 : index
      %get3A_3256 = tpu.vector_load %arg13[%get3A_3254, %get3A_3255] {strides = array<i32>} : memref<80x64xf32, #tpu.memory_space<vmem>>, vector<1x16xf32>,
      %get3A_3257 = vector.shape_cast %get3A_3256 : vector<1x16xf32> to vector<16xf32>
      %mul3A_3258 = vector.broadcast %squeeze3A_3226 : f32 to vector<16xf32>
      %mul3A_3259 = arith.mulf %get3A_3257, %mul3A_3258 : vector<16xf32>
      %swap3A_3260 = arith.constant 59 : i32
      %swap3A_3261 = arith.index_cast %swap3A_3260 : i32 to index
      %swap3A_3262 = arith.constant 32 : index
      %swap3A_3263 = tpu.vector_load %arg13[%swap3A_3261, %swap3A_3262] {strides = array<i32>} : memref<80x64xf32, #tpu.memory_space<vmem>>, vector<1x16xf32>,
      %swap3A_3264 = vector.shape_cast %swap3A_3263 : vector<1x16xf32> to vector<16xf32>
      %swap3A_3265 = vector.shape_cast %mul3A_3259 : vector<16xf32> to vector<1x16xf32>
      tpu.vector_store %arg13[%swap3A_3261, %swap3A_3262], %swap3A_3265 {strides = array<i32>} : memref<80x64xf32, #tpu.memory_space<vmem>>, vector<1x16xf32>,
      %get3A_3266 = arith.constant 59 : i32
      %get3A_3267 = arith.index_cast %get3A_3266 : i32 to index
      %get3A_3268 = arith.constant 48 : index
      %get3A_3269 = tpu.vector_load %arg13[%get3A_3267, %get3A_3268] {strides = array<i32>} : memref<80x64xf32, #tpu.memory_space<vmem>>, vector<1x16xf32>,
      %get3A_3270 = vector.shape_cast %get3A_3269 : vector<1x16xf32> to vector<16xf32>
      %mul3A_3271 = vector.broadcast %squeeze3A_3226 : f32 to vector<16xf32>
      %mul3A_3272 = arith.mulf %get3A_3270, %mul3A_3271 : vector<16xf32>
      %swap3A_3273 = arith.constant 59 : i32
      %swap3A_3274 = arith.index_cast %swap3A_3273 : i32 to index
      %swap3A_3275 = arith.constant 48 : index
      %swap3A_3276 = tpu.vector_load %arg13[%swap3A_3274, %swap3A_3275] {strides = array<i32>} : memref<80x64xf32, #tpu.memory_space<vmem>>, vector<1x16xf32>,
      %swap3A_3277 = vector.shape_cast %swap3A_3276 : vector<1x16xf32> to vector<16xf32>
      %swap3A_3278 = vector.shape_cast %mul3A_3272 : vector<16xf32> to vector<1x16xf32>
      tpu.vector_store %arg13[%swap3A_3274, %swap3A_3275], %swap3A_3278 {strides = array<i32>} : memref<80x64xf32, #tpu.memory_space<vmem>>, vector<1x16xf32>,
      %slice3A_3279 = vector.extract_strided_slice %get3A_2630 {offsets = [12], sizes = [1], strides = [1]} : vector<16xf32> to vector<1xf32>
      %squeeze3A_3280 = vector.extract %slice3A_3279[0] : f32 from vector<1xf32>
      %get3A_3281 = arith.constant 60 : i32
      %get3A_3282 = arith.index_cast %get3A_3281 : i32 to index
      %get3A_3283 = arith.constant 0 : index
      %get3A_3284 = tpu.vector_load %arg13[%get3A_3282, %get3A_3283] {strides = array<i32>} : memref<80x64xf32, #tpu.memory_space<vmem>>, vector<1x16xf32>,
      %get3A_3285 = vector.shape_cast %get3A_3284 : vector<1x16xf32> to vector<16xf32>
      %mul3A_3286 = vector.broadcast %squeeze3A_3280 : f32 to vector<16xf32>
      %mul3A_3287 = arith.mulf %get3A_3285, %mul3A_3286 : vector<16xf32>
      %swap3A_3288 = arith.constant 60 : i32
      %swap3A_3289 = arith.index_cast %swap3A_3288 : i32 to index
      %swap3A_3290 = arith.constant 0 : index
      %swap3A_3291 = tpu.vector_load %arg13[%swap3A_3289, %swap3A_3290] {strides = array<i32>} : memref<80x64xf32, #tpu.memory_space<vmem>>, vector<1x16xf32>,
      %swap3A_3292 = vector.shape_cast %swap3A_3291 : vector<1x16xf32> to vector<16xf32>
      %swap3A_3293 = vector.shape_cast %mul3A_3287 : vector<16xf32> to vector<1x16xf32>
      tpu.vector_store %arg13[%swap3A_3289, %swap3A_3290], %swap3A_3293 {strides = array<i32>} : memref<80x64xf32, #tpu.memory_space<vmem>>, vector<1x16xf32>,
      %get3A_3294 = arith.constant 60 : i32
      %get3A_3295 = arith.index_cast %get3A_3294 : i32 to index
      %get3A_3296 = arith.constant 16 : index
      %get3A_3297 = tpu.vector_load %arg13[%get3A_3295, %get3A_3296] {strides = array<i32>} : memref<80x64xf32, #tpu.memory_space<vmem>>, vector<1x16xf32>,
      %get3A_3298 = vector.shape_cast %get3A_3297 : vector<1x16xf32> to vector<16xf32>
      %mul3A_3299 = vector.broadcast %squeeze3A_3280 : f32 to vector<16xf32>
      %mul3A_3300 = arith.mulf %get3A_3298, %mul3A_3299 : vector<16xf32>
      %swap3A_3301 = arith.constant 60 : i32
      %swap3A_3302 = arith.index_cast %swap3A_3301 : i32 to index
      %swap3A_3303 = arith.constant 16 : index
      %swap3A_3304 = tpu.vector_load %arg13[%swap3A_3302, %swap3A_3303] {strides = array<i32>} : memref<80x64xf32, #tpu.memory_space<vmem>>, vector<1x16xf32>,
      %swap3A_3305 = vector.shape_cast %swap3A_3304 : vector<1x16xf32> to vector<16xf32>
      %swap3A_3306 = vector.shape_cast %mul3A_3300 : vector<16xf32> to vector<1x16xf32>
      tpu.vector_store %arg13[%swap3A_3302, %swap3A_3303], %swap3A_3306 {strides = array<i32>} : memref<80x64xf32, #tpu.memory_space<vmem>>, vector<1x16xf32>,
      %get3A_3307 = arith.constant 60 : i32
      %get3A_3308 = arith.index_cast %get3A_3307 : i32 to index
      %get3A_3309 = arith.constant 32 : index
      %get3A_3310 = tpu.vector_load %arg13[%get3A_3308, %get3A_3309] {strides = array<i32>} : memref<80x64xf32, #tpu.memory_space<vmem>>, vector<1x16xf32>,
      %get3A_3311 = vector.shape_cast %get3A_3310 : vector<1x16xf32> to vector<16xf32>
      %mul3A_3312 = vector.broadcast %squeeze3A_3280 : f32 to vector<16xf32>
      %mul3A_3313 = arith.mulf %get3A_3311, %mul3A_3312 : vector<16xf32>
      %swap3A_3314 = arith.constant 60 : i32
      %swap3A_3315 = arith.index_cast %swap3A_3314 : i32 to index
      %swap3A_3316 = arith.constant 32 : index
      %swap3A_3317 = tpu.vector_load %arg13[%swap3A_3315, %swap3A_3316] {strides = array<i32>} : memref<80x64xf32, #tpu.memory_space<vmem>>, vector<1x16xf32>,
      %swap3A_3318 = vector.shape_cast %swap3A_3317 : vector<1x16xf32> to vector<16xf32>
      %swap3A_3319 = vector.shape_cast %mul3A_3313 : vector<16xf32> to vector<1x16xf32>
      tpu.vector_store %arg13[%swap3A_3315, %swap3A_3316], %swap3A_3319 {strides = array<i32>} : memref<80x64xf32, #tpu.memory_space<vmem>>, vector<1x16xf32>,
      %get3A_3320 = arith.constant 60 : i32
      %get3A_3321 = arith.index_cast %get3A_3320 : i32 to index
      %get3A_3322 = arith.constant 48 : index
      %get3A_3323 = tpu.vector_load %arg13[%get3A_3321, %get3A_3322] {strides = array<i32>} : memref<80x64xf32, #tpu.memory_space<vmem>>, vector<1x16xf32>,
      %get3A_3324 = vector.shape_cast %get3A_3323 : vector<1x16xf32> to vector<16xf32>
      %mul3A_3325 = vector.broadcast %squeeze3A_3280 : f32 to vector<16xf32>
      %mul3A_3326 = arith.mulf %get3A_3324, %mul3A_3325 : vector<16xf32>
      %swap3A_3327 = arith.constant 60 : i32
      %swap3A_3328 = arith.index_cast %swap3A_3327 : i32 to index
      %swap3A_3329 = arith.constant 48 : index
      %swap3A_3330 = tpu.vector_load %arg13[%swap3A_3328, %swap3A_3329] {strides = array<i32>} : memref<80x64xf32, #tpu.memory_space<vmem>>, vector<1x16xf32>,
      %swap3A_3331 = vector.shape_cast %swap3A_3330 : vector<1x16xf32> to vector<16xf32>
      %swap3A_3332 = vector.shape_cast %mul3A_3326 : vector<16xf32> to vector<1x16xf32>
      tpu.vector_store %arg13[%swap3A_3328, %swap3A_3329], %swap3A_3332 {strides = array<i32>} : memref<80x64xf32, #tpu.memory_space<vmem>>, vector<1x16xf32>,
      %slice3A_3333 = vector.extract_strided_slice %get3A_2630 {offsets = [13], sizes = [1], strides = [1]} : vector<16xf32> to vector<1xf32>
      %squeeze3A_3334 = vector.extract %slice3A_3333[0] : f32 from vector<1xf32>
      %get3A_3335 = arith.constant 61 : i32
      %get3A_3336 = arith.index_cast %get3A_3335 : i32 to index
      %get3A_3337 = arith.constant 0 : index
      %get3A_3338 = tpu.vector_load %arg13[%get3A_3336, %get3A_3337] {strides = array<i32>} : memref<80x64xf32, #tpu.memory_space<vmem>>, vector<1x16xf32>,
      %get3A_3339 = vector.shape_cast %get3A_3338 : vector<1x16xf32> to vector<16xf32>
      %mul3A_3340 = vector.broadcast %squeeze3A_3334 : f32 to vector<16xf32>
      %mul3A_3341 = arith.mulf %get3A_3339, %mul3A_3340 : vector<16xf32>
      %swap3A_3342 = arith.constant 61 : i32
      %swap3A_3343 = arith.index_cast %swap3A_3342 : i32 to index
      %swap3A_3344 = arith.constant 0 : index
      %swap3A_3345 = tpu.vector_load %arg13[%swap3A_3343, %swap3A_3344] {strides = array<i32>} : memref<80x64xf32, #tpu.memory_space<vmem>>, vector<1x16xf32>,
      %swap3A_3346 = vector.shape_cast %swap3A_3345 : vector<1x16xf32> to vector<16xf32>
      %swap3A_3347 = vector.shape_cast %mul3A_3341 : vector<16xf32> to vector<1x16xf32>
      tpu.vector_store %arg13[%swap3A_3343, %swap3A_3344], %swap3A_3347 {strides = array<i32>} : memref<80x64xf32, #tpu.memory_space<vmem>>, vector<1x16xf32>,
      %get3A_3348 = arith.constant 61 : i32
      %get3A_3349 = arith.index_cast %get3A_3348 : i32 to index
      %get3A_3350 = arith.constant 16 : index
      %get3A_3351 = tpu.vector_load %arg13[%get3A_3349, %get3A_3350] {strides = array<i32>} : memref<80x64xf32, #tpu.memory_space<vmem>>, vector<1x16xf32>,
      %get3A_3352 = vector.shape_cast %get3A_3351 : vector<1x16xf32> to vector<16xf32>
      %mul3A_3353 = vector.broadcast %squeeze3A_3334 : f32 to vector<16xf32>
      %mul3A_3354 = arith.mulf %get3A_3352, %mul3A_3353 : vector<16xf32>
      %swap3A_3355 = arith.constant 61 : i32
      %swap3A_3356 = arith.index_cast %swap3A_3355 : i32 to index
      %swap3A_3357 = arith.constant 16 : index
      %swap3A_3358 = tpu.vector_load %arg13[%swap3A_3356, %swap3A_3357] {strides = array<i32>} : memref<80x64xf32, #tpu.memory_space<vmem>>, vector<1x16xf32>,
      %swap3A_3359 = vector.shape_cast %swap3A_3358 : vector<1x16xf32> to vector<16xf32>
      %swap3A_3360 = vector.shape_cast %mul3A_3354 : vector<16xf32> to vector<1x16xf32>
      tpu.vector_store %arg13[%swap3A_3356, %swap3A_3357], %swap3A_3360 {strides = array<i32>} : memref<80x64xf32, #tpu.memory_space<vmem>>, vector<1x16xf32>,
      %get3A_3361 = arith.constant 61 : i32
      %get3A_3362 = arith.index_cast %get3A_3361 : i32 to index
      %get3A_3363 = arith.constant 32 : index
      %get3A_3364 = tpu.vector_load %arg13[%get3A_3362, %get3A_3363] {strides = array<i32>} : memref<80x64xf32, #tpu.memory_space<vmem>>, vector<1x16xf32>,
      %get3A_3365 = vector.shape_cast %get3A_3364 : vector<1x16xf32> to vector<16xf32>
      %mul3A_3366 = vector.broadcast %squeeze3A_3334 : f32 to vector<16xf32>
      %mul3A_3367 = arith.mulf %get3A_3365, %mul3A_3366 : vector<16xf32>
      %swap3A_3368 = arith.constant 61 : i32
      %swap3A_3369 = arith.index_cast %swap3A_3368 : i32 to index
      %swap3A_3370 = arith.constant 32 : index
      %swap3A_3371 = tpu.vector_load %arg13[%swap3A_3369, %swap3A_3370] {strides = array<i32>} : memref<80x64xf32, #tpu.memory_space<vmem>>, vector<1x16xf32>,
      %swap3A_3372 = vector.shape_cast %swap3A_3371 : vector<1x16xf32> to vector<16xf32>
      %swap3A_3373 = vector.shape_cast %mul3A_3367 : vector<16xf32> to vector<1x16xf32>
      tpu.vector_store %arg13[%swap3A_3369, %swap3A_3370], %swap3A_3373 {strides = array<i32>} : memref<80x64xf32, #tpu.memory_space<vmem>>, vector<1x16xf32>,
      %get3A_3374 = arith.constant 61 : i32
      %get3A_3375 = arith.index_cast %get3A_3374 : i32 to index
      %get3A_3376 = arith.constant 48 : index
      %get3A_3377 = tpu.vector_load %arg13[%get3A_3375, %get3A_3376] {strides = array<i32>} : memref<80x64xf32, #tpu.memory_space<vmem>>, vector<1x16xf32>,
      %get3A_3378 = vector.shape_cast %get3A_3377 : vector<1x16xf32> to vector<16xf32>
      %mul3A_3379 = vector.broadcast %squeeze3A_3334 : f32 to vector<16xf32>
      %mul3A_3380 = arith.mulf %get3A_3378, %mul3A_3379 : vector<16xf32>
      %swap3A_3381 = arith.constant 61 : i32
      %swap3A_3382 = arith.index_cast %swap3A_3381 : i32 to index
      %swap3A_3383 = arith.constant 48 : index
      %swap3A_3384 = tpu.vector_load %arg13[%swap3A_3382, %swap3A_3383] {strides = array<i32>} : memref<80x64xf32, #tpu.memory_space<vmem>>, vector<1x16xf32>,
      %swap3A_3385 = vector.shape_cast %swap3A_3384 : vector<1x16xf32> to vector<16xf32>
      %swap3A_3386 = vector.shape_cast %mul3A_3380 : vector<16xf32> to vector<1x16xf32>
      tpu.vector_store %arg13[%swap3A_3382, %swap3A_3383], %swap3A_3386 {strides = array<i32>} : memref<80x64xf32, #tpu.memory_space<vmem>>, vector<1x16xf32>,
      %slice3A_3387 = vector.extract_strided_slice %get3A_2630 {offsets = [14], sizes = [1], strides = [1]} : vector<16xf32> to vector<1xf32>
      %squeeze3A_3388 = vector.extract %slice3A_3387[0] : f32 from vector<1xf32>
      %get3A_3389 = arith.constant 62 : i32
      %get3A_3390 = arith.index_cast %get3A_3389 : i32 to index
      %get3A_3391 = arith.constant 0 : index
      %get3A_3392 = tpu.vector_load %arg13[%get3A_3390, %get3A_3391] {strides = array<i32>} : memref<80x64xf32, #tpu.memory_space<vmem>>, vector<1x16xf32>,
      %get3A_3393 = vector.shape_cast %get3A_3392 : vector<1x16xf32> to vector<16xf32>
      %mul3A_3394 = vector.broadcast %squeeze3A_3388 : f32 to vector<16xf32>
      %mul3A_3395 = arith.mulf %get3A_3393, %mul3A_3394 : vector<16xf32>
      %swap3A_3396 = arith.constant 62 : i32
      %swap3A_3397 = arith.index_cast %swap3A_3396 : i32 to index
      %swap3A_3398 = arith.constant 0 : index
      %swap3A_3399 = tpu.vector_load %arg13[%swap3A_3397, %swap3A_3398] {strides = array<i32>} : memref<80x64xf32, #tpu.memory_space<vmem>>, vector<1x16xf32>,
      %swap3A_3400 = vector.shape_cast %swap3A_3399 : vector<1x16xf32> to vector<16xf32>
      %swap3A_3401 = vector.shape_cast %mul3A_3395 : vector<16xf32> to vector<1x16xf32>
      tpu.vector_store %arg13[%swap3A_3397, %swap3A_3398], %swap3A_3401 {strides = array<i32>} : memref<80x64xf32, #tpu.memory_space<vmem>>, vector<1x16xf32>,
      %get3A_3402 = arith.constant 62 : i32
      %get3A_3403 = arith.index_cast %get3A_3402 : i32 to index
      %get3A_3404 = arith.constant 16 : index
      %get3A_3405 = tpu.vector_load %arg13[%get3A_3403, %get3A_3404] {strides = array<i32>} : memref<80x64xf32, #tpu.memory_space<vmem>>, vector<1x16xf32>,
      %get3A_3406 = vector.shape_cast %get3A_3405 : vector<1x16xf32> to vector<16xf32>
      %mul3A_3407 = vector.broadcast %squeeze3A_3388 : f32 to vector<16xf32>
      %mul3A_3408 = arith.mulf %get3A_3406, %mul3A_3407 : vector<16xf32>
      %swap3A_3409 = arith.constant 62 : i32
      %swap3A_3410 = arith.index_cast %swap3A_3409 : i32 to index
      %swap3A_3411 = arith.constant 16 : index
      %swap3A_3412 = tpu.vector_load %arg13[%swap3A_3410, %swap3A_3411] {strides = array<i32>} : memref<80x64xf32, #tpu.memory_space<vmem>>, vector<1x16xf32>,
      %swap3A_3413 = vector.shape_cast %swap3A_3412 : vector<1x16xf32> to vector<16xf32>
      %swap3A_3414 = vector.shape_cast %mul3A_3408 : vector<16xf32> to vector<1x16xf32>
      tpu.vector_store %arg13[%swap3A_3410, %swap3A_3411], %swap3A_3414 {strides = array<i32>} : memref<80x64xf32, #tpu.memory_space<vmem>>, vector<1x16xf32>,
      %get3A_3415 = arith.constant 62 : i32
      %get3A_3416 = arith.index_cast %get3A_3415 : i32 to index
      %get3A_3417 = arith.constant 32 : index
      %get3A_3418 = tpu.vector_load %arg13[%get3A_3416, %get3A_3417] {strides = array<i32>} : memref<80x64xf32, #tpu.memory_space<vmem>>, vector<1x16xf32>,
      %get3A_3419 = vector.shape_cast %get3A_3418 : vector<1x16xf32> to vector<16xf32>
      %mul3A_3420 = vector.broadcast %squeeze3A_3388 : f32 to vector<16xf32>
      %mul3A_3421 = arith.mulf %get3A_3419, %mul3A_3420 : vector<16xf32>
      %swap3A_3422 = arith.constant 62 : i32
      %swap3A_3423 = arith.index_cast %swap3A_3422 : i32 to index
      %swap3A_3424 = arith.constant 32 : index
      %swap3A_3425 = tpu.vector_load %arg13[%swap3A_3423, %swap3A_3424] {strides = array<i32>} : memref<80x64xf32, #tpu.memory_space<vmem>>, vector<1x16xf32>,
      %swap3A_3426 = vector.shape_cast %swap3A_3425 : vector<1x16xf32> to vector<16xf32>
      %swap3A_3427 = vector.shape_cast %mul3A_3421 : vector<16xf32> to vector<1x16xf32>
      tpu.vector_store %arg13[%swap3A_3423, %swap3A_3424], %swap3A_3427 {strides = array<i32>} : memref<80x64xf32, #tpu.memory_space<vmem>>, vector<1x16xf32>,
      %get3A_3428 = arith.constant 62 : i32
      %get3A_3429 = arith.index_cast %get3A_3428 : i32 to index
      %get3A_3430 = arith.constant 48 : index
      %get3A_3431 = tpu.vector_load %arg13[%get3A_3429, %get3A_3430] {strides = array<i32>} : memref<80x64xf32, #tpu.memory_space<vmem>>, vector<1x16xf32>,
      %get3A_3432 = vector.shape_cast %get3A_3431 : vector<1x16xf32> to vector<16xf32>
      %mul3A_3433 = vector.broadcast %squeeze3A_3388 : f32 to vector<16xf32>
      %mul3A_3434 = arith.mulf %get3A_3432, %mul3A_3433 : vector<16xf32>
      %swap3A_3435 = arith.constant 62 : i32
      %swap3A_3436 = arith.index_cast %swap3A_3435 : i32 to index
      %swap3A_3437 = arith.constant 48 : index
      %swap3A_3438 = tpu.vector_load %arg13[%swap3A_3436, %swap3A_3437] {strides = array<i32>} : memref<80x64xf32, #tpu.memory_space<vmem>>, vector<1x16xf32>,
      %swap3A_3439 = vector.shape_cast %swap3A_3438 : vector<1x16xf32> to vector<16xf32>
      %swap3A_3440 = vector.shape_cast %mul3A_3434 : vector<16xf32> to vector<1x16xf32>
      tpu.vector_store %arg13[%swap3A_3436, %swap3A_3437], %swap3A_3440 {strides = array<i32>} : memref<80x64xf32, #tpu.memory_space<vmem>>, vector<1x16xf32>,
      %slice3A_3441 = vector.extract_strided_slice %get3A_2630 {offsets = [15], sizes = [1], strides = [1]} : vector<16xf32> to vector<1xf32>
      %squeeze3A_3442 = vector.extract %slice3A_3441[0] : f32 from vector<1xf32>
      %get3A_3443 = arith.constant 63 : i32
      %get3A_3444 = arith.index_cast %get3A_3443 : i32 to index
      %get3A_3445 = arith.constant 0 : index
      %get3A_3446 = tpu.vector_load %arg13[%get3A_3444, %get3A_3445] {strides = array<i32>} : memref<80x64xf32, #tpu.memory_space<vmem>>, vector<1x16xf32>,
      %get3A_3447 = vector.shape_cast %get3A_3446 : vector<1x16xf32> to vector<16xf32>
      %mul3A_3448 = vector.broadcast %squeeze3A_3442 : f32 to vector<16xf32>
      %mul3A_3449 = arith.mulf %get3A_3447, %mul3A_3448 : vector<16xf32>
      %swap3A_3450 = arith.constant 63 : i32
      %swap3A_3451 = arith.index_cast %swap3A_3450 : i32 to index
      %swap3A_3452 = arith.constant 0 : index
      %swap3A_3453 = tpu.vector_load %arg13[%swap3A_3451, %swap3A_3452] {strides = array<i32>} : memref<80x64xf32, #tpu.memory_space<vmem>>, vector<1x16xf32>,
      %swap3A_3454 = vector.shape_cast %swap3A_3453 : vector<1x16xf32> to vector<16xf32>
      %swap3A_3455 = vector.shape_cast %mul3A_3449 : vector<16xf32> to vector<1x16xf32>
      tpu.vector_store %arg13[%swap3A_3451, %swap3A_3452], %swap3A_3455 {strides = array<i32>} : memref<80x64xf32, #tpu.memory_space<vmem>>, vector<1x16xf32>,
      %get3A_3456 = arith.constant 63 : i32
      %get3A_3457 = arith.index_cast %get3A_3456 : i32 to index
      %get3A_3458 = arith.constant 16 : index
      %get3A_3459 = tpu.vector_load %arg13[%get3A_3457, %get3A_3458] {strides = array<i32>} : memref<80x64xf32, #tpu.memory_space<vmem>>, vector<1x16xf32>,
      %get3A_3460 = vector.shape_cast %get3A_3459 : vector<1x16xf32> to vector<16xf32>
      %mul3A_3461 = vector.broadcast %squeeze3A_3442 : f32 to vector<16xf32>
      %mul3A_3462 = arith.mulf %get3A_3460, %mul3A_3461 : vector<16xf32>
      %swap3A_3463 = arith.constant 63 : i32
      %swap3A_3464 = arith.index_cast %swap3A_3463 : i32 to index
      %swap3A_3465 = arith.constant 16 : index
      %swap3A_3466 = tpu.vector_load %arg13[%swap3A_3464, %swap3A_3465] {strides = array<i32>} : memref<80x64xf32, #tpu.memory_space<vmem>>, vector<1x16xf32>,
      %swap3A_3467 = vector.shape_cast %swap3A_3466 : vector<1x16xf32> to vector<16xf32>
      %swap3A_3468 = vector.shape_cast %mul3A_3462 : vector<16xf32> to vector<1x16xf32>
      tpu.vector_store %arg13[%swap3A_3464, %swap3A_3465], %swap3A_3468 {strides = array<i32>} : memref<80x64xf32, #tpu.memory_space<vmem>>, vector<1x16xf32>,
      %get3A_3469 = arith.constant 63 : i32
      %get3A_3470 = arith.index_cast %get3A_3469 : i32 to index
      %get3A_3471 = arith.constant 32 : index
      %get3A_3472 = tpu.vector_load %arg13[%get3A_3470, %get3A_3471] {strides = array<i32>} : memref<80x64xf32, #tpu.memory_space<vmem>>, vector<1x16xf32>,
      %get3A_3473 = vector.shape_cast %get3A_3472 : vector<1x16xf32> to vector<16xf32>
      %mul3A_3474 = vector.broadcast %squeeze3A_3442 : f32 to vector<16xf32>
      %mul3A_3475 = arith.mulf %get3A_3473, %mul3A_3474 : vector<16xf32>
      %swap3A_3476 = arith.constant 63 : i32
      %swap3A_3477 = arith.index_cast %swap3A_3476 : i32 to index
      %swap3A_3478 = arith.constant 32 : index
      %swap3A_3479 = tpu.vector_load %arg13[%swap3A_3477, %swap3A_3478] {strides = array<i32>} : memref<80x64xf32, #tpu.memory_space<vmem>>, vector<1x16xf32>,
      %swap3A_3480 = vector.shape_cast %swap3A_3479 : vector<1x16xf32> to vector<16xf32>
      %swap3A_3481 = vector.shape_cast %mul3A_3475 : vector<16xf32> to vector<1x16xf32>
      tpu.vector_store %arg13[%swap3A_3477, %swap3A_3478], %swap3A_3481 {strides = array<i32>} : memref<80x64xf32, #tpu.memory_space<vmem>>, vector<1x16xf32>,
      %get3A_3482 = arith.constant 63 : i32
      %get3A_3483 = arith.index_cast %get3A_3482 : i32 to index
      %get3A_3484 = arith.constant 48 : index
      %get3A_3485 = tpu.vector_load %arg13[%get3A_3483, %get3A_3484] {strides = array<i32>} : memref<80x64xf32, #tpu.memory_space<vmem>>, vector<1x16xf32>,
      %get3A_3486 = vector.shape_cast %get3A_3485 : vector<1x16xf32> to vector<16xf32>
      %mul3A_3487 = vector.broadcast %squeeze3A_3442 : f32 to vector<16xf32>
      %mul3A_3488 = arith.mulf %get3A_3486, %mul3A_3487 : vector<16xf32>
      %swap3A_3489 = arith.constant 63 : i32
      %swap3A_3490 = arith.index_cast %swap3A_3489 : i32 to index
      %swap3A_3491 = arith.constant 48 : index
      %swap3A_3492 = tpu.vector_load %arg13[%swap3A_3490, %swap3A_3491] {strides = array<i32>} : memref<80x64xf32, #tpu.memory_space<vmem>>, vector<1x16xf32>,
      %swap3A_3493 = vector.shape_cast %swap3A_3492 : vector<1x16xf32> to vector<16xf32>
      %swap3A_3494 = vector.shape_cast %mul3A_3488 : vector<16xf32> to vector<1x16xf32>
      tpu.vector_store %arg13[%swap3A_3490, %swap3A_3491], %swap3A_3494 {strides = array<i32>} : memref<80x64xf32, #tpu.memory_space<vmem>>, vector<1x16xf32>,
      %get3A_3495 = arith.constant 64 : index
      %get3A_3496 = tpu.vector_load %arg12[%get3A_3495] {strides = array<i32>} : memref<80xf32, #tpu.memory_space<vmem>>, vector<16xf32>,
      %get3A_3497 = vector.shape_cast %get3A_3496 : vector<16xf32> to vector<16xf32>
      %slice3A_3498 = vector.extract_strided_slice %get3A_3497 {offsets = [0], sizes = [1], strides = [1]} : vector<16xf32> to vector<1xf32>
      %squeeze3A_3499 = vector.extract %slice3A_3498[0] : f32 from vector<1xf32>
      %get3A_3500 = arith.constant 64 : i32
      %get3A_3501 = arith.index_cast %get3A_3500 : i32 to index
      %get3A_3502 = arith.constant 0 : index
      %get3A_3503 = tpu.vector_load %arg13[%get3A_3501, %get3A_3502] {strides = array<i32>} : memref<80x64xf32, #tpu.memory_space<vmem>>, vector<1x16xf32>,
      %get3A_3504 = vector.shape_cast %get3A_3503 : vector<1x16xf32> to vector<16xf32>
      %mul3A_3505 = vector.broadcast %squeeze3A_3499 : f32 to vector<16xf32>
      %mul3A_3506 = arith.mulf %get3A_3504, %mul3A_3505 : vector<16xf32>
      %swap3A_3507 = arith.constant 64 : i32
      %swap3A_3508 = arith.index_cast %swap3A_3507 : i32 to index
      %swap3A_3509 = arith.constant 0 : index
      %swap3A_3510 = tpu.vector_load %arg13[%swap3A_3508, %swap3A_3509] {strides = array<i32>} : memref<80x64xf32, #tpu.memory_space<vmem>>, vector<1x16xf32>,
      %swap3A_3511 = vector.shape_cast %swap3A_3510 : vector<1x16xf32> to vector<16xf32>
      %swap3A_3512 = vector.shape_cast %mul3A_3506 : vector<16xf32> to vector<1x16xf32>
      tpu.vector_store %arg13[%swap3A_3508, %swap3A_3509], %swap3A_3512 {strides = array<i32>} : memref<80x64xf32, #tpu.memory_space<vmem>>, vector<1x16xf32>,
      %get3A_3513 = arith.constant 64 : i32
      %get3A_3514 = arith.index_cast %get3A_3513 : i32 to index
      %get3A_3515 = arith.constant 16 : index
      %get3A_3516 = tpu.vector_load %arg13[%get3A_3514, %get3A_3515] {strides = array<i32>} : memref<80x64xf32, #tpu.memory_space<vmem>>, vector<1x16xf32>,
      %get3A_3517 = vector.shape_cast %get3A_3516 : vector<1x16xf32> to vector<16xf32>
      %mul3A_3518 = vector.broadcast %squeeze3A_3499 : f32 to vector<16xf32>
      %mul3A_3519 = arith.mulf %get3A_3517, %mul3A_3518 : vector<16xf32>
      %swap3A_3520 = arith.constant 64 : i32
      %swap3A_3521 = arith.index_cast %swap3A_3520 : i32 to index
      %swap3A_3522 = arith.constant 16 : index
      %swap3A_3523 = tpu.vector_load %arg13[%swap3A_3521, %swap3A_3522] {strides = array<i32>} : memref<80x64xf32, #tpu.memory_space<vmem>>, vector<1x16xf32>,
      %swap3A_3524 = vector.shape_cast %swap3A_3523 : vector<1x16xf32> to vector<16xf32>
      %swap3A_3525 = vector.shape_cast %mul3A_3519 : vector<16xf32> to vector<1x16xf32>
      tpu.vector_store %arg13[%swap3A_3521, %swap3A_3522], %swap3A_3525 {strides = array<i32>} : memref<80x64xf32, #tpu.memory_space<vmem>>, vector<1x16xf32>,
      %get3A_3526 = arith.constant 64 : i32
      %get3A_3527 = arith.index_cast %get3A_3526 : i32 to index
      %get3A_3528 = arith.constant 32 : index
      %get3A_3529 = tpu.vector_load %arg13[%get3A_3527, %get3A_3528] {strides = array<i32>} : memref<80x64xf32, #tpu.memory_space<vmem>>, vector<1x16xf32>,
      %get3A_3530 = vector.shape_cast %get3A_3529 : vector<1x16xf32> to vector<16xf32>
      %mul3A_3531 = vector.broadcast %squeeze3A_3499 : f32 to vector<16xf32>
      %mul3A_3532 = arith.mulf %get3A_3530, %mul3A_3531 : vector<16xf32>
      %swap3A_3533 = arith.constant 64 : i32
      %swap3A_3534 = arith.index_cast %swap3A_3533 : i32 to index
      %swap3A_3535 = arith.constant 32 : index
      %swap3A_3536 = tpu.vector_load %arg13[%swap3A_3534, %swap3A_3535] {strides = array<i32>} : memref<80x64xf32, #tpu.memory_space<vmem>>, vector<1x16xf32>,
      %swap3A_3537 = vector.shape_cast %swap3A_3536 : vector<1x16xf32> to vector<16xf32>
      %swap3A_3538 = vector.shape_cast %mul3A_3532 : vector<16xf32> to vector<1x16xf32>
      tpu.vector_store %arg13[%swap3A_3534, %swap3A_3535], %swap3A_3538 {strides = array<i32>} : memref<80x64xf32, #tpu.memory_space<vmem>>, vector<1x16xf32>,
      %get3A_3539 = arith.constant 64 : i32
      %get3A_3540 = arith.index_cast %get3A_3539 : i32 to index
      %get3A_3541 = arith.constant 48 : index
      %get3A_3542 = tpu.vector_load %arg13[%get3A_3540, %get3A_3541] {strides = array<i32>} : memref<80x64xf32, #tpu.memory_space<vmem>>, vector<1x16xf32>,
      %get3A_3543 = vector.shape_cast %get3A_3542 : vector<1x16xf32> to vector<16xf32>
      %mul3A_3544 = vector.broadcast %squeeze3A_3499 : f32 to vector<16xf32>
      %mul3A_3545 = arith.mulf %get3A_3543, %mul3A_3544 : vector<16xf32>
      %swap3A_3546 = arith.constant 64 : i32
      %swap3A_3547 = arith.index_cast %swap3A_3546 : i32 to index
      %swap3A_3548 = arith.constant 48 : index
      %swap3A_3549 = tpu.vector_load %arg13[%swap3A_3547, %swap3A_3548] {strides = array<i32>} : memref<80x64xf32, #tpu.memory_space<vmem>>, vector<1x16xf32>,
      %swap3A_3550 = vector.shape_cast %swap3A_3549 : vector<1x16xf32> to vector<16xf32>
      %swap3A_3551 = vector.shape_cast %mul3A_3545 : vector<16xf32> to vector<1x16xf32>
      tpu.vector_store %arg13[%swap3A_3547, %swap3A_3548], %swap3A_3551 {strides = array<i32>} : memref<80x64xf32, #tpu.memory_space<vmem>>, vector<1x16xf32>,
      %slice3A_3552 = vector.extract_strided_slice %get3A_3497 {offsets = [1], sizes = [1], strides = [1]} : vector<16xf32> to vector<1xf32>
      %squeeze3A_3553 = vector.extract %slice3A_3552[0] : f32 from vector<1xf32>
      %get3A_3554 = arith.constant 65 : i32
      %get3A_3555 = arith.index_cast %get3A_3554 : i32 to index
      %get3A_3556 = arith.constant 0 : index
      %get3A_3557 = tpu.vector_load %arg13[%get3A_3555, %get3A_3556] {strides = array<i32>} : memref<80x64xf32, #tpu.memory_space<vmem>>, vector<1x16xf32>,
      %get3A_3558 = vector.shape_cast %get3A_3557 : vector<1x16xf32> to vector<16xf32>
      %mul3A_3559 = vector.broadcast %squeeze3A_3553 : f32 to vector<16xf32>
      %mul3A_3560 = arith.mulf %get3A_3558, %mul3A_3559 : vector<16xf32>
      %swap3A_3561 = arith.constant 65 : i32
      %swap3A_3562 = arith.index_cast %swap3A_3561 : i32 to index
      %swap3A_3563 = arith.constant 0 : index
      %swap3A_3564 = tpu.vector_load %arg13[%swap3A_3562, %swap3A_3563] {strides = array<i32>} : memref<80x64xf32, #tpu.memory_space<vmem>>, vector<1x16xf32>,
      %swap3A_3565 = vector.shape_cast %swap3A_3564 : vector<1x16xf32> to vector<16xf32>
      %swap3A_3566 = vector.shape_cast %mul3A_3560 : vector<16xf32> to vector<1x16xf32>
      tpu.vector_store %arg13[%swap3A_3562, %swap3A_3563], %swap3A_3566 {strides = array<i32>} : memref<80x64xf32, #tpu.memory_space<vmem>>, vector<1x16xf32>,
      %get3A_3567 = arith.constant 65 : i32
      %get3A_3568 = arith.index_cast %get3A_3567 : i32 to index
      %get3A_3569 = arith.constant 16 : index
      %get3A_3570 = tpu.vector_load %arg13[%get3A_3568, %get3A_3569] {strides = array<i32>} : memref<80x64xf32, #tpu.memory_space<vmem>>, vector<1x16xf32>,
      %get3A_3571 = vector.shape_cast %get3A_3570 : vector<1x16xf32> to vector<16xf32>
      %mul3A_3572 = vector.broadcast %squeeze3A_3553 : f32 to vector<16xf32>
      %mul3A_3573 = arith.mulf %get3A_3571, %mul3A_3572 : vector<16xf32>
      %swap3A_3574 = arith.constant 65 : i32
      %swap3A_3575 = arith.index_cast %swap3A_3574 : i32 to index
      %swap3A_3576 = arith.constant 16 : index
      %swap3A_3577 = tpu.vector_load %arg13[%swap3A_3575, %swap3A_3576] {strides = array<i32>} : memref<80x64xf32, #tpu.memory_space<vmem>>, vector<1x16xf32>,
      %swap3A_3578 = vector.shape_cast %swap3A_3577 : vector<1x16xf32> to vector<16xf32>
      %swap3A_3579 = vector.shape_cast %mul3A_3573 : vector<16xf32> to vector<1x16xf32>
      tpu.vector_store %arg13[%swap3A_3575, %swap3A_3576], %swap3A_3579 {strides = array<i32>} : memref<80x64xf32, #tpu.memory_space<vmem>>, vector<1x16xf32>,
      %get3A_3580 = arith.constant 65 : i32
      %get3A_3581 = arith.index_cast %get3A_3580 : i32 to index
      %get3A_3582 = arith.constant 32 : index
      %get3A_3583 = tpu.vector_load %arg13[%get3A_3581, %get3A_3582] {strides = array<i32>} : memref<80x64xf32, #tpu.memory_space<vmem>>, vector<1x16xf32>,
      %get3A_3584 = vector.shape_cast %get3A_3583 : vector<1x16xf32> to vector<16xf32>
      %mul3A_3585 = vector.broadcast %squeeze3A_3553 : f32 to vector<16xf32>
      %mul3A_3586 = arith.mulf %get3A_3584, %mul3A_3585 : vector<16xf32>
      %swap3A_3587 = arith.constant 65 : i32
      %swap3A_3588 = arith.index_cast %swap3A_3587 : i32 to index
      %swap3A_3589 = arith.constant 32 : index
      %swap3A_3590 = tpu.vector_load %arg13[%swap3A_3588, %swap3A_3589] {strides = array<i32>} : memref<80x64xf32, #tpu.memory_space<vmem>>, vector<1x16xf32>,
      %swap3A_3591 = vector.shape_cast %swap3A_3590 : vector<1x16xf32> to vector<16xf32>
      %swap3A_3592 = vector.shape_cast %mul3A_3586 : vector<16xf32> to vector<1x16xf32>
      tpu.vector_store %arg13[%swap3A_3588, %swap3A_3589], %swap3A_3592 {strides = array<i32>} : memref<80x64xf32, #tpu.memory_space<vmem>>, vector<1x16xf32>,
      %get3A_3593 = arith.constant 65 : i32
      %get3A_3594 = arith.index_cast %get3A_3593 : i32 to index
      %get3A_3595 = arith.constant 48 : index
      %get3A_3596 = tpu.vector_load %arg13[%get3A_3594, %get3A_3595] {strides = array<i32>} : memref<80x64xf32, #tpu.memory_space<vmem>>, vector<1x16xf32>,
      %get3A_3597 = vector.shape_cast %get3A_3596 : vector<1x16xf32> to vector<16xf32>
      %mul3A_3598 = vector.broadcast %squeeze3A_3553 : f32 to vector<16xf32>
      %mul3A_3599 = arith.mulf %get3A_3597, %mul3A_3598 : vector<16xf32>
      %swap3A_3600 = arith.constant 65 : i32
      %swap3A_3601 = arith.index_cast %swap3A_3600 : i32 to index
      %swap3A_3602 = arith.constant 48 : index
      %swap3A_3603 = tpu.vector_load %arg13[%swap3A_3601, %swap3A_3602] {strides = array<i32>} : memref<80x64xf32, #tpu.memory_space<vmem>>, vector<1x16xf32>,
      %swap3A_3604 = vector.shape_cast %swap3A_3603 : vector<1x16xf32> to vector<16xf32>
      %swap3A_3605 = vector.shape_cast %mul3A_3599 : vector<16xf32> to vector<1x16xf32>
      tpu.vector_store %arg13[%swap3A_3601, %swap3A_3602], %swap3A_3605 {strides = array<i32>} : memref<80x64xf32, #tpu.memory_space<vmem>>, vector<1x16xf32>,
      %slice3A_3606 = vector.extract_strided_slice %get3A_3497 {offsets = [2], sizes = [1], strides = [1]} : vector<16xf32> to vector<1xf32>
      %squeeze3A_3607 = vector.extract %slice3A_3606[0] : f32 from vector<1xf32>
      %get3A_3608 = arith.constant 66 : i32
      %get3A_3609 = arith.index_cast %get3A_3608 : i32 to index
      %get3A_3610 = arith.constant 0 : index
      %get3A_3611 = tpu.vector_load %arg13[%get3A_3609, %get3A_3610] {strides = array<i32>} : memref<80x64xf32, #tpu.memory_space<vmem>>, vector<1x16xf32>,
      %get3A_3612 = vector.shape_cast %get3A_3611 : vector<1x16xf32> to vector<16xf32>
      %mul3A_3613 = vector.broadcast %squeeze3A_3607 : f32 to vector<16xf32>
      %mul3A_3614 = arith.mulf %get3A_3612, %mul3A_3613 : vector<16xf32>
      %swap3A_3615 = arith.constant 66 : i32
      %swap3A_3616 = arith.index_cast %swap3A_3615 : i32 to index
      %swap3A_3617 = arith.constant 0 : index
      %swap3A_3618 = tpu.vector_load %arg13[%swap3A_3616, %swap3A_3617] {strides = array<i32>} : memref<80x64xf32, #tpu.memory_space<vmem>>, vector<1x16xf32>,
      %swap3A_3619 = vector.shape_cast %swap3A_3618 : vector<1x16xf32> to vector<16xf32>
      %swap3A_3620 = vector.shape_cast %mul3A_3614 : vector<16xf32> to vector<1x16xf32>
      tpu.vector_store %arg13[%swap3A_3616, %swap3A_3617], %swap3A_3620 {strides = array<i32>} : memref<80x64xf32, #tpu.memory_space<vmem>>, vector<1x16xf32>,
      %get3A_3621 = arith.constant 66 : i32
      %get3A_3622 = arith.index_cast %get3A_3621 : i32 to index
      %get3A_3623 = arith.constant 16 : index
      %get3A_3624 = tpu.vector_load %arg13[%get3A_3622, %get3A_3623] {strides = array<i32>} : memref<80x64xf32, #tpu.memory_space<vmem>>, vector<1x16xf32>,
      %get3A_3625 = vector.shape_cast %get3A_3624 : vector<1x16xf32> to vector<16xf32>
      %mul3A_3626 = vector.broadcast %squeeze3A_3607 : f32 to vector<16xf32>
      %mul3A_3627 = arith.mulf %get3A_3625, %mul3A_3626 : vector<16xf32>
      %swap3A_3628 = arith.constant 66 : i32
      %swap3A_3629 = arith.index_cast %swap3A_3628 : i32 to index
      %swap3A_3630 = arith.constant 16 : index
      %swap3A_3631 = tpu.vector_load %arg13[%swap3A_3629, %swap3A_3630] {strides = array<i32>} : memref<80x64xf32, #tpu.memory_space<vmem>>, vector<1x16xf32>,
      %swap3A_3632 = vector.shape_cast %swap3A_3631 : vector<1x16xf32> to vector<16xf32>
      %swap3A_3633 = vector.shape_cast %mul3A_3627 : vector<16xf32> to vector<1x16xf32>
      tpu.vector_store %arg13[%swap3A_3629, %swap3A_3630], %swap3A_3633 {strides = array<i32>} : memref<80x64xf32, #tpu.memory_space<vmem>>, vector<1x16xf32>,
      %get3A_3634 = arith.constant 66 : i32
      %get3A_3635 = arith.index_cast %get3A_3634 : i32 to index
      %get3A_3636 = arith.constant 32 : index
      %get3A_3637 = tpu.vector_load %arg13[%get3A_3635, %get3A_3636] {strides = array<i32>} : memref<80x64xf32, #tpu.memory_space<vmem>>, vector<1x16xf32>,
      %get3A_3638 = vector.shape_cast %get3A_3637 : vector<1x16xf32> to vector<16xf32>
      %mul3A_3639 = vector.broadcast %squeeze3A_3607 : f32 to vector<16xf32>
      %mul3A_3640 = arith.mulf %get3A_3638, %mul3A_3639 : vector<16xf32>
      %swap3A_3641 = arith.constant 66 : i32
      %swap3A_3642 = arith.index_cast %swap3A_3641 : i32 to index
      %swap3A_3643 = arith.constant 32 : index
      %swap3A_3644 = tpu.vector_load %arg13[%swap3A_3642, %swap3A_3643] {strides = array<i32>} : memref<80x64xf32, #tpu.memory_space<vmem>>, vector<1x16xf32>,
      %swap3A_3645 = vector.shape_cast %swap3A_3644 : vector<1x16xf32> to vector<16xf32>
      %swap3A_3646 = vector.shape_cast %mul3A_3640 : vector<16xf32> to vector<1x16xf32>
      tpu.vector_store %arg13[%swap3A_3642, %swap3A_3643], %swap3A_3646 {strides = array<i32>} : memref<80x64xf32, #tpu.memory_space<vmem>>, vector<1x16xf32>,
      %get3A_3647 = arith.constant 66 : i32
      %get3A_3648 = arith.index_cast %get3A_3647 : i32 to index
      %get3A_3649 = arith.constant 48 : index
      %get3A_3650 = tpu.vector_load %arg13[%get3A_3648, %get3A_3649] {strides = array<i32>} : memref<80x64xf32, #tpu.memory_space<vmem>>, vector<1x16xf32>,
      %get3A_3651 = vector.shape_cast %get3A_3650 : vector<1x16xf32> to vector<16xf32>
      %mul3A_3652 = vector.broadcast %squeeze3A_3607 : f32 to vector<16xf32>
      %mul3A_3653 = arith.mulf %get3A_3651, %mul3A_3652 : vector<16xf32>
      %swap3A_3654 = arith.constant 66 : i32
      %swap3A_3655 = arith.index_cast %swap3A_3654 : i32 to index
      %swap3A_3656 = arith.constant 48 : index
      %swap3A_3657 = tpu.vector_load %arg13[%swap3A_3655, %swap3A_3656] {strides = array<i32>} : memref<80x64xf32, #tpu.memory_space<vmem>>, vector<1x16xf32>,
      %swap3A_3658 = vector.shape_cast %swap3A_3657 : vector<1x16xf32> to vector<16xf32>
      %swap3A_3659 = vector.shape_cast %mul3A_3653 : vector<16xf32> to vector<1x16xf32>
      tpu.vector_store %arg13[%swap3A_3655, %swap3A_3656], %swap3A_3659 {strides = array<i32>} : memref<80x64xf32, #tpu.memory_space<vmem>>, vector<1x16xf32>,
      %slice3A_3660 = vector.extract_strided_slice %get3A_3497 {offsets = [3], sizes = [1], strides = [1]} : vector<16xf32> to vector<1xf32>
      %squeeze3A_3661 = vector.extract %slice3A_3660[0] : f32 from vector<1xf32>
      %get3A_3662 = arith.constant 67 : i32
      %get3A_3663 = arith.index_cast %get3A_3662 : i32 to index
      %get3A_3664 = arith.constant 0 : index
      %get3A_3665 = tpu.vector_load %arg13[%get3A_3663, %get3A_3664] {strides = array<i32>} : memref<80x64xf32, #tpu.memory_space<vmem>>, vector<1x16xf32>,
      %get3A_3666 = vector.shape_cast %get3A_3665 : vector<1x16xf32> to vector<16xf32>
      %mul3A_3667 = vector.broadcast %squeeze3A_3661 : f32 to vector<16xf32>
      %mul3A_3668 = arith.mulf %get3A_3666, %mul3A_3667 : vector<16xf32>
      %swap3A_3669 = arith.constant 67 : i32
      %swap3A_3670 = arith.index_cast %swap3A_3669 : i32 to index
      %swap3A_3671 = arith.constant 0 : index
      %swap3A_3672 = tpu.vector_load %arg13[%swap3A_3670, %swap3A_3671] {strides = array<i32>} : memref<80x64xf32, #tpu.memory_space<vmem>>, vector<1x16xf32>,
      %swap3A_3673 = vector.shape_cast %swap3A_3672 : vector<1x16xf32> to vector<16xf32>
      %swap3A_3674 = vector.shape_cast %mul3A_3668 : vector<16xf32> to vector<1x16xf32>
      tpu.vector_store %arg13[%swap3A_3670, %swap3A_3671], %swap3A_3674 {strides = array<i32>} : memref<80x64xf32, #tpu.memory_space<vmem>>, vector<1x16xf32>,
      %get3A_3675 = arith.constant 67 : i32
      %get3A_3676 = arith.index_cast %get3A_3675 : i32 to index
      %get3A_3677 = arith.constant 16 : index
      %get3A_3678 = tpu.vector_load %arg13[%get3A_3676, %get3A_3677] {strides = array<i32>} : memref<80x64xf32, #tpu.memory_space<vmem>>, vector<1x16xf32>,
      %get3A_3679 = vector.shape_cast %get3A_3678 : vector<1x16xf32> to vector<16xf32>
      %mul3A_3680 = vector.broadcast %squeeze3A_3661 : f32 to vector<16xf32>
      %mul3A_3681 = arith.mulf %get3A_3679, %mul3A_3680 : vector<16xf32>
      %swap3A_3682 = arith.constant 67 : i32
      %swap3A_3683 = arith.index_cast %swap3A_3682 : i32 to index
      %swap3A_3684 = arith.constant 16 : index
      %swap3A_3685 = tpu.vector_load %arg13[%swap3A_3683, %swap3A_3684] {strides = array<i32>} : memref<80x64xf32, #tpu.memory_space<vmem>>, vector<1x16xf32>,
      %swap3A_3686 = vector.shape_cast %swap3A_3685 : vector<1x16xf32> to vector<16xf32>
      %swap3A_3687 = vector.shape_cast %mul3A_3681 : vector<16xf32> to vector<1x16xf32>
      tpu.vector_store %arg13[%swap3A_3683, %swap3A_3684], %swap3A_3687 {strides = array<i32>} : memref<80x64xf32, #tpu.memory_space<vmem>>, vector<1x16xf32>,
      %get3A_3688 = arith.constant 67 : i32
      %get3A_3689 = arith.index_cast %get3A_3688 : i32 to index
      %get3A_3690 = arith.constant 32 : index
      %get3A_3691 = tpu.vector_load %arg13[%get3A_3689, %get3A_3690] {strides = array<i32>} : memref<80x64xf32, #tpu.memory_space<vmem>>, vector<1x16xf32>,
      %get3A_3692 = vector.shape_cast %get3A_3691 : vector<1x16xf32> to vector<16xf32>
      %mul3A_3693 = vector.broadcast %squeeze3A_3661 : f32 to vector<16xf32>
      %mul3A_3694 = arith.mulf %get3A_3692, %mul3A_3693 : vector<16xf32>
      %swap3A_3695 = arith.constant 67 : i32
      %swap3A_3696 = arith.index_cast %swap3A_3695 : i32 to index
      %swap3A_3697 = arith.constant 32 : index
      %swap3A_3698 = tpu.vector_load %arg13[%swap3A_3696, %swap3A_3697] {strides = array<i32>} : memref<80x64xf32, #tpu.memory_space<vmem>>, vector<1x16xf32>,
      %swap3A_3699 = vector.shape_cast %swap3A_3698 : vector<1x16xf32> to vector<16xf32>
      %swap3A_3700 = vector.shape_cast %mul3A_3694 : vector<16xf32> to vector<1x16xf32>
      tpu.vector_store %arg13[%swap3A_3696, %swap3A_3697], %swap3A_3700 {strides = array<i32>} : memref<80x64xf32, #tpu.memory_space<vmem>>, vector<1x16xf32>,
      %get3A_3701 = arith.constant 67 : i32
      %get3A_3702 = arith.index_cast %get3A_3701 : i32 to index
      %get3A_3703 = arith.constant 48 : index
      %get3A_3704 = tpu.vector_load %arg13[%get3A_3702, %get3A_3703] {strides = array<i32>} : memref<80x64xf32, #tpu.memory_space<vmem>>, vector<1x16xf32>,
      %get3A_3705 = vector.shape_cast %get3A_3704 : vector<1x16xf32> to vector<16xf32>
      %mul3A_3706 = vector.broadcast %squeeze3A_3661 : f32 to vector<16xf32>
      %mul3A_3707 = arith.mulf %get3A_3705, %mul3A_3706 : vector<16xf32>
      %swap3A_3708 = arith.constant 67 : i32
      %swap3A_3709 = arith.index_cast %swap3A_3708 : i32 to index
      %swap3A_3710 = arith.constant 48 : index
      %swap3A_3711 = tpu.vector_load %arg13[%swap3A_3709, %swap3A_3710] {strides = array<i32>} : memref<80x64xf32, #tpu.memory_space<vmem>>, vector<1x16xf32>,
      %swap3A_3712 = vector.shape_cast %swap3A_3711 : vector<1x16xf32> to vector<16xf32>
      %swap3A_3713 = vector.shape_cast %mul3A_3707 : vector<16xf32> to vector<1x16xf32>
      tpu.vector_store %arg13[%swap3A_3709, %swap3A_3710], %swap3A_3713 {strides = array<i32>} : memref<80x64xf32, #tpu.memory_space<vmem>>, vector<1x16xf32>,
      %slice3A_3714 = vector.extract_strided_slice %get3A_3497 {offsets = [4], sizes = [1], strides = [1]} : vector<16xf32> to vector<1xf32>
      %squeeze3A_3715 = vector.extract %slice3A_3714[0] : f32 from vector<1xf32>
      %get3A_3716 = arith.constant 68 : i32
      %get3A_3717 = arith.index_cast %get3A_3716 : i32 to index
      %get3A_3718 = arith.constant 0 : index
      %get3A_3719 = tpu.vector_load %arg13[%get3A_3717, %get3A_3718] {strides = array<i32>} : memref<80x64xf32, #tpu.memory_space<vmem>>, vector<1x16xf32>,
      %get3A_3720 = vector.shape_cast %get3A_3719 : vector<1x16xf32> to vector<16xf32>
      %mul3A_3721 = vector.broadcast %squeeze3A_3715 : f32 to vector<16xf32>
      %mul3A_3722 = arith.mulf %get3A_3720, %mul3A_3721 : vector<16xf32>
      %swap3A_3723 = arith.constant 68 : i32
      %swap3A_3724 = arith.index_cast %swap3A_3723 : i32 to index
      %swap3A_3725 = arith.constant 0 : index
      %swap3A_3726 = tpu.vector_load %arg13[%swap3A_3724, %swap3A_3725] {strides = array<i32>} : memref<80x64xf32, #tpu.memory_space<vmem>>, vector<1x16xf32>,
      %swap3A_3727 = vector.shape_cast %swap3A_3726 : vector<1x16xf32> to vector<16xf32>
      %swap3A_3728 = vector.shape_cast %mul3A_3722 : vector<16xf32> to vector<1x16xf32>
      tpu.vector_store %arg13[%swap3A_3724, %swap3A_3725], %swap3A_3728 {strides = array<i32>} : memref<80x64xf32, #tpu.memory_space<vmem>>, vector<1x16xf32>,
      %get3A_3729 = arith.constant 68 : i32
      %get3A_3730 = arith.index_cast %get3A_3729 : i32 to index
      %get3A_3731 = arith.constant 16 : index
      %get3A_3732 = tpu.vector_load %arg13[%get3A_3730, %get3A_3731] {strides = array<i32>} : memref<80x64xf32, #tpu.memory_space<vmem>>, vector<1x16xf32>,
      %get3A_3733 = vector.shape_cast %get3A_3732 : vector<1x16xf32> to vector<16xf32>
      %mul3A_3734 = vector.broadcast %squeeze3A_3715 : f32 to vector<16xf32>
      %mul3A_3735 = arith.mulf %get3A_3733, %mul3A_3734 : vector<16xf32>
      %swap3A_3736 = arith.constant 68 : i32
      %swap3A_3737 = arith.index_cast %swap3A_3736 : i32 to index
      %swap3A_3738 = arith.constant 16 : index
      %swap3A_3739 = tpu.vector_load %arg13[%swap3A_3737, %swap3A_3738] {strides = array<i32>} : memref<80x64xf32, #tpu.memory_space<vmem>>, vector<1x16xf32>,
      %swap3A_3740 = vector.shape_cast %swap3A_3739 : vector<1x16xf32> to vector<16xf32>
      %swap3A_3741 = vector.shape_cast %mul3A_3735 : vector<16xf32> to vector<1x16xf32>
      tpu.vector_store %arg13[%swap3A_3737, %swap3A_3738], %swap3A_3741 {strides = array<i32>} : memref<80x64xf32, #tpu.memory_space<vmem>>, vector<1x16xf32>,
      %get3A_3742 = arith.constant 68 : i32
      %get3A_3743 = arith.index_cast %get3A_3742 : i32 to index
      %get3A_3744 = arith.constant 32 : index
      %get3A_3745 = tpu.vector_load %arg13[%get3A_3743, %get3A_3744] {strides = array<i32>} : memref<80x64xf32, #tpu.memory_space<vmem>>, vector<1x16xf32>,
      %get3A_3746 = vector.shape_cast %get3A_3745 : vector<1x16xf32> to vector<16xf32>
      %mul3A_3747 = vector.broadcast %squeeze3A_3715 : f32 to vector<16xf32>
      %mul3A_3748 = arith.mulf %get3A_3746, %mul3A_3747 : vector<16xf32>
      %swap3A_3749 = arith.constant 68 : i32
      %swap3A_3750 = arith.index_cast %swap3A_3749 : i32 to index
      %swap3A_3751 = arith.constant 32 : index
      %swap3A_3752 = tpu.vector_load %arg13[%swap3A_3750, %swap3A_3751] {strides = array<i32>} : memref<80x64xf32, #tpu.memory_space<vmem>>, vector<1x16xf32>,
      %swap3A_3753 = vector.shape_cast %swap3A_3752 : vector<1x16xf32> to vector<16xf32>
      %swap3A_3754 = vector.shape_cast %mul3A_3748 : vector<16xf32> to vector<1x16xf32>
      tpu.vector_store %arg13[%swap3A_3750, %swap3A_3751], %swap3A_3754 {strides = array<i32>} : memref<80x64xf32, #tpu.memory_space<vmem>>, vector<1x16xf32>,
      %get3A_3755 = arith.constant 68 : i32
      %get3A_3756 = arith.index_cast %get3A_3755 : i32 to index
      %get3A_3757 = arith.constant 48 : index
      %get3A_3758 = tpu.vector_load %arg13[%get3A_3756, %get3A_3757] {strides = array<i32>} : memref<80x64xf32, #tpu.memory_space<vmem>>, vector<1x16xf32>,
      %get3A_3759 = vector.shape_cast %get3A_3758 : vector<1x16xf32> to vector<16xf32>
      %mul3A_3760 = vector.broadcast %squeeze3A_3715 : f32 to vector<16xf32>
      %mul3A_3761 = arith.mulf %get3A_3759, %mul3A_3760 : vector<16xf32>
      %swap3A_3762 = arith.constant 68 : i32
      %swap3A_3763 = arith.index_cast %swap3A_3762 : i32 to index
      %swap3A_3764 = arith.constant 48 : index
      %swap3A_3765 = tpu.vector_load %arg13[%swap3A_3763, %swap3A_3764] {strides = array<i32>} : memref<80x64xf32, #tpu.memory_space<vmem>>, vector<1x16xf32>,
      %swap3A_3766 = vector.shape_cast %swap3A_3765 : vector<1x16xf32> to vector<16xf32>
      %swap3A_3767 = vector.shape_cast %mul3A_3761 : vector<16xf32> to vector<1x16xf32>
      tpu.vector_store %arg13[%swap3A_3763, %swap3A_3764], %swap3A_3767 {strides = array<i32>} : memref<80x64xf32, #tpu.memory_space<vmem>>, vector<1x16xf32>,
      %slice3A_3768 = vector.extract_strided_slice %get3A_3497 {offsets = [5], sizes = [1], strides = [1]} : vector<16xf32> to vector<1xf32>
      %squeeze3A_3769 = vector.extract %slice3A_3768[0] : f32 from vector<1xf32>
      %get3A_3770 = arith.constant 69 : i32
      %get3A_3771 = arith.index_cast %get3A_3770 : i32 to index
      %get3A_3772 = arith.constant 0 : index
      %get3A_3773 = tpu.vector_load %arg13[%get3A_3771, %get3A_3772] {strides = array<i32>} : memref<80x64xf32, #tpu.memory_space<vmem>>, vector<1x16xf32>,
      %get3A_3774 = vector.shape_cast %get3A_3773 : vector<1x16xf32> to vector<16xf32>
      %mul3A_3775 = vector.broadcast %squeeze3A_3769 : f32 to vector<16xf32>
      %mul3A_3776 = arith.mulf %get3A_3774, %mul3A_3775 : vector<16xf32>
      %swap3A_3777 = arith.constant 69 : i32
      %swap3A_3778 = arith.index_cast %swap3A_3777 : i32 to index
      %swap3A_3779 = arith.constant 0 : index
      %swap3A_3780 = tpu.vector_load %arg13[%swap3A_3778, %swap3A_3779] {strides = array<i32>} : memref<80x64xf32, #tpu.memory_space<vmem>>, vector<1x16xf32>,
      %swap3A_3781 = vector.shape_cast %swap3A_3780 : vector<1x16xf32> to vector<16xf32>
      %swap3A_3782 = vector.shape_cast %mul3A_3776 : vector<16xf32> to vector<1x16xf32>
      tpu.vector_store %arg13[%swap3A_3778, %swap3A_3779], %swap3A_3782 {strides = array<i32>} : memref<80x64xf32, #tpu.memory_space<vmem>>, vector<1x16xf32>,
      %get3A_3783 = arith.constant 69 : i32
      %get3A_3784 = arith.index_cast %get3A_3783 : i32 to index
      %get3A_3785 = arith.constant 16 : index
      %get3A_3786 = tpu.vector_load %arg13[%get3A_3784, %get3A_3785] {strides = array<i32>} : memref<80x64xf32, #tpu.memory_space<vmem>>, vector<1x16xf32>,
      %get3A_3787 = vector.shape_cast %get3A_3786 : vector<1x16xf32> to vector<16xf32>
      %mul3A_3788 = vector.broadcast %squeeze3A_3769 : f32 to vector<16xf32>
      %mul3A_3789 = arith.mulf %get3A_3787, %mul3A_3788 : vector<16xf32>
      %swap3A_3790 = arith.constant 69 : i32
      %swap3A_3791 = arith.index_cast %swap3A_3790 : i32 to index
      %swap3A_3792 = arith.constant 16 : index
      %swap3A_3793 = tpu.vector_load %arg13[%swap3A_3791, %swap3A_3792] {strides = array<i32>} : memref<80x64xf32, #tpu.memory_space<vmem>>, vector<1x16xf32>,
      %swap3A_3794 = vector.shape_cast %swap3A_3793 : vector<1x16xf32> to vector<16xf32>
      %swap3A_3795 = vector.shape_cast %mul3A_3789 : vector<16xf32> to vector<1x16xf32>
      tpu.vector_store %arg13[%swap3A_3791, %swap3A_3792], %swap3A_3795 {strides = array<i32>} : memref<80x64xf32, #tpu.memory_space<vmem>>, vector<1x16xf32>,
      %get3A_3796 = arith.constant 69 : i32
      %get3A_3797 = arith.index_cast %get3A_3796 : i32 to index
      %get3A_3798 = arith.constant 32 : index
      %get3A_3799 = tpu.vector_load %arg13[%get3A_3797, %get3A_3798] {strides = array<i32>} : memref<80x64xf32, #tpu.memory_space<vmem>>, vector<1x16xf32>,
      %get3A_3800 = vector.shape_cast %get3A_3799 : vector<1x16xf32> to vector<16xf32>
      %mul3A_3801 = vector.broadcast %squeeze3A_3769 : f32 to vector<16xf32>
      %mul3A_3802 = arith.mulf %get3A_3800, %mul3A_3801 : vector<16xf32>
      %swap3A_3803 = arith.constant 69 : i32
      %swap3A_3804 = arith.index_cast %swap3A_3803 : i32 to index
      %swap3A_3805 = arith.constant 32 : index
      %swap3A_3806 = tpu.vector_load %arg13[%swap3A_3804, %swap3A_3805] {strides = array<i32>} : memref<80x64xf32, #tpu.memory_space<vmem>>, vector<1x16xf32>,
      %swap3A_3807 = vector.shape_cast %swap3A_3806 : vector<1x16xf32> to vector<16xf32>
      %swap3A_3808 = vector.shape_cast %mul3A_3802 : vector<16xf32> to vector<1x16xf32>
      tpu.vector_store %arg13[%swap3A_3804, %swap3A_3805], %swap3A_3808 {strides = array<i32>} : memref<80x64xf32, #tpu.memory_space<vmem>>, vector<1x16xf32>,
      %get3A_3809 = arith.constant 69 : i32
      %get3A_3810 = arith.index_cast %get3A_3809 : i32 to index
      %get3A_3811 = arith.constant 48 : index
      %get3A_3812 = tpu.vector_load %arg13[%get3A_3810, %get3A_3811] {strides = array<i32>} : memref<80x64xf32, #tpu.memory_space<vmem>>, vector<1x16xf32>,
      %get3A_3813 = vector.shape_cast %get3A_3812 : vector<1x16xf32> to vector<16xf32>
      %mul3A_3814 = vector.broadcast %squeeze3A_3769 : f32 to vector<16xf32>
      %mul3A_3815 = arith.mulf %get3A_3813, %mul3A_3814 : vector<16xf32>
      %swap3A_3816 = arith.constant 69 : i32
      %swap3A_3817 = arith.index_cast %swap3A_3816 : i32 to index
      %swap3A_3818 = arith.constant 48 : index
      %swap3A_3819 = tpu.vector_load %arg13[%swap3A_3817, %swap3A_3818] {strides = array<i32>} : memref<80x64xf32, #tpu.memory_space<vmem>>, vector<1x16xf32>,
      %swap3A_3820 = vector.shape_cast %swap3A_3819 : vector<1x16xf32> to vector<16xf32>
      %swap3A_3821 = vector.shape_cast %mul3A_3815 : vector<16xf32> to vector<1x16xf32>
      tpu.vector_store %arg13[%swap3A_3817, %swap3A_3818], %swap3A_3821 {strides = array<i32>} : memref<80x64xf32, #tpu.memory_space<vmem>>, vector<1x16xf32>,
      %slice3A_3822 = vector.extract_strided_slice %get3A_3497 {offsets = [6], sizes = [1], strides = [1]} : vector<16xf32> to vector<1xf32>
      %squeeze3A_3823 = vector.extract %slice3A_3822[0] : f32 from vector<1xf32>
      %get3A_3824 = arith.constant 70 : i32
      %get3A_3825 = arith.index_cast %get3A_3824 : i32 to index
      %get3A_3826 = arith.constant 0 : index
      %get3A_3827 = tpu.vector_load %arg13[%get3A_3825, %get3A_3826] {strides = array<i32>} : memref<80x64xf32, #tpu.memory_space<vmem>>, vector<1x16xf32>,
      %get3A_3828 = vector.shape_cast %get3A_3827 : vector<1x16xf32> to vector<16xf32>
      %mul3A_3829 = vector.broadcast %squeeze3A_3823 : f32 to vector<16xf32>
      %mul3A_3830 = arith.mulf %get3A_3828, %mul3A_3829 : vector<16xf32>
      %swap3A_3831 = arith.constant 70 : i32
      %swap3A_3832 = arith.index_cast %swap3A_3831 : i32 to index
      %swap3A_3833 = arith.constant 0 : index
      %swap3A_3834 = tpu.vector_load %arg13[%swap3A_3832, %swap3A_3833] {strides = array<i32>} : memref<80x64xf32, #tpu.memory_space<vmem>>, vector<1x16xf32>,
      %swap3A_3835 = vector.shape_cast %swap3A_3834 : vector<1x16xf32> to vector<16xf32>
      %swap3A_3836 = vector.shape_cast %mul3A_3830 : vector<16xf32> to vector<1x16xf32>
      tpu.vector_store %arg13[%swap3A_3832, %swap3A_3833], %swap3A_3836 {strides = array<i32>} : memref<80x64xf32, #tpu.memory_space<vmem>>, vector<1x16xf32>,
      %get3A_3837 = arith.constant 70 : i32
      %get3A_3838 = arith.index_cast %get3A_3837 : i32 to index
      %get3A_3839 = arith.constant 16 : index
      %get3A_3840 = tpu.vector_load %arg13[%get3A_3838, %get3A_3839] {strides = array<i32>} : memref<80x64xf32, #tpu.memory_space<vmem>>, vector<1x16xf32>,
      %get3A_3841 = vector.shape_cast %get3A_3840 : vector<1x16xf32> to vector<16xf32>
      %mul3A_3842 = vector.broadcast %squeeze3A_3823 : f32 to vector<16xf32>
      %mul3A_3843 = arith.mulf %get3A_3841, %mul3A_3842 : vector<16xf32>
      %swap3A_3844 = arith.constant 70 : i32
      %swap3A_3845 = arith.index_cast %swap3A_3844 : i32 to index
      %swap3A_3846 = arith.constant 16 : index
      %swap3A_3847 = tpu.vector_load %arg13[%swap3A_3845, %swap3A_3846] {strides = array<i32>} : memref<80x64xf32, #tpu.memory_space<vmem>>, vector<1x16xf32>,
      %swap3A_3848 = vector.shape_cast %swap3A_3847 : vector<1x16xf32> to vector<16xf32>
      %swap3A_3849 = vector.shape_cast %mul3A_3843 : vector<16xf32> to vector<1x16xf32>
      tpu.vector_store %arg13[%swap3A_3845, %swap3A_3846], %swap3A_3849 {strides = array<i32>} : memref<80x64xf32, #tpu.memory_space<vmem>>, vector<1x16xf32>,
      %get3A_3850 = arith.constant 70 : i32
      %get3A_3851 = arith.index_cast %get3A_3850 : i32 to index
      %get3A_3852 = arith.constant 32 : index
      %get3A_3853 = tpu.vector_load %arg13[%get3A_3851, %get3A_3852] {strides = array<i32>} : memref<80x64xf32, #tpu.memory_space<vmem>>, vector<1x16xf32>,
      %get3A_3854 = vector.shape_cast %get3A_3853 : vector<1x16xf32> to vector<16xf32>
      %mul3A_3855 = vector.broadcast %squeeze3A_3823 : f32 to vector<16xf32>
      %mul3A_3856 = arith.mulf %get3A_3854, %mul3A_3855 : vector<16xf32>
      %swap3A_3857 = arith.constant 70 : i32
      %swap3A_3858 = arith.index_cast %swap3A_3857 : i32 to index
      %swap3A_3859 = arith.constant 32 : index
      %swap3A_3860 = tpu.vector_load %arg13[%swap3A_3858, %swap3A_3859] {strides = array<i32>} : memref<80x64xf32, #tpu.memory_space<vmem>>, vector<1x16xf32>,
      %swap3A_3861 = vector.shape_cast %swap3A_3860 : vector<1x16xf32> to vector<16xf32>
      %swap3A_3862 = vector.shape_cast %mul3A_3856 : vector<16xf32> to vector<1x16xf32>
      tpu.vector_store %arg13[%swap3A_3858, %swap3A_3859], %swap3A_3862 {strides = array<i32>} : memref<80x64xf32, #tpu.memory_space<vmem>>, vector<1x16xf32>,
      %get3A_3863 = arith.constant 70 : i32
      %get3A_3864 = arith.index_cast %get3A_3863 : i32 to index
      %get3A_3865 = arith.constant 48 : index
      %get3A_3866 = tpu.vector_load %arg13[%get3A_3864, %get3A_3865] {strides = array<i32>} : memref<80x64xf32, #tpu.memory_space<vmem>>, vector<1x16xf32>,
      %get3A_3867 = vector.shape_cast %get3A_3866 : vector<1x16xf32> to vector<16xf32>
      %mul3A_3868 = vector.broadcast %squeeze3A_3823 : f32 to vector<16xf32>
      %mul3A_3869 = arith.mulf %get3A_3867, %mul3A_3868 : vector<16xf32>
      %swap3A_3870 = arith.constant 70 : i32
      %swap3A_3871 = arith.index_cast %swap3A_3870 : i32 to index
      %swap3A_3872 = arith.constant 48 : index
      %swap3A_3873 = tpu.vector_load %arg13[%swap3A_3871, %swap3A_3872] {strides = array<i32>} : memref<80x64xf32, #tpu.memory_space<vmem>>, vector<1x16xf32>,
      %swap3A_3874 = vector.shape_cast %swap3A_3873 : vector<1x16xf32> to vector<16xf32>
      %swap3A_3875 = vector.shape_cast %mul3A_3869 : vector<16xf32> to vector<1x16xf32>
      tpu.vector_store %arg13[%swap3A_3871, %swap3A_3872], %swap3A_3875 {strides = array<i32>} : memref<80x64xf32, #tpu.memory_space<vmem>>, vector<1x16xf32>,
      %slice3A_3876 = vector.extract_strided_slice %get3A_3497 {offsets = [7], sizes = [1], strides = [1]} : vector<16xf32> to vector<1xf32>
      %squeeze3A_3877 = vector.extract %slice3A_3876[0] : f32 from vector<1xf32>
      %get3A_3878 = arith.constant 71 : i32
      %get3A_3879 = arith.index_cast %get3A_3878 : i32 to index
      %get3A_3880 = arith.constant 0 : index
      %get3A_3881 = tpu.vector_load %arg13[%get3A_3879, %get3A_3880] {strides = array<i32>} : memref<80x64xf32, #tpu.memory_space<vmem>>, vector<1x16xf32>,
      %get3A_3882 = vector.shape_cast %get3A_3881 : vector<1x16xf32> to vector<16xf32>
      %mul3A_3883 = vector.broadcast %squeeze3A_3877 : f32 to vector<16xf32>
      %mul3A_3884 = arith.mulf %get3A_3882, %mul3A_3883 : vector<16xf32>
      %swap3A_3885 = arith.constant 71 : i32
      %swap3A_3886 = arith.index_cast %swap3A_3885 : i32 to index
      %swap3A_3887 = arith.constant 0 : index
      %swap3A_3888 = tpu.vector_load %arg13[%swap3A_3886, %swap3A_3887] {strides = array<i32>} : memref<80x64xf32, #tpu.memory_space<vmem>>, vector<1x16xf32>,
      %swap3A_3889 = vector.shape_cast %swap3A_3888 : vector<1x16xf32> to vector<16xf32>
      %swap3A_3890 = vector.shape_cast %mul3A_3884 : vector<16xf32> to vector<1x16xf32>
      tpu.vector_store %arg13[%swap3A_3886, %swap3A_3887], %swap3A_3890 {strides = array<i32>} : memref<80x64xf32, #tpu.memory_space<vmem>>, vector<1x16xf32>,
      %get3A_3891 = arith.constant 71 : i32
      %get3A_3892 = arith.index_cast %get3A_3891 : i32 to index
      %get3A_3893 = arith.constant 16 : index
      %get3A_3894 = tpu.vector_load %arg13[%get3A_3892, %get3A_3893] {strides = array<i32>} : memref<80x64xf32, #tpu.memory_space<vmem>>, vector<1x16xf32>,
      %get3A_3895 = vector.shape_cast %get3A_3894 : vector<1x16xf32> to vector<16xf32>
      %mul3A_3896 = vector.broadcast %squeeze3A_3877 : f32 to vector<16xf32>
      %mul3A_3897 = arith.mulf %get3A_3895, %mul3A_3896 : vector<16xf32>
      %swap3A_3898 = arith.constant 71 : i32
      %swap3A_3899 = arith.index_cast %swap3A_3898 : i32 to index
      %swap3A_3900 = arith.constant 16 : index
      %swap3A_3901 = tpu.vector_load %arg13[%swap3A_3899, %swap3A_3900] {strides = array<i32>} : memref<80x64xf32, #tpu.memory_space<vmem>>, vector<1x16xf32>,
      %swap3A_3902 = vector.shape_cast %swap3A_3901 : vector<1x16xf32> to vector<16xf32>
      %swap3A_3903 = vector.shape_cast %mul3A_3897 : vector<16xf32> to vector<1x16xf32>
      tpu.vector_store %arg13[%swap3A_3899, %swap3A_3900], %swap3A_3903 {strides = array<i32>} : memref<80x64xf32, #tpu.memory_space<vmem>>, vector<1x16xf32>,
      %get3A_3904 = arith.constant 71 : i32
      %get3A_3905 = arith.index_cast %get3A_3904 : i32 to index
      %get3A_3906 = arith.constant 32 : index
      %get3A_3907 = tpu.vector_load %arg13[%get3A_3905, %get3A_3906] {strides = array<i32>} : memref<80x64xf32, #tpu.memory_space<vmem>>, vector<1x16xf32>,
      %get3A_3908 = vector.shape_cast %get3A_3907 : vector<1x16xf32> to vector<16xf32>
      %mul3A_3909 = vector.broadcast %squeeze3A_3877 : f32 to vector<16xf32>
      %mul3A_3910 = arith.mulf %get3A_3908, %mul3A_3909 : vector<16xf32>
      %swap3A_3911 = arith.constant 71 : i32
      %swap3A_3912 = arith.index_cast %swap3A_3911 : i32 to index
      %swap3A_3913 = arith.constant 32 : index
      %swap3A_3914 = tpu.vector_load %arg13[%swap3A_3912, %swap3A_3913] {strides = array<i32>} : memref<80x64xf32, #tpu.memory_space<vmem>>, vector<1x16xf32>,
      %swap3A_3915 = vector.shape_cast %swap3A_3914 : vector<1x16xf32> to vector<16xf32>
      %swap3A_3916 = vector.shape_cast %mul3A_3910 : vector<16xf32> to vector<1x16xf32>
      tpu.vector_store %arg13[%swap3A_3912, %swap3A_3913], %swap3A_3916 {strides = array<i32>} : memref<80x64xf32, #tpu.memory_space<vmem>>, vector<1x16xf32>,
      %get3A_3917 = arith.constant 71 : i32
      %get3A_3918 = arith.index_cast %get3A_3917 : i32 to index
      %get3A_3919 = arith.constant 48 : index
      %get3A_3920 = tpu.vector_load %arg13[%get3A_3918, %get3A_3919] {strides = array<i32>} : memref<80x64xf32, #tpu.memory_space<vmem>>, vector<1x16xf32>,
      %get3A_3921 = vector.shape_cast %get3A_3920 : vector<1x16xf32> to vector<16xf32>
      %mul3A_3922 = vector.broadcast %squeeze3A_3877 : f32 to vector<16xf32>
      %mul3A_3923 = arith.mulf %get3A_3921, %mul3A_3922 : vector<16xf32>
      %swap3A_3924 = arith.constant 71 : i32
      %swap3A_3925 = arith.index_cast %swap3A_3924 : i32 to index
      %swap3A_3926 = arith.constant 48 : index
      %swap3A_3927 = tpu.vector_load %arg13[%swap3A_3925, %swap3A_3926] {strides = array<i32>} : memref<80x64xf32, #tpu.memory_space<vmem>>, vector<1x16xf32>,
      %swap3A_3928 = vector.shape_cast %swap3A_3927 : vector<1x16xf32> to vector<16xf32>
      %swap3A_3929 = vector.shape_cast %mul3A_3923 : vector<16xf32> to vector<1x16xf32>
      tpu.vector_store %arg13[%swap3A_3925, %swap3A_3926], %swap3A_3929 {strides = array<i32>} : memref<80x64xf32, #tpu.memory_space<vmem>>, vector<1x16xf32>,
      %slice3A_3930 = vector.extract_strided_slice %get3A_3497 {offsets = [8], sizes = [1], strides = [1]} : vector<16xf32> to vector<1xf32>
      %squeeze3A_3931 = vector.extract %slice3A_3930[0] : f32 from vector<1xf32>
      %get3A_3932 = arith.constant 72 : i32
      %get3A_3933 = arith.index_cast %get3A_3932 : i32 to index
      %get3A_3934 = arith.constant 0 : index
      %get3A_3935 = tpu.vector_load %arg13[%get3A_3933, %get3A_3934] {strides = array<i32>} : memref<80x64xf32, #tpu.memory_space<vmem>>, vector<1x16xf32>,
      %get3A_3936 = vector.shape_cast %get3A_3935 : vector<1x16xf32> to vector<16xf32>
      %mul3A_3937 = vector.broadcast %squeeze3A_3931 : f32 to vector<16xf32>
      %mul3A_3938 = arith.mulf %get3A_3936, %mul3A_3937 : vector<16xf32>
      %swap3A_3939 = arith.constant 72 : i32
      %swap3A_3940 = arith.index_cast %swap3A_3939 : i32 to index
      %swap3A_3941 = arith.constant 0 : index
      %swap3A_3942 = tpu.vector_load %arg13[%swap3A_3940, %swap3A_3941] {strides = array<i32>} : memref<80x64xf32, #tpu.memory_space<vmem>>, vector<1x16xf32>,
      %swap3A_3943 = vector.shape_cast %swap3A_3942 : vector<1x16xf32> to vector<16xf32>
      %swap3A_3944 = vector.shape_cast %mul3A_3938 : vector<16xf32> to vector<1x16xf32>
      tpu.vector_store %arg13[%swap3A_3940, %swap3A_3941], %swap3A_3944 {strides = array<i32>} : memref<80x64xf32, #tpu.memory_space<vmem>>, vector<1x16xf32>,
      %get3A_3945 = arith.constant 72 : i32
      %get3A_3946 = arith.index_cast %get3A_3945 : i32 to index
      %get3A_3947 = arith.constant 16 : index
      %get3A_3948 = tpu.vector_load %arg13[%get3A_3946, %get3A_3947] {strides = array<i32>} : memref<80x64xf32, #tpu.memory_space<vmem>>, vector<1x16xf32>,
      %get3A_3949 = vector.shape_cast %get3A_3948 : vector<1x16xf32> to vector<16xf32>
      %mul3A_3950 = vector.broadcast %squeeze3A_3931 : f32 to vector<16xf32>
      %mul3A_3951 = arith.mulf %get3A_3949, %mul3A_3950 : vector<16xf32>
      %swap3A_3952 = arith.constant 72 : i32
      %swap3A_3953 = arith.index_cast %swap3A_3952 : i32 to index
      %swap3A_3954 = arith.constant 16 : index
      %swap3A_3955 = tpu.vector_load %arg13[%swap3A_3953, %swap3A_3954] {strides = array<i32>} : memref<80x64xf32, #tpu.memory_space<vmem>>, vector<1x16xf32>,
      %swap3A_3956 = vector.shape_cast %swap3A_3955 : vector<1x16xf32> to vector<16xf32>
      %swap3A_3957 = vector.shape_cast %mul3A_3951 : vector<16xf32> to vector<1x16xf32>
      tpu.vector_store %arg13[%swap3A_3953, %swap3A_3954], %swap3A_3957 {strides = array<i32>} : memref<80x64xf32, #tpu.memory_space<vmem>>, vector<1x16xf32>,
      %get3A_3958 = arith.constant 72 : i32
      %get3A_3959 = arith.index_cast %get3A_3958 : i32 to index
      %get3A_3960 = arith.constant 32 : index
      %get3A_3961 = tpu.vector_load %arg13[%get3A_3959, %get3A_3960] {strides = array<i32>} : memref<80x64xf32, #tpu.memory_space<vmem>>, vector<1x16xf32>,
      %get3A_3962 = vector.shape_cast %get3A_3961 : vector<1x16xf32> to vector<16xf32>
      %mul3A_3963 = vector.broadcast %squeeze3A_3931 : f32 to vector<16xf32>
      %mul3A_3964 = arith.mulf %get3A_3962, %mul3A_3963 : vector<16xf32>
      %swap3A_3965 = arith.constant 72 : i32
      %swap3A_3966 = arith.index_cast %swap3A_3965 : i32 to index
      %swap3A_3967 = arith.constant 32 : index
      %swap3A_3968 = tpu.vector_load %arg13[%swap3A_3966, %swap3A_3967] {strides = array<i32>} : memref<80x64xf32, #tpu.memory_space<vmem>>, vector<1x16xf32>,
      %swap3A_3969 = vector.shape_cast %swap3A_3968 : vector<1x16xf32> to vector<16xf32>
      %swap3A_3970 = vector.shape_cast %mul3A_3964 : vector<16xf32> to vector<1x16xf32>
      tpu.vector_store %arg13[%swap3A_3966, %swap3A_3967], %swap3A_3970 {strides = array<i32>} : memref<80x64xf32, #tpu.memory_space<vmem>>, vector<1x16xf32>,
      %get3A_3971 = arith.constant 72 : i32
      %get3A_3972 = arith.index_cast %get3A_3971 : i32 to index
      %get3A_3973 = arith.constant 48 : index
      %get3A_3974 = tpu.vector_load %arg13[%get3A_3972, %get3A_3973] {strides = array<i32>} : memref<80x64xf32, #tpu.memory_space<vmem>>, vector<1x16xf32>,
      %get3A_3975 = vector.shape_cast %get3A_3974 : vector<1x16xf32> to vector<16xf32>
      %mul3A_3976 = vector.broadcast %squeeze3A_3931 : f32 to vector<16xf32>
      %mul3A_3977 = arith.mulf %get3A_3975, %mul3A_3976 : vector<16xf32>
      %swap3A_3978 = arith.constant 72 : i32
      %swap3A_3979 = arith.index_cast %swap3A_3978 : i32 to index
      %swap3A_3980 = arith.constant 48 : index
      %swap3A_3981 = tpu.vector_load %arg13[%swap3A_3979, %swap3A_3980] {strides = array<i32>} : memref<80x64xf32, #tpu.memory_space<vmem>>, vector<1x16xf32>,
      %swap3A_3982 = vector.shape_cast %swap3A_3981 : vector<1x16xf32> to vector<16xf32>
      %swap3A_3983 = vector.shape_cast %mul3A_3977 : vector<16xf32> to vector<1x16xf32>
      tpu.vector_store %arg13[%swap3A_3979, %swap3A_3980], %swap3A_3983 {strides = array<i32>} : memref<80x64xf32, #tpu.memory_space<vmem>>, vector<1x16xf32>,
      %slice3A_3984 = vector.extract_strided_slice %get3A_3497 {offsets = [9], sizes = [1], strides = [1]} : vector<16xf32> to vector<1xf32>
      %squeeze3A_3985 = vector.extract %slice3A_3984[0] : f32 from vector<1xf32>
      %get3A_3986 = arith.constant 73 : i32
      %get3A_3987 = arith.index_cast %get3A_3986 : i32 to index
      %get3A_3988 = arith.constant 0 : index
      %get3A_3989 = tpu.vector_load %arg13[%get3A_3987, %get3A_3988] {strides = array<i32>} : memref<80x64xf32, #tpu.memory_space<vmem>>, vector<1x16xf32>,
      %get3A_3990 = vector.shape_cast %get3A_3989 : vector<1x16xf32> to vector<16xf32>
      %mul3A_3991 = vector.broadcast %squeeze3A_3985 : f32 to vector<16xf32>
      %mul3A_3992 = arith.mulf %get3A_3990, %mul3A_3991 : vector<16xf32>
      %swap3A_3993 = arith.constant 73 : i32
      %swap3A_3994 = arith.index_cast %swap3A_3993 : i32 to index
      %swap3A_3995 = arith.constant 0 : index
      %swap3A_3996 = tpu.vector_load %arg13[%swap3A_3994, %swap3A_3995] {strides = array<i32>} : memref<80x64xf32, #tpu.memory_space<vmem>>, vector<1x16xf32>,
      %swap3A_3997 = vector.shape_cast %swap3A_3996 : vector<1x16xf32> to vector<16xf32>
      %swap3A_3998 = vector.shape_cast %mul3A_3992 : vector<16xf32> to vector<1x16xf32>
      tpu.vector_store %arg13[%swap3A_3994, %swap3A_3995], %swap3A_3998 {strides = array<i32>} : memref<80x64xf32, #tpu.memory_space<vmem>>, vector<1x16xf32>,
      %get3A_3999 = arith.constant 73 : i32
      %get3A_4000 = arith.index_cast %get3A_3999 : i32 to index
      %get3A_4001 = arith.constant 16 : index
      %get3A_4002 = tpu.vector_load %arg13[%get3A_4000, %get3A_4001] {strides = array<i32>} : memref<80x64xf32, #tpu.memory_space<vmem>>, vector<1x16xf32>,
      %get3A_4003 = vector.shape_cast %get3A_4002 : vector<1x16xf32> to vector<16xf32>
      %mul3A_4004 = vector.broadcast %squeeze3A_3985 : f32 to vector<16xf32>
      %mul3A_4005 = arith.mulf %get3A_4003, %mul3A_4004 : vector<16xf32>
      %swap3A_4006 = arith.constant 73 : i32
      %swap3A_4007 = arith.index_cast %swap3A_4006 : i32 to index
      %swap3A_4008 = arith.constant 16 : index
      %swap3A_4009 = tpu.vector_load %arg13[%swap3A_4007, %swap3A_4008] {strides = array<i32>} : memref<80x64xf32, #tpu.memory_space<vmem>>, vector<1x16xf32>,
      %swap3A_4010 = vector.shape_cast %swap3A_4009 : vector<1x16xf32> to vector<16xf32>
      %swap3A_4011 = vector.shape_cast %mul3A_4005 : vector<16xf32> to vector<1x16xf32>
      tpu.vector_store %arg13[%swap3A_4007, %swap3A_4008], %swap3A_4011 {strides = array<i32>} : memref<80x64xf32, #tpu.memory_space<vmem>>, vector<1x16xf32>,
      %get3A_4012 = arith.constant 73 : i32
      %get3A_4013 = arith.index_cast %get3A_4012 : i32 to index
      %get3A_4014 = arith.constant 32 : index
      %get3A_4015 = tpu.vector_load %arg13[%get3A_4013, %get3A_4014] {strides = array<i32>} : memref<80x64xf32, #tpu.memory_space<vmem>>, vector<1x16xf32>,
      %get3A_4016 = vector.shape_cast %get3A_4015 : vector<1x16xf32> to vector<16xf32>
      %mul3A_4017 = vector.broadcast %squeeze3A_3985 : f32 to vector<16xf32>
      %mul3A_4018 = arith.mulf %get3A_4016, %mul3A_4017 : vector<16xf32>
      %swap3A_4019 = arith.constant 73 : i32
      %swap3A_4020 = arith.index_cast %swap3A_4019 : i32 to index
      %swap3A_4021 = arith.constant 32 : index
      %swap3A_4022 = tpu.vector_load %arg13[%swap3A_4020, %swap3A_4021] {strides = array<i32>} : memref<80x64xf32, #tpu.memory_space<vmem>>, vector<1x16xf32>,
      %swap3A_4023 = vector.shape_cast %swap3A_4022 : vector<1x16xf32> to vector<16xf32>
      %swap3A_4024 = vector.shape_cast %mul3A_4018 : vector<16xf32> to vector<1x16xf32>
      tpu.vector_store %arg13[%swap3A_4020, %swap3A_4021], %swap3A_4024 {strides = array<i32>} : memref<80x64xf32, #tpu.memory_space<vmem>>, vector<1x16xf32>,
      %get3A_4025 = arith.constant 73 : i32
      %get3A_4026 = arith.index_cast %get3A_4025 : i32 to index
      %get3A_4027 = arith.constant 48 : index
      %get3A_4028 = tpu.vector_load %arg13[%get3A_4026, %get3A_4027] {strides = array<i32>} : memref<80x64xf32, #tpu.memory_space<vmem>>, vector<1x16xf32>,
      %get3A_4029 = vector.shape_cast %get3A_4028 : vector<1x16xf32> to vector<16xf32>
      %mul3A_4030 = vector.broadcast %squeeze3A_3985 : f32 to vector<16xf32>
      %mul3A_4031 = arith.mulf %get3A_4029, %mul3A_4030 : vector<16xf32>
      %swap3A_4032 = arith.constant 73 : i32
      %swap3A_4033 = arith.index_cast %swap3A_4032 : i32 to index
      %swap3A_4034 = arith.constant 48 : index
      %swap3A_4035 = tpu.vector_load %arg13[%swap3A_4033, %swap3A_4034] {strides = array<i32>} : memref<80x64xf32, #tpu.memory_space<vmem>>, vector<1x16xf32>,
      %swap3A_4036 = vector.shape_cast %swap3A_4035 : vector<1x16xf32> to vector<16xf32>
      %swap3A_4037 = vector.shape_cast %mul3A_4031 : vector<16xf32> to vector<1x16xf32>
      tpu.vector_store %arg13[%swap3A_4033, %swap3A_4034], %swap3A_4037 {strides = array<i32>} : memref<80x64xf32, #tpu.memory_space<vmem>>, vector<1x16xf32>,
      %slice3A_4038 = vector.extract_strided_slice %get3A_3497 {offsets = [10], sizes = [1], strides = [1]} : vector<16xf32> to vector<1xf32>
      %squeeze3A_4039 = vector.extract %slice3A_4038[0] : f32 from vector<1xf32>
      %get3A_4040 = arith.constant 74 : i32
      %get3A_4041 = arith.index_cast %get3A_4040 : i32 to index
      %get3A_4042 = arith.constant 0 : index
      %get3A_4043 = tpu.vector_load %arg13[%get3A_4041, %get3A_4042] {strides = array<i32>} : memref<80x64xf32, #tpu.memory_space<vmem>>, vector<1x16xf32>,
      %get3A_4044 = vector.shape_cast %get3A_4043 : vector<1x16xf32> to vector<16xf32>
      %mul3A_4045 = vector.broadcast %squeeze3A_4039 : f32 to vector<16xf32>
      %mul3A_4046 = arith.mulf %get3A_4044, %mul3A_4045 : vector<16xf32>
      %swap3A_4047 = arith.constant 74 : i32
      %swap3A_4048 = arith.index_cast %swap3A_4047 : i32 to index
      %swap3A_4049 = arith.constant 0 : index
      %swap3A_4050 = tpu.vector_load %arg13[%swap3A_4048, %swap3A_4049] {strides = array<i32>} : memref<80x64xf32, #tpu.memory_space<vmem>>, vector<1x16xf32>,
      %swap3A_4051 = vector.shape_cast %swap3A_4050 : vector<1x16xf32> to vector<16xf32>
      %swap3A_4052 = vector.shape_cast %mul3A_4046 : vector<16xf32> to vector<1x16xf32>
      tpu.vector_store %arg13[%swap3A_4048, %swap3A_4049], %swap3A_4052 {strides = array<i32>} : memref<80x64xf32, #tpu.memory_space<vmem>>, vector<1x16xf32>,
      %get3A_4053 = arith.constant 74 : i32
      %get3A_4054 = arith.index_cast %get3A_4053 : i32 to index
      %get3A_4055 = arith.constant 16 : index
      %get3A_4056 = tpu.vector_load %arg13[%get3A_4054, %get3A_4055] {strides = array<i32>} : memref<80x64xf32, #tpu.memory_space<vmem>>, vector<1x16xf32>,
      %get3A_4057 = vector.shape_cast %get3A_4056 : vector<1x16xf32> to vector<16xf32>
      %mul3A_4058 = vector.broadcast %squeeze3A_4039 : f32 to vector<16xf32>
      %mul3A_4059 = arith.mulf %get3A_4057, %mul3A_4058 : vector<16xf32>
      %swap3A_4060 = arith.constant 74 : i32
      %swap3A_4061 = arith.index_cast %swap3A_4060 : i32 to index
      %swap3A_4062 = arith.constant 16 : index
      %swap3A_4063 = tpu.vector_load %arg13[%swap3A_4061, %swap3A_4062] {strides = array<i32>} : memref<80x64xf32, #tpu.memory_space<vmem>>, vector<1x16xf32>,
      %swap3A_4064 = vector.shape_cast %swap3A_4063 : vector<1x16xf32> to vector<16xf32>
      %swap3A_4065 = vector.shape_cast %mul3A_4059 : vector<16xf32> to vector<1x16xf32>
      tpu.vector_store %arg13[%swap3A_4061, %swap3A_4062], %swap3A_4065 {strides = array<i32>} : memref<80x64xf32, #tpu.memory_space<vmem>>, vector<1x16xf32>,
      %get3A_4066 = arith.constant 74 : i32
      %get3A_4067 = arith.index_cast %get3A_4066 : i32 to index
      %get3A_4068 = arith.constant 32 : index
      %get3A_4069 = tpu.vector_load %arg13[%get3A_4067, %get3A_4068] {strides = array<i32>} : memref<80x64xf32, #tpu.memory_space<vmem>>, vector<1x16xf32>,
      %get3A_4070 = vector.shape_cast %get3A_4069 : vector<1x16xf32> to vector<16xf32>
      %mul3A_4071 = vector.broadcast %squeeze3A_4039 : f32 to vector<16xf32>
      %mul3A_4072 = arith.mulf %get3A_4070, %mul3A_4071 : vector<16xf32>
      %swap3A_4073 = arith.constant 74 : i32
      %swap3A_4074 = arith.index_cast %swap3A_4073 : i32 to index
      %swap3A_4075 = arith.constant 32 : index
      %swap3A_4076 = tpu.vector_load %arg13[%swap3A_4074, %swap3A_4075] {strides = array<i32>} : memref<80x64xf32, #tpu.memory_space<vmem>>, vector<1x16xf32>,
      %swap3A_4077 = vector.shape_cast %swap3A_4076 : vector<1x16xf32> to vector<16xf32>
      %swap3A_4078 = vector.shape_cast %mul3A_4072 : vector<16xf32> to vector<1x16xf32>
      tpu.vector_store %arg13[%swap3A_4074, %swap3A_4075], %swap3A_4078 {strides = array<i32>} : memref<80x64xf32, #tpu.memory_space<vmem>>, vector<1x16xf32>,
      %get3A_4079 = arith.constant 74 : i32
      %get3A_4080 = arith.index_cast %get3A_4079 : i32 to index
      %get3A_4081 = arith.constant 48 : index
      %get3A_4082 = tpu.vector_load %arg13[%get3A_4080, %get3A_4081] {strides = array<i32>} : memref<80x64xf32, #tpu.memory_space<vmem>>, vector<1x16xf32>,
      %get3A_4083 = vector.shape_cast %get3A_4082 : vector<1x16xf32> to vector<16xf32>
      %mul3A_4084 = vector.broadcast %squeeze3A_4039 : f32 to vector<16xf32>
      %mul3A_4085 = arith.mulf %get3A_4083, %mul3A_4084 : vector<16xf32>
      %swap3A_4086 = arith.constant 74 : i32
      %swap3A_4087 = arith.index_cast %swap3A_4086 : i32 to index
      %swap3A_4088 = arith.constant 48 : index
      %swap3A_4089 = tpu.vector_load %arg13[%swap3A_4087, %swap3A_4088] {strides = array<i32>} : memref<80x64xf32, #tpu.memory_space<vmem>>, vector<1x16xf32>,
      %swap3A_4090 = vector.shape_cast %swap3A_4089 : vector<1x16xf32> to vector<16xf32>
      %swap3A_4091 = vector.shape_cast %mul3A_4085 : vector<16xf32> to vector<1x16xf32>
      tpu.vector_store %arg13[%swap3A_4087, %swap3A_4088], %swap3A_4091 {strides = array<i32>} : memref<80x64xf32, #tpu.memory_space<vmem>>, vector<1x16xf32>,
      %slice3A_4092 = vector.extract_strided_slice %get3A_3497 {offsets = [11], sizes = [1], strides = [1]} : vector<16xf32> to vector<1xf32>
      %squeeze3A_4093 = vector.extract %slice3A_4092[0] : f32 from vector<1xf32>
      %get3A_4094 = arith.constant 75 : i32
      %get3A_4095 = arith.index_cast %get3A_4094 : i32 to index
      %get3A_4096 = arith.constant 0 : index
      %get3A_4097 = tpu.vector_load %arg13[%get3A_4095, %get3A_4096] {strides = array<i32>} : memref<80x64xf32, #tpu.memory_space<vmem>>, vector<1x16xf32>,
      %get3A_4098 = vector.shape_cast %get3A_4097 : vector<1x16xf32> to vector<16xf32>
      %mul3A_4099 = vector.broadcast %squeeze3A_4093 : f32 to vector<16xf32>
      %mul3A_4100 = arith.mulf %get3A_4098, %mul3A_4099 : vector<16xf32>
      %swap3A_4101 = arith.constant 75 : i32
      %swap3A_4102 = arith.index_cast %swap3A_4101 : i32 to index
      %swap3A_4103 = arith.constant 0 : index
      %swap3A_4104 = tpu.vector_load %arg13[%swap3A_4102, %swap3A_4103] {strides = array<i32>} : memref<80x64xf32, #tpu.memory_space<vmem>>, vector<1x16xf32>,
      %swap3A_4105 = vector.shape_cast %swap3A_4104 : vector<1x16xf32> to vector<16xf32>
      %swap3A_4106 = vector.shape_cast %mul3A_4100 : vector<16xf32> to vector<1x16xf32>
      tpu.vector_store %arg13[%swap3A_4102, %swap3A_4103], %swap3A_4106 {strides = array<i32>} : memref<80x64xf32, #tpu.memory_space<vmem>>, vector<1x16xf32>,
      %get3A_4107 = arith.constant 75 : i32
      %get3A_4108 = arith.index_cast %get3A_4107 : i32 to index
      %get3A_4109 = arith.constant 16 : index
      %get3A_4110 = tpu.vector_load %arg13[%get3A_4108, %get3A_4109] {strides = array<i32>} : memref<80x64xf32, #tpu.memory_space<vmem>>, vector<1x16xf32>,
      %get3A_4111 = vector.shape_cast %get3A_4110 : vector<1x16xf32> to vector<16xf32>
      %mul3A_4112 = vector.broadcast %squeeze3A_4093 : f32 to vector<16xf32>
      %mul3A_4113 = arith.mulf %get3A_4111, %mul3A_4112 : vector<16xf32>
      %swap3A_4114 = arith.constant 75 : i32
      %swap3A_4115 = arith.index_cast %swap3A_4114 : i32 to index
      %swap3A_4116 = arith.constant 16 : index
      %swap3A_4117 = tpu.vector_load %arg13[%swap3A_4115, %swap3A_4116] {strides = array<i32>} : memref<80x64xf32, #tpu.memory_space<vmem>>, vector<1x16xf32>,
      %swap3A_4118 = vector.shape_cast %swap3A_4117 : vector<1x16xf32> to vector<16xf32>
      %swap3A_4119 = vector.shape_cast %mul3A_4113 : vector<16xf32> to vector<1x16xf32>
      tpu.vector_store %arg13[%swap3A_4115, %swap3A_4116], %swap3A_4119 {strides = array<i32>} : memref<80x64xf32, #tpu.memory_space<vmem>>, vector<1x16xf32>,
      %get3A_4120 = arith.constant 75 : i32
      %get3A_4121 = arith.index_cast %get3A_4120 : i32 to index
      %get3A_4122 = arith.constant 32 : index
      %get3A_4123 = tpu.vector_load %arg13[%get3A_4121, %get3A_4122] {strides = array<i32>} : memref<80x64xf32, #tpu.memory_space<vmem>>, vector<1x16xf32>,
      %get3A_4124 = vector.shape_cast %get3A_4123 : vector<1x16xf32> to vector<16xf32>
      %mul3A_4125 = vector.broadcast %squeeze3A_4093 : f32 to vector<16xf32>
      %mul3A_4126 = arith.mulf %get3A_4124, %mul3A_4125 : vector<16xf32>
      %swap3A_4127 = arith.constant 75 : i32
      %swap3A_4128 = arith.index_cast %swap3A_4127 : i32 to index
      %swap3A_4129 = arith.constant 32 : index
      %swap3A_4130 = tpu.vector_load %arg13[%swap3A_4128, %swap3A_4129] {strides = array<i32>} : memref<80x64xf32, #tpu.memory_space<vmem>>, vector<1x16xf32>,
      %swap3A_4131 = vector.shape_cast %swap3A_4130 : vector<1x16xf32> to vector<16xf32>
      %swap3A_4132 = vector.shape_cast %mul3A_4126 : vector<16xf32> to vector<1x16xf32>
      tpu.vector_store %arg13[%swap3A_4128, %swap3A_4129], %swap3A_4132 {strides = array<i32>} : memref<80x64xf32, #tpu.memory_space<vmem>>, vector<1x16xf32>,
      %get3A_4133 = arith.constant 75 : i32
      %get3A_4134 = arith.index_cast %get3A_4133 : i32 to index
      %get3A_4135 = arith.constant 48 : index
      %get3A_4136 = tpu.vector_load %arg13[%get3A_4134, %get3A_4135] {strides = array<i32>} : memref<80x64xf32, #tpu.memory_space<vmem>>, vector<1x16xf32>,
      %get3A_4137 = vector.shape_cast %get3A_4136 : vector<1x16xf32> to vector<16xf32>
      %mul3A_4138 = vector.broadcast %squeeze3A_4093 : f32 to vector<16xf32>
      %mul3A_4139 = arith.mulf %get3A_4137, %mul3A_4138 : vector<16xf32>
      %swap3A_4140 = arith.constant 75 : i32
      %swap3A_4141 = arith.index_cast %swap3A_4140 : i32 to index
      %swap3A_4142 = arith.constant 48 : index
      %swap3A_4143 = tpu.vector_load %arg13[%swap3A_4141, %swap3A_4142] {strides = array<i32>} : memref<80x64xf32, #tpu.memory_space<vmem>>, vector<1x16xf32>,
      %swap3A_4144 = vector.shape_cast %swap3A_4143 : vector<1x16xf32> to vector<16xf32>
      %swap3A_4145 = vector.shape_cast %mul3A_4139 : vector<16xf32> to vector<1x16xf32>
      tpu.vector_store %arg13[%swap3A_4141, %swap3A_4142], %swap3A_4145 {strides = array<i32>} : memref<80x64xf32, #tpu.memory_space<vmem>>, vector<1x16xf32>,
      %slice3A_4146 = vector.extract_strided_slice %get3A_3497 {offsets = [12], sizes = [1], strides = [1]} : vector<16xf32> to vector<1xf32>
      %squeeze3A_4147 = vector.extract %slice3A_4146[0] : f32 from vector<1xf32>
      %get3A_4148 = arith.constant 76 : i32
      %get3A_4149 = arith.index_cast %get3A_4148 : i32 to index
      %get3A_4150 = arith.constant 0 : index
      %get3A_4151 = tpu.vector_load %arg13[%get3A_4149, %get3A_4150] {strides = array<i32>} : memref<80x64xf32, #tpu.memory_space<vmem>>, vector<1x16xf32>,
      %get3A_4152 = vector.shape_cast %get3A_4151 : vector<1x16xf32> to vector<16xf32>
      %mul3A_4153 = vector.broadcast %squeeze3A_4147 : f32 to vector<16xf32>
      %mul3A_4154 = arith.mulf %get3A_4152, %mul3A_4153 : vector<16xf32>
      %swap3A_4155 = arith.constant 76 : i32
      %swap3A_4156 = arith.index_cast %swap3A_4155 : i32 to index
      %swap3A_4157 = arith.constant 0 : index
      %swap3A_4158 = tpu.vector_load %arg13[%swap3A_4156, %swap3A_4157] {strides = array<i32>} : memref<80x64xf32, #tpu.memory_space<vmem>>, vector<1x16xf32>,
      %swap3A_4159 = vector.shape_cast %swap3A_4158 : vector<1x16xf32> to vector<16xf32>
      %swap3A_4160 = vector.shape_cast %mul3A_4154 : vector<16xf32> to vector<1x16xf32>
      tpu.vector_store %arg13[%swap3A_4156, %swap3A_4157], %swap3A_4160 {strides = array<i32>} : memref<80x64xf32, #tpu.memory_space<vmem>>, vector<1x16xf32>,
      %get3A_4161 = arith.constant 76 : i32
      %get3A_4162 = arith.index_cast %get3A_4161 : i32 to index
      %get3A_4163 = arith.constant 16 : index
      %get3A_4164 = tpu.vector_load %arg13[%get3A_4162, %get3A_4163] {strides = array<i32>} : memref<80x64xf32, #tpu.memory_space<vmem>>, vector<1x16xf32>,
      %get3A_4165 = vector.shape_cast %get3A_4164 : vector<1x16xf32> to vector<16xf32>
      %mul3A_4166 = vector.broadcast %squeeze3A_4147 : f32 to vector<16xf32>
      %mul3A_4167 = arith.mulf %get3A_4165, %mul3A_4166 : vector<16xf32>
      %swap3A_4168 = arith.constant 76 : i32
      %swap3A_4169 = arith.index_cast %swap3A_4168 : i32 to index
      %swap3A_4170 = arith.constant 16 : index
      %swap3A_4171 = tpu.vector_load %arg13[%swap3A_4169, %swap3A_4170] {strides = array<i32>} : memref<80x64xf32, #tpu.memory_space<vmem>>, vector<1x16xf32>,
      %swap3A_4172 = vector.shape_cast %swap3A_4171 : vector<1x16xf32> to vector<16xf32>
      %swap3A_4173 = vector.shape_cast %mul3A_4167 : vector<16xf32> to vector<1x16xf32>
      tpu.vector_store %arg13[%swap3A_4169, %swap3A_4170], %swap3A_4173 {strides = array<i32>} : memref<80x64xf32, #tpu.memory_space<vmem>>, vector<1x16xf32>,
      %get3A_4174 = arith.constant 76 : i32
      %get3A_4175 = arith.index_cast %get3A_4174 : i32 to index
      %get3A_4176 = arith.constant 32 : index
      %get3A_4177 = tpu.vector_load %arg13[%get3A_4175, %get3A_4176] {strides = array<i32>} : memref<80x64xf32, #tpu.memory_space<vmem>>, vector<1x16xf32>,
      %get3A_4178 = vector.shape_cast %get3A_4177 : vector<1x16xf32> to vector<16xf32>
      %mul3A_4179 = vector.broadcast %squeeze3A_4147 : f32 to vector<16xf32>
      %mul3A_4180 = arith.mulf %get3A_4178, %mul3A_4179 : vector<16xf32>
      %swap3A_4181 = arith.constant 76 : i32
      %swap3A_4182 = arith.index_cast %swap3A_4181 : i32 to index
      %swap3A_4183 = arith.constant 32 : index
      %swap3A_4184 = tpu.vector_load %arg13[%swap3A_4182, %swap3A_4183] {strides = array<i32>} : memref<80x64xf32, #tpu.memory_space<vmem>>, vector<1x16xf32>,
      %swap3A_4185 = vector.shape_cast %swap3A_4184 : vector<1x16xf32> to vector<16xf32>
      %swap3A_4186 = vector.shape_cast %mul3A_4180 : vector<16xf32> to vector<1x16xf32>
      tpu.vector_store %arg13[%swap3A_4182, %swap3A_4183], %swap3A_4186 {strides = array<i32>} : memref<80x64xf32, #tpu.memory_space<vmem>>, vector<1x16xf32>,
      %get3A_4187 = arith.constant 76 : i32
      %get3A_4188 = arith.index_cast %get3A_4187 : i32 to index
      %get3A_4189 = arith.constant 48 : index
      %get3A_4190 = tpu.vector_load %arg13[%get3A_4188, %get3A_4189] {strides = array<i32>} : memref<80x64xf32, #tpu.memory_space<vmem>>, vector<1x16xf32>,
      %get3A_4191 = vector.shape_cast %get3A_4190 : vector<1x16xf32> to vector<16xf32>
      %mul3A_4192 = vector.broadcast %squeeze3A_4147 : f32 to vector<16xf32>
      %mul3A_4193 = arith.mulf %get3A_4191, %mul3A_4192 : vector<16xf32>
      %swap3A_4194 = arith.constant 76 : i32
      %swap3A_4195 = arith.index_cast %swap3A_4194 : i32 to index
      %swap3A_4196 = arith.constant 48 : index
      %swap3A_4197 = tpu.vector_load %arg13[%swap3A_4195, %swap3A_4196] {strides = array<i32>} : memref<80x64xf32, #tpu.memory_space<vmem>>, vector<1x16xf32>,
      %swap3A_4198 = vector.shape_cast %swap3A_4197 : vector<1x16xf32> to vector<16xf32>
      %swap3A_4199 = vector.shape_cast %mul3A_4193 : vector<16xf32> to vector<1x16xf32>
      tpu.vector_store %arg13[%swap3A_4195, %swap3A_4196], %swap3A_4199 {strides = array<i32>} : memref<80x64xf32, #tpu.memory_space<vmem>>, vector<1x16xf32>,
      %slice3A_4200 = vector.extract_strided_slice %get3A_3497 {offsets = [13], sizes = [1], strides = [1]} : vector<16xf32> to vector<1xf32>
      %squeeze3A_4201 = vector.extract %slice3A_4200[0] : f32 from vector<1xf32>
      %get3A_4202 = arith.constant 77 : i32
      %get3A_4203 = arith.index_cast %get3A_4202 : i32 to index
      %get3A_4204 = arith.constant 0 : index
      %get3A_4205 = tpu.vector_load %arg13[%get3A_4203, %get3A_4204] {strides = array<i32>} : memref<80x64xf32, #tpu.memory_space<vmem>>, vector<1x16xf32>,
      %get3A_4206 = vector.shape_cast %get3A_4205 : vector<1x16xf32> to vector<16xf32>
      %mul3A_4207 = vector.broadcast %squeeze3A_4201 : f32 to vector<16xf32>
      %mul3A_4208 = arith.mulf %get3A_4206, %mul3A_4207 : vector<16xf32>
      %swap3A_4209 = arith.constant 77 : i32
      %swap3A_4210 = arith.index_cast %swap3A_4209 : i32 to index
      %swap3A_4211 = arith.constant 0 : index
      %swap3A_4212 = tpu.vector_load %arg13[%swap3A_4210, %swap3A_4211] {strides = array<i32>} : memref<80x64xf32, #tpu.memory_space<vmem>>, vector<1x16xf32>,
      %swap3A_4213 = vector.shape_cast %swap3A_4212 : vector<1x16xf32> to vector<16xf32>
      %swap3A_4214 = vector.shape_cast %mul3A_4208 : vector<16xf32> to vector<1x16xf32>
      tpu.vector_store %arg13[%swap3A_4210, %swap3A_4211], %swap3A_4214 {strides = array<i32>} : memref<80x64xf32, #tpu.memory_space<vmem>>, vector<1x16xf32>,
      %get3A_4215 = arith.constant 77 : i32
      %get3A_4216 = arith.index_cast %get3A_4215 : i32 to index
      %get3A_4217 = arith.constant 16 : index
      %get3A_4218 = tpu.vector_load %arg13[%get3A_4216, %get3A_4217] {strides = array<i32>} : memref<80x64xf32, #tpu.memory_space<vmem>>, vector<1x16xf32>,
      %get3A_4219 = vector.shape_cast %get3A_4218 : vector<1x16xf32> to vector<16xf32>
      %mul3A_4220 = vector.broadcast %squeeze3A_4201 : f32 to vector<16xf32>
      %mul3A_4221 = arith.mulf %get3A_4219, %mul3A_4220 : vector<16xf32>
      %swap3A_4222 = arith.constant 77 : i32
      %swap3A_4223 = arith.index_cast %swap3A_4222 : i32 to index
      %swap3A_4224 = arith.constant 16 : index
      %swap3A_4225 = tpu.vector_load %arg13[%swap3A_4223, %swap3A_4224] {strides = array<i32>} : memref<80x64xf32, #tpu.memory_space<vmem>>, vector<1x16xf32>,
      %swap3A_4226 = vector.shape_cast %swap3A_4225 : vector<1x16xf32> to vector<16xf32>
      %swap3A_4227 = vector.shape_cast %mul3A_4221 : vector<16xf32> to vector<1x16xf32>
      tpu.vector_store %arg13[%swap3A_4223, %swap3A_4224], %swap3A_4227 {strides = array<i32>} : memref<80x64xf32, #tpu.memory_space<vmem>>, vector<1x16xf32>,
      %get3A_4228 = arith.constant 77 : i32
      %get3A_4229 = arith.index_cast %get3A_4228 : i32 to index
      %get3A_4230 = arith.constant 32 : index
      %get3A_4231 = tpu.vector_load %arg13[%get3A_4229, %get3A_4230] {strides = array<i32>} : memref<80x64xf32, #tpu.memory_space<vmem>>, vector<1x16xf32>,
      %get3A_4232 = vector.shape_cast %get3A_4231 : vector<1x16xf32> to vector<16xf32>
      %mul3A_4233 = vector.broadcast %squeeze3A_4201 : f32 to vector<16xf32>
      %mul3A_4234 = arith.mulf %get3A_4232, %mul3A_4233 : vector<16xf32>
      %swap3A_4235 = arith.constant 77 : i32
      %swap3A_4236 = arith.index_cast %swap3A_4235 : i32 to index
      %swap3A_4237 = arith.constant 32 : index
      %swap3A_4238 = tpu.vector_load %arg13[%swap3A_4236, %swap3A_4237] {strides = array<i32>} : memref<80x64xf32, #tpu.memory_space<vmem>>, vector<1x16xf32>,
      %swap3A_4239 = vector.shape_cast %swap3A_4238 : vector<1x16xf32> to vector<16xf32>
      %swap3A_4240 = vector.shape_cast %mul3A_4234 : vector<16xf32> to vector<1x16xf32>
      tpu.vector_store %arg13[%swap3A_4236, %swap3A_4237], %swap3A_4240 {strides = array<i32>} : memref<80x64xf32, #tpu.memory_space<vmem>>, vector<1x16xf32>,
      %get3A_4241 = arith.constant 77 : i32
      %get3A_4242 = arith.index_cast %get3A_4241 : i32 to index
      %get3A_4243 = arith.constant 48 : index
      %get3A_4244 = tpu.vector_load %arg13[%get3A_4242, %get3A_4243] {strides = array<i32>} : memref<80x64xf32, #tpu.memory_space<vmem>>, vector<1x16xf32>,
      %get3A_4245 = vector.shape_cast %get3A_4244 : vector<1x16xf32> to vector<16xf32>
      %mul3A_4246 = vector.broadcast %squeeze3A_4201 : f32 to vector<16xf32>
      %mul3A_4247 = arith.mulf %get3A_4245, %mul3A_4246 : vector<16xf32>
      %swap3A_4248 = arith.constant 77 : i32
      %swap3A_4249 = arith.index_cast %swap3A_4248 : i32 to index
      %swap3A_4250 = arith.constant 48 : index
      %swap3A_4251 = tpu.vector_load %arg13[%swap3A_4249, %swap3A_4250] {strides = array<i32>} : memref<80x64xf32, #tpu.memory_space<vmem>>, vector<1x16xf32>,
      %swap3A_4252 = vector.shape_cast %swap3A_4251 : vector<1x16xf32> to vector<16xf32>
      %swap3A_4253 = vector.shape_cast %mul3A_4247 : vector<16xf32> to vector<1x16xf32>
      tpu.vector_store %arg13[%swap3A_4249, %swap3A_4250], %swap3A_4253 {strides = array<i32>} : memref<80x64xf32, #tpu.memory_space<vmem>>, vector<1x16xf32>,
      %slice3A_4254 = vector.extract_strided_slice %get3A_3497 {offsets = [14], sizes = [1], strides = [1]} : vector<16xf32> to vector<1xf32>
      %squeeze3A_4255 = vector.extract %slice3A_4254[0] : f32 from vector<1xf32>
      %get3A_4256 = arith.constant 78 : i32
      %get3A_4257 = arith.index_cast %get3A_4256 : i32 to index
      %get3A_4258 = arith.constant 0 : index
      %get3A_4259 = tpu.vector_load %arg13[%get3A_4257, %get3A_4258] {strides = array<i32>} : memref<80x64xf32, #tpu.memory_space<vmem>>, vector<1x16xf32>,
      %get3A_4260 = vector.shape_cast %get3A_4259 : vector<1x16xf32> to vector<16xf32>
      %mul3A_4261 = vector.broadcast %squeeze3A_4255 : f32 to vector<16xf32>
      %mul3A_4262 = arith.mulf %get3A_4260, %mul3A_4261 : vector<16xf32>
      %swap3A_4263 = arith.constant 78 : i32
      %swap3A_4264 = arith.index_cast %swap3A_4263 : i32 to index
      %swap3A_4265 = arith.constant 0 : index
      %swap3A_4266 = tpu.vector_load %arg13[%swap3A_4264, %swap3A_4265] {strides = array<i32>} : memref<80x64xf32, #tpu.memory_space<vmem>>, vector<1x16xf32>,
      %swap3A_4267 = vector.shape_cast %swap3A_4266 : vector<1x16xf32> to vector<16xf32>
      %swap3A_4268 = vector.shape_cast %mul3A_4262 : vector<16xf32> to vector<1x16xf32>
      tpu.vector_store %arg13[%swap3A_4264, %swap3A_4265], %swap3A_4268 {strides = array<i32>} : memref<80x64xf32, #tpu.memory_space<vmem>>, vector<1x16xf32>,
      %get3A_4269 = arith.constant 78 : i32
      %get3A_4270 = arith.index_cast %get3A_4269 : i32 to index
      %get3A_4271 = arith.constant 16 : index
      %get3A_4272 = tpu.vector_load %arg13[%get3A_4270, %get3A_4271] {strides = array<i32>} : memref<80x64xf32, #tpu.memory_space<vmem>>, vector<1x16xf32>,
      %get3A_4273 = vector.shape_cast %get3A_4272 : vector<1x16xf32> to vector<16xf32>
      %mul3A_4274 = vector.broadcast %squeeze3A_4255 : f32 to vector<16xf32>
      %mul3A_4275 = arith.mulf %get3A_4273, %mul3A_4274 : vector<16xf32>
      %swap3A_4276 = arith.constant 78 : i32
      %swap3A_4277 = arith.index_cast %swap3A_4276 : i32 to index
      %swap3A_4278 = arith.constant 16 : index
      %swap3A_4279 = tpu.vector_load %arg13[%swap3A_4277, %swap3A_4278] {strides = array<i32>} : memref<80x64xf32, #tpu.memory_space<vmem>>, vector<1x16xf32>,
      %swap3A_4280 = vector.shape_cast %swap3A_4279 : vector<1x16xf32> to vector<16xf32>
      %swap3A_4281 = vector.shape_cast %mul3A_4275 : vector<16xf32> to vector<1x16xf32>
      tpu.vector_store %arg13[%swap3A_4277, %swap3A_4278], %swap3A_4281 {strides = array<i32>} : memref<80x64xf32, #tpu.memory_space<vmem>>, vector<1x16xf32>,
      %get3A_4282 = arith.constant 78 : i32
      %get3A_4283 = arith.index_cast %get3A_4282 : i32 to index
      %get3A_4284 = arith.constant 32 : index
      %get3A_4285 = tpu.vector_load %arg13[%get3A_4283, %get3A_4284] {strides = array<i32>} : memref<80x64xf32, #tpu.memory_space<vmem>>, vector<1x16xf32>,
      %get3A_4286 = vector.shape_cast %get3A_4285 : vector<1x16xf32> to vector<16xf32>
      %mul3A_4287 = vector.broadcast %squeeze3A_4255 : f32 to vector<16xf32>
      %mul3A_4288 = arith.mulf %get3A_4286, %mul3A_4287 : vector<16xf32>
      %swap3A_4289 = arith.constant 78 : i32
      %swap3A_4290 = arith.index_cast %swap3A_4289 : i32 to index
      %swap3A_4291 = arith.constant 32 : index
      %swap3A_4292 = tpu.vector_load %arg13[%swap3A_4290, %swap3A_4291] {strides = array<i32>} : memref<80x64xf32, #tpu.memory_space<vmem>>, vector<1x16xf32>,
      %swap3A_4293 = vector.shape_cast %swap3A_4292 : vector<1x16xf32> to vector<16xf32>
      %swap3A_4294 = vector.shape_cast %mul3A_4288 : vector<16xf32> to vector<1x16xf32>
      tpu.vector_store %arg13[%swap3A_4290, %swap3A_4291], %swap3A_4294 {strides = array<i32>} : memref<80x64xf32, #tpu.memory_space<vmem>>, vector<1x16xf32>,
      %get3A_4295 = arith.constant 78 : i32
      %get3A_4296 = arith.index_cast %get3A_4295 : i32 to index
      %get3A_4297 = arith.constant 48 : index
      %get3A_4298 = tpu.vector_load %arg13[%get3A_4296, %get3A_4297] {strides = array<i32>} : memref<80x64xf32, #tpu.memory_space<vmem>>, vector<1x16xf32>,
      %get3A_4299 = vector.shape_cast %get3A_4298 : vector<1x16xf32> to vector<16xf32>
      %mul3A_4300 = vector.broadcast %squeeze3A_4255 : f32 to vector<16xf32>
      %mul3A_4301 = arith.mulf %get3A_4299, %mul3A_4300 : vector<16xf32>
      %swap3A_4302 = arith.constant 78 : i32
      %swap3A_4303 = arith.index_cast %swap3A_4302 : i32 to index
      %swap3A_4304 = arith.constant 48 : index
      %swap3A_4305 = tpu.vector_load %arg13[%swap3A_4303, %swap3A_4304] {strides = array<i32>} : memref<80x64xf32, #tpu.memory_space<vmem>>, vector<1x16xf32>,
      %swap3A_4306 = vector.shape_cast %swap3A_4305 : vector<1x16xf32> to vector<16xf32>
      %swap3A_4307 = vector.shape_cast %mul3A_4301 : vector<16xf32> to vector<1x16xf32>
      tpu.vector_store %arg13[%swap3A_4303, %swap3A_4304], %swap3A_4307 {strides = array<i32>} : memref<80x64xf32, #tpu.memory_space<vmem>>, vector<1x16xf32>,
      %slice3A_4308 = vector.extract_strided_slice %get3A_3497 {offsets = [15], sizes = [1], strides = [1]} : vector<16xf32> to vector<1xf32>
      %squeeze3A_4309 = vector.extract %slice3A_4308[0] : f32 from vector<1xf32>
      %get3A_4310 = arith.constant 79 : i32
      %get3A_4311 = arith.index_cast %get3A_4310 : i32 to index
      %get3A_4312 = arith.constant 0 : index
      %get3A_4313 = tpu.vector_load %arg13[%get3A_4311, %get3A_4312] {strides = array<i32>} : memref<80x64xf32, #tpu.memory_space<vmem>>, vector<1x16xf32>,
      %get3A_4314 = vector.shape_cast %get3A_4313 : vector<1x16xf32> to vector<16xf32>
      %mul3A_4315 = vector.broadcast %squeeze3A_4309 : f32 to vector<16xf32>
      %mul3A_4316 = arith.mulf %get3A_4314, %mul3A_4315 : vector<16xf32>
      %swap3A_4317 = arith.constant 79 : i32
      %swap3A_4318 = arith.index_cast %swap3A_4317 : i32 to index
      %swap3A_4319 = arith.constant 0 : index
      %swap3A_4320 = tpu.vector_load %arg13[%swap3A_4318, %swap3A_4319] {strides = array<i32>} : memref<80x64xf32, #tpu.memory_space<vmem>>, vector<1x16xf32>,
      %swap3A_4321 = vector.shape_cast %swap3A_4320 : vector<1x16xf32> to vector<16xf32>
      %swap3A_4322 = vector.shape_cast %mul3A_4316 : vector<16xf32> to vector<1x16xf32>
      tpu.vector_store %arg13[%swap3A_4318, %swap3A_4319], %swap3A_4322 {strides = array<i32>} : memref<80x64xf32, #tpu.memory_space<vmem>>, vector<1x16xf32>,
      %get3A_4323 = arith.constant 79 : i32
      %get3A_4324 = arith.index_cast %get3A_4323 : i32 to index
      %get3A_4325 = arith.constant 16 : index
      %get3A_4326 = tpu.vector_load %arg13[%get3A_4324, %get3A_4325] {strides = array<i32>} : memref<80x64xf32, #tpu.memory_space<vmem>>, vector<1x16xf32>,
      %get3A_4327 = vector.shape_cast %get3A_4326 : vector<1x16xf32> to vector<16xf32>
      %mul3A_4328 = vector.broadcast %squeeze3A_4309 : f32 to vector<16xf32>
      %mul3A_4329 = arith.mulf %get3A_4327, %mul3A_4328 : vector<16xf32>
      %swap3A_4330 = arith.constant 79 : i32
      %swap3A_4331 = arith.index_cast %swap3A_4330 : i32 to index
      %swap3A_4332 = arith.constant 16 : index
      %swap3A_4333 = tpu.vector_load %arg13[%swap3A_4331, %swap3A_4332] {strides = array<i32>} : memref<80x64xf32, #tpu.memory_space<vmem>>, vector<1x16xf32>,
      %swap3A_4334 = vector.shape_cast %swap3A_4333 : vector<1x16xf32> to vector<16xf32>
      %swap3A_4335 = vector.shape_cast %mul3A_4329 : vector<16xf32> to vector<1x16xf32>
      tpu.vector_store %arg13[%swap3A_4331, %swap3A_4332], %swap3A_4335 {strides = array<i32>} : memref<80x64xf32, #tpu.memory_space<vmem>>, vector<1x16xf32>,
      %get3A_4336 = arith.constant 79 : i32
      %get3A_4337 = arith.index_cast %get3A_4336 : i32 to index
      %get3A_4338 = arith.constant 32 : index
      %get3A_4339 = tpu.vector_load %arg13[%get3A_4337, %get3A_4338] {strides = array<i32>} : memref<80x64xf32, #tpu.memory_space<vmem>>, vector<1x16xf32>,
      %get3A_4340 = vector.shape_cast %get3A_4339 : vector<1x16xf32> to vector<16xf32>
      %mul3A_4341 = vector.broadcast %squeeze3A_4309 : f32 to vector<16xf32>
      %mul3A_4342 = arith.mulf %get3A_4340, %mul3A_4341 : vector<16xf32>
      %swap3A_4343 = arith.constant 79 : i32
      %swap3A_4344 = arith.index_cast %swap3A_4343 : i32 to index
      %swap3A_4345 = arith.constant 32 : index
      %swap3A_4346 = tpu.vector_load %arg13[%swap3A_4344, %swap3A_4345] {strides = array<i32>} : memref<80x64xf32, #tpu.memory_space<vmem>>, vector<1x16xf32>,
      %swap3A_4347 = vector.shape_cast %swap3A_4346 : vector<1x16xf32> to vector<16xf32>
      %swap3A_4348 = vector.shape_cast %mul3A_4342 : vector<16xf32> to vector<1x16xf32>
      tpu.vector_store %arg13[%swap3A_4344, %swap3A_4345], %swap3A_4348 {strides = array<i32>} : memref<80x64xf32, #tpu.memory_space<vmem>>, vector<1x16xf32>,
      %get3A_4349 = arith.constant 79 : i32
      %get3A_4350 = arith.index_cast %get3A_4349 : i32 to index
      %get3A_4351 = arith.constant 48 : index
      %get3A_4352 = tpu.vector_load %arg13[%get3A_4350, %get3A_4351] {strides = array<i32>} : memref<80x64xf32, #tpu.memory_space<vmem>>, vector<1x16xf32>,
      %get3A_4353 = vector.shape_cast %get3A_4352 : vector<1x16xf32> to vector<16xf32>
      %mul3A_4354 = vector.broadcast %squeeze3A_4309 : f32 to vector<16xf32>
      %mul3A_4355 = arith.mulf %get3A_4353, %mul3A_4354 : vector<16xf32>
      %swap3A_4356 = arith.constant 79 : i32
      %swap3A_4357 = arith.index_cast %swap3A_4356 : i32 to index
      %swap3A_4358 = arith.constant 48 : index
      %swap3A_4359 = tpu.vector_load %arg13[%swap3A_4357, %swap3A_4358] {strides = array<i32>} : memref<80x64xf32, #tpu.memory_space<vmem>>, vector<1x16xf32>,
      %swap3A_4360 = vector.shape_cast %swap3A_4359 : vector<1x16xf32> to vector<16xf32>
      %swap3A_4361 = vector.shape_cast %mul3A_4355 : vector<16xf32> to vector<1x16xf32>
      tpu.vector_store %arg13[%swap3A_4357, %swap3A_4358], %swap3A_4361 {strides = array<i32>} : memref<80x64xf32, #tpu.memory_space<vmem>>, vector<1x16xf32>,
      "tpu.region"() ({
        %run_scoped3A = tpu.sem_alloc : memref<!tpu.dma_semaphore, #tpu.memory_space<semaphore_mem>>
        %dma_start3A = arith.constant 0 : i32
        %dma_start3A_4362 = arith.constant 0 : i32
        %dma_start3A_4363 = tpu.memref_slice %arg15[%dma_start3A, %dma_start3A_4362] : memref<10000x64xf32, #tpu.memory_space<vmem_shared>> -> memref<10000x64xf32, #tpu.memory_space<vmem_shared>>
        tpu.enqueue_indirect_dma source(%arg13 : memref<80x64xf32, #tpu.memory_space<vmem>>) target(%dma_start3A_4363 : memref<10000x64xf32, #tpu.memory_space<vmem_shared>>) offsets(%arg11 : memref<80xi32, #tpu.memory_space<vmem>>) semaphore(%run_scoped3A : memref<!tpu.dma_semaphore, #tpu.memory_space<semaphore_mem>>) {add = true}
        %dma_wait3A = arith.constant 0 : i32
        %dma_wait3A_4364 = arith.constant 0 : i32
        %dma_wait3A_4365 = tpu.memref_slice %arg15[%dma_wait3A, %dma_wait3A_4364] : memref<10000x64xf32, #tpu.memory_space<vmem_shared>> -> memref<10000x64xf32, #tpu.memory_space<vmem_shared>>
        tpu.wait_indirect_dma semaphore(%run_scoped3A : memref<!tpu.dma_semaphore, #tpu.memory_space<semaphore_mem>>) src(%arg13 : memref<80x64xf32, #tpu.memory_space<vmem>>) dst(%dma_wait3A_4365 : memref<10000x64xf32, #tpu.memory_space<vmem_shared>>)
        tpu.yield
      }) : () -> ()
    }
    %scan3A_5 = arith.constant 250 : i32
    %barrier3A_6 = arith.constant 0 : index
    tpu.barrier barrier_id(%barrier3A_6)
    %mul3A_7 = arith.constant 624 : i32
    %mul3A_8 = arith.muli %arg1, %mul3A_7 : i32
    "tpu.region"() ({
      %run_scoped3A = tpu.sem_alloc : memref<!tpu.dma_semaphore, #tpu.memory_space<semaphore_mem>>
      %dma_start3A = arith.constant 0 : i32
      %dma_start3A_16 = tpu.memref_slice %arg15[%mul3A_8, %dma_start3A] : memref<10000x64xf32, #tpu.memory_space<vmem_shared>> -> memref<640x64xf32, #tpu.memory_space<vmem_shared>>
      %dma_start3A_17 = arith.constant 0 : i32
      %dma_start3A_18 = tpu.memref_slice %arg15[%mul3A_8, %dma_start3A_17] : memref<10000x64xf32, #tpu.memory_space<vmem_shared>> -> memref<640x64xf32, #tpu.memory_space<vmem_shared>>
      tpu.enqueue_dma source(%dma_start3A_18 : memref<640x64xf32, #tpu.memory_space<vmem_shared>>) target(%arg14 : memref<640x64xf32, #tpu.memory_space<vmem>>) target_semaphore(%run_scoped3A : memref<!tpu.dma_semaphore, #tpu.memory_space<semaphore_mem>>)
      %dma_wait3A = arith.constant 0 : i32
      %dma_wait3A_19 = tpu.memref_slice %arg15[%mul3A_8, %dma_wait3A] : memref<10000x64xf32, #tpu.memory_space<vmem_shared>> -> memref<640x64xf32, #tpu.memory_space<vmem_shared>>
      %dma_wait3A_20 = arith.constant 0 : i32
      %dma_wait3A_21 = tpu.memref_slice %arg15[%mul3A_8, %dma_wait3A_20] : memref<10000x64xf32, #tpu.memory_space<vmem_shared>> -> memref<640x64xf32, #tpu.memory_space<vmem_shared>>
      tpu.wait_dma2 semaphore(%run_scoped3A : memref<!tpu.dma_semaphore, #tpu.memory_space<semaphore_mem>>) src(%dma_wait3A_21 : memref<640x64xf32, #tpu.memory_space<vmem_shared>>) dst(%arg14 : memref<640x64xf32, #tpu.memory_space<vmem>>)
      tpu.yield
    }) : () -> ()
    %eq3A = arith.constant 0 : i32
    %eq3A_9 = arith.cmpi eq, %arg0, %eq3A : i32
    %convert_element_type3A = arith.extui %eq3A_9 : i1 to i32
    %cond3A = arith.constant 0 : i32
    %cond3A_10 = arith.cmpi ne, %convert_element_type3A, %cond3A : i32
    scf.if %cond3A_10 {
      %mul3A_16 = arith.constant 624 : i32
      %mul3A_17 = arith.muli %arg1, %mul3A_16 : i32
      "tpu.region"() ({
        %run_scoped3A = tpu.sem_alloc : memref<!tpu.dma_semaphore, #tpu.memory_space<semaphore_mem>>
        %dma_start3A = arith.constant 0 : i32
        %dma_start3A_18 = tpu.memref_slice %arg8[%mul3A_17, %dma_start3A] : memref<10000x64xf32, #tpu.memory_space<hbm>> -> memref<640x64xf32, #tpu.memory_space<hbm>>
        %dma_start3A_19 = arith.constant 0 : i32
        %dma_start3A_20 = tpu.memref_slice %arg8[%mul3A_17, %dma_start3A_19] : memref<10000x64xf32, #tpu.memory_space<hbm>> -> memref<640x64xf32, #tpu.memory_space<hbm>>
        tpu.enqueue_dma source(%arg14 : memref<640x64xf32, #tpu.memory_space<vmem>>) target(%dma_start3A_20 : memref<640x64xf32, #tpu.memory_space<hbm>>) target_semaphore(%run_scoped3A : memref<!tpu.dma_semaphore, #tpu.memory_space<semaphore_mem>>)
        %dma_wait3A = arith.constant 0 : i32
        %dma_wait3A_21 = tpu.memref_slice %arg8[%mul3A_17, %dma_wait3A] : memref<10000x64xf32, #tpu.memory_space<hbm>> -> memref<640x64xf32, #tpu.memory_space<hbm>>
        %dma_wait3A_22 = arith.constant 0 : i32
        %dma_wait3A_23 = tpu.memref_slice %arg8[%mul3A_17, %dma_wait3A_22] : memref<10000x64xf32, #tpu.memory_space<hbm>> -> memref<640x64xf32, #tpu.memory_space<hbm>>
        tpu.wait_dma2 semaphore(%run_scoped3A : memref<!tpu.dma_semaphore, #tpu.memory_space<semaphore_mem>>) src(%arg14 : memref<640x64xf32, #tpu.memory_space<vmem>>) dst(%dma_wait3A_23 : memref<640x64xf32, #tpu.memory_space<hbm>>)
        tpu.yield
      }) : () -> ()
    } else {
    }
    %eq3A_11 = arith.constant 1 : i32
    %eq3A_12 = arith.cmpi eq, %arg0, %eq3A_11 : i32
    %convert_element_type3A_13 = arith.extui %eq3A_12 : i1 to i32
    %cond3A_14 = arith.constant 0 : i32
    %cond3A_15 = arith.cmpi ne, %convert_element_type3A_13, %cond3A_14 : i32
    scf.if %cond3A_15 {
      %mul3A_16 = arith.constant 624 : i32
      %mul3A_17 = arith.muli %arg1, %mul3A_16 : i32
      "tpu.region"() ({
        %run_scoped3A = tpu.sem_alloc : memref<!tpu.dma_semaphore, #tpu.memory_space<semaphore_mem>>
        %dma_start3A = arith.constant 0 : i32
        %dma_start3A_18 = tpu.memref_slice %arg9[%mul3A_17, %dma_start3A] : memref<10000x64xf32, #tpu.memory_space<hbm>> -> memref<640x64xf32, #tpu.memory_space<hbm>>
        %dma_start3A_19 = arith.constant 0 : i32
        %dma_start3A_20 = tpu.memref_slice %arg9[%mul3A_17, %dma_start3A_19] : memref<10000x64xf32, #tpu.memory_space<hbm>> -> memref<640x64xf32, #tpu.memory_space<hbm>>
        tpu.enqueue_dma source(%arg14 : memref<640x64xf32, #tpu.memory_space<vmem>>) target(%dma_start3A_20 : memref<640x64xf32, #tpu.memory_space<hbm>>) target_semaphore(%run_scoped3A : memref<!tpu.dma_semaphore, #tpu.memory_space<semaphore_mem>>)
        %dma_wait3A = arith.constant 0 : i32
        %dma_wait3A_21 = tpu.memref_slice %arg9[%mul3A_17, %dma_wait3A] : memref<10000x64xf32, #tpu.memory_space<hbm>> -> memref<640x64xf32, #tpu.memory_space<hbm>>
        %dma_wait3A_22 = arith.constant 0 : i32
        %dma_wait3A_23 = tpu.memref_slice %arg9[%mul3A_17, %dma_wait3A_22] : memref<10000x64xf32, #tpu.memory_space<hbm>> -> memref<640x64xf32, #tpu.memory_space<hbm>>
        tpu.wait_dma2 semaphore(%run_scoped3A : memref<!tpu.dma_semaphore, #tpu.memory_space<semaphore_mem>>) src(%arg14 : memref<640x64xf32, #tpu.memory_space<vmem>>) dst(%dma_wait3A_23 : memref<640x64xf32, #tpu.memory_space<hbm>>)
        tpu.yield
      }) : () -> ()
    } else {
    }
    return
  }
}

module attributes {stable_mosaic.version = 14 : i64} {
  func.func @_tc1_body(%arg0: i32, %arg1: memref<1000x2xf32, #tpu.memory_space<vmem>>, %arg2: memref<1000x128xf32, #tpu.memory_space<vmem>>, %arg3: memref<128x128xf32, #tpu.memory_space<vmem>>, %arg4: memref<1000x1xf32, #tpu.memory_space<vmem>>, %arg5: memref<1000x64xf32, #tpu.memory_space<vmem>>, %arg6: memref<1000x64xf32, #tpu.memory_space<vmem>>) attributes {dimension_semantics = [#tpu.dimension_semantics<arbitrary>], iteration_bounds = array<i64: 10>, scalar_prefetch = 0 : i64, scratch_operands = 0 : i64, tpu.core_type = #tpu.core_type<tc>, window_params = [{transform_indices = @transform_0, window_bounds = array<i64: 1000, 2>}, {transform_indices = @transform_1, window_bounds = array<i64: 1000, 128>}, {pipeline_mode = #tpu.pipeline_mode<synchronous>, transform_indices = @transform_2, window_bounds = array<i64: 128, 128>}, {transform_indices = @transform_3, window_bounds = array<i64: 1000, 1>}, {transform_indices = @transform_4, window_bounds = array<i64: 1000, 64>}, {transform_indices = @transform_5, window_bounds = array<i64: 1000, 64>}]} {
    %get3A = arith.constant 0 : index
    %get3A_0 = arith.constant 0 : index
    %get3A_1 = vector.load %arg1[%get3A, %get3A_0] : memref<1000x2xf32, #tpu.memory_space<vmem>>, vector<1000x2xf32>
    %reduce_sum3A = arith.constant dense<0.000000e+00> : vector<1000xf32>
    %reduce_sum3A_2 = vector.multi_reduction <add>, %get3A_1, %reduce_sum3A [1] : vector<1000x2xf32> to vector<1000xf32>
    %broadcast_in_dim3A = vector.shape_cast %reduce_sum3A_2 : vector<1000xf32> to vector<1000x1xf32>
    %add3A = arith.constant 1.000000e+00 : f32
    %add3A_3 = vector.broadcast %add3A : f32 to vector<1000x1xf32>
    %add3A_4 = arith.addf %broadcast_in_dim3A, %add3A_3 : vector<1000x1xf32>
    %rsqrt3A = math.rsqrt %add3A_4 : vector<1000x1xf32>
    %swap3A = arith.constant 0 : index
    %swap3A_5 = arith.constant 0 : index
    %swap3A_6 = vector.load %arg4[%swap3A, %swap3A_5] : memref<1000x1xf32, #tpu.memory_space<vmem>>, vector<1000x1xf32>
    tpu.vector_store %arg4[%swap3A, %swap3A_5], %rsqrt3A {strides = array<i32>} : memref<1000x1xf32, #tpu.memory_space<vmem>>, vector<1000x1xf32>,
    %get3A_7 = arith.constant 0 : index
    %get3A_8 = arith.constant 0 : index
    %get3A_9 = vector.load %arg2[%get3A_7, %get3A_8] : memref<1000x128xf32, #tpu.memory_space<vmem>>, vector<1000x128xf32>
    %get3A_10 = arith.constant 0 : index
    %get3A_11 = arith.constant 0 : index
    %get3A_12 = vector.load %arg3[%get3A_10, %get3A_11] : memref<128x128xf32, #tpu.memory_space<vmem>>, vector<128x128xf32>
    %dot_general3A = arith.constant dense<0.000000e+00> : vector<1000x128xf32>
    %dot_general3A_13 = tpu.matmul %get3A_9, %get3A_12, %dot_general3A {dimension_numbers = #tpu.dot_dimension_numbers<[1], [0], [0], [1], [0, 0, 1, 1], [], []>, transpose_lhs_hint = false} : vector<1000x128xf32>, vector<128x128xf32>, vector<1000x128xf32> -> vector<1000x128xf32>
    %mul3A = vector.broadcast %rsqrt3A : vector<1000x1xf32> to vector<1000x128xf32>
    %mul3A_14 = arith.mulf %mul3A, %dot_general3A_13 : vector<1000x128xf32>
    %slice3A = vector.extract_strided_slice %mul3A_14 {offsets = [0, 0], sizes = [1000, 64], strides = [1, 1]} : vector<1000x128xf32> to vector<1000x64xf32>
    %swap3A_15 = arith.constant 0 : index
    %swap3A_16 = arith.constant 0 : index
    %swap3A_17 = vector.load %arg5[%swap3A_15, %swap3A_16] : memref<1000x64xf32, #tpu.memory_space<vmem>>, vector<1000x64xf32>
    tpu.vector_store %arg5[%swap3A_15, %swap3A_16], %slice3A {strides = array<i32>} : memref<1000x64xf32, #tpu.memory_space<vmem>>, vector<1000x64xf32>,
    %slice3A_18 = vector.extract_strided_slice %mul3A_14 {offsets = [0, 64], sizes = [1000, 64], strides = [1, 1]} : vector<1000x128xf32> to vector<1000x64xf32>
    %swap3A_19 = arith.constant 0 : index
    %swap3A_20 = arith.constant 0 : index
    %swap3A_21 = vector.load %arg6[%swap3A_19, %swap3A_20] : memref<1000x64xf32, #tpu.memory_space<vmem>>, vector<1000x64xf32>
    tpu.vector_store %arg6[%swap3A_19, %swap3A_20], %slice3A_18 {strides = array<i32>} : memref<1000x64xf32, #tpu.memory_space<vmem>>, vector<1000x64xf32>,
    return
  }
  func.func @transform_0(%arg0: i32) -> (i32, i32) {
    %c0_i32 = arith.constant 0 : i32
    %c0_i32_0 = arith.constant 0 : i32
    return %arg0, %c0_i32 : i32, i32
  }
  func.func @transform_1(%arg0: i32) -> (i32, i32) {
    %c0_i32 = arith.constant 0 : i32
    %c0_i32_0 = arith.constant 0 : i32
    return %arg0, %c0_i32 : i32, i32
  }
  func.func @transform_2(%arg0: i32) -> (i32, i32) {
    %c0_i32 = arith.constant 0 : i32
    %c0_i32_0 = arith.constant 0 : i32
    %c0_i32_1 = arith.constant 0 : i32
    return %c0_i32, %c0_i32_0 : i32, i32
  }
  func.func @transform_3(%arg0: i32) -> (i32, i32) {
    %c0_i32 = arith.constant 0 : i32
    %c0_i32_0 = arith.constant 0 : i32
    return %arg0, %c0_i32 : i32, i32
  }
  func.func @transform_4(%arg0: i32) -> (i32, i32) {
    %c0_i32 = arith.constant 0 : i32
    %c0_i32_0 = arith.constant 0 : i32
    return %arg0, %c0_i32 : i32, i32
  }
  func.func @transform_5(%arg0: i32) -> (i32, i32) {
    %c0_i32 = arith.constant 0 : i32
    %c0_i32_0 = arith.constant 0 : i32
    return %arg0, %c0_i32 : i32, i32
  }
}

module attributes {stable_mosaic.version = 14 : i64} {
  func.func @_tc_mid_body(%arg0: i32, %arg1: memref<1000x64xf32, #tpu.memory_space<vmem>>, %arg2: memref<1000x64xf32, #tpu.memory_space<vmem>>, %arg3: memref<1000x64xf32, #tpu.memory_space<vmem>>, %arg4: memref<1000x64xf32, #tpu.memory_space<vmem>>, %arg5: memref<1000x1xf32, #tpu.memory_space<vmem>>, %arg6: memref<1x128xf32, #tpu.memory_space<vmem>>, %arg7: memref<128x128xf32, #tpu.memory_space<vmem>>, %arg8: memref<1000x128xf32, #tpu.memory_space<vmem>>, %arg9: memref<1000x64xf32, #tpu.memory_space<vmem>>, %arg10: memref<1000x64xf32, #tpu.memory_space<vmem>>) attributes {dimension_semantics = [#tpu.dimension_semantics<arbitrary>], iteration_bounds = array<i64: 10>, scalar_prefetch = 0 : i64, scratch_operands = 0 : i64, tpu.core_type = #tpu.core_type<tc>, window_params = [{transform_indices = @transform_0, window_bounds = array<i64: 1000, 64>}, {transform_indices = @transform_1, window_bounds = array<i64: 1000, 64>}, {transform_indices = @transform_2, window_bounds = array<i64: 1000, 64>}, {transform_indices = @transform_3, window_bounds = array<i64: 1000, 64>}, {transform_indices = @transform_4, window_bounds = array<i64: 1000, 1>}, {pipeline_mode = #tpu.pipeline_mode<synchronous>, transform_indices = @transform_5, window_bounds = array<i64: 1, 128>}, {pipeline_mode = #tpu.pipeline_mode<synchronous>, transform_indices = @transform_6, window_bounds = array<i64: 128, 128>}, {transform_indices = @transform_7, window_bounds = array<i64: 1000, 128>}, {transform_indices = @transform_8, window_bounds = array<i64: 1000, 64>}, {transform_indices = @transform_9, window_bounds = array<i64: 1000, 64>}]} {
    %get3A = arith.constant 0 : index
    %get3A_0 = arith.constant 0 : index
    %get3A_1 = vector.load %arg5[%get3A, %get3A_0] : memref<1000x1xf32, #tpu.memory_space<vmem>>, vector<1000x1xf32>
    %get3A_2 = arith.constant 0 : index
    %get3A_3 = arith.constant 0 : index
    %get3A_4 = vector.load %arg1[%get3A_2, %get3A_3] : memref<1000x64xf32, #tpu.memory_space<vmem>>, vector<1000x64xf32>
    %get3A_5 = arith.constant 0 : index
    %get3A_6 = arith.constant 0 : index
    %get3A_7 = vector.load %arg3[%get3A_5, %get3A_6] : memref<1000x64xf32, #tpu.memory_space<vmem>>, vector<1000x64xf32>
    %add3A = arith.addf %get3A_4, %get3A_7 : vector<1000x64xf32>
    %get3A_8 = arith.constant 0 : index
    %get3A_9 = arith.constant 0 : index
    %get3A_10 = vector.load %arg2[%get3A_8, %get3A_9] : memref<1000x64xf32, #tpu.memory_space<vmem>>, vector<1000x64xf32>
    %get3A_11 = arith.constant 0 : index
    %get3A_12 = arith.constant 0 : index
    %get3A_13 = vector.load %arg4[%get3A_11, %get3A_12] : memref<1000x64xf32, #tpu.memory_space<vmem>>, vector<1000x64xf32>
    %add3A_14 = arith.addf %get3A_10, %get3A_13 : vector<1000x64xf32>
    %concatenate3A = tpu.concatenate %add3A, %add3A_14 in 1 : vector<1000x64xf32>, vector<1000x64xf32> -> vector<1000x128xf32>
    %mul3A = vector.broadcast %get3A_1 : vector<1000x1xf32> to vector<1000x128xf32>
    %mul3A_15 = arith.mulf %mul3A, %concatenate3A : vector<1000x128xf32>
    %get3A_16 = arith.constant 0 : index
    %get3A_17 = arith.constant 0 : index
    %get3A_18 = vector.load %arg6[%get3A_16, %get3A_17] : memref<1x128xf32, #tpu.memory_space<vmem>>, vector<1x128xf32>
    %add3A_19 = vector.broadcast %get3A_18 : vector<1x128xf32> to vector<1000x128xf32>
    %add3A_20 = arith.addf %mul3A_15, %add3A_19 : vector<1000x128xf32>
    %swap3A = arith.constant 0 : index
    %swap3A_21 = arith.constant 0 : index
    %swap3A_22 = vector.load %arg8[%swap3A, %swap3A_21] : memref<1000x128xf32, #tpu.memory_space<vmem>>, vector<1000x128xf32>
    tpu.vector_store %arg8[%swap3A, %swap3A_21], %add3A_20 {strides = array<i32>} : memref<1000x128xf32, #tpu.memory_space<vmem>>, vector<1000x128xf32>,
    %max3A = arith.constant 0.000000e+00 : f32
    %max3A_23 = vector.broadcast %max3A : f32 to vector<1000x128xf32>
    %max3A_24 = arith.maximumf %add3A_20, %max3A_23 : vector<1000x128xf32>
    %get3A_25 = arith.constant 0 : index
    %get3A_26 = arith.constant 0 : index
    %get3A_27 = vector.load %arg7[%get3A_25, %get3A_26] : memref<128x128xf32, #tpu.memory_space<vmem>>, vector<128x128xf32>
    %dot_general3A = arith.constant dense<0.000000e+00> : vector<1000x128xf32>
    %dot_general3A_28 = tpu.matmul %max3A_24, %get3A_27, %dot_general3A {dimension_numbers = #tpu.dot_dimension_numbers<[1], [0], [0], [1], [0, 0, 1, 1], [], []>, transpose_lhs_hint = false} : vector<1000x128xf32>, vector<128x128xf32>, vector<1000x128xf32> -> vector<1000x128xf32>
    %mul3A_29 = vector.broadcast %get3A_1 : vector<1000x1xf32> to vector<1000x128xf32>
    %mul3A_30 = arith.mulf %mul3A_29, %dot_general3A_28 : vector<1000x128xf32>
    %slice3A = vector.extract_strided_slice %mul3A_30 {offsets = [0, 0], sizes = [1000, 64], strides = [1, 1]} : vector<1000x128xf32> to vector<1000x64xf32>
    %swap3A_31 = arith.constant 0 : index
    %swap3A_32 = arith.constant 0 : index
    %swap3A_33 = vector.load %arg9[%swap3A_31, %swap3A_32] : memref<1000x64xf32, #tpu.memory_space<vmem>>, vector<1000x64xf32>
    tpu.vector_store %arg9[%swap3A_31, %swap3A_32], %slice3A {strides = array<i32>} : memref<1000x64xf32, #tpu.memory_space<vmem>>, vector<1000x64xf32>,
    %slice3A_34 = vector.extract_strided_slice %mul3A_30 {offsets = [0, 64], sizes = [1000, 64], strides = [1, 1]} : vector<1000x128xf32> to vector<1000x64xf32>
    %swap3A_35 = arith.constant 0 : index
    %swap3A_36 = arith.constant 0 : index
    %swap3A_37 = vector.load %arg10[%swap3A_35, %swap3A_36] : memref<1000x64xf32, #tpu.memory_space<vmem>>, vector<1000x64xf32>
    tpu.vector_store %arg10[%swap3A_35, %swap3A_36], %slice3A_34 {strides = array<i32>} : memref<1000x64xf32, #tpu.memory_space<vmem>>, vector<1000x64xf32>,
    return
  }
  func.func @transform_0(%arg0: i32) -> (i32, i32) {
    %c0_i32 = arith.constant 0 : i32
    %c0_i32_0 = arith.constant 0 : i32
    return %arg0, %c0_i32 : i32, i32
  }
  func.func @transform_1(%arg0: i32) -> (i32, i32) {
    %c0_i32 = arith.constant 0 : i32
    %c0_i32_0 = arith.constant 0 : i32
    return %arg0, %c0_i32 : i32, i32
  }
  func.func @transform_2(%arg0: i32) -> (i32, i32) {
    %c0_i32 = arith.constant 0 : i32
    %c0_i32_0 = arith.constant 0 : i32
    return %arg0, %c0_i32 : i32, i32
  }
  func.func @transform_3(%arg0: i32) -> (i32, i32) {
    %c0_i32 = arith.constant 0 : i32
    %c0_i32_0 = arith.constant 0 : i32
    return %arg0, %c0_i32 : i32, i32
  }
  func.func @transform_4(%arg0: i32) -> (i32, i32) {
    %c0_i32 = arith.constant 0 : i32
    %c0_i32_0 = arith.constant 0 : i32
    return %arg0, %c0_i32 : i32, i32
  }
  func.func @transform_5(%arg0: i32) -> (i32, i32) {
    %c0_i32 = arith.constant 0 : i32
    %c0_i32_0 = arith.constant 0 : i32
    %c0_i32_1 = arith.constant 0 : i32
    return %c0_i32, %c0_i32_0 : i32, i32
  }
  func.func @transform_6(%arg0: i32) -> (i32, i32) {
    %c0_i32 = arith.constant 0 : i32
    %c0_i32_0 = arith.constant 0 : i32
    %c0_i32_1 = arith.constant 0 : i32
    return %c0_i32, %c0_i32_0 : i32, i32
  }
  func.func @transform_7(%arg0: i32) -> (i32, i32) {
    %c0_i32 = arith.constant 0 : i32
    %c0_i32_0 = arith.constant 0 : i32
    return %arg0, %c0_i32 : i32, i32
  }
  func.func @transform_8(%arg0: i32) -> (i32, i32) {
    %c0_i32 = arith.constant 0 : i32
    %c0_i32_0 = arith.constant 0 : i32
    return %arg0, %c0_i32 : i32, i32
  }
  func.func @transform_9(%arg0: i32) -> (i32, i32) {
    %c0_i32 = arith.constant 0 : i32
    %c0_i32_0 = arith.constant 0 : i32
    return %arg0, %c0_i32 : i32, i32
  }
}

module attributes {stable_mosaic.version = 14 : i64} {
  func.func @_tc_out_body(%arg0: i32, %arg1: memref<1000x128xf32, #tpu.memory_space<vmem>>, %arg2: memref<1000x128xf32, #tpu.memory_space<vmem>>) attributes {dimension_semantics = [#tpu.dimension_semantics<arbitrary>], iteration_bounds = array<i64: 10>, scalar_prefetch = 0 : i64, scratch_operands = 0 : i64, tpu.core_type = #tpu.core_type<tc>, window_params = [{transform_indices = @transform_0, window_bounds = array<i64: 1000, 128>}, {transform_indices = @transform_1, window_bounds = array<i64: 1000, 128>}]} {
    %get3A = arith.constant 0 : index
    %get3A_0 = arith.constant 0 : index
    %get3A_1 = vector.load %arg1[%get3A, %get3A_0] : memref<1000x128xf32, #tpu.memory_space<vmem>>, vector<1000x128xf32>
    %reduce_max3A = arith.constant dense<0xFF800000> : vector<1000xf32>
    %reduce_max3A_2 = vector.multi_reduction <maximumf>, %get3A_1, %reduce_max3A [1] : vector<1000x128xf32> to vector<1000xf32>
    %broadcast_in_dim3A = vector.shape_cast %reduce_max3A_2 : vector<1000xf32> to vector<1000x1xf32>
    %sub3A = vector.broadcast %broadcast_in_dim3A : vector<1000x1xf32> to vector<1000x128xf32>
    %sub3A_3 = arith.subf %get3A_1, %sub3A : vector<1000x128xf32>
    %exp3A = math.exp %sub3A_3 : vector<1000x128xf32>
    %reduce_sum3A = arith.constant dense<0.000000e+00> : vector<1000xf32>
    %reduce_sum3A_4 = vector.multi_reduction <add>, %exp3A, %reduce_sum3A [1] : vector<1000x128xf32> to vector<1000xf32>
    %broadcast_in_dim3A_5 = vector.shape_cast %reduce_sum3A_4 : vector<1000xf32> to vector<1000x1xf32>
    %log3A = math.log %broadcast_in_dim3A_5 : vector<1000x1xf32>
    %sub3A_6 = vector.broadcast %log3A : vector<1000x1xf32> to vector<1000x128xf32>
    %sub3A_7 = arith.subf %sub3A_3, %sub3A_6 : vector<1000x128xf32>
    %swap3A = arith.constant 0 : index
    %swap3A_8 = arith.constant 0 : index
    %swap3A_9 = vector.load %arg2[%swap3A, %swap3A_8] : memref<1000x128xf32, #tpu.memory_space<vmem>>, vector<1000x128xf32>
    tpu.vector_store %arg2[%swap3A, %swap3A_8], %sub3A_7 {strides = array<i32>} : memref<1000x128xf32, #tpu.memory_space<vmem>>, vector<1000x128xf32>,
    return
  }
  func.func @transform_0(%arg0: i32) -> (i32, i32) {
    %c0_i32 = arith.constant 0 : i32
    %c0_i32_0 = arith.constant 0 : i32
    return %arg0, %c0_i32 : i32, i32
  }
  func.func @transform_1(%arg0: i32) -> (i32, i32) {
    %c0_i32 = arith.constant 0 : i32
    %c0_i32_0 = arith.constant 0 : i32
    return %arg0, %c0_i32 : i32, i32
  }
}

</mosaic_0001>

<sc_bundles>
// kernel: closed_call.15.cloned.1.call-start
scs
__scs_entry_jumppad:
0x0: {  	(pc) =	sbr.rel $0x88, $3  }
0x1: {  	(tag) =	ssettag $0x0;
	lr =	simm.s32 $0x1  }
0x2: {  	[smem:$0x3F98] =	sst lr;
	_ =	strace $0xD0000000  }
0x3: {  	_ = 	snop  }
0x4: {  	_ = 	snop  }
0x5: {  	_ = 	snop  }
0x6: {  	_ = 	snop  }
0x7: {  	_ = 	snop  }
__scs_overlays_trampoline_lowered:
0x8: {  	[smem:$0x3FA7] =	sst s0  }
0x9: {  	[smem:$0x3FA8] =	sst s1  }
0xa: {  	[smem:$0x3FA9] =	sst s2  }
0xb: {  	[smem:$0x3FAA] =	sst s3  }
0xc: {  	[smem:$0x3FAB] =	sst s4  }
0xd: {  	[smem:$0x3FAC] =	sst s5  }
0xe: {  	[smem:$0x3FAD] =	sst s6  }
0xf: {  	[smem:$0x3FAE] =	sst s7  }
0x10: {  	[smem:$0x3FAF] =	sst s8  }
0x11: {  	[smem:$0x3FB0] =	sst s9;
	s0 =	simm.s32 @!p0 $0x0  }
0x12: {  	s1 =	sld [smem:$0x3F96];
	s0 =	simm.s32 @p0 $0x1  }
0x13: {  	[smem:$0x3FB1] =	sst s0;
	s0 =	simm.s32 @!p1 $0x0  }
0x14: {  	s2 =	sld [smem:$0x3F95];
	s0 =	simm.s32 @p1 $0x1  }
0x15: {  	[smem:$0x3FB2] =	sst s0;
	s0 =	simm.s32 @!p2 $0x0  }
0x16: {  	s3 =	sld [smem:$0x3FDB];
	s0 =	simm.s32 @p2 $0x1  }
0x17: {  	s4 =	simm.s32 $0x1BF5;
	[smem:$0x3FB4] =	sst s0  }
0x18: {  	s0 =	sld [smem:$0x3F97];
	_ =	swait.ge [sflag:s4], $0x0  }
0x19: {  	s7 =	sld [smem:$0x3F98]  }
0x1a: {  	s8 =	sadd.s32 $0xFFFFE003, lr  }
0x1b: {  	s9 =	sadd.s32 $0xFFFFFEF7, lr;
	s5 =	simm.s32 $0xFFFFFFFF;
	p2 =	slt.u32 s8, $0xFFFFF086  }
0x1c: {  	p1 =	slt.u32 s9, $0xF7A;
	s5 =	simm.s32 @!p2 $0x0  }
0x1d: {  	s5 =	simm.s32 @p1 $0x1;
	p0 =	seq.s32 s7, s2  }
0x1e: {  	s7 =	smul.u32 @!p0 $0xF7A, s2;
	p2 =	seq.s32 @!p0 s5, $0x0  }
0x1f: {  	s9 =	smul.u32 $0xF7A, s1;
	s8 =	simm.s32 @!p0 $0x1BF5;
	p2 =	por !p2, p0  }
0x20: {  	[sflag:s8] =	ssyncset.s32 @!p0 $0xFFFFF086;
	s6 =	sadd.s32 @!p0 s3, s7;
	s7 =	simm.s32 @!p0 $0x108  }
0x21: {  	s3 =	sadd.s32 s3, s9;
	s6 =	sadd.s32 @!p0 $0x88, s6;
	s7 =	simm.s32 @p2 $0x1082  }
0x22: {  	[simem:s7], [sflag:s8] =	dma.local @!p0 [hbm:s6], $0xF7A  }
0x23: {  	s9 =	sor.u32 $0xD0000000, s2;
	s6 =	simm.s32 $0x108;
	_ =	swait.ge @!p0 [sflag:s8], $0x0  }
0x24: {  	s3 =	sadd.s32 $0x88, s3;
	s6 =	simm.s32 @!p1 $0x1082;
	[sflag:s4] =	ssyncset.s32 $0xFFFFF086  }
0x25: {  	[simem:s6], [sflag:s4] =	dma.local [hbm:s3], $0xF7A  }
0x26: {  	[smem:$0x3F98] =	sst s1;
	(tag) =	ssettag s2;
	_ =	strace s9  }
0x27: {  	s1 =	sld [smem:$0x3FA8]  }
0x28: {  	s2 =	sld [smem:$0x3FA9]  }
0x29: {  	s4 =	sld [smem:$0x3FAB]  }
0x2a: {  	p0 =	seq.s32 s5, $0x0;
	s5 =	sld [smem:$0x3FAC]  }
0x2b: {  	s6 =	sld [smem:$0x3FAD]  }
0x2c: {  	s7 =	sld [smem:$0x3FAE]  }
0x2d: {  	s3 =	simm.s32 $0x108;
	s8 =	sld [smem:$0x3FAF]  }
0x2e: {  	s3 =	simm.s32 @!p0 $0x1082;
	s9 =	sld [smem:$0x3FB0]  }
0x2f: {  	lr =	sadd.s32 s0, s3;
	s0 =	sld [smem:$0x3FA7]  }
0x30: {  	s3 =	sld [smem:$0x3FAA]  }
0x31: {  	[smem:$0x3FB3] =	sst s10  }
0x32: {  	s10 =	sld [smem:$0x3FB1];
	_ =	sdelay $0x3  }
0x33: {  	p0 =	seq.s32 s10, $0x1;
	s10 =	sld [smem:$0x3FB3];
	_ =	sdelay $0x3  }
0x34: {  	[smem:$0x3FB3] =	sst s10  }
0x35: {  	s10 =	sld [smem:$0x3FB2];
	_ =	sdelay $0x3  }
0x36: {  	p1 =	seq.s32 s10, $0x1;
	s10 =	sld [smem:$0x3FB3];
	_ =	sdelay $0x3  }
0x37: {  	[smem:$0x3FB3] =	sst s10  }
0x38: {  	s10 =	sld [smem:$0x3FB4]  }
0x39: {  	_ = 	snop;
	(pc) =	sbr.ind lr, $3  }
0x3a: {  	_ = 	snop  }
0x3b: {  	_ = 	snop  }
0x3c: {  	p2 =	seq.s32 s10, $0x1;
	s10 =	sld [smem:$0x3FB3]  }
0x3d: {  	_ =	shalt  }
0x3e: {  	_ =	shalt  }
0x3f: {  	_ =	shalt  }
0x40: {  	_ =	shalt  }
0x41: {  	_ =	shalt  }
0x42: {  	_ =	shalt  }
0x43: {  	_ =	shalt  }
0x44: {  	_ =	shalt  }
0x45: {  	_ =	shalt  }
0x46: {  	_ =	shalt  }
0x47: {  	_ =	shalt  }
0x48: {  	_ =	shalt  }
0x49: {  	_ =	shalt  }
0x4a: {  	_ =	shalt  }
0x4b: {  	_ =	shalt  }
0x4c: {  	_ =	shalt  }
0x4d: {  	_ =	shalt  }
0x4e: {  	_ =	shalt  }
0x4f: {  	_ =	shalt  }
0x50: {  	_ =	shalt  }
0x51: {  	_ =	shalt  }
0x52: {  	_ =	shalt  }
0x53: {  	_ =	shalt  }
0x54: {  	_ =	shalt  }
0x55: {  	_ =	shalt  }
0x56: {  	_ =	shalt  }
0x57: {  	_ =	shalt  }
0x58: {  	_ =	shalt  }
0x59: {  	_ =	shalt  }
0x5a: {  	_ =	shalt  }
0x5b: {  	_ =	shalt  }
0x5c: {  	_ =	shalt  }
0x5d: {  	_ =	shalt  }
0x5e: {  	_ =	shalt  }
0x5f: {  	_ =	shalt  }
0x60: {  	_ =	shalt  }
0x61: {  	_ =	shalt  }
0x62: {  	_ =	shalt  }
0x63: {  	_ =	shalt  }
0x64: {  	_ =	shalt  }
0x65: {  	_ =	shalt  }
0x66: {  	_ =	shalt  }
0x67: {  	_ =	shalt  }
0x68: {  	_ =	shalt  }
0x69: {  	_ =	shalt  }
0x6a: {  	_ =	shalt  }
0x6b: {  	_ =	shalt  }
0x6c: {  	_ =	shalt  }
0x6d: {  	_ =	shalt  }
0x6e: {  	_ =	shalt  }
0x6f: {  	_ =	shalt  }
0x70: {  	_ =	shalt  }
0x71: {  	_ =	shalt  }
0x72: {  	_ =	shalt  }
0x73: {  	_ =	shalt  }
0x74: {  	_ =	shalt  }
0x75: {  	_ =	shalt  }
0x76: {  	_ =	shalt  }
0x77: {  	_ =	shalt  }
0x78: {  	_ =	shalt  }
0x79: {  	_ =	shalt  }
0x7a: {  	_ =	shalt  }
0x7b: {  	_ =	shalt  }
0x7c: {  	_ =	shalt  }
0x7d: {  	_ =	shalt  }
0x7e: {  	_ =	shalt  }
0x7f: {  	_ =	shalt  }
0x80: {  	_ =	shalt  }
0x81: {  	_ =	shalt  }
0x82: {  	_ =	shalt  }
0x83: {  	_ =	shalt  }
0x84: {  	_ =	shalt  }
0x85: {  	_ =	shalt  }
0x86: {  	_ =	shalt  }
0x87: {  	_ =	shalt  }
.Lfunc_end0:
.L_simem_size_0:
called_computation_lowered:
.L_overlay_start_0:
0x88: {  	s2 =	sld [smem:$0x3FD9]  }
0x89: {  	s3 =	sld [smem:$0x3FFE];
	_ =	sdelay $0x1  }
0x8a: {  	s1 =	srdreg.scid  }
0x8b: {  	s0 =	sand.u32 $0x1, s1  }
0x8c: {  	s17 =	sshll.u32 s0, $0xA;
	s2 =	sadd.s32 s3, s2  }
0x8d: {  	s2 =	sadd.s32 s2, s17  }
0x8e: {  	[smem:$0x3FBF] =	sst s2  }
0x8f: {  	_ = 	snop  }
0x90: {  	s2 =	sld [smem:$0x3FC7]  }
0x91: {  	s18 =	sld [smem:$0x3FD0];
	(tm) =	ssettm $0x1  }
0x92: {  	s4 =	sld [smem:$0x3FFB];
	_ =	sdelay $0x3  }
0x93: {  	_ =	strace s4  }
0x94: {  	s4 =	sld [smem:$0x3FFC];
	_ =	sdelay $0x3  }
0x95: {  	_ =	strace s4  }
0x96: {  	s4 =	sld [smem:$0x3FFD];
	_ =	sdelay $0x3  }
0x97: {  	_ =	strace s4  }
0x98: {  	_ =	strace $0x8FFFFFFF  }
0x99: {  	s19 =	sld [smem:$0x3FDB];
	_ =	sdelay $0x1  }
0x9a: {  	s5 =	simm.s32 $_scs_section_size  }
0x9b: {  	s6 =	simm.s32 $_size__tile_overlayer_lowered;
	s7 =	simm.s32 $_tile_overlayer_lowered  }
0x9c: {  	s22 =	simm.s32 $0x1BFF;
	s21 =	sshll.u32 s7, $0x1;
	s4 =	sadd.s32 s5, s19  }
0x9d: {  	s8 =	simm.s32 $0x0;
	s20 =	sshll.u32 s6, $0x1;
	s6 =	sadd.s32 s21, s4  }
0x9e: {  	[timem:s8], [sflag:s22] =	dma.local [hbm:s6], s20  }
0x9f: {  	_ =	swait.ge [sflag:s22], s20  }
0xa0: {  	s5 =	ssub.s32 $0x0, s20;
	[sflag:s22] =	ssyncset.done $0x0  }
0xa1: {  	[sflag:s22] =	ssyncadd.s32 s5;
	_ =	sdelay $0x1  }
0xa2: {  	s23 =	simm.s32 $0x1B8B  }
0xa3: {  	_ =	swait.ge [sflag:s23], $0x1  }
0xa4: {  	[sflag:s23] =	ssyncset.done $0x0  }
0xa5: {  	s25 =	simm.s32 $0x1B8E;
	s24 =	sld [smem:$0x3FFE];
	[sflag:s23] =	ssyncadd.s32 $0xFFFFFFFF  }
0xa6: {  	s26 =	simm.s32 $execute0_lowered;
	[smem:$0x3FD2] =	sst s25  }
0xa7: {  	s6 =	sshll.u32 s26, $0x1;
	_ =	strace $0x80000049;
	[dreg:$0x1] =	wrdreg $0xFFFFFFFF  }
0xa8: {  	s28 =	simm.s32 $_size_execute0_lowered;
	s4 =	sadd.s32 s4, s6;
	[dreg:$0x0] =	wrdreg $0x0  }
0xa9: {  	s6 =	sshll.u32 s28, $0x1;
	[dreg:$0x2] =	wrdreg s4  }
0xaa: {  	[dreg:$0x3] =	wrdreg s6  }
0xab: {  	[dreg:$0x4] =	wrdreg $0xC0  }
0xac: {  	_ =	task [dreg:s8], $0x5FFFF  }
0xad: {  	[dreg:$0x1] =	wrdreg $0xFFFFFFFF  }
0xae: {  	[dreg:$0x0] =	wrdreg $0x60  }
0xaf: {  	[dreg:$0x2] =	wrdreg s18  }
0xb0: {  	[dreg:$0x3] =	wrdreg s24  }
0xb1: {  	[dreg:$0x4] =	wrdreg s2  }
0xb2: {  	[dreg:$0x5] =	wrdreg $0xB4F00  }
0xb3: {  	[dreg:$0x6] =	wrdreg $0x9  }
0xb4: {  	_ =	task.clear_ibuf [dreg:s8], $0x7FFFF;
	_ =	strace $0x90000049  }
0xb5: {  	s29 =	simm.s32 $0x9;
	_ =	strace $0x8000004B  }
0xb6: {  	_ =	swait.ge [sflag:s29], $0x1  }
0xb7: {  	[sflag:s29] =	ssyncadd.s32 $0xFFFFFFFF  }
0xb8: {  	_ =	strace $0x9000004B  }
0xb9: {  	_ =	sfence  }
0xba: {  	s30 =	sld [smem:$0x0];
	_ =	sdelay $0x2  }
0xbb: {  	s31 =	sshll.u32 s1, $0xD;
	s1 =	sshrl.u32 s1, $0x2  }
0xbc: {  	s3 =	sand.u32 $0x4000, s31;
	s1 =	sadd.s32 s1, s30  }
0xbd: {  	s0 =	sor.u32 s3, s0;
	s1 =	sshll.u32 s1, $0x11  }
0xbe: {  	s0 =	sor.u32 s1, s0  }
0xbf: {  	s0 =	sadd.s32 $0x8F2B, s0  }
0xc0: {  	[sflag:s0] =	ssyncadd.remote.s32 $0x1  }
0xc1: {  	_ =	sfence.sel $0xFFFF  }
0xc2: {  	[dreg:$0x0] =	wrdreg $0xFFFFFFFF;
	(pc) =	sbr.abs _section_cstart, $3  }
0xc3: {  	[dreg:$0x1] =	wrdreg $0xFFFFFFFF  }
0xc4: {  	_ =	task.clear_ibuf [dreg:s8], $0x2FFFF;
	_ =	strace $0x9FFFFFFF  }
0xc5: {  	(tm) =	ssettm $0x7FFFFFFF  }
tec
execute0_lowered:
.L_overlay_start_1:
0x0: {  	(tag) =	ssettag $0x1  }
0x1: {  	s1 =	rddreg [dreg:$0x0]  }
0x2: {  	s6 =	rddreg [dreg:$0x1]  }
0x3: {  	s9 =	rddreg [dreg:$0x2]  }
0x4: {  	s3 =	rddreg [dreg:$0x3]  }
0x5: {  	s0 =	rddreg [dreg:$0x4]  }
0x6: {  	s4 =	simm.s32 $0x0;
	s2 =	stileid.u32;
	s5 =	srdreg.scid  }
0x7: {  	s16 =	simm.s32 $0xF0;
	s17 =	simm.s32 $0x1;
	s18 =	simm.s32 $0x0  }
0x8: {  	[smem:$0x7FF] =	sst s4;
	s10 =	smul.u32 $0x9C4, s2;
	s8 =	sadd.s32 $0x3D600, s6  }
0x9: {  	s7 =	sand.u32 $0x1, s5;
	s5 =	sadd.s32 $0x51000, s6;
	s13 =	smul.u32 $0x9C00, s2  }
0xa: {  	s14 =	sadd.s32 $0x65E00, s6;
	s15 =	sadd.s32 $0x52400, s6;
	_ =	strace $0x8000004A  }
0xb: {  	s12 =	ssub.s32 $0x2, s7;
	p0 =	seq.s32 s7, $0x1;
	s11 =	sadd.s32 s10, s6  }
0xc: {  	s31 =	sshrl.u32 s12, $0x1;
	s6 =	sadd.s32 s13, s3;
	s13 =	sshrl.u32 s13, $0x3  }
0xd: {  	s14 =	smov.u32 @p0 s15;
	s1 =	smov.u32 @p0 s8;
	s9 =	sadd.s32 s10, s9  }
0xe: {  	s15 =	simm.s32 $0xA0;
	s12 =	ssub.s32 s12, s31;
	s8 =	sadd.s32 s14, s13  }
0xf: {  	s10 =	sadd.s32 $0x2400, s11;
	s11 =	sadd.s32 $0x33800, s11;
	s13 =	simm.s32 $0x2  }
0x10: {  	s14 =	simm.s32 $0x50;
	s7 =	smax.u32 s12, $0x1;
	s12 =	simm.s32 $0x14F0  }
.LBB2_1:
0x11: {  	[tilespmem:s12], [sflag:$0x2] =	stream.linear.gather [hbm4b:s5+s4], $0xA000, $0x38;
	[tilespmem:$0x15130] =	vst v63  }
0x12: {  	_ =	swait.ge [sflag:s13], $0xA000  }
0x13: {  	[sflag:s13] =	ssyncset.done $0x0  }
0x14: {  	[sflag:s13] =	ssyncadd.s32 $0xFFFF6000  }
0x15: {  	[spmem:s6] =	stream.linear.scatter [tilespmem:s12], [sflag:$0x2], $0xA000, $0x38;
	[tilespmem:$0x15130] =	vst v63  }
0x16: {  	_ =	swait.ge [sflag:s13], $0xA000  }
0x17: {  	[sflag:s13] =	ssyncset.done $0x0  }
0x18: {  	[sflag:s13] =	ssyncadd.s32 $0xFFFF6000  }
0x19: {  	s19 =	simm.s32 $0x0;
	[bflag:$0x0] =	sbarrier.arrive $0xFFFF  }
.LBB2_2:
0x1a: {  	s20 =	sadd.s32 s19, s11  }
0x1b: {  	[tilespmem:s4], [sflag:$0x2] =	stream.linear.gather [hbm4b:s20+s4], $0x50, $0x38;
	[tilespmem:$0x15130] =	vst v63  }
0x1c: {  	_ =	swait.ge [sflag:s13], $0x50  }
0x1d: {  	[sflag:s13] =	ssyncset.done $0x0  }
0x1e: {  	s30 =	sadd.s32 s19, s10;
	[sflag:s13] =	ssyncadd.s32 $0xFFFFFFB0  }
0x1f: {  	[tilespmem:s14], [sflag:$0x2] =	stream.linear.gather [hbm4b:s30+s4], $0x50, $0x38;
	[tilespmem:$0x15130] =	vst v63  }
0x20: {  	_ =	swait.ge [sflag:s13], $0x50  }
0x21: {  	[sflag:s13] =	ssyncset.done $0x0  }
0x22: {  	s31 =	sadd.s32 s19, s9;
	[sflag:s13] =	ssyncadd.s32 $0xFFFFFFB0  }
0x23: {  	[tilespmem:s15], [sflag:$0x2] =	stream.linear.gather [hbm4b:s31+s4], $0x50, $0x38;
	[tilespmem:$0x15130] =	vst v63  }
0x24: {  	_ =	swait.ge [sflag:s13], $0x50  }
0x25: {  	[sflag:s13] =	ssyncset.done $0x0  }
0x26: {  	[sflag:s13] =	ssyncadd.s32 $0xFFFFFFB0  }
0x27: {  	[tilespmem:s16], [sflag:$0x1] =	stream.indirect.gather [hbm4b:s1+s14], $0x40, s4, s14, $0xb8;
	[tilespmem:$0x15130] =	vst v63  }
0x28: {  	_ =	swait.ge [sflag:s17], $0x1400  }
0x29: {  	[sflag:s17] =	ssyncset.done $0x0  }
0x2a: {  	[sflag:s17] =	ssyncadd.s32 $0xFFFFEC00  }
0x2b: {  	v1 =	vld [tilespmem:$0xA0]  }
0x2c: {  	v0 =	vld [tilespmem:$0xF0]  }
0x2d: {  	v2 =	vld [tilespmem:$0x100]  }
0x2e: {  	v3 =	vld [tilespmem:$0x110]  }
0x2f: {  	v4 =	vld [tilespmem:$0x120]  }
0x30: {  	v6 =	vld [tilespmem:$0x130];
	v5 =	vbroadcast v1, $0x0  }
0x31: {  	v7 =	vld [tilespmem:$0x140]  }
0x32: {  	v8 =	vld [tilespmem:$0x150];
	v0 =	vmul.f32 v5, v0  }
0x33: {  	v9 =	vld [tilespmem:$0x160];
	v2 =	vmul.f32 v2, v5  }
0x34: {  	v10 =	vld [tilespmem:$0x170];
	v47 =	vbroadcast v1, $0x1;
	v46 =	vmul.f32 v3, v5;
	[tilespmem:$0xF0] =	vst v0  }
0x35: {  	v49 =	vld [tilespmem:$0x180];
	v48 =	vmul.f32 v4, v5;
	[tilespmem:$0x100] =	vst v2  }
0x36: {  	v51 =	vld [tilespmem:$0x190];
	v50 =	vmul.f32 v6, v47;
	[tilespmem:$0x110] =	vst v46  }
0x37: {  	v53 =	vld [tilespmem:$0x1A0];
	v52 =	vmul.f32 v7, v47;
	[tilespmem:$0x120] =	vst v48  }
0x38: {  	v56 =	vld [tilespmem:$0x1B0];
	v55 =	vbroadcast v1, $0x2;
	v54 =	vmul.f32 v8, v47;
	[tilespmem:$0x130] =	vst v50  }
0x39: {  	v58 =	vld [tilespmem:$0x1C0];
	v57 =	vmul.f32 v9, v47;
	[tilespmem:$0x140] =	vst v52  }
0x3a: {  	v60 =	vld [tilespmem:$0x1D0];
	v59 =	vmul.f32 v10, v55;
	[tilespmem:$0x150] =	vst v54  }
0x3b: {  	v62 =	vld [tilespmem:$0x1E0];
	v61 =	vmul.f32 v49, v55;
	[tilespmem:$0x160] =	vst v57  }
0x3c: {  	v13 =	vld [tilespmem:$0x1F0];
	v12 =	vbroadcast v1, $0x3;
	v63 =	vmul.f32 v51, v55;
	[tilespmem:$0x170] =	vst v59  }
0x3d: {  	v15 =	vld [tilespmem:$0x200];
	v14 =	vmul.f32 v53, v55;
	[tilespmem:$0x180] =	vst v61  }
0x3e: {  	v17 =	vld [tilespmem:$0x210];
	v16 =	vmul.f32 v56, v12;
	[tilespmem:$0x190] =	vst v63  }
0x3f: {  	v19 =	vld [tilespmem:$0x220];
	v18 =	vmul.f32 v58, v12;
	[tilespmem:$0x1A0] =	vst v14  }
0x40: {  	v22 =	vld [tilespmem:$0x230];
	v21 =	vbroadcast v1, $0x4;
	v20 =	vmul.f32 v60, v12;
	[tilespmem:$0x1B0] =	vst v16  }
0x41: {  	v24 =	vld [tilespmem:$0x240];
	v23 =	vmul.f32 v62, v12;
	[tilespmem:$0x1C0] =	vst v18  }
0x42: {  	v26 =	vld [tilespmem:$0x250];
	v25 =	vmul.f32 v13, v21;
	[tilespmem:$0x1D0] =	vst v20  }
0x43: {  	v28 =	vld [tilespmem:$0x260];
	v27 =	vmul.f32 v15, v21;
	[tilespmem:$0x1E0] =	vst v23  }
0x44: {  	v31 =	vld [tilespmem:$0x270];
	v30 =	vbroadcast v1, $0x5;
	v29 =	vmul.f32 v17, v21;
	[tilespmem:$0x1F0] =	vst v25  }
0x45: {  	v33 =	vld [tilespmem:$0x280];
	v32 =	vmul.f32 v19, v21;
	[tilespmem:$0x200] =	vst v27  }
0x46: {  	v35 =	vld [tilespmem:$0x290];
	v34 =	vmul.f32 v22, v30;
	[tilespmem:$0x210] =	vst v29  }
0x47: {  	v37 =	vld [tilespmem:$0x2A0];
	v36 =	vmul.f32 v24, v30;
	[tilespmem:$0x220] =	vst v32  }
0x48: {  	v40 =	vld [tilespmem:$0x2B0];
	v39 =	vbroadcast v1, $0x6;
	v38 =	vmul.f32 v26, v30;
	[tilespmem:$0x230] =	vst v34  }
0x49: {  	v42 =	vld [tilespmem:$0x2C0];
	v41 =	vmul.f32 v28, v30;
	[tilespmem:$0x240] =	vst v36  }
0x4a: {  	v44 =	vld [tilespmem:$0x2D0];
	v43 =	vmul.f32 v31, v39;
	[tilespmem:$0x250] =	vst v38  }
0x4b: {  	v45 =	vmul.f32 v33, v39;
	v49 =	vld [tilespmem:$0x2F0];
	[tilespmem:$0x260] =	vst v41  }
0x4c: {  	v47 =	vmul.f32 v35, v39;
	v51 =	vld [tilespmem:$0x300];
	[tilespmem:$0x270] =	vst v43;
	v48 =	vbroadcast v1, $0x7  }
0x4d: {  	v53 =	vld [tilespmem:$0x310];
	[tilespmem:$0x280] =	vst v45;
	v50 =	vmul.f32 v37, v39  }
0x4e: {  	v55 =	vld [tilespmem:$0x320];
	[tilespmem:$0x290] =	vst v47;
	v52 =	vmul.f32 v40, v48  }
0x4f: {  	v58 =	vld [tilespmem:$0x330];
	v57 =	vbroadcast v1, $0x8;
	[tilespmem:$0x2A0] =	vst v50;
	v54 =	vmul.f32 v42, v48  }
0x50: {  	v60 =	vld [tilespmem:$0x340];
	v56 =	vmul.f32 v44, v48;
	[tilespmem:$0x2B0] =	vst v52  }
0x51: {  	v62 =	vld [tilespmem:$0x350];
	v61 =	vmul.f32 v49, v57;
	[tilespmem:$0x2C0] =	vst v54  }
0x52: {  	v12 =	vld [tilespmem:$0x360];
	v63 =	vmul.f32 v51, v57;
	[tilespmem:$0x2D0] =	vst v56  }
0x53: {  	v15 =	vld [tilespmem:$0x370];
	v14 =	vbroadcast v1, $0x9;
	v13 =	vmul.f32 v53, v57;
	[tilespmem:$0x2F0] =	vst v61  }
0x54: {  	v17 =	vld [tilespmem:$0x380];
	v16 =	vmul.f32 v55, v57;
	[tilespmem:$0x300] =	vst v63  }
0x55: {  	v19 =	vld [tilespmem:$0x390];
	v18 =	vmul.f32 v58, v14;
	[tilespmem:$0x310] =	vst v13  }
0x56: {  	v21 =	vld [tilespmem:$0x3A0];
	v20 =	vmul.f32 v60, v14;
	[tilespmem:$0x320] =	vst v16  }
0x57: {  	v24 =	vld [tilespmem:$0x3B0];
	v23 =	vbroadcast v1, $0xA;
	v22 =	vmul.f32 v62, v14;
	[tilespmem:$0x330] =	vst v18  }
0x58: {  	v26 =	vld [tilespmem:$0x3C0];
	v25 =	vmul.f32 v12, v14;
	[tilespmem:$0x340] =	vst v20  }
0x59: {  	v28 =	vld [tilespmem:$0x3D0];
	v27 =	vmul.f32 v15, v23;
	[tilespmem:$0x350] =	vst v22  }
0x5a: {  	v30 =	vld [tilespmem:$0x3E0];
	v29 =	vmul.f32 v17, v23;
	[tilespmem:$0x360] =	vst v25  }
0x5b: {  	v33 =	vld [tilespmem:$0x3F0];
	v32 =	vbroadcast v1, $0xB;
	v31 =	vmul.f32 v19, v23;
	[tilespmem:$0x370] =	vst v27  }
0x5c: {  	v35 =	vld [tilespmem:$0x400];
	v34 =	vmul.f32 v21, v23;
	[tilespmem:$0x380] =	vst v29  }
0x5d: {  	v46 =	vld [tilespmem:$0x2E0];
	v36 =	vmul.f32 v24, v32;
	[tilespmem:$0x390] =	vst v31  }
0x5e: {  	v37 =	vld [tilespmem:$0x410];
	v38 =	vmul.f32 v26, v32;
	[tilespmem:$0x3A0] =	vst v34  }
0x5f: {  	v39 =	vld [tilespmem:$0x420];
	v41 =	vbroadcast v1, $0xC;
	v40 =	vmul.f32 v28, v32;
	[tilespmem:$0x3B0] =	vst v36  }
0x60: {  	v0 =	vld [tilespmem:$0xB0];
	v43 =	vmul.f32 v30, v32;
	[tilespmem:$0x3C0] =	vst v38  }
0x61: {  	v42 =	vld [tilespmem:$0x430];
	v45 =	vmul.f32 v33, v41;
	[tilespmem:$0x3D0] =	vst v40  }
0x62: {  	v44 =	vld [tilespmem:$0x440];
	v47 =	vmul.f32 v35, v41;
	[tilespmem:$0x3E0] =	vst v43  }
0x63: {  	v17 =	vld [tilespmem:$0x4F0];
	v59 =	vmul.f32 v46, v48;
	[tilespmem:$0x3F0] =	vst v45  }
0x64: {  	v50 =	vbroadcast v1, $0xD;
	v19 =	vld [tilespmem:$0x500];
	v49 =	vmul.f32 v37, v41;
	[tilespmem:$0x400] =	vst v47  }
0x65: {  	v21 =	vld [tilespmem:$0x510];
	v52 =	vmul.f32 v39, v41;
	[tilespmem:$0x2E0] =	vst v59  }
0x66: {  	v24 =	vld [tilespmem:$0x520];
	v23 =	vbroadcast v0, $0x0;
	[tilespmem:$0x410] =	vst v49;
	v54 =	vmul.f32 v42, v50  }
0x67: {  	v33 =	vld [tilespmem:$0x570];
	[tilespmem:$0x420] =	vst v52;
	v56 =	vmul.f32 v44, v50  }
0x68: {  	v51 =	vld [tilespmem:$0x470];
	v26 =	vmul.f32 v23, v17;
	[tilespmem:$0x430] =	vst v54  }
0x69: {  	v53 =	vld [tilespmem:$0x480];
	v28 =	vmul.f32 v19, v23;
	[tilespmem:$0x440] =	vst v56  }
0x6a: {  	v55 =	vld [tilespmem:$0x490];
	v36 =	vbroadcast v0, $0x2;
	v3 =	vmul.f32 v21, v23;
	[tilespmem:$0x4F0] =	vst v26  }
0x6b: {  	v57 =	vld [tilespmem:$0x4A0];
	v59 =	vbroadcast v1, $0xE;
	v32 =	vmul.f32 v24, v23;
	[tilespmem:$0x500] =	vst v28  }
0x6c: {  	v60 =	vld [tilespmem:$0x4B0];
	v38 =	vmul.f32 v33, v36;
	[tilespmem:$0x510] =	vst v3  }
0x6d: {  	v62 =	vld [tilespmem:$0x4C0];
	v63 =	vmul.f32 v51, v59;
	[tilespmem:$0x520] =	vst v32  }
0x6e: {  	v12 =	vld [tilespmem:$0x4D0];
	v13 =	vmul.f32 v53, v59;
	[tilespmem:$0x570] =	vst v38  }
0x6f: {  	v15 =	vld [tilespmem:$0x4E0];
	v1 =	vbroadcast v1, $0xF;
	v14 =	vmul.f32 v55, v59;
	[tilespmem:$0x470] =	vst v63  }
0x70: {  	v46 =	vld [tilespmem:$0x450];
	v16 =	vmul.f32 v57, v59;
	[tilespmem:$0x480] =	vst v13  }
0x71: {  	v48 =	vld [tilespmem:$0x460];
	v18 =	vmul.f32 v60, v1;
	[tilespmem:$0x490] =	vst v14  }
0x72: {  	v25 =	vld [tilespmem:$0x530];
	v20 =	vmul.f32 v62, v1;
	[tilespmem:$0x4A0] =	vst v16  }
0x73: {  	v27 =	vld [tilespmem:$0x540];
	v22 =	vmul.f32 v12, v1;
	[tilespmem:$0x4B0] =	vst v18  }
0x74: {  	v29 =	vld [tilespmem:$0x550];
	v1 =	vmul.f32 v15, v1;
	[tilespmem:$0x4C0] =	vst v20  }
0x75: {  	v30 =	vbroadcast v0, $0x1;
	v31 =	vld [tilespmem:$0x560];
	v58 =	vmul.f32 v46, v50;
	[tilespmem:$0x4D0] =	vst v22  }
0x76: {  	v61 =	vmul.f32 v48, v50;
	[tilespmem:$0x4E0] =	vst v1  }
0x77: {  	v2 =	vmul.f32 v25, v30;
	[tilespmem:$0x450] =	vst v58  }
0x78: {  	v34 =	vmul.f32 v27, v30;
	[tilespmem:$0x460] =	vst v61  }
0x79: {  	v35 =	vmul.f32 v29, v30;
	[tilespmem:$0x530] =	vst v2  }
0x7a: {  	v37 =	vmul.f32 v31, v30;
	[tilespmem:$0x540] =	vst v34  }
0x7b: {  	[tilespmem:$0x550] =	vst v35  }
0x7c: {  	[tilespmem:$0x560] =	vst v37  }
0x7d: {  	v1 =	vld [tilespmem:$0x580]  }
0x7e: {  	v39 =	vld [tilespmem:$0x590]  }
0x7f: {  	v40 =	vld [tilespmem:$0x5A0]  }
0x80: {  	v41 =	vld [tilespmem:$0x5B0]  }
0x81: {  	v42 =	vld [tilespmem:$0x5C0]  }
0x82: {  	v43 =	vld [tilespmem:$0x5D0]  }
0x83: {  	v44 =	vld [tilespmem:$0x5E0]  }
0x84: {  	v45 =	vld [tilespmem:$0x5F0]  }
0x85: {  	v46 =	vld [tilespmem:$0x600];
	v1 =	vmul.f32 v1, v36  }
0x86: {  	v11 =	vbroadcast v0, $0x3;
	v12 =	vld [tilespmem:$0x610];
	v2 =	vmul.f32 v39, v36  }
0x87: {  	v48 =	vld [tilespmem:$0x620];
	v47 =	vmul.f32 v40, v36;
	[tilespmem:$0x580] =	vst v1  }
0x88: {  	v50 =	vld [tilespmem:$0x630];
	v49 =	vmul.f32 v41, v11;
	[tilespmem:$0x590] =	vst v2  }
0x89: {  	v52 =	vld [tilespmem:$0x640];
	v51 =	vmul.f32 v42, v11;
	[tilespmem:$0x5A0] =	vst v47  }
0x8a: {  	v54 =	vbroadcast v0, $0x4;
	v55 =	vld [tilespmem:$0x650];
	v53 =	vmul.f32 v43, v11;
	[tilespmem:$0x5B0] =	vst v49  }
0x8b: {  	v57 =	vld [tilespmem:$0x660];
	v56 =	vmul.f32 v44, v11;
	[tilespmem:$0x5C0] =	vst v51  }
0x8c: {  	v59 =	vld [tilespmem:$0x670];
	v58 =	vmul.f32 v45, v54;
	[tilespmem:$0x5D0] =	vst v53  }
0x8d: {  	v61 =	vld [tilespmem:$0x680];
	v60 =	vmul.f32 v46, v54;
	[tilespmem:$0x5E0] =	vst v56  }
0x8e: {  	v63 =	vbroadcast v0, $0x5;
	v16 =	vld [tilespmem:$0x690];
	v62 =	vmul.f32 v12, v54;
	[tilespmem:$0x5F0] =	vst v58  }
0x8f: {  	v18 =	vld [tilespmem:$0x6A0];
	v17 =	vmul.f32 v48, v54;
	[tilespmem:$0x600] =	vst v60  }
0x90: {  	v20 =	vld [tilespmem:$0x6B0];
	v19 =	vmul.f32 v50, v63;
	[tilespmem:$0x610] =	vst v62  }
0x91: {  	v22 =	vld [tilespmem:$0x6C0];
	v21 =	vmul.f32 v52, v63;
	[tilespmem:$0x620] =	vst v17  }
0x92: {  	v24 =	vbroadcast v0, $0x6;
	v25 =	vld [tilespmem:$0x6D0];
	v23 =	vmul.f32 v55, v63;
	[tilespmem:$0x630] =	vst v19  }
0x93: {  	v27 =	vld [tilespmem:$0x6E0];
	v26 =	vmul.f32 v57, v63;
	[tilespmem:$0x640] =	vst v21  }
0x94: {  	v29 =	vld [tilespmem:$0x6F0];
	v28 =	vmul.f32 v59, v24;
	[tilespmem:$0x650] =	vst v23  }
0x95: {  	v31 =	vld [tilespmem:$0x700];
	v30 =	vmul.f32 v61, v24;
	[tilespmem:$0x660] =	vst v26  }
0x96: {  	v33 =	vbroadcast v0, $0x7;
	v34 =	vld [tilespmem:$0x710];
	v32 =	vmul.f32 v16, v24;
	[tilespmem:$0x670] =	vst v28  }
0x97: {  	v38 =	vld [tilespmem:$0x730];
	v35 =	vmul.f32 v18, v24;
	[tilespmem:$0x680] =	vst v30  }
0x98: {  	v13 =	vld [tilespmem:$0x960];
	v37 =	vmul.f32 v20, v33;
	[tilespmem:$0x690] =	vst v32  }
0x99: {  	v36 =	vld [tilespmem:$0x720];
	v39 =	vmul.f32 v22, v33;
	[tilespmem:$0x6A0] =	vst v35  }
0x9a: {  	v40 =	vld [tilespmem:$0x740];
	v41 =	vmul.f32 v25, v33;
	v42 =	vbroadcast v0, $0x8;
	[tilespmem:$0x6B0] =	vst v37  }
0x9b: {  	v43 =	vld [tilespmem:$0x750];
	v44 =	vmul.f32 v27, v33;
	[tilespmem:$0x6C0] =	vst v39  }
0x9c: {  	v45 =	vld [tilespmem:$0x760];
	[tilespmem:$0x6D0] =	vst v41;
	v46 =	vmul.f32 v29, v42  }
0x9d: {  	v52 =	vld [tilespmem:$0x790];
	[tilespmem:$0x6E0] =	vst v44;
	v48 =	vmul.f32 v31, v42;
	v51 =	vbroadcast v0, $0x9  }
0x9e: {  	v54 =	vld [tilespmem:$0x7A0];
	v50 =	vmul.f32 v34, v42;
	[tilespmem:$0x6F0] =	vst v46  }
0x9f: {  	v61 =	vld [tilespmem:$0x7D0];
	[tilespmem:$0x700] =	vst v48;
	v55 =	vmul.f32 v38, v51  }
0xa0: {  	v63 =	vld [tilespmem:$0x7E0];
	[tilespmem:$0x710] =	vst v50;
	v53 =	vmul.f32 v36, v42  }
0xa1: {  	v16 =	vld [tilespmem:$0x7F0];
	v57 =	vmul.f32 v40, v51;
	[tilespmem:$0x730] =	vst v55  }
0xa2: {  	v18 =	vld [tilespmem:$0x800];
	v60 =	vbroadcast v0, $0xA;
	v59 =	vmul.f32 v43, v51;
	[tilespmem:$0x720] =	vst v53  }
0xa3: {  	v25 =	vld [tilespmem:$0x830];
	v62 =	vmul.f32 v45, v51;
	[tilespmem:$0x740] =	vst v57  }
0xa4: {  	v20 =	vbroadcast v0, $0xB;
	v27 =	vld [tilespmem:$0x840];
	v19 =	vmul.f32 v52, v60;
	[tilespmem:$0x750] =	vst v59  }
0xa5: {  	v47 =	vld [tilespmem:$0x770];
	v22 =	vmul.f32 v54, v60;
	[tilespmem:$0x760] =	vst v62  }
0xa6: {  	v49 =	vld [tilespmem:$0x780];
	v29 =	vbroadcast v0, $0xC;
	v28 =	vmul.f32 v61, v20;
	[tilespmem:$0x790] =	vst v19  }
0xa7: {  	v56 =	vld [tilespmem:$0x7B0];
	v31 =	vmul.f32 v63, v20;
	[tilespmem:$0x7A0] =	vst v22  }
0xa8: {  	v58 =	vld [tilespmem:$0x7C0];
	v38 =	vbroadcast v0, $0xD;
	v33 =	vmul.f32 v16, v29;
	[tilespmem:$0x7D0] =	vst v28  }
0xa9: {  	v21 =	vld [tilespmem:$0x810];
	v35 =	vmul.f32 v18, v29;
	[tilespmem:$0x7E0] =	vst v31  }
0xaa: {  	v23 =	vld [tilespmem:$0x820];
	v42 =	vmul.f32 v25, v38;
	[tilespmem:$0x7F0] =	vst v33  }
0xab: {  	v30 =	vld [tilespmem:$0x850];
	v44 =	vmul.f32 v27, v38;
	[tilespmem:$0x800] =	vst v35  }
0xac: {  	v32 =	vld [tilespmem:$0x860];
	v15 =	vmul.f32 v47, v60;
	[tilespmem:$0x830] =	vst v42  }
0xad: {  	v34 =	vld [tilespmem:$0x870];
	v17 =	vmul.f32 v49, v60;
	[tilespmem:$0x840] =	vst v44  }
0xae: {  	v39 =	vld [tilespmem:$0x890];
	v24 =	vmul.f32 v56, v20;
	[tilespmem:$0x770] =	vst v15  }
0xaf: {  	v41 =	vld [tilespmem:$0x8A0];
	v26 =	vmul.f32 v58, v20;
	[tilespmem:$0x780] =	vst v17  }
0xb0: {  	v1 =	vld [tilespmem:$0xC0];
	v37 =	vmul.f32 v21, v29;
	[tilespmem:$0x7B0] =	vst v24  }
0xb1: {  	v48 =	vld [tilespmem:$0x8D0];
	v40 =	vmul.f32 v23, v29;
	[tilespmem:$0x7C0] =	vst v26  }
0xb2: {  	v36 =	vld [tilespmem:$0x880];
	v46 =	vmul.f32 v30, v38;
	v47 =	vbroadcast v0, $0xE;
	[tilespmem:$0x810] =	vst v37  }
0xb3: {  	v43 =	vld [tilespmem:$0x8B0];
	v8 =	vmul.f32 v32, v38;
	[tilespmem:$0x820] =	vst v40  }
0xb4: {  	v45 =	vld [tilespmem:$0x8C0];
	[tilespmem:$0x850] =	vst v46;
	v50 =	vmul.f32 v34, v47  }
0xb5: {  	v52 =	vld [tilespmem:$0x8F0];
	v0 =	vbroadcast v0, $0xF;
	[tilespmem:$0x860] =	vst v8;
	v53 =	vmul.f32 v39, v47  }
0xb6: {  	v54 =	vld [tilespmem:$0x900];
	v3 =	vmul.f32 v41, v47;
	[tilespmem:$0x870] =	vst v50  }
0xb7: {  	v63 =	vld [tilespmem:$0x950];
	v60 =	vmul.f32 v48, v0;
	[tilespmem:$0x890] =	vst v53  }
0xb8: {  	v55 =	vld [tilespmem:$0x910];
	v51 =	vmul.f32 v36, v47;
	[tilespmem:$0x8A0] =	vst v3  }
0xb9: {  	v18 =	vld [tilespmem:$0x980];
	v61 =	vbroadcast v1, $0x0;
	v56 =	vmul.f32 v43, v0;
	[tilespmem:$0x8D0] =	vst v60  }
0xba: {  	v27 =	vld [tilespmem:$0x9C0];
	v58 =	vmul.f32 v45, v0;
	[tilespmem:$0x880] =	vst v51  }
0xbb: {  	v49 =	vld [tilespmem:$0x8E0];
	v12 =	vmul.f32 v61, v52;
	[tilespmem:$0x8B0] =	vst v56  }
0xbc: {  	v57 =	vld [tilespmem:$0x920];
	v17 =	vbroadcast v1, $0x1;
	v14 =	vmul.f32 v54, v61;
	[tilespmem:$0x8C0] =	vst v58  }
0xbd: {  	v59 =	vld [tilespmem:$0x930];
	v16 =	vmul.f32 v55, v61;
	[tilespmem:$0x8F0] =	vst v12  }
0xbe: {  	v62 =	vld [tilespmem:$0x940];
	v26 =	vbroadcast v1, $0x2;
	v25 =	vmul.f32 v63, v17;
	[tilespmem:$0x900] =	vst v14  }
0xbf: {  	v20 =	vld [tilespmem:$0x990];
	v35 =	vbroadcast v1, $0x3;
	v28 =	vmul.f32 v13, v17;
	[tilespmem:$0x910] =	vst v16  }
0xc0: {  	v22 =	vld [tilespmem:$0x9A0];
	v32 =	vmul.f32 v18, v26;
	[tilespmem:$0x950] =	vst v25  }
0xc1: {  	v29 =	vld [tilespmem:$0x9D0];
	v41 =	vmul.f32 v27, v35;
	[tilespmem:$0x960] =	vst v28  }
0xc2: {  	v31 =	vld [tilespmem:$0x9E0];
	v0 =	vmul.f32 v49, v0;
	[tilespmem:$0x980] =	vst v32  }
0xc3: {  	v33 =	vld [tilespmem:$0x9F0];
	v19 =	vmul.f32 v57, v61;
	[tilespmem:$0x9C0] =	vst v41  }
0xc4: {  	v38 =	vld [tilespmem:$0xA10];
	v21 =	vmul.f32 v59, v17;
	[tilespmem:$0x8E0] =	vst v0  }
0xc5: {  	v42 =	vld [tilespmem:$0xA30];
	v23 =	vmul.f32 v62, v17;
	[tilespmem:$0x920] =	vst v19  }
0xc6: {  	v15 =	vld [tilespmem:$0x970];
	v34 =	vmul.f32 v20, v26;
	[tilespmem:$0x930] =	vst v21  }
0xc7: {  	v24 =	vld [tilespmem:$0x9B0];
	v37 =	vmul.f32 v22, v26;
	[tilespmem:$0x940] =	vst v23  }
0xc8: {  	v44 =	vbroadcast v1, $0x4;
	v40 =	vld [tilespmem:$0xA20];
	v43 =	vmul.f32 v29, v35;
	[tilespmem:$0x990] =	vst v34  }
0xc9: {  	v36 =	vld [tilespmem:$0xA00];
	v46 =	vmul.f32 v31, v35;
	[tilespmem:$0x9A0] =	vst v37  }
0xca: {  	v45 =	vld [tilespmem:$0xA40];
	v53 =	vbroadcast v1, $0x5;
	v48 =	vmul.f32 v33, v44;
	[tilespmem:$0x9D0] =	vst v43  }
0xcb: {  	v47 =	vld [tilespmem:$0xA50];
	v52 =	vmul.f32 v38, v44;
	[tilespmem:$0x9E0] =	vst v46  }
0xcc: {  	v54 =	vld [tilespmem:$0xA80];
	v57 =	vmul.f32 v42, v53;
	[tilespmem:$0x9F0] =	vst v48  }
0xcd: {  	v60 =	vld [tilespmem:$0xAB0];
	v30 =	vmul.f32 v15, v26;
	[tilespmem:$0xA10] =	vst v52  }
0xce: {  	v63 =	vld [tilespmem:$0xAC0];
	v39 =	vmul.f32 v24, v35;
	[tilespmem:$0xA30] =	vst v57  }
0xcf: {  	v13 =	vld [tilespmem:$0xAD0];
	v55 =	vmul.f32 v40, v44;
	[tilespmem:$0x970] =	vst v30  }
0xd0: {  	v49 =	vld [tilespmem:$0xA60];
	v50 =	vmul.f32 v36, v44;
	[tilespmem:$0x9B0] =	vst v39  }
0xd1: {  	v51 =	vld [tilespmem:$0xA70];
	v62 =	vbroadcast v1, $0x6;
	v59 =	vmul.f32 v45, v53;
	[tilespmem:$0xA20] =	vst v55  }
0xd2: {  	v56 =	vld [tilespmem:$0xA90];
	v19 =	vbroadcast v1, $0x7;
	v61 =	vmul.f32 v47, v53;
	[tilespmem:$0xA00] =	vst v50  }
0xd3: {  	v58 =	vld [tilespmem:$0xAA0];
	v16 =	vmul.f32 v54, v62;
	[tilespmem:$0xA40] =	vst v59  }
0xd4: {  	v17 =	vld [tilespmem:$0xAF0];
	v23 =	vmul.f32 v60, v19;
	[tilespmem:$0xA50] =	vst v61  }
0xd5: {  	v20 =	vld [tilespmem:$0xB00];
	v25 =	vmul.f32 v63, v19;
	[tilespmem:$0xA80] =	vst v16  }
0xd6: {  	v22 =	vld [tilespmem:$0xB10];
	v27 =	vmul.f32 v13, v19;
	[tilespmem:$0xAB0] =	vst v23  }
0xd7: {  	v29 =	vld [tilespmem:$0xB40];
	v12 =	vmul.f32 v49, v53;
	[tilespmem:$0xAC0] =	vst v25  }
0xd8: {  	v31 =	vld [tilespmem:$0xB50];
	v14 =	vmul.f32 v51, v62;
	[tilespmem:$0xAD0] =	vst v27  }
0xd9: {  	v33 =	vld [tilespmem:$0xB60];
	v28 =	vbroadcast v1, $0x8;
	v18 =	vmul.f32 v56, v62;
	[tilespmem:$0xA60] =	vst v12  }
0xda: {  	v38 =	vld [tilespmem:$0xB80];
	v21 =	vmul.f32 v58, v62;
	[tilespmem:$0xA70] =	vst v14  }
0xdb: {  	v42 =	vld [tilespmem:$0xBA0];
	v32 =	vmul.f32 v17, v28;
	[tilespmem:$0xA90] =	vst v18  }
0xdc: {  	v15 =	vld [tilespmem:$0xAE0];
	v37 =	vbroadcast v1, $0x9;
	v34 =	vmul.f32 v20, v28;
	[tilespmem:$0xAA0] =	vst v21  }
0xdd: {  	v24 =	vld [tilespmem:$0xB20];
	v36 =	vmul.f32 v22, v28;
	[tilespmem:$0xAF0] =	vst v32  }
0xde: {  	v26 =	vld [tilespmem:$0xB30];
	v43 =	vmul.f32 v29, v37;
	[tilespmem:$0xB00] =	vst v34  }
0xdf: {  	v35 =	vld [tilespmem:$0xB70];
	v46 =	vbroadcast v1, $0xA;
	v45 =	vmul.f32 v31, v37;
	[tilespmem:$0xB10] =	vst v36  }
0xe0: {  	v40 =	vld [tilespmem:$0xB90];
	v48 =	vmul.f32 v33, v37;
	[tilespmem:$0xB40] =	vst v43  }
0xe1: {  	v0 =	vld [tilespmem:$0xD0];
	v52 =	vmul.f32 v38, v46;
	[tilespmem:$0xB50] =	vst v45  }
0xe2: {  	v44 =	vld [tilespmem:$0xBB0];
	v57 =	vmul.f32 v42, v46;
	[tilespmem:$0xB60] =	vst v48  }
0xe3: {  	v47 =	vld [tilespmem:$0xBC0];
	v30 =	vmul.f32 v15, v19;
	[tilespmem:$0xB80] =	vst v52  }
0xe4: {  	v60 =	vld [tilespmem:$0xC20];
	v39 =	vmul.f32 v24, v28;
	[tilespmem:$0xBA0] =	vst v57  }
0xe5: {  	v13 =	vld [tilespmem:$0xC40];
	v41 =	vmul.f32 v26, v37;
	[tilespmem:$0xAE0] =	vst v30  }
0xe6: {  	v55 =	vbroadcast v1, $0xB;
	v49 =	vld [tilespmem:$0xBD0];
	v50 =	vmul.f32 v35, v46;
	[tilespmem:$0xB20] =	vst v39  }
0xe7: {  	v51 =	vld [tilespmem:$0xBE0];
	v54 =	vmul.f32 v40, v46;
	[tilespmem:$0xB30] =	vst v41  }
0xe8: {  	v53 =	vld [tilespmem:$0xBF0];
	v12 =	vbroadcast v1, $0xC;
	v59 =	vmul.f32 v44, v55;
	[tilespmem:$0xB70] =	vst v50  }
0xe9: {  	v56 =	vld [tilespmem:$0xC00];
	v21 =	vbroadcast v1, $0xD;
	v61 =	vmul.f32 v47, v55;
	[tilespmem:$0xB90] =	vst v54  }
0xea: {  	v58 =	vld [tilespmem:$0xC10];
	v23 =	vmul.f32 v60, v12;
	[tilespmem:$0xBB0] =	vst v59  }
0xeb: {  	v62 =	vld [tilespmem:$0xC30];
	v27 =	vmul.f32 v13, v21;
	[tilespmem:$0xBC0] =	vst v61  }
0xec: {  	v17 =	vld [tilespmem:$0xC60];
	v63 =	vmul.f32 v49, v55;
	[tilespmem:$0xC20] =	vst v23  }
0xed: {  	v22 =	vld [tilespmem:$0xC80];
	v14 =	vmul.f32 v51, v55;
	[tilespmem:$0xC40] =	vst v27  }
0xee: {  	v38 =	vld [tilespmem:$0xCF0];
	v16 =	vmul.f32 v53, v12;
	[tilespmem:$0xBD0] =	vst v63  }
0xef: {  	v31 =	vld [tilespmem:$0xCC0];
	v18 =	vmul.f32 v56, v12;
	[tilespmem:$0xBE0] =	vst v14  }
0xf0: {  	v33 =	vld [tilespmem:$0xCD0];
	v20 =	vmul.f32 v58, v12;
	[tilespmem:$0xBF0] =	vst v16  }
0xf1: {  	v15 =	vld [tilespmem:$0xC50];
	v45 =	vbroadcast v0, $0x0;
	v25 =	vmul.f32 v62, v21;
	[tilespmem:$0xC00] =	vst v18  }
0xf2: {  	v19 =	vld [tilespmem:$0xC70];
	v30 =	vbroadcast v1, $0xE;
	v32 =	vmul.f32 v17, v21;
	[tilespmem:$0xC10] =	vst v20  }
0xf3: {  	v24 =	vld [tilespmem:$0xC90];
	v1 =	vbroadcast v1, $0xF;
	v48 =	vmul.f32 v45, v38;
	[tilespmem:$0xC30] =	vst v25  }
0xf4: {  	v26 =	vld [tilespmem:$0xCA0];
	v36 =	vmul.f32 v22, v30;
	[tilespmem:$0xC60] =	vst v32  }
0xf5: {  	v28 =	vld [tilespmem:$0xCB0];
	v42 =	vmul.f32 v31, v1;
	[tilespmem:$0xCF0] =	vst v48  }
0xf6: {  	v35 =	vld [tilespmem:$0xCE0];
	v44 =	vmul.f32 v33, v1;
	[tilespmem:$0xC80] =	vst v36  }
0xf7: {  	v43 =	vld [tilespmem:$0xD20];
	v29 =	vmul.f32 v15, v21;
	[tilespmem:$0xCC0] =	vst v42  }
0xf8: {  	v46 =	vld [tilespmem:$0xD30];
	v34 =	vmul.f32 v19, v30;
	[tilespmem:$0xCD0] =	vst v44  }
0xf9: {  	v47 =	vld [tilespmem:$0xD40];
	v37 =	vmul.f32 v24, v30;
	[tilespmem:$0xC50] =	vst v29  }
0xfa: {  	v39 =	vld [tilespmem:$0xD00];
	v3 =	vmul.f32 v26, v30;
	[tilespmem:$0xC70] =	vst v34  }
0xfb: {  	v41 =	vld [tilespmem:$0xD10];
	v40 =	vmul.f32 v28, v1;
	[tilespmem:$0xC90] =	vst v37  }
0xfc: {  	v54 =	vld [tilespmem:$0xD70];
	v53 =	vbroadcast v0, $0x1;
	v1 =	vmul.f32 v35, v1;
	[tilespmem:$0xCA0] =	vst v3  }
0xfd: {  	v60 =	vld [tilespmem:$0xDA0];
	v55 =	vmul.f32 v43, v45;
	[tilespmem:$0xCB0] =	vst v40  }
0xfe: {  	v13 =	vld [tilespmem:$0xDC0];
	v57 =	vmul.f32 v46, v53;
	[tilespmem:$0xCE0] =	vst v1  }
0xff: {  	v49 =	vld [tilespmem:$0xD50];
	v59 =	vmul.f32 v47, v53;
	[tilespmem:$0xD20] =	vst v55  }
0x100: {  	v51 =	vld [tilespmem:$0xD60];
	v62 =	vbroadcast v0, $0x2;
	v50 =	vmul.f32 v39, v45;
	[tilespmem:$0xD30] =	vst v57  }
0x101: {  	v56 =	vld [tilespmem:$0xD80];
	v52 =	vmul.f32 v41, v45;
	[tilespmem:$0xD40] =	vst v59  }
0x102: {  	v58 =	vld [tilespmem:$0xD90];
	v19 =	vbroadcast v0, $0x3;
	v14 =	vmul.f32 v54, v62;
	[tilespmem:$0xD00] =	vst v50  }
0x103: {  	v17 =	vld [tilespmem:$0xDE0];
	v21 =	vmul.f32 v60, v62;
	[tilespmem:$0xD10] =	vst v52  }
0x104: {  	v38 =	vld [tilespmem:$0xE70];
	v25 =	vmul.f32 v13, v19;
	[tilespmem:$0xD70] =	vst v14  }
0x105: {  	v22 =	vld [tilespmem:$0xE00];
	v61 =	vmul.f32 v49, v53;
	[tilespmem:$0xDA0] =	vst v21  }
0x106: {  	v31 =	vld [tilespmem:$0xE40];
	v12 =	vmul.f32 v51, v53;
	[tilespmem:$0xDC0] =	vst v25  }
0x107: {  	v33 =	vld [tilespmem:$0xE50];
	v16 =	vmul.f32 v56, v62;
	[tilespmem:$0xD50] =	vst v61  }
0x108: {  	v63 =	vld [tilespmem:$0xDB0];
	v28 =	vbroadcast v0, $0x4;
	v18 =	vmul.f32 v58, v62;
	[tilespmem:$0xD60] =	vst v12  }
0x109: {  	v15 =	vld [tilespmem:$0xDD0];
	v37 =	vbroadcast v0, $0x5;
	v30 =	vmul.f32 v17, v19;
	[tilespmem:$0xD80] =	vst v16  }
0x10a: {  	v20 =	vld [tilespmem:$0xDF0];
	v34 =	vmul.f32 v22, v28;
	[tilespmem:$0xD90] =	vst v18  }
0x10b: {  	v24 =	vld [tilespmem:$0xE10];
	v46 =	vbroadcast v0, $0x6;
	v43 =	vmul.f32 v31, v37;
	[tilespmem:$0xDE0] =	vst v30  }
0x10c: {  	v26 =	vld [tilespmem:$0xE20];
	v45 =	vmul.f32 v33, v37;
	[tilespmem:$0xE00] =	vst v34  }
0x10d: {  	v35 =	vld [tilespmem:$0xE60];
	v50 =	vmul.f32 v38, v46;
	[tilespmem:$0xE40] =	vst v43  }
0x10e: {  	v42 =	vld [tilespmem:$0xE90];
	v23 =	vmul.f32 v63, v19;
	[tilespmem:$0xE50] =	vst v45  }
0x10f: {  	v44 =	vld [tilespmem:$0xEA0];
	v27 =	vmul.f32 v15, v19;
	[tilespmem:$0xE70] =	vst v50  }
0x110: {  	v47 =	vld [tilespmem:$0xEB0];
	v32 =	vmul.f32 v20, v28;
	[tilespmem:$0xDB0] =	vst v23  }
0x111: {  	v29 =	vld [tilespmem:$0xE30];
	v36 =	vmul.f32 v24, v28;
	[tilespmem:$0xDD0] =	vst v27  }
0x112: {  	v40 =	vld [tilespmem:$0xE80];
	v39 =	vmul.f32 v26, v28;
	[tilespmem:$0xDF0] =	vst v32  }
0x113: {  	v60 =	vld [tilespmem:$0xF10];
	v48 =	vmul.f32 v35, v37;
	[tilespmem:$0xE10] =	vst v36  }
0x114: {  	v55 =	vbroadcast v0, $0x7;
	v13 =	vld [tilespmem:$0xF30];
	v54 =	vmul.f32 v42, v46;
	[tilespmem:$0xE20] =	vst v39  }
0x115: {  	v1 =	vld [tilespmem:$0xE0];
	v57 =	vmul.f32 v44, v46;
	[tilespmem:$0xE60] =	vst v48  }
0x116: {  	v49 =	vld [tilespmem:$0xEC0];
	v59 =	vmul.f32 v47, v55;
	[tilespmem:$0xE90] =	vst v54  }
0x117: {  	v51 =	vld [tilespmem:$0xED0];
	v12 =	vbroadcast v0, $0x8;
	v41 =	vmul.f32 v29, v37;
	[tilespmem:$0xEA0] =	vst v57  }
0x118: {  	v53 =	vld [tilespmem:$0xEE0];
	v21 =	vbroadcast v0, $0x9;
	v52 =	vmul.f32 v40, v46;
	[tilespmem:$0xEB0] =	vst v59  }
0x119: {  	v56 =	vld [tilespmem:$0xEF0];
	v20 =	vmul.f32 v60, v12;
	[tilespmem:$0xE30] =	vst v41  }
0x11a: {  	v58 =	vld [tilespmem:$0xF00];
	v25 =	vmul.f32 v13, v21;
	[tilespmem:$0xE80] =	vst v52  }
0x11b: {  	v62 =	vld [tilespmem:$0xF20];
	v61 =	vmul.f32 v49, v55;
	[tilespmem:$0xF10] =	vst v20  }
0x11c: {  	v17 =	vld [tilespmem:$0xF50];
	v63 =	vmul.f32 v51, v55;
	[tilespmem:$0xF30] =	vst v25  }
0x11d: {  	v22 =	vld [tilespmem:$0xF70];
	v14 =	vmul.f32 v53, v55;
	[tilespmem:$0xEC0] =	vst v61  }
0x11e: {  	v31 =	vld [tilespmem:$0xFB0];
	v16 =	vmul.f32 v56, v12;
	[tilespmem:$0xED0] =	vst v63  }
0x11f: {  	v33 =	vld [tilespmem:$0xFC0];
	v18 =	vmul.f32 v58, v12;
	[tilespmem:$0xEE0] =	vst v14  }
0x120: {  	v15 =	vld [tilespmem:$0xF40];
	v30 =	vbroadcast v0, $0xA;
	v23 =	vmul.f32 v62, v12;
	[tilespmem:$0xEF0] =	vst v16  }
0x121: {  	v19 =	vld [tilespmem:$0xF60];
	v39 =	vbroadcast v0, $0xB;
	v29 =	vmul.f32 v17, v21;
	[tilespmem:$0xF00] =	vst v18  }
0x122: {  	v24 =	vld [tilespmem:$0xF80];
	v34 =	vmul.f32 v22, v30;
	[tilespmem:$0xF20] =	vst v23  }
0x123: {  	v26 =	vld [tilespmem:$0xF90];
	v43 =	vmul.f32 v31, v39;
	[tilespmem:$0xF50] =	vst v29  }
0x124: {  	v28 =	vld [tilespmem:$0xFA0];
	v45 =	vmul.f32 v33, v39;
	[tilespmem:$0xF70] =	vst v34  }
0x125: {  	v35 =	vld [tilespmem:$0xFD0];
	v27 =	vmul.f32 v15, v21;
	[tilespmem:$0xFB0] =	vst v43  }
0x126: {  	v42 =	vld [tilespmem:$0x1000];
	v32 =	vmul.f32 v19, v21;
	[tilespmem:$0xFC0] =	vst v45  }
0x127: {  	v44 =	vld [tilespmem:$0x1010];
	v36 =	vmul.f32 v24, v30;
	[tilespmem:$0xF40] =	vst v27  }
0x128: {  	v37 =	vld [tilespmem:$0xFE0];
	v38 =	vmul.f32 v26, v30;
	[tilespmem:$0xF60] =	vst v32  }
0x129: {  	v40 =	vld [tilespmem:$0xFF0];
	v48 =	vbroadcast v0, $0xC;
	v41 =	vmul.f32 v28, v30;
	[tilespmem:$0xF80] =	vst v36  }
0x12a: {  	v46 =	vld [tilespmem:$0x1020];
	v47 =	vmul.f32 v35, v39;
	[tilespmem:$0xF90] =	vst v38  }
0x12b: {  	v60 =	vld [tilespmem:$0x1080];
	v54 =	vmul.f32 v42, v48;
	[tilespmem:$0xFA0] =	vst v41  }
0x12c: {  	v49 =	vld [tilespmem:$0x1030];
	v56 =	vmul.f32 v44, v48;
	[tilespmem:$0xFD0] =	vst v47  }
0x12d: {  	v51 =	vld [tilespmem:$0x1040];
	v50 =	vmul.f32 v37, v39;
	[tilespmem:$0x1000] =	vst v54  }
0x12e: {  	v53 =	vld [tilespmem:$0x1050];
	v14 =	vbroadcast v0, $0xE;
	v52 =	vmul.f32 v40, v48;
	[tilespmem:$0x1010] =	vst v56  }
0x12f: {  	v55 =	vld [tilespmem:$0x1060];
	v57 =	vbroadcast v0, $0xD;
	v59 =	vmul.f32 v46, v48;
	[tilespmem:$0xFE0] =	vst v50  }
0x130: {  	v58 =	vld [tilespmem:$0x1070];
	v5 =	vmul.f32 v60, v14;
	[tilespmem:$0xFF0] =	vst v52  }
0x131: {  	v62 =	vld [tilespmem:$0x1090];
	v61 =	vmul.f32 v49, v57;
	[tilespmem:$0x1020] =	vst v59  }
0x132: {  	v12 =	vld [tilespmem:$0x10A0];
	v63 =	vmul.f32 v51, v57;
	[tilespmem:$0x1080] =	vst v5  }
0x133: {  	v17 =	vld [tilespmem:$0x10C0];
	v13 =	vmul.f32 v53, v57;
	[tilespmem:$0x1030] =	vst v61  }
0x134: {  	v22 =	vld [tilespmem:$0x10F0];
	v16 =	vmul.f32 v55, v57;
	[tilespmem:$0x1040] =	vst v63  }
0x135: {  	v15 =	vld [tilespmem:$0x10B0];
	v18 =	vmul.f32 v58, v14;
	[tilespmem:$0x1050] =	vst v13  }
0x136: {  	v19 =	vld [tilespmem:$0x10D0];
	v0 =	vbroadcast v0, $0xF;
	v20 =	vmul.f32 v62, v14;
	[tilespmem:$0x1060] =	vst v16  }
0x137: {  	v21 =	vld [tilespmem:$0x10E0];
	v28 =	vbroadcast v1, $0x0;
	v3 =	vmul.f32 v12, v14;
	[tilespmem:$0x1070] =	vst v18  }
0x138: {  	v24 =	vld [tilespmem:$0x1100];
	v25 =	vmul.f32 v17, v0;
	[tilespmem:$0x1090] =	vst v20  }
0x139: {  	v26 =	vld [tilespmem:$0x1110];
	v31 =	vmul.f32 v28, v22;
	[tilespmem:$0x10A0] =	vst v3  }
0x13a: {  	v29 =	vld [tilespmem:$0x1120];
	v23 =	vmul.f32 v15, v0;
	[tilespmem:$0x10C0] =	vst v25  }
0x13b: {  	v30 =	vld [tilespmem:$0x1130];
	v27 =	vmul.f32 v19, v0;
	[tilespmem:$0x10F0] =	vst v31  }
0x13c: {  	v34 =	vld [tilespmem:$0x1150];
	v0 =	vmul.f32 v21, v0;
	[tilespmem:$0x10B0] =	vst v23  }
0x13d: {  	v43 =	vld [tilespmem:$0x1190];
	v33 =	vmul.f32 v24, v28;
	[tilespmem:$0x10D0] =	vst v27  }
0x13e: {  	v32 =	vld [tilespmem:$0x1140];
	v36 =	vbroadcast v1, $0x1;
	v35 =	vmul.f32 v26, v28;
	[tilespmem:$0x10E0] =	vst v0  }
0x13f: {  	v37 =	vld [tilespmem:$0x1160];
	v38 =	vmul.f32 v29, v28;
	[tilespmem:$0x1100] =	vst v33  }
0x140: {  	v45 =	vbroadcast v1, $0x2;
	v39 =	vld [tilespmem:$0x1170];
	v40 =	vmul.f32 v30, v36;
	[tilespmem:$0x1110] =	vst v35  }
0x141: {  	v41 =	vld [tilespmem:$0x1180];
	v44 =	vmul.f32 v34, v36;
	[tilespmem:$0x1120] =	vst v38  }
0x142: {  	v46 =	vld [tilespmem:$0x11A0];
	v53 =	vmul.f32 v43, v45;
	[tilespmem:$0x1130] =	vst v40  }
0x143: {  	v48 =	vld [tilespmem:$0x11B0];
	v42 =	vmul.f32 v32, v36;
	[tilespmem:$0x1150] =	vst v44  }
0x144: {  	v55 =	vld [tilespmem:$0x11E0];
	v47 =	vmul.f32 v37, v36;
	[tilespmem:$0x1190] =	vst v53  }
0x145: {  	v57 =	vld [tilespmem:$0x11F0];
	v49 =	vmul.f32 v39, v45;
	[tilespmem:$0x1140] =	vst v42  }
0x146: {  	v54 =	vbroadcast v1, $0x3;
	v12 =	vld [tilespmem:$0x1220];
	v51 =	vmul.f32 v41, v45;
	[tilespmem:$0x1160] =	vst v47  }
0x147: {  	v14 =	vld [tilespmem:$0x1230];
	v56 =	vmul.f32 v46, v45;
	[tilespmem:$0x1170] =	vst v49  }
0x148: {  	v50 =	vld [tilespmem:$0x11C0];
	v63 =	vbroadcast v1, $0x4;
	v58 =	vmul.f32 v48, v54;
	[tilespmem:$0x1180] =	vst v51  }
0x149: {  	v52 =	vld [tilespmem:$0x11D0];
	v13 =	vmul.f32 v55, v54;
	[tilespmem:$0x11A0] =	vst v56  }
0x14a: {  	v59 =	vld [tilespmem:$0x1200];
	v20 =	vbroadcast v1, $0x5;
	v15 =	vmul.f32 v57, v63;
	[tilespmem:$0x11B0] =	vst v58  }
0x14b: {  	v61 =	vld [tilespmem:$0x1210];
	v22 =	vmul.f32 v12, v63;
	[tilespmem:$0x11E0] =	vst v13  }
0x14c: {  	v16 =	vld [tilespmem:$0x1240];
	v24 =	vmul.f32 v14, v20;
	[tilespmem:$0x11F0] =	vst v15  }
0x14d: {  	v18 =	vld [tilespmem:$0x1250];
	v60 =	vmul.f32 v50, v54;
	[tilespmem:$0x1220] =	vst v22  }
0x14e: {  	v21 =	vld [tilespmem:$0x1260];
	v62 =	vmul.f32 v52, v54;
	[tilespmem:$0x1230] =	vst v24  }
0x14f: {  	v25 =	vld [tilespmem:$0x1280];
	v17 =	vmul.f32 v59, v63;
	[tilespmem:$0x11C0] =	vst v60  }
0x150: {  	v30 =	vld [tilespmem:$0x12A0];
	v19 =	vmul.f32 v61, v63;
	[tilespmem:$0x11D0] =	vst v62  }
0x151: {  	v34 =	vld [tilespmem:$0x12C0];
	v26 =	vmul.f32 v16, v20;
	[tilespmem:$0x1200] =	vst v17  }
0x152: {  	v29 =	vbroadcast v1, $0x6;
	v43 =	vld [tilespmem:$0x1300];
	v28 =	vmul.f32 v18, v20;
	[tilespmem:$0x1210] =	vst v19  }
0x153: {  	v23 =	vld [tilespmem:$0x1270];
	v31 =	vmul.f32 v21, v20;
	[tilespmem:$0x1240] =	vst v26  }
0x154: {  	v27 =	vld [tilespmem:$0x1290];
	v38 =	vbroadcast v1, $0x7;
	v35 =	vmul.f32 v25, v29;
	[tilespmem:$0x1250] =	vst v28  }
0x155: {  	v32 =	vld [tilespmem:$0x12B0];
	v47 =	vbroadcast v1, $0x8;
	v40 =	vmul.f32 v30, v29;
	[tilespmem:$0x1260] =	vst v31  }
0x156: {  	v36 =	vld [tilespmem:$0x12D0];
	v44 =	vmul.f32 v34, v38;
	[tilespmem:$0x1280] =	vst v35  }
0x157: {  	v39 =	vld [tilespmem:$0x12E0];
	v53 =	vmul.f32 v43, v47;
	[tilespmem:$0x12A0] =	vst v40  }
0x158: {  	v41 =	vld [tilespmem:$0x12F0];
	v33 =	vmul.f32 v23, v29;
	[tilespmem:$0x12C0] =	vst v44  }
0x159: {  	v45 =	vld [tilespmem:$0x1310];
	v37 =	vmul.f32 v27, v29;
	[tilespmem:$0x1300] =	vst v53  }
0x15a: {  	v48 =	vld [tilespmem:$0x1320];
	v42 =	vmul.f32 v32, v38;
	[tilespmem:$0x1270] =	vst v33  }
0x15b: {  	v57 =	vld [tilespmem:$0x1360];
	v46 =	vmul.f32 v36, v38;
	[tilespmem:$0x1290] =	vst v37  }
0x15c: {  	v14 =	vld [tilespmem:$0x13A0];
	v49 =	vmul.f32 v39, v38;
	[tilespmem:$0x12B0] =	vst v42  }
0x15d: {  	v50 =	vld [tilespmem:$0x1330];
	v51 =	vmul.f32 v41, v47;
	[tilespmem:$0x12D0] =	vst v46  }
0x15e: {  	v52 =	vld [tilespmem:$0x1340];
	v56 =	vbroadcast v1, $0x9;
	v55 =	vmul.f32 v45, v47;
	[tilespmem:$0x12E0] =	vst v49  }
0x15f: {  	v54 =	vld [tilespmem:$0x1350];
	v13 =	vbroadcast v1, $0xA;
	v58 =	vmul.f32 v48, v47;
	[tilespmem:$0x12F0] =	vst v51  }
0x160: {  	v59 =	vld [tilespmem:$0x1370];
	v15 =	vmul.f32 v57, v56;
	[tilespmem:$0x1310] =	vst v55  }
0x161: {  	v61 =	vld [tilespmem:$0x1380];
	v24 =	vmul.f32 v14, v13;
	[tilespmem:$0x1320] =	vst v58  }
0x162: {  	v63 =	vld [tilespmem:$0x1390];
	v60 =	vmul.f32 v50, v56;
	[tilespmem:$0x1360] =	vst v15  }
0x163: {  	v16 =	vld [tilespmem:$0x13B0];
	v62 =	vmul.f32 v52, v56;
	[tilespmem:$0x13A0] =	vst v24  }
0x164: {  	v18 =	vld [tilespmem:$0x13C0];
	v12 =	vmul.f32 v54, v56;
	[tilespmem:$0x1330] =	vst v60  }
0x165: {  	v20 =	vld [tilespmem:$0x13D0];
	v17 =	vmul.f32 v59, v13;
	[tilespmem:$0x1340] =	vst v62  }
0x166: {  	v22 =	vbroadcast v1, $0xB;
	v25 =	vld [tilespmem:$0x13F0];
	v19 =	vmul.f32 v61, v13;
	[tilespmem:$0x1350] =	vst v12  }
0x167: {  	v34 =	vld [tilespmem:$0x1430];
	v21 =	vmul.f32 v63, v13;
	[tilespmem:$0x1370] =	vst v17  }
0x168: {  	v43 =	vld [tilespmem:$0x1470];
	v26 =	vmul.f32 v16, v22;
	[tilespmem:$0x1380] =	vst v19  }
0x169: {  	v23 =	vld [tilespmem:$0x13E0];
	v31 =	vbroadcast v1, $0xC;
	v28 =	vmul.f32 v18, v22;
	[tilespmem:$0x1390] =	vst v21  }
0x16a: {  	v27 =	vld [tilespmem:$0x1400];
	v40 =	vbroadcast v1, $0xD;
	v30 =	vmul.f32 v20, v22;
	[tilespmem:$0x13B0] =	vst v26  }
0x16b: {  	v29 =	vld [tilespmem:$0x1410];
	v49 =	vbroadcast v1, $0xE;
	v35 =	vmul.f32 v25, v31;
	[tilespmem:$0x13C0] =	vst v28  }
0x16c: {  	v32 =	vld [tilespmem:$0x1420];
	v44 =	vmul.f32 v34, v40;
	[tilespmem:$0x13D0] =	vst v30  }
0x16d: {  	v36 =	vld [tilespmem:$0x1440];
	v53 =	vmul.f32 v43, v49;
	[tilespmem:$0x13F0] =	vst v35  }
0x16e: {  	v38 =	vld [tilespmem:$0x1450];
	v33 =	vmul.f32 v23, v22;
	[tilespmem:$0x1430] =	vst v44  }
0x16f: {  	v41 =	vld [tilespmem:$0x1460];
	v37 =	vmul.f32 v27, v31;
	[tilespmem:$0x1470] =	vst v53  }
0x170: {  	v45 =	vld [tilespmem:$0x1480];
	v39 =	vmul.f32 v29, v31;
	[tilespmem:$0x13E0] =	vst v33  }
0x171: {  	v47 =	vld [tilespmem:$0x1490];
	v42 =	vmul.f32 v32, v31;
	[tilespmem:$0x1400] =	vst v37  }
0x172: {  	v50 =	vld [tilespmem:$0x14A0];
	v46 =	vmul.f32 v36, v40;
	[tilespmem:$0x1410] =	vst v39  }
0x173: {  	v52 =	vld [tilespmem:$0x14B0];
	v48 =	vmul.f32 v38, v40;
	[tilespmem:$0x1420] =	vst v42  }
0x174: {  	v54 =	vld [tilespmem:$0x14C0];
	v51 =	vmul.f32 v41, v40;
	[tilespmem:$0x1440] =	vst v46  }
0x175: {  	v56 =	vld [tilespmem:$0x14D0];
	v55 =	vmul.f32 v45, v49;
	[tilespmem:$0x1450] =	vst v48  }
0x176: {  	v1 =	vbroadcast v1, $0xF;
	v58 =	vld [tilespmem:$0x14E0];
	v57 =	vmul.f32 v47, v49;
	[tilespmem:$0x1460] =	vst v51  }
0x177: {  	[tilespmem:$0x1480] =	vst v55;
	v59 =	vmul.f32 v50, v49  }
0x178: {  	[tilespmem:$0x1490] =	vst v57;
	v60 =	vmul.f32 v52, v1  }
0x179: {  	v61 =	vmul.f32 v54, v1;
	[tilespmem:$0x14A0] =	vst v59  }
0x17a: {  	v62 =	vmul.f32 v56, v1;
	[tilespmem:$0x14B0] =	vst v60  }
0x17b: {  	v63 =	vmul.f32 v58, v1;
	[tilespmem:$0x14C0] =	vst v61  }
0x17c: {  	p0 =	sne.s32 s19, $0x9BA;
	[tilespmem:$0x14D0] =	vst v62  }
.Ltmp0:
0x17d: {  	[tilespmem:$0x14E0] =	vst v63;
	(pc) =	sbr.rel @p0 .LBB2_2-.Ltmp0, $4  }
0x17e: {  	[spmem:s3] =	stream.indirect.scatter.add.f32 [tilespmem:s16], [sflag:$0x2], $0x40, s14, s14, $0xb8;
	[tilespmem:$0x15130] =	vst v63  }
0x17f: {  	_ =	swait.ge [sflag:s13], $0x1400  }
0x180: {  	[sflag:s13] =	ssyncset.done $0x0  }
0x181: {  	s19 =	sadd.s32 $0xA, s19;
	[sflag:s13] =	ssyncadd.s32 $0xFFFFEC00  }
0x182: {  	[bflag:$0x0] =	sbarrier.arrive $0xFFFF  }
0x183: {  	[tilespmem:s12], [sflag:$0x2] =	stream.linear.gather [spmem:s6], $0xA000, $0x38;
	[tilespmem:$0x15130] =	vst v63  }
0x184: {  	s18 =	sadd.s32 $0x1, s18;
	_ =	swait.ge [sflag:s13], $0xA000  }
0x185: {  	p0 =	sne.s32 s18, s7;
	[sflag:s13] =	ssyncset.done $0x0  }
.Ltmp1:
0x186: {  	[sflag:s13] =	ssyncadd.s32 $0xFFFF6000;
	(pc) =	sbr.rel @p0 .LBB2_1-.Ltmp1, $4  }
0x187: {  	[hbm4b:s8+s4] =	stream.linear.scatter [tilespmem:s12], [sflag:$0x2], $0xA000, $0x38;
	[tilespmem:$0x15130] =	vst v63  }
0x188: {  	_ =	swait.ge [sflag:s13], $0xA000  }
0x189: {  	[sflag:s13] =	ssyncset.done $0x0  }
0x18a: {  	[sflag:s13] =	ssyncadd.s32 $0xFFFF6000  }
0x18b: {  	_ =	sfence.sel $0x180000  }
0x18c: {  	[bflag:$0x0] =	sbarrier.arrive $0xFFFF  }
0x18d: {  	p0 =	sne.s32 s2, $0x0;
	_ =	strace $0x9000004A  }
0x18e: {  	s0 =	sadd.s32 @!p0 $0x100000, s0;
	[bflag:$0x2] =	sbarrier.arrive $0xFFFF  }
0x18f: {  	[sflag:s0] =	ssyncadd.tile.s32 @!p0 $0x1;
	_ =	shalt  }
.Lfunc_end2:
_tile_overlayer_lowered:
.L_overlay_start_2:
0x190: {  	(tag) =	ssettag $0x2  }
0x191: {  	s0 =	rddreg [dreg:$0x0];
	s2 =	stileid.u32  }
0x192: {  	s1 =	rddreg [dreg:$0x1];
	p0 =	sne.s32 s2, $0x0  }
0x193: {  	s3 =	rddreg [dreg:$0x2];
	[bflag:$0x3] =	sbarrier.arrive $0xFFFF;
	s2 =	simm.s32 @!p0 $0x1C02  }
0x194: {  	[timem:s3], [sflag:s2] =	dma.local @!p0 [hbm:s0], s1  }
0x195: {  	s0 =	simm.s32 @!p0 $0x2  }
0x196: {  	_ =	swait.ge @!p0 [sflag:s0], s1  }
0x197: {  	s1 =	ssub.s32 @!p0 $0x0, s1;
	[sflag:s0] =	ssyncset.done @!p0 $0x0  }
0x198: {  	[sflag:s0] =	ssyncadd.s32 @!p0 s1  }
0x199: {  	[bflag:$0x3] =	sbarrier.arrive $0xFFFF  }
0x19a: {  	_ =	shalt  }

// kernel: kernel.5.cloned.1.call-start
scs
__scs_entry_jumppad:
0x0: {  	(pc) =	sbr.rel $0x88, $3  }
0x1: {  	(tag) =	ssettag $0x0;
	lr =	simm.s32 $0x1  }
0x2: {  	[smem:$0x3F98] =	sst lr;
	_ =	strace $0xD0000000  }
0x3: {  	_ = 	snop  }
0x4: {  	_ = 	snop  }
0x5: {  	_ = 	snop  }
0x6: {  	_ = 	snop  }
0x7: {  	_ = 	snop  }
__scs_overlays_trampoline_lowered:
0x8: {  	[smem:$0x3FA7] =	sst s0  }
0x9: {  	[smem:$0x3FA8] =	sst s1  }
0xa: {  	[smem:$0x3FA9] =	sst s2  }
0xb: {  	[smem:$0x3FAA] =	sst s3  }
0xc: {  	[smem:$0x3FAB] =	sst s4  }
0xd: {  	[smem:$0x3FAC] =	sst s5  }
0xe: {  	[smem:$0x3FAD] =	sst s6  }
0xf: {  	[smem:$0x3FAE] =	sst s7  }
0x10: {  	[smem:$0x3FAF] =	sst s8  }
0x11: {  	[smem:$0x3FB0] =	sst s9;
	s0 =	simm.s32 @!p0 $0x0  }
0x12: {  	s1 =	sld [smem:$0x3F96];
	s0 =	simm.s32 @p0 $0x1  }
0x13: {  	[smem:$0x3FB1] =	sst s0;
	s0 =	simm.s32 @!p1 $0x0  }
0x14: {  	s2 =	sld [smem:$0x3F95];
	s0 =	simm.s32 @p1 $0x1  }
0x15: {  	[smem:$0x3FB2] =	sst s0;
	s0 =	simm.s32 @!p2 $0x0  }
0x16: {  	s3 =	sld [smem:$0x3FDB];
	s0 =	simm.s32 @p2 $0x1  }
0x17: {  	s4 =	simm.s32 $0x1BF5;
	[smem:$0x3FB4] =	sst s0  }
0x18: {  	s0 =	sld [smem:$0x3F97];
	_ =	swait.ge [sflag:s4], $0x0  }
0x19: {  	s7 =	sld [smem:$0x3F98]  }
0x1a: {  	s8 =	sadd.s32 $0xFFFFE003, lr  }
0x1b: {  	s9 =	sadd.s32 $0xFFFFFEF7, lr;
	s5 =	simm.s32 $0xFFFFFFFF;
	p2 =	slt.u32 s8, $0xFFFFF086  }
0x1c: {  	p1 =	slt.u32 s9, $0xF7A;
	s5 =	simm.s32 @!p2 $0x0  }
0x1d: {  	s5 =	simm.s32 @p1 $0x1;
	p0 =	seq.s32 s7, s2  }
0x1e: {  	s7 =	smul.u32 @!p0 $0xF7A, s2;
	p2 =	seq.s32 @!p0 s5, $0x0  }
0x1f: {  	s9 =	smul.u32 $0xF7A, s1;
	s8 =	simm.s32 @!p0 $0x1BF5;
	p2 =	por !p2, p0  }
0x20: {  	[sflag:s8] =	ssyncset.s32 @!p0 $0xFFFFF086;
	s6 =	sadd.s32 @!p0 s3, s7;
	s7 =	simm.s32 @!p0 $0x108  }
0x21: {  	s3 =	sadd.s32 s3, s9;
	s6 =	sadd.s32 @!p0 $0x88, s6;
	s7 =	simm.s32 @p2 $0x1082  }
0x22: {  	[simem:s7], [sflag:s8] =	dma.local @!p0 [hbm:s6], $0xF7A  }
0x23: {  	s9 =	sor.u32 $0xD0000000, s2;
	s6 =	simm.s32 $0x108;
	_ =	swait.ge @!p0 [sflag:s8], $0x0  }
0x24: {  	s3 =	sadd.s32 $0x88, s3;
	s6 =	simm.s32 @!p1 $0x1082;
	[sflag:s4] =	ssyncset.s32 $0xFFFFF086  }
0x25: {  	[simem:s6], [sflag:s4] =	dma.local [hbm:s3], $0xF7A  }
0x26: {  	[smem:$0x3F98] =	sst s1;
	(tag) =	ssettag s2;
	_ =	strace s9  }
0x27: {  	s1 =	sld [smem:$0x3FA8]  }
0x28: {  	s2 =	sld [smem:$0x3FA9]  }
0x29: {  	s4 =	sld [smem:$0x3FAB]  }
0x2a: {  	p0 =	seq.s32 s5, $0x0;
	s5 =	sld [smem:$0x3FAC]  }
0x2b: {  	s6 =	sld [smem:$0x3FAD]  }
0x2c: {  	s7 =	sld [smem:$0x3FAE]  }
0x2d: {  	s3 =	simm.s32 $0x108;
	s8 =	sld [smem:$0x3FAF]  }
0x2e: {  	s3 =	simm.s32 @!p0 $0x1082;
	s9 =	sld [smem:$0x3FB0]  }
0x2f: {  	lr =	sadd.s32 s0, s3;
	s0 =	sld [smem:$0x3FA7]  }
0x30: {  	s3 =	sld [smem:$0x3FAA]  }
0x31: {  	[smem:$0x3FB3] =	sst s10  }
0x32: {  	s10 =	sld [smem:$0x3FB1];
	_ =	sdelay $0x3  }
0x33: {  	p0 =	seq.s32 s10, $0x1;
	s10 =	sld [smem:$0x3FB3];
	_ =	sdelay $0x3  }
0x34: {  	[smem:$0x3FB3] =	sst s10  }
0x35: {  	s10 =	sld [smem:$0x3FB2];
	_ =	sdelay $0x3  }
0x36: {  	p1 =	seq.s32 s10, $0x1;
	s10 =	sld [smem:$0x3FB3];
	_ =	sdelay $0x3  }
0x37: {  	[smem:$0x3FB3] =	sst s10  }
0x38: {  	s10 =	sld [smem:$0x3FB4]  }
0x39: {  	_ = 	snop;
	(pc) =	sbr.ind lr, $3  }
0x3a: {  	_ = 	snop  }
0x3b: {  	_ = 	snop  }
0x3c: {  	p2 =	seq.s32 s10, $0x1;
	s10 =	sld [smem:$0x3FB3]  }
0x3d: {  	_ =	shalt  }
0x3e: {  	_ =	shalt  }
0x3f: {  	_ =	shalt  }
0x40: {  	_ =	shalt  }
0x41: {  	_ =	shalt  }
0x42: {  	_ =	shalt  }
0x43: {  	_ =	shalt  }
0x44: {  	_ =	shalt  }
0x45: {  	_ =	shalt  }
0x46: {  	_ =	shalt  }
0x47: {  	_ =	shalt  }
0x48: {  	_ =	shalt  }
0x49: {  	_ =	shalt  }
0x4a: {  	_ =	shalt  }
0x4b: {  	_ =	shalt  }
0x4c: {  	_ =	shalt  }
0x4d: {  	_ =	shalt  }
0x4e: {  	_ =	shalt  }
0x4f: {  	_ =	shalt  }
0x50: {  	_ =	shalt  }
0x51: {  	_ =	shalt  }
0x52: {  	_ =	shalt  }
0x53: {  	_ =	shalt  }
0x54: {  	_ =	shalt  }
0x55: {  	_ =	shalt  }
0x56: {  	_ =	shalt  }
0x57: {  	_ =	shalt  }
0x58: {  	_ =	shalt  }
0x59: {  	_ =	shalt  }
0x5a: {  	_ =	shalt  }
0x5b: {  	_ =	shalt  }
0x5c: {  	_ =	shalt  }
0x5d: {  	_ =	shalt  }
0x5e: {  	_ =	shalt  }
0x5f: {  	_ =	shalt  }
0x60: {  	_ =	shalt  }
0x61: {  	_ =	shalt  }
0x62: {  	_ =	shalt  }
0x63: {  	_ =	shalt  }
0x64: {  	_ =	shalt  }
0x65: {  	_ =	shalt  }
0x66: {  	_ =	shalt  }
0x67: {  	_ =	shalt  }
0x68: {  	_ =	shalt  }
0x69: {  	_ =	shalt  }
0x6a: {  	_ =	shalt  }
0x6b: {  	_ =	shalt  }
0x6c: {  	_ =	shalt  }
0x6d: {  	_ =	shalt  }
0x6e: {  	_ =	shalt  }
0x6f: {  	_ =	shalt  }
0x70: {  	_ =	shalt  }
0x71: {  	_ =	shalt  }
0x72: {  	_ =	shalt  }
0x73: {  	_ =	shalt  }
0x74: {  	_ =	shalt  }
0x75: {  	_ =	shalt  }
0x76: {  	_ =	shalt  }
0x77: {  	_ =	shalt  }
0x78: {  	_ =	shalt  }
0x79: {  	_ =	shalt  }
0x7a: {  	_ =	shalt  }
0x7b: {  	_ =	shalt  }
0x7c: {  	_ =	shalt  }
0x7d: {  	_ =	shalt  }
0x7e: {  	_ =	shalt  }
0x7f: {  	_ =	shalt  }
0x80: {  	_ =	shalt  }
0x81: {  	_ =	shalt  }
0x82: {  	_ =	shalt  }
0x83: {  	_ =	shalt  }
0x84: {  	_ =	shalt  }
0x85: {  	_ =	shalt  }
0x86: {  	_ =	shalt  }
0x87: {  	_ =	shalt  }
.Lfunc_end0:
.L_simem_size_0:
called_computation.1_lowered:
.L_overlay_start_0:
0x88: {  	s2 =	sld [smem:$0x3FD9]  }
0x89: {  	s3 =	sld [smem:$0x3FFE];
	_ =	sdelay $0x1  }
0x8a: {  	s1 =	srdreg.scid  }
0x8b: {  	s0 =	sand.u32 $0x1, s1  }
0x8c: {  	s17 =	sshll.u32 s0, $0xA;
	s2 =	sadd.s32 s3, s2  }
0x8d: {  	s2 =	sadd.s32 s2, s17  }
0x8e: {  	[smem:$0x3FBF] =	sst s2  }
0x8f: {  	_ = 	snop  }
0x90: {  	s2 =	sld [smem:$0x3FC7]  }
0x91: {  	s18 =	sld [smem:$0x3FD0];
	(tm) =	ssettm $0x1  }
0x92: {  	s4 =	sld [smem:$0x3FFB];
	_ =	sdelay $0x3  }
0x93: {  	_ =	strace s4  }
0x94: {  	s4 =	sld [smem:$0x3FFC];
	_ =	sdelay $0x3  }
0x95: {  	_ =	strace s4  }
0x96: {  	s4 =	sld [smem:$0x3FFD];
	_ =	sdelay $0x3  }
0x97: {  	_ =	strace s4  }
0x98: {  	_ =	strace $0x8FFFFFFF  }
0x99: {  	s19 =	sld [smem:$0x3FDB];
	_ =	sdelay $0x1  }
0x9a: {  	s5 =	simm.s32 $_scs_section_size  }
0x9b: {  	s6 =	simm.s32 $_size__tile_overlayer_lowered;
	s7 =	simm.s32 $_tile_overlayer_lowered  }
0x9c: {  	s22 =	simm.s32 $0x1BFF;
	s21 =	sshll.u32 s7, $0x1;
	s4 =	sadd.s32 s5, s19  }
0x9d: {  	s8 =	simm.s32 $0x0;
	s20 =	sshll.u32 s6, $0x1;
	s6 =	sadd.s32 s21, s4  }
0x9e: {  	[timem:s8], [sflag:s22] =	dma.local [hbm:s6], s20  }
0x9f: {  	_ =	swait.ge [sflag:s22], s20  }
0xa0: {  	s5 =	ssub.s32 $0x0, s20;
	[sflag:s22] =	ssyncset.done $0x0  }
0xa1: {  	[sflag:s22] =	ssyncadd.s32 s5;
	_ =	sdelay $0x1  }
0xa2: {  	s23 =	simm.s32 $0x1B8B  }
0xa3: {  	_ =	swait.ge [sflag:s23], $0x1  }
0xa4: {  	[sflag:s23] =	ssyncset.done $0x0  }
0xa5: {  	s25 =	simm.s32 $0x1B8E;
	s24 =	sld [smem:$0x3FFE];
	[sflag:s23] =	ssyncadd.s32 $0xFFFFFFFF  }
0xa6: {  	s26 =	simm.s32 $execute0_lowered;
	[smem:$0x3FD2] =	sst s25  }
0xa7: {  	s6 =	sshll.u32 s26, $0x1;
	_ =	strace $0x80000046;
	[dreg:$0x1] =	wrdreg $0xFFFFFFFF  }
0xa8: {  	s28 =	simm.s32 $_size_execute0_lowered;
	s4 =	sadd.s32 s4, s6;
	[dreg:$0x0] =	wrdreg $0x0  }
0xa9: {  	s6 =	sshll.u32 s28, $0x1;
	[dreg:$0x2] =	wrdreg s4  }
0xaa: {  	[dreg:$0x3] =	wrdreg s6  }
0xab: {  	[dreg:$0x4] =	wrdreg $0xC0  }
0xac: {  	_ =	task [dreg:s8], $0x5FFFF  }
0xad: {  	[dreg:$0x1] =	wrdreg $0xFFFFFFFF  }
0xae: {  	[dreg:$0x0] =	wrdreg $0x60  }
0xaf: {  	[dreg:$0x2] =	wrdreg s24  }
0xb0: {  	[dreg:$0x3] =	wrdreg s2  }
0xb1: {  	[dreg:$0x4] =	wrdreg s18  }
0xb2: {  	[dreg:$0x5] =	wrdreg $0x3800  }
0xb3: {  	[dreg:$0x6] =	wrdreg $0x9  }
0xb4: {  	_ =	task.clear_ibuf [dreg:s8], $0x7FFFF;
	_ =	strace $0x90000046  }
0xb5: {  	s29 =	simm.s32 $0x9;
	_ =	strace $0x80000048  }
0xb6: {  	_ =	swait.ge [sflag:s29], $0x1  }
0xb7: {  	[sflag:s29] =	ssyncadd.s32 $0xFFFFFFFF  }
0xb8: {  	_ =	strace $0x90000048  }
0xb9: {  	_ =	sfence  }
0xba: {  	s30 =	sld [smem:$0x0];
	_ =	sdelay $0x2  }
0xbb: {  	s31 =	sshll.u32 s1, $0xD;
	s1 =	sshrl.u32 s1, $0x2  }
0xbc: {  	s3 =	sand.u32 $0x4000, s31;
	s1 =	sadd.s32 s1, s30  }
0xbd: {  	s0 =	sor.u32 s3, s0;
	s1 =	sshll.u32 s1, $0x11  }
0xbe: {  	s0 =	sor.u32 s1, s0  }
0xbf: {  	s0 =	sadd.s32 $0x8F2B, s0  }
0xc0: {  	[sflag:s0] =	ssyncadd.remote.s32 $0x1  }
0xc1: {  	_ =	sfence.sel $0xFFFF  }
0xc2: {  	[dreg:$0x0] =	wrdreg $0xFFFFFFFF;
	(pc) =	sbr.abs _section_cstart, $3  }
0xc3: {  	[dreg:$0x1] =	wrdreg $0xFFFFFFFF  }
0xc4: {  	_ =	task.clear_ibuf [dreg:s8], $0x2FFFF;
	_ =	strace $0x9FFFFFFF  }
0xc5: {  	(tm) =	ssettm $0x7FFFFFFF  }
tec
execute0_lowered:
.L_overlay_start_1:
0x0: {  	(tag) =	ssettag $0x1  }
0x1: {  	s4 =	rddreg [dreg:$0x0]  }
0x2: {  	s8 =	rddreg [dreg:$0x1]  }
0x3: {  	s7 =	rddreg [dreg:$0x2]  }
0x4: {  	s0 =	srdreg.scid;
	s2 =	rddreg [dreg:$0x3]  }
0x5: {  	s1 =	rddreg [dreg:$0x4];
	s5 =	sand.u32 $0x1, s0  }
0x6: {  	s0 =	stileid.u32;
	s6 =	smul.u32 $0x2710, s5  }
0x7: {  	s3 =	simm.s32 $0x0;
	s13 =	simm.s32 $0x50;
	s9 =	smul.u32 $0x4E20, s0  }
0x8: {  	[smem:$0x7FF] =	sst s3;
	s10 =	smul.u32 $0x270, s0;
	s5 =	ssub.s32 $0x2, s5  }
0x9: {  	s14 =	simm.s32 $0x0;
	_ =	strace $0x80000047;
	s12 =	sshrl.u32 s5, $0x1  }
0xa: {  	s9 =	sadd.s32 s6, s9;
	s6 =	sadd.s32 s10, s6;
	s12 =	ssub.s32 s5, s12  }
0xb: {  	s5 =	sadd.s32 s10, s2;
	s10 =	simm.s32 $0x100;
	s9 =	sshrl.u32 s9, $0x3  }
0xc: {  	s6 =	sshrl.u32 s6, $0x3;
	s11 =	sadd.s32 s9, s4;
	s4 =	sadd.s32 $0xC200, s4  }
0xd: {  	s6 =	sadd.s32 s7, s6;
	s7 =	smax.u32 s12, $0x1;
	s8 =	sadd.s32 s9, s8  }
0xe: {  	s12 =	simm.s32 $0x80;
	s9 =	sadd.s32 $0x2400, s11;
	s11 =	simm.s32 $0x1  }
.LBB2_1:
0xf: {  	[tilespmem:s10], [sflag:$0x1] =	stream.linear.gather [hbm4b:s4+s3], $0x280, $0x38;
	[tilespmem:$0x5F8] =	vst v63  }
0x10: {  	_ =	swait.ge [sflag:s11], $0x280  }
0x11: {  	[sflag:s11] =	ssyncset.done $0x0  }
0x12: {  	[sflag:s11] =	ssyncadd.s32 $0xFFFFFD80  }
0x13: {  	[spmem:s5] =	stream.linear.scatter [tilespmem:s10], [sflag:$0x1], $0x280, $0x38;
	[tilespmem:$0x5F8] =	vst v63  }
0x14: {  	_ =	swait.ge [sflag:s11], $0x280  }
0x15: {  	[sflag:s11] =	ssyncset.done $0x0  }
0x16: {  	[sflag:s11] =	ssyncadd.s32 $0xFFFFFD80  }
0x17: {  	s15 =	sadd.s32 $0x0, s9;
	[bflag:$0x0] =	sbarrier.arrive $0xFFFF  }
0x18: {  	[tilespmem:s3], [sflag:$0x1] =	stream.linear.gather [hbm4b:s15+s3], $0x50, $0x38;
	[tilespmem:$0x5F8] =	vst v63  }
0x19: {  	_ =	swait.ge [sflag:s11], $0x50  }
0x1a: {  	[sflag:s11] =	ssyncset.done $0x0  }
0x1b: {  	s31 =	sadd.s32 $0x0, s8;
	[sflag:s11] =	ssyncadd.s32 $0xFFFFFFB0  }
0x1c: {  	[tilespmem:s12], [sflag:$0x1] =	stream.linear.gather [hbm4b:s31+s3], $0x50, $0x38;
	[tilespmem:$0x5F8] =	vst v63  }
0x1d: {  	_ =	swait.ge [sflag:s11], $0x50  }
0x1e: {  	[sflag:s11] =	ssyncset.done $0x0  }
0x1f: {  	[sflag:s11] =	ssyncadd.s32 $0xFFFFFFB0  }
0x20: {  	[spmem:s2] =	stream.indirect.scatter.add.f32 [tilespmem:s12], [sflag:$0x1], $0x1, s3, s13, $0xb8;
	[tilespmem:$0x5F8] =	vst v63  }
0x21: {  	_ =	swait.ge [sflag:s11], $0x50  }
0x22: {  	s16 =	simm.s32 $0x14;
	s15 =	simm.s32 $0xA;
	[sflag:s11] =	ssyncset.done $0x0  }
.LBB2_2:
0x23: {  	s17 =	sadd.s32 s15, s9  }
0x24: {  	[sflag:s11] =	ssyncadd.s32 $0xFFFFFFB0;
	s18 =	smov.u32 s16;
	s19 =	sadd.s32 $0xA, s16  }
0x25: {  	[tilespmem:s3], [sflag:$0x1] =	stream.linear.gather [hbm4b:s17+s3], $0x50, $0x38;
	[tilespmem:$0x5F8] =	vst v63  }
0x26: {  	p0 =	sne.s32 s16, $0x4D8;
	_ =	swait.ge [sflag:s11], $0x50  }
0x27: {  	[sflag:s11] =	ssyncset.done $0x0  }
0x28: {  	s16 =	sadd.s32 s15, s8;
	s15 =	smov.u32 s18;
	[sflag:s11] =	ssyncadd.s32 $0xFFFFFFB0  }
0x29: {  	[tilespmem:s12], [sflag:$0x1] =	stream.linear.gather [hbm4b:s16+s3], $0x50, $0x38;
	[tilespmem:$0x5F8] =	vst v63  }
0x2a: {  	_ =	swait.ge [sflag:s11], $0x50  }
.Ltmp0:
0x2b: {  	[sflag:s11] =	ssyncset.done $0x0;
	(pc) =	sbr.rel @p0 .LBB2_2-.Ltmp0, $4  }
0x2c: {  	[sflag:s11] =	ssyncadd.s32 $0xFFFFFFB0  }
0x2d: {  	[spmem:s2] =	stream.indirect.scatter.add.f32 [tilespmem:s12], [sflag:$0x1], $0x1, s3, s13, $0xb8;
	[tilespmem:$0x5F8] =	vst v63  }
0x2e: {  	_ =	swait.ge [sflag:s11], $0x50  }
0x2f: {  	s16 =	smov.u32 s19;
	[sflag:s11] =	ssyncset.done $0x0  }
0x30: {  	s16 =	sadd.s32 s15, s9;
	[sflag:s11] =	ssyncadd.s32 $0xFFFFFFB0  }
0x31: {  	[tilespmem:s3], [sflag:$0x1] =	stream.linear.gather [hbm4b:s16+s3], $0x50, $0x38;
	[tilespmem:$0x5F8] =	vst v63  }
0x32: {  	_ =	swait.ge [sflag:s11], $0x50  }
0x33: {  	[sflag:s11] =	ssyncset.done $0x0  }
0x34: {  	s31 =	sadd.s32 s15, s8;
	[sflag:s11] =	ssyncadd.s32 $0xFFFFFFB0  }
0x35: {  	[tilespmem:s12], [sflag:$0x1] =	stream.linear.gather [hbm4b:s31+s3], $0x50, $0x38;
	[tilespmem:$0x5F8] =	vst v63  }
0x36: {  	_ =	swait.ge [sflag:s11], $0x50  }
0x37: {  	[sflag:s11] =	ssyncset.done $0x0  }
0x38: {  	[sflag:s11] =	ssyncadd.s32 $0xFFFFFFB0  }
0x39: {  	[spmem:s2] =	stream.indirect.scatter.add.f32 [tilespmem:s12], [sflag:$0x1], $0x1, s3, s13, $0xb8;
	[tilespmem:$0x5F8] =	vst v63  }
0x3a: {  	_ =	swait.ge [sflag:s11], $0x50  }
0x3b: {  	[sflag:s11] =	ssyncset.done $0x0  }
0x3c: {  	[sflag:s11] =	ssyncadd.s32 $0xFFFFFFB0  }
0x3d: {  	[bflag:$0x0] =	sbarrier.arrive $0xFFFF  }
0x3e: {  	[tilespmem:s10], [sflag:$0x1] =	stream.linear.gather [spmem:s5], $0x280, $0x38;
	[tilespmem:$0x5F8] =	vst v63  }
0x3f: {  	s14 =	sadd.s32 $0x1, s14;
	_ =	swait.ge [sflag:s11], $0x280  }
0x40: {  	p0 =	sne.s32 s14, s7;
	[sflag:s11] =	ssyncset.done $0x0  }
.Ltmp1:
0x41: {  	[sflag:s11] =	ssyncadd.s32 $0xFFFFFD80;
	(pc) =	sbr.rel @p0 .LBB2_1-.Ltmp1, $4  }
0x42: {  	[hbm4b:s6+s3] =	stream.linear.scatter [tilespmem:s10], [sflag:$0x1], $0x280, $0x38;
	[tilespmem:$0x5F8] =	vst v63  }
0x43: {  	_ =	swait.ge [sflag:s11], $0x280  }
0x44: {  	[sflag:s11] =	ssyncset.done $0x0  }
0x45: {  	[sflag:s11] =	ssyncadd.s32 $0xFFFFFD80  }
0x46: {  	_ =	sfence.sel $0x180000  }
0x47: {  	[bflag:$0x0] =	sbarrier.arrive $0xFFFF  }
0x48: {  	p0 =	sne.s32 s0, $0x0;
	_ =	strace $0x90000047  }
0x49: {  	s0 =	sadd.s32 @!p0 $0x100000, s1;
	[bflag:$0x2] =	sbarrier.arrive $0xFFFF  }
0x4a: {  	[sflag:s0] =	ssyncadd.tile.s32 @!p0 $0x1;
	_ =	shalt  }
.Lfunc_end2:
_tile_overlayer_lowered:
.L_overlay_start_2:
0x4b: {  	(tag) =	ssettag $0x2  }
0x4c: {  	s0 =	rddreg [dreg:$0x0];
	s2 =	stileid.u32  }
0x4d: {  	s1 =	rddreg [dreg:$0x1];
	p0 =	sne.s32 s2, $0x0  }
0x4e: {  	s3 =	rddreg [dreg:$0x2];
	[bflag:$0x3] =	sbarrier.arrive $0xFFFF;
	s2 =	simm.s32 @!p0 $0x1C01  }
0x4f: {  	[timem:s3], [sflag:s2] =	dma.local @!p0 [hbm:s0], s1  }
0x50: {  	s0 =	simm.s32 @!p0 $0x1  }
0x51: {  	_ =	swait.ge @!p0 [sflag:s0], s1  }
0x52: {  	s1 =	ssub.s32 @!p0 $0x0, s1;
	[sflag:s0] =	ssyncset.done @!p0 $0x0  }
0x53: {  	[sflag:s0] =	ssyncadd.s32 @!p0 s1  }
0x54: {  	[bflag:$0x3] =	sbarrier.arrive $0xFFFF  }
0x55: {  	_ =	shalt  }

</sc_bundles>
